<compile_context>
chip_gen: v7x
topology: tpu7x:2x2x1
jax: 0.10.2.dev20260603
libtpu: 0.0.44.dev20260713+nightly
codegen_flags: <defaults>
</compile_context>

<pallas_src>
import functools

import jax
import jax.numpy as jnp
from jax import lax
from jax.experimental import pallas as pl
from jax.experimental.pallas import tpu as pltpu
from jax.experimental.pallas import tpu_sc as plsc

N = 10000
E = 320000
D = 128
NP = 10240
NC = 2
NS = 16
NW = NC * NS
K = 128
NCHUNK = 80
EPAD = NW * NCHUNK * K
DUMMY = NP - 1
RPS = NP // NS

_mesh = plsc.VectorSubcoreMesh(core_axis_name="c", subcore_axis_name="s")



@functools.partial(
    pl.kernel,
    mesh=_mesh,
    out_type=jax.ShapeDtypeStruct((NC, NP), jnp.float32),
    scratch_types=[
        pltpu.VMEM((NCHUNK, K), jnp.int32),
        pltpu.VMEM((K,), jnp.float32),
        pltpu.VMEM((RPS,), jnp.float32),
        pltpu.VMEM_SHARED((NP,), jnp.float32),
        pltpu.SemaphoreType.DMA,
    ],
)
def _sc_deg(dst_hbm, out_hbm, dst_v, ones_v, zrow_v, acc_sh, sem):
    c = lax.axis_index("c")
    s = lax.axis_index("s")
    wid = s * NC + c
    for i in range(K // 16):
        ones_v[pl.ds(i * 16, 16)] = jnp.ones((16,), jnp.float32)

    pltpu.async_copy(dst_hbm.at[wid], dst_v, sem)

    def zbody(i, carry):
        zrow_v[pl.ds(i * 16, 16)] = jnp.zeros((16,), jnp.float32)
        return carry

    lax.fori_loop(0, RPS // 16, zbody, 0)
    pltpu.sync_copy(zrow_v, acc_sh.at[pl.ds(s * RPS, RPS)])
    pltpu.make_async_copy(dst_hbm.at[0], dst_v, sem).wait()
    plsc.subcore_barrier()

    DEPTH = 6

    def body(j, carry):
        pltpu.async_copy(ones_v, acc_sh.at[dst_v.at[j]], sem, add=True)

        @pl.when(j >= DEPTH)
        def _():
            pltpu.make_async_copy(out_hbm.at[0, pl.ds(0, K)], ones_v, sem).wait()

        return carry

    lax.fori_loop(0, NCHUNK, body, 0)

    def drain(j, carry):
        pltpu.make_async_copy(out_hbm.at[0, pl.ds(0, K)], ones_v, sem).wait()
        return carry

    lax.fori_loop(0, DEPTH, drain, 0)
    plsc.subcore_barrier()
    pltpu.sync_copy(acc_sh.at[pl.ds(s * RPS, RPS)],
                    out_hbm.at[c, pl.ds(s * RPS, RPS)])



KA = 88
TOTCH = 3648
EPADA = TOTCH * KA
G0 = 148
G1 = TOTCH // NS - G0
assert G0 % 4 == 0 and G1 % 4 == 0 and G0 >= 8 and G1 >= 8
CH0 = NS * G0


@functools.partial(
    pl.kernel,
    mesh=_mesh,
    out_type=jax.ShapeDtypeStruct((NC, NP, D), jnp.float32),
    scratch_types=(
        [pltpu.VMEM((2, KA), jnp.int32)] * 4
        + [pltpu.VMEM((KA, D), jnp.float32)] * 4
        + [pltpu.VMEM_SHARED((NP, D), jnp.float32)]
        + [pltpu.SemaphoreType.DMA] * 8
    ),
)
def _sc_agg(x_hbm, sd_hbm, out_hbm,
            i0, i1, i2, i3, b0, b1, b2, b3, acc_sh,
            g0s, g1s, g2s, g3s, s0s, s1s, s2s, s3s):
    c = lax.axis_index("c")
    s = lax.axis_index("s")
    base = jnp.where(c == 0, s * G0, CH0 + s * G1)
    g = jnp.where(c == 0, G0, G1)
    m = g // 4 - 1
    idx = [i0, i1, i2, i3]
    buf = [b0, b1, b2, b3]
    gsem = [g0s, g1s, g2s, g3s]
    isem = [s0s, s1s, s2s, s3s]

    def wait_buf(t):
        pltpu.make_async_copy(x_hbm.at[pl.ds(0, KA)], buf[t], gsem[t]).wait()

    def wait_idx(t):
        pltpu.make_async_copy(sd_hbm.at[0], idx[t], isem[t]).wait()

    def zbody(i, carry):
        for t in range(D // 16):
            b3[i, pl.ds(t * 16, 16)] = jnp.zeros((16,), jnp.float32)
        return carry

    for t in range(4):
        pltpu.async_copy(sd_hbm.at[base + t], idx[t], isem[t])
    lax.fori_loop(0, KA, zbody, 0)
    for t in range(3):
        wait_idx(t)
        pltpu.async_copy(x_hbm.at[idx[t].at[0]], buf[t], gsem[t])
    for t in range(RPS // KA):
        pltpu.sync_copy(b3, acc_sh.at[pl.ds(s * RPS + t * KA, KA)])
    _REM = RPS - (RPS // KA) * KA
    if _REM:
        pltpu.sync_copy(b3.at[pl.ds(0, _REM)],
                        acc_sh.at[pl.ds(s * RPS + (RPS // KA) * KA, _REM)])
    wait_idx(3)
    pltpu.async_copy(x_hbm.at[idx[3].at[0]], b3, g3s)
    plsc.subcore_barrier()

    def body(i, carry):
        j = base + 4 * i
        wait_buf(0)
        pltpu.sync_copy(b0, acc_sh.at[i0.at[1]], add=True)
        pltpu.async_copy(sd_hbm.at[j + 4], i0, s0s)
        wait_buf(1)
        pltpu.sync_copy(b1, acc_sh.at[i1.at[1]], add=True)
        pltpu.async_copy(sd_hbm.at[j + 5], i1, s1s)
        wait_idx(0)
        pltpu.async_copy(x_hbm.at[i0.at[0]], b0, g0s)
        wait_buf(2)
        pltpu.sync_copy(b2, acc_sh.at[i2.at[1]], add=True)
        pltpu.async_copy(sd_hbm.at[j + 6], i2, s2s)
        wait_idx(1)
        pltpu.async_copy(x_hbm.at[i1.at[0]], b1, g1s)
        wait_buf(3)
        pltpu.sync_copy(b3, acc_sh.at[i3.at[1]], add=True)
        pltpu.async_copy(sd_hbm.at[j + 7], i3, s3s)
        wait_idx(2)
        pltpu.async_copy(x_hbm.at[i2.at[0]], b2, g2s)
        wait_idx(3)
        pltpu.async_copy(x_hbm.at[i3.at[0]], b3, g3s)
        return carry

    lax.fori_loop(0, m, body, 0)

    for t in range(4):
        wait_buf(t)
        pltpu.sync_copy(buf[t], acc_sh.at[idx[t].at[1]], add=True)

    plsc.subcore_barrier()
    pltpu.sync_copy(acc_sh.at[pl.ds(s * RPS, RPS)],
                    out_hbm.at[c, pl.ds(s * RPS, RPS)])




RB = 2048


def _prep_body(deg_ref, emb_ref, xp_ref, dinv_ref):
    deg = deg_ref[0, :] + deg_ref[1, :] + 1.0
    dinv = lax.rsqrt(deg)[:, None]
    dinv_ref[...] = jnp.broadcast_to(dinv, (RB, D))
    xp_ref[...] = emb_ref[...] * dinv


_prep = pl.pallas_call(
    _prep_body,
    grid=(NP // RB,),
    in_specs=[
        pl.BlockSpec((NC, RB), lambda i: (0, i)),
        pl.BlockSpec((RB, D), lambda i: (i, 0)),
    ],
    out_specs=[
        pl.BlockSpec((RB, D), lambda i: (i, 0)),
        pl.BlockSpec((RB, D), lambda i: (i, 0)),
    ],
    out_shape=[
        jax.ShapeDtypeStruct((NP, D), jnp.float32),
        jax.ShapeDtypeStruct((NP, D), jnp.float32),
    ],
)


def _layer_body(relu, p_ref, xp_ref, dinv_ref, w_ref, b_ref, out_ref):
    z = (p_ref[0] + p_ref[1] + xp_ref[...]) * dinv_ref[...]
    h = jnp.dot(z, w_ref[...], preferred_element_type=jnp.float32) + b_ref[...]
    if relu:
        h = jnp.maximum(h, 0.0) * dinv_ref[...]
    out_ref[...] = h


def _make_layer(relu):
    return pl.pallas_call(
        functools.partial(_layer_body, relu),
        grid=(NP // RB,),
        in_specs=[
            pl.BlockSpec((NC, RB, D), lambda i: (0, i, 0)),
            pl.BlockSpec((RB, D), lambda i: (i, 0)),
            pl.BlockSpec((RB, D), lambda i: (i, 0)),
            pl.BlockSpec((D, D), lambda i: (0, 0)),
            pl.BlockSpec((1, D), lambda i: (0, 0)),
        ],
        out_specs=pl.BlockSpec((RB, D), lambda i: (i, 0)),
        out_shape=jax.ShapeDtypeStruct((NP, D), jnp.float32),
    )


_layer1 = _make_layer(True)
_layer2 = _make_layer(False)


def kernel(edge_index, emb, W1, b1, W2, b2):
    ei = edge_index.astype(jnp.int32)
    dstd = jnp.concatenate([ei[1], jnp.full((EPAD - E,), DUMMY, jnp.int32)])
    dst3 = dstd.reshape(NW, NCHUNK, K)
    srca = jnp.concatenate([ei[0], jnp.zeros((EPADA - E,), jnp.int32)])
    dsta = jnp.concatenate([ei[1], jnp.full((EPADA - E,), DUMMY, jnp.int32)])
    sd = jnp.stack([srca.reshape(TOTCH, KA), dsta.reshape(TOTCH, KA)],
                   axis=1)
    emb_p = jnp.pad(emb, ((0, NP - N), (0, 0)))

    deg_p = _sc_deg(dst3)
    x0p, dinvb = _prep(deg_p, emb_p)
    p1 = _sc_agg(x0p, sd)
    x1p = _layer1(p1, x0p, dinvb, W1, b1.reshape(1, D))
    p2 = _sc_agg(x1p, sd)
    h2 = _layer2(p2, x1p, dinvb, W2, b2.reshape(1, D))
    return h2[:N]

# --- scband reference (transcript-rebuilt; emitter-appended) ---
"""Pipeline reference for scband-gcn-3702261809847 (READ-ONLY COPY).

The authoritative reference and input builder live on the scoring server;
editing this copy changes nothing except your own understanding.
"""

import jax, jax.numpy as jnp
import numpy as np

N = 10000
E = 320000
D = 128


def setup_inputs(seed: int = 0) -> dict:
    key = jax.random.key(seed)
    ks = jax.random.split(key, 6)
    edge_index = jax.random.randint(ks[0], (2, E), 0, N).astype(jnp.int64)
    emb = jax.random.normal(ks[1], (N, D), dtype=jnp.float32) * 0.1
    W1 = jax.random.normal(ks[2], (D, D), dtype=jnp.float32) * (1.0 / np.sqrt(D))
    b1 = jnp.zeros((D,), dtype=jnp.float32)
    W2 = jax.random.normal(ks[3], (D, D), dtype=jnp.float32) * (1.0 / np.sqrt(D))
    b2 = jnp.zeros((D,), dtype=jnp.float32)
    return {"edge_index": edge_index, "emb": emb, "W1": W1, "b1": b1, "W2": W2, "b2": b2}


def _gcn_conv(x, W, b, src, dst, n):
    # PyG GCNConv: lin (no bias) -> symmetric normalization with self-loops -> scatter-add -> + bias
    x = x @ W
    deg = jax.ops.segment_sum(jnp.ones(dst.shape[0], dtype=x.dtype), dst, num_segments=n)
    dinv = jnp.where(deg > 0, deg ** -0.5, 0.0)
    norm = dinv[src] * dinv[dst]
    msgs = x[src] * norm[:, None]
    out = jax.ops.segment_sum(msgs, dst, num_segments=n)
    return out + b


def reference(edge_index, emb, W1, b1, W2, b2):
    # node features come from the embedding table (emb.weight); forward only takes edge_index
    loop = jnp.arange(N, dtype=edge_index.dtype)
    src = jnp.concatenate([edge_index[0], loop])
    dst = jnp.concatenate([edge_index[1], loop])
    h = _gcn_conv(emb, W1, b1, src, dst, N)
    h = jax.nn.relu(h)
    h = _gcn_conv(h, W2, b2, src, dst, N)
    return h

if __name__ == "__main__":
    import jax
    _d = setup_inputs()
    print(jax.jit(kernel)(*tuple(_d.values())))

</pallas_src>

<mosaic_0001>
#map = affine_map<(d0, d1) -> (0, 0)>
#map1 = affine_map<(d0, d1) -> (0, 0, 0)>
module attributes {stable_mosaic.version = 14 : i64} {
  func.func @_sc_agg(%arg0: i32, %arg1: i32, %arg2: memref<10240x128xf32, #tpu.memory_space<hbm>>, %arg3: memref<3648x2x88xi32, #tpu.memory_space<hbm>>, %arg4: memref<2x10240x128xf32, #tpu.memory_space<hbm>>, %arg5: memref<2x88xi32, #tpu.memory_space<vmem>>, %arg6: memref<2x88xi32, #tpu.memory_space<vmem>>, %arg7: memref<2x88xi32, #tpu.memory_space<vmem>>, %arg8: memref<2x88xi32, #tpu.memory_space<vmem>>, %arg9: memref<88x128xf32, #tpu.memory_space<vmem>>, %arg10: memref<88x128xf32, #tpu.memory_space<vmem>>, %arg11: memref<88x128xf32, #tpu.memory_space<vmem>>, %arg12: memref<88x128xf32, #tpu.memory_space<vmem>>, %arg13: memref<10240x128xf32, #tpu.memory_space<vmem_shared>>, %arg14: memref<!tpu.dma_semaphore, #tpu.memory_space<semaphore_mem>>, %arg15: memref<!tpu.dma_semaphore, #tpu.memory_space<semaphore_mem>>, %arg16: memref<!tpu.dma_semaphore, #tpu.memory_space<semaphore_mem>>, %arg17: memref<!tpu.dma_semaphore, #tpu.memory_space<semaphore_mem>>, %arg18: memref<!tpu.dma_semaphore, #tpu.memory_space<semaphore_mem>>, %arg19: memref<!tpu.dma_semaphore, #tpu.memory_space<semaphore_mem>>, %arg20: memref<!tpu.dma_semaphore, #tpu.memory_space<semaphore_mem>>, %arg21: memref<!tpu.dma_semaphore, #tpu.memory_space<semaphore_mem>>) attributes {dimension_semantics = [#tpu.dimension_semantics<core_parallel>, #tpu.dimension_semantics<subcore_parallel>], iteration_bounds = array<i64: 2, 16>, scalar_prefetch = 0 : i64, scratch_operands = 17 : i64, tpu.core_type = #tpu.core_type<sc_vector_subcore>, window_params = [{transform_indices = #map}, {transform_indices = #map1}, {transform_indices = #map1}]} {
    %eq3A = arith.constant 0 : i32
    %eq3A_0 = arith.cmpi eq, %arg0, %eq3A : i32
    %mul3A = arith.constant 148 : i32
    %mul3A_1 = arith.muli %arg1, %mul3A : i32
    %mul3A_2 = arith.constant 80 : i32
    %mul3A_3 = arith.muli %arg1, %mul3A_2 : i32
    %add3A = arith.constant 2368 : i32
    %add3A_4 = arith.addi %add3A, %mul3A_3 : i32
    %select_n3A = arith.select %eq3A_0, %mul3A_1, %add3A_4 : i32
    %eq3A_5 = arith.constant 0 : i32
    %eq3A_6 = arith.cmpi eq, %arg0, %eq3A_5 : i32
    %jit3A = arith.constant 148 : i32
    %jit3A_7 = arith.constant 80 : i32
    %select_n3A_8 = arith.select %eq3A_6, %jit3A, %jit3A_7 : i32
    %jit3A_9 = arith.constant 4 : i32
    %div3A = arith.divsi %select_n3A_8, %jit3A_9 : i32
    %sign3A = arith.constant 0 : i32
    %sign3A_10 = arith.cmpi sgt, %select_n3A_8, %sign3A : i32
    %sign3A_11 = arith.extui %sign3A_10 : i1 to i32
    %sign3A_12 = arith.constant 0 : i32
    %sign3A_13 = arith.cmpi slt, %select_n3A_8, %sign3A_12 : i32
    %sign3A_14 = arith.extui %sign3A_13 : i1 to i32
    %sign3A_15 = arith.subi %sign3A_11, %sign3A_14 : i32
    %sign3A_16 = arith.constant 0 : i32
    %sign3A_17 = arith.cmpi sgt, %jit3A_9, %sign3A_16 : i32
    %sign3A_18 = arith.extui %sign3A_17 : i1 to i32
    %sign3A_19 = arith.constant 0 : i32
    %sign3A_20 = arith.cmpi slt, %jit3A_9, %sign3A_19 : i32
    %sign3A_21 = arith.extui %sign3A_20 : i1 to i32
    %sign3A_22 = arith.subi %sign3A_18, %sign3A_21 : i32
    %ne3A = arith.cmpi ne, %sign3A_15, %sign3A_22 : i32
    %rem3A = arith.remsi %select_n3A_8, %jit3A_9 : i32
    %ne3A_23 = arith.constant 0 : i32
    %ne3A_24 = arith.cmpi ne, %rem3A, %ne3A_23 : i32
    %and3A = arith.andi %ne3A, %ne3A_24 : i1
    %sub3A = arith.constant 1 : i32
    %sub3A_25 = arith.subi %div3A, %sub3A : i32
    %select_n3A_26 = arith.select %and3A, %sub3A_25, %div3A : i32
    %sub3A_27 = arith.constant 1 : i32
    %sub3A_28 = arith.subi %select_n3A_26, %sub3A_27 : i32
    %add3A_29 = arith.constant 0 : i32
    %add3A_30 = arith.addi %select_n3A, %add3A_29 : i32
    %dma_start3A = arith.constant 0 : i32
    %dma_start3A_31 = arith.constant 0 : i32
    %dma_start3A_32 = tpu.memref_slice %arg3[%add3A_30, %dma_start3A, %dma_start3A_31] : memref<3648x2x88xi32, #tpu.memory_space<hbm>> -> memref<1x2x88xi32, #tpu.memory_space<hbm>>
    %dma_start3A_33 = tpu.memref_squeeze %dma_start3A_32 : memref<1x2x88xi32, #tpu.memory_space<hbm>> -> memref<2x88xi32, #tpu.memory_space<hbm>>
    %dma_start3A_34 = arith.constant 0 : i32
    %dma_start3A_35 = arith.constant 0 : i32
    %dma_start3A_36 = tpu.memref_slice %arg3[%add3A_30, %dma_start3A_34, %dma_start3A_35] : memref<3648x2x88xi32, #tpu.memory_space<hbm>> -> memref<1x2x88xi32, #tpu.memory_space<hbm>>
    %dma_start3A_37 = tpu.memref_squeeze %dma_start3A_36 : memref<1x2x88xi32, #tpu.memory_space<hbm>> -> memref<2x88xi32, #tpu.memory_space<hbm>>
    tpu.enqueue_dma source(%dma_start3A_37 : memref<2x88xi32, #tpu.memory_space<hbm>>) target(%arg5 : memref<2x88xi32, #tpu.memory_space<vmem>>) target_semaphore(%arg18 : memref<!tpu.dma_semaphore, #tpu.memory_space<semaphore_mem>>)
    %add3A_38 = arith.constant 1 : i32
    %add3A_39 = arith.addi %select_n3A, %add3A_38 : i32
    %dma_start3A_40 = arith.constant 0 : i32
    %dma_start3A_41 = arith.constant 0 : i32
    %dma_start3A_42 = tpu.memref_slice %arg3[%add3A_39, %dma_start3A_40, %dma_start3A_41] : memref<3648x2x88xi32, #tpu.memory_space<hbm>> -> memref<1x2x88xi32, #tpu.memory_space<hbm>>
    %dma_start3A_43 = tpu.memref_squeeze %dma_start3A_42 : memref<1x2x88xi32, #tpu.memory_space<hbm>> -> memref<2x88xi32, #tpu.memory_space<hbm>>
    %dma_start3A_44 = arith.constant 0 : i32
    %dma_start3A_45 = arith.constant 0 : i32
    %dma_start3A_46 = tpu.memref_slice %arg3[%add3A_39, %dma_start3A_44, %dma_start3A_45] : memref<3648x2x88xi32, #tpu.memory_space<hbm>> -> memref<1x2x88xi32, #tpu.memory_space<hbm>>
    %dma_start3A_47 = tpu.memref_squeeze %dma_start3A_46 : memref<1x2x88xi32, #tpu.memory_space<hbm>> -> memref<2x88xi32, #tpu.memory_space<hbm>>
    tpu.enqueue_dma source(%dma_start3A_47 : memref<2x88xi32, #tpu.memory_space<hbm>>) target(%arg6 : memref<2x88xi32, #tpu.memory_space<vmem>>) target_semaphore(%arg19 : memref<!tpu.dma_semaphore, #tpu.memory_space<semaphore_mem>>)
    %add3A_48 = arith.constant 2 : i32
    %add3A_49 = arith.addi %select_n3A, %add3A_48 : i32
    %dma_start3A_50 = arith.constant 0 : i32
    %dma_start3A_51 = arith.constant 0 : i32
    %dma_start3A_52 = tpu.memref_slice %arg3[%add3A_49, %dma_start3A_50, %dma_start3A_51] : memref<3648x2x88xi32, #tpu.memory_space<hbm>> -> memref<1x2x88xi32, #tpu.memory_space<hbm>>
    %dma_start3A_53 = tpu.memref_squeeze %dma_start3A_52 : memref<1x2x88xi32, #tpu.memory_space<hbm>> -> memref<2x88xi32, #tpu.memory_space<hbm>>
    %dma_start3A_54 = arith.constant 0 : i32
    %dma_start3A_55 = arith.constant 0 : i32
    %dma_start3A_56 = tpu.memref_slice %arg3[%add3A_49, %dma_start3A_54, %dma_start3A_55] : memref<3648x2x88xi32, #tpu.memory_space<hbm>> -> memref<1x2x88xi32, #tpu.memory_space<hbm>>
    %dma_start3A_57 = tpu.memref_squeeze %dma_start3A_56 : memref<1x2x88xi32, #tpu.memory_space<hbm>> -> memref<2x88xi32, #tpu.memory_space<hbm>>
    tpu.enqueue_dma source(%dma_start3A_57 : memref<2x88xi32, #tpu.memory_space<hbm>>) target(%arg7 : memref<2x88xi32, #tpu.memory_space<vmem>>) target_semaphore(%arg20 : memref<!tpu.dma_semaphore, #tpu.memory_space<semaphore_mem>>)
    %add3A_58 = arith.constant 3 : i32
    %add3A_59 = arith.addi %select_n3A, %add3A_58 : i32
    %dma_start3A_60 = arith.constant 0 : i32
    %dma_start3A_61 = arith.constant 0 : i32
    %dma_start3A_62 = tpu.memref_slice %arg3[%add3A_59, %dma_start3A_60, %dma_start3A_61] : memref<3648x2x88xi32, #tpu.memory_space<hbm>> -> memref<1x2x88xi32, #tpu.memory_space<hbm>>
    %dma_start3A_63 = tpu.memref_squeeze %dma_start3A_62 : memref<1x2x88xi32, #tpu.memory_space<hbm>> -> memref<2x88xi32, #tpu.memory_space<hbm>>
    %dma_start3A_64 = arith.constant 0 : i32
    %dma_start3A_65 = arith.constant 0 : i32
    %dma_start3A_66 = tpu.memref_slice %arg3[%add3A_59, %dma_start3A_64, %dma_start3A_65] : memref<3648x2x88xi32, #tpu.memory_space<hbm>> -> memref<1x2x88xi32, #tpu.memory_space<hbm>>
    %dma_start3A_67 = tpu.memref_squeeze %dma_start3A_66 : memref<1x2x88xi32, #tpu.memory_space<hbm>> -> memref<2x88xi32, #tpu.memory_space<hbm>>
    tpu.enqueue_dma source(%dma_start3A_67 : memref<2x88xi32, #tpu.memory_space<hbm>>) target(%arg8 : memref<2x88xi32, #tpu.memory_space<vmem>>) target_semaphore(%arg21 : memref<!tpu.dma_semaphore, #tpu.memory_space<semaphore_mem>>)
    %scan3A = arith.constant 0 : i32
    %scan3A_68 = arith.constant 0 : i32
    %scan3A_69 = arith.constant 88 : i32
    %scan3A_70 = arith.addi %scan3A_68, %scan3A_69 : i32
    %scan3A_71 = arith.constant 1 : i32
    scf.for %scan3A_209 = %scan3A_68 to %scan3A_70 step %scan3A_71  : i32 {
      %broadcast_in_dim3A = arith.constant 0.000000e+00 : f32
      %broadcast_in_dim3A_210 = vector.broadcast %broadcast_in_dim3A : f32 to vector<16xf32>
      %swap3A = arith.index_cast %scan3A_209 : i32 to index
      %swap3A_211 = arith.constant 0 : index
      %swap3A_212 = tpu.vector_load %arg12[%swap3A, %swap3A_211] {strides = array<i32>} : memref<88x128xf32, #tpu.memory_space<vmem>>, vector<1x16xf32>,
      %swap3A_213 = vector.shape_cast %swap3A_212 : vector<1x16xf32> to vector<16xf32>
      %swap3A_214 = vector.shape_cast %broadcast_in_dim3A_210 : vector<16xf32> to vector<1x16xf32>
      tpu.vector_store %arg12[%swap3A, %swap3A_211], %swap3A_214 {strides = array<i32>} : memref<88x128xf32, #tpu.memory_space<vmem>>, vector<1x16xf32>,
      %broadcast_in_dim3A_215 = arith.constant 0.000000e+00 : f32
      %broadcast_in_dim3A_216 = vector.broadcast %broadcast_in_dim3A_215 : f32 to vector<16xf32>
      %swap3A_217 = arith.index_cast %scan3A_209 : i32 to index
      %swap3A_218 = arith.constant 16 : index
      %swap3A_219 = tpu.vector_load %arg12[%swap3A_217, %swap3A_218] {strides = array<i32>} : memref<88x128xf32, #tpu.memory_space<vmem>>, vector<1x16xf32>,
      %swap3A_220 = vector.shape_cast %swap3A_219 : vector<1x16xf32> to vector<16xf32>
      %swap3A_221 = vector.shape_cast %broadcast_in_dim3A_216 : vector<16xf32> to vector<1x16xf32>
      tpu.vector_store %arg12[%swap3A_217, %swap3A_218], %swap3A_221 {strides = array<i32>} : memref<88x128xf32, #tpu.memory_space<vmem>>, vector<1x16xf32>,
      %broadcast_in_dim3A_222 = arith.constant 0.000000e+00 : f32
      %broadcast_in_dim3A_223 = vector.broadcast %broadcast_in_dim3A_222 : f32 to vector<16xf32>
      %swap3A_224 = arith.index_cast %scan3A_209 : i32 to index
      %swap3A_225 = arith.constant 32 : index
      %swap3A_226 = tpu.vector_load %arg12[%swap3A_224, %swap3A_225] {strides = array<i32>} : memref<88x128xf32, #tpu.memory_space<vmem>>, vector<1x16xf32>,
      %swap3A_227 = vector.shape_cast %swap3A_226 : vector<1x16xf32> to vector<16xf32>
      %swap3A_228 = vector.shape_cast %broadcast_in_dim3A_223 : vector<16xf32> to vector<1x16xf32>
      tpu.vector_store %arg12[%swap3A_224, %swap3A_225], %swap3A_228 {strides = array<i32>} : memref<88x128xf32, #tpu.memory_space<vmem>>, vector<1x16xf32>,
      %broadcast_in_dim3A_229 = arith.constant 0.000000e+00 : f32
      %broadcast_in_dim3A_230 = vector.broadcast %broadcast_in_dim3A_229 : f32 to vector<16xf32>
      %swap3A_231 = arith.index_cast %scan3A_209 : i32 to index
      %swap3A_232 = arith.constant 48 : index
      %swap3A_233 = tpu.vector_load %arg12[%swap3A_231, %swap3A_232] {strides = array<i32>} : memref<88x128xf32, #tpu.memory_space<vmem>>, vector<1x16xf32>,
      %swap3A_234 = vector.shape_cast %swap3A_233 : vector<1x16xf32> to vector<16xf32>
      %swap3A_235 = vector.shape_cast %broadcast_in_dim3A_230 : vector<16xf32> to vector<1x16xf32>
      tpu.vector_store %arg12[%swap3A_231, %swap3A_232], %swap3A_235 {strides = array<i32>} : memref<88x128xf32, #tpu.memory_space<vmem>>, vector<1x16xf32>,
      %broadcast_in_dim3A_236 = arith.constant 0.000000e+00 : f32
      %broadcast_in_dim3A_237 = vector.broadcast %broadcast_in_dim3A_236 : f32 to vector<16xf32>
      %swap3A_238 = arith.index_cast %scan3A_209 : i32 to index
      %swap3A_239 = arith.constant 64 : index
      %swap3A_240 = tpu.vector_load %arg12[%swap3A_238, %swap3A_239] {strides = array<i32>} : memref<88x128xf32, #tpu.memory_space<vmem>>, vector<1x16xf32>,
      %swap3A_241 = vector.shape_cast %swap3A_240 : vector<1x16xf32> to vector<16xf32>
      %swap3A_242 = vector.shape_cast %broadcast_in_dim3A_237 : vector<16xf32> to vector<1x16xf32>
      tpu.vector_store %arg12[%swap3A_238, %swap3A_239], %swap3A_242 {strides = array<i32>} : memref<88x128xf32, #tpu.memory_space<vmem>>, vector<1x16xf32>,
      %broadcast_in_dim3A_243 = arith.constant 0.000000e+00 : f32
      %broadcast_in_dim3A_244 = vector.broadcast %broadcast_in_dim3A_243 : f32 to vector<16xf32>
      %swap3A_245 = arith.index_cast %scan3A_209 : i32 to index
      %swap3A_246 = arith.constant 80 : index
      %swap3A_247 = tpu.vector_load %arg12[%swap3A_245, %swap3A_246] {strides = array<i32>} : memref<88x128xf32, #tpu.memory_space<vmem>>, vector<1x16xf32>,
      %swap3A_248 = vector.shape_cast %swap3A_247 : vector<1x16xf32> to vector<16xf32>
      %swap3A_249 = vector.shape_cast %broadcast_in_dim3A_244 : vector<16xf32> to vector<1x16xf32>
      tpu.vector_store %arg12[%swap3A_245, %swap3A_246], %swap3A_249 {strides = array<i32>} : memref<88x128xf32, #tpu.memory_space<vmem>>, vector<1x16xf32>,
      %broadcast_in_dim3A_250 = arith.constant 0.000000e+00 : f32
      %broadcast_in_dim3A_251 = vector.broadcast %broadcast_in_dim3A_250 : f32 to vector<16xf32>
      %swap3A_252 = arith.index_cast %scan3A_209 : i32 to index
      %swap3A_253 = arith.constant 96 : index
      %swap3A_254 = tpu.vector_load %arg12[%swap3A_252, %swap3A_253] {strides = array<i32>} : memref<88x128xf32, #tpu.memory_space<vmem>>, vector<1x16xf32>,
      %swap3A_255 = vector.shape_cast %swap3A_254 : vector<1x16xf32> to vector<16xf32>
      %swap3A_256 = vector.shape_cast %broadcast_in_dim3A_251 : vector<16xf32> to vector<1x16xf32>
      tpu.vector_store %arg12[%swap3A_252, %swap3A_253], %swap3A_256 {strides = array<i32>} : memref<88x128xf32, #tpu.memory_space<vmem>>, vector<1x16xf32>,
      %broadcast_in_dim3A_257 = arith.constant 0.000000e+00 : f32
      %broadcast_in_dim3A_258 = vector.broadcast %broadcast_in_dim3A_257 : f32 to vector<16xf32>
      %swap3A_259 = arith.index_cast %scan3A_209 : i32 to index
      %swap3A_260 = arith.constant 112 : index
      %swap3A_261 = tpu.vector_load %arg12[%swap3A_259, %swap3A_260] {strides = array<i32>} : memref<88x128xf32, #tpu.memory_space<vmem>>, vector<1x16xf32>,
      %swap3A_262 = vector.shape_cast %swap3A_261 : vector<1x16xf32> to vector<16xf32>
      %swap3A_263 = vector.shape_cast %broadcast_in_dim3A_258 : vector<16xf32> to vector<1x16xf32>
      tpu.vector_store %arg12[%swap3A_259, %swap3A_260], %swap3A_263 {strides = array<i32>} : memref<88x128xf32, #tpu.memory_space<vmem>>, vector<1x16xf32>,
    }
    %scan3A_72 = arith.constant 88 : i32
    %dma_wait3A = arith.constant 0 : i32
    %dma_wait3A_73 = arith.constant 0 : i32
    %dma_wait3A_74 = arith.constant 0 : i32
    %dma_wait3A_75 = tpu.memref_slice %arg3[%dma_wait3A, %dma_wait3A_73, %dma_wait3A_74] : memref<3648x2x88xi32, #tpu.memory_space<hbm>> -> memref<1x2x88xi32, #tpu.memory_space<hbm>>
    %dma_wait3A_76 = tpu.memref_squeeze %dma_wait3A_75 : memref<1x2x88xi32, #tpu.memory_space<hbm>> -> memref<2x88xi32, #tpu.memory_space<hbm>>
    %dma_wait3A_77 = arith.constant 0 : i32
    %dma_wait3A_78 = arith.constant 0 : i32
    %dma_wait3A_79 = tpu.memref_slice %arg3[%dma_wait3A, %dma_wait3A_77, %dma_wait3A_78] : memref<3648x2x88xi32, #tpu.memory_space<hbm>> -> memref<1x2x88xi32, #tpu.memory_space<hbm>>
    %dma_wait3A_80 = tpu.memref_squeeze %dma_wait3A_79 : memref<1x2x88xi32, #tpu.memory_space<hbm>> -> memref<2x88xi32, #tpu.memory_space<hbm>>
    tpu.wait_dma2 semaphore(%arg18 : memref<!tpu.dma_semaphore, #tpu.memory_space<semaphore_mem>>) src(%dma_wait3A_80 : memref<2x88xi32, #tpu.memory_space<hbm>>) dst(%arg5 : memref<2x88xi32, #tpu.memory_space<vmem>>)
    %dma_start3A_81 = arith.constant 0 : i32
    %dma_start3A_82 = arith.constant 0 : i32
    %dma_start3A_83 = tpu.memref_slice %arg5[%dma_start3A_81, %dma_start3A_82] : memref<2x88xi32, #tpu.memory_space<vmem>> -> memref<1x88xi32, #tpu.memory_space<vmem>>
    %dma_start3A_84 = tpu.memref_squeeze %dma_start3A_83 : memref<1x88xi32, #tpu.memory_space<vmem>> -> memref<88xi32, #tpu.memory_space<vmem>>
    %dma_start3A_85 = arith.constant 0 : i32
    %dma_start3A_86 = arith.constant 0 : i32
    %dma_start3A_87 = tpu.memref_slice %arg2[%dma_start3A_85, %dma_start3A_86] : memref<10240x128xf32, #tpu.memory_space<hbm>> -> memref<10240x128xf32, #tpu.memory_space<hbm>>
    tpu.enqueue_indirect_dma source(%dma_start3A_87 : memref<10240x128xf32, #tpu.memory_space<hbm>>) target(%arg9 : memref<88x128xf32, #tpu.memory_space<vmem>>) offsets(%dma_start3A_84 : memref<88xi32, #tpu.memory_space<vmem>>) semaphore(%arg14 : memref<!tpu.dma_semaphore, #tpu.memory_space<semaphore_mem>>)
    %dma_wait3A_88 = arith.constant 0 : i32
    %dma_wait3A_89 = arith.constant 0 : i32
    %dma_wait3A_90 = arith.constant 0 : i32
    %dma_wait3A_91 = tpu.memref_slice %arg3[%dma_wait3A_88, %dma_wait3A_89, %dma_wait3A_90] : memref<3648x2x88xi32, #tpu.memory_space<hbm>> -> memref<1x2x88xi32, #tpu.memory_space<hbm>>
    %dma_wait3A_92 = tpu.memref_squeeze %dma_wait3A_91 : memref<1x2x88xi32, #tpu.memory_space<hbm>> -> memref<2x88xi32, #tpu.memory_space<hbm>>
    %dma_wait3A_93 = arith.constant 0 : i32
    %dma_wait3A_94 = arith.constant 0 : i32
    %dma_wait3A_95 = tpu.memref_slice %arg3[%dma_wait3A_88, %dma_wait3A_93, %dma_wait3A_94] : memref<3648x2x88xi32, #tpu.memory_space<hbm>> -> memref<1x2x88xi32, #tpu.memory_space<hbm>>
    %dma_wait3A_96 = tpu.memref_squeeze %dma_wait3A_95 : memref<1x2x88xi32, #tpu.memory_space<hbm>> -> memref<2x88xi32, #tpu.memory_space<hbm>>
    tpu.wait_dma2 semaphore(%arg19 : memref<!tpu.dma_semaphore, #tpu.memory_space<semaphore_mem>>) src(%dma_wait3A_96 : memref<2x88xi32, #tpu.memory_space<hbm>>) dst(%arg6 : memref<2x88xi32, #tpu.memory_space<vmem>>)
    %dma_start3A_97 = arith.constant 0 : i32
    %dma_start3A_98 = arith.constant 0 : i32
    %dma_start3A_99 = tpu.memref_slice %arg6[%dma_start3A_97, %dma_start3A_98] : memref<2x88xi32, #tpu.memory_space<vmem>> -> memref<1x88xi32, #tpu.memory_space<vmem>>
    %dma_start3A_100 = tpu.memref_squeeze %dma_start3A_99 : memref<1x88xi32, #tpu.memory_space<vmem>> -> memref<88xi32, #tpu.memory_space<vmem>>
    %dma_start3A_101 = arith.constant 0 : i32
    %dma_start3A_102 = arith.constant 0 : i32
    %dma_start3A_103 = tpu.memref_slice %arg2[%dma_start3A_101, %dma_start3A_102] : memref<10240x128xf32, #tpu.memory_space<hbm>> -> memref<10240x128xf32, #tpu.memory_space<hbm>>
    tpu.enqueue_indirect_dma source(%dma_start3A_103 : memref<10240x128xf32, #tpu.memory_space<hbm>>) target(%arg10 : memref<88x128xf32, #tpu.memory_space<vmem>>) offsets(%dma_start3A_100 : memref<88xi32, #tpu.memory_space<vmem>>) semaphore(%arg15 : memref<!tpu.dma_semaphore, #tpu.memory_space<semaphore_mem>>)
    %dma_wait3A_104 = arith.constant 0 : i32
    %dma_wait3A_105 = arith.constant 0 : i32
    %dma_wait3A_106 = arith.constant 0 : i32
    %dma_wait3A_107 = tpu.memref_slice %arg3[%dma_wait3A_104, %dma_wait3A_105, %dma_wait3A_106] : memref<3648x2x88xi32, #tpu.memory_space<hbm>> -> memref<1x2x88xi32, #tpu.memory_space<hbm>>
    %dma_wait3A_108 = tpu.memref_squeeze %dma_wait3A_107 : memref<1x2x88xi32, #tpu.memory_space<hbm>> -> memref<2x88xi32, #tpu.memory_space<hbm>>
    %dma_wait3A_109 = arith.constant 0 : i32
    %dma_wait3A_110 = arith.constant 0 : i32
    %dma_wait3A_111 = tpu.memref_slice %arg3[%dma_wait3A_104, %dma_wait3A_109, %dma_wait3A_110] : memref<3648x2x88xi32, #tpu.memory_space<hbm>> -> memref<1x2x88xi32, #tpu.memory_space<hbm>>
    %dma_wait3A_112 = tpu.memref_squeeze %dma_wait3A_111 : memref<1x2x88xi32, #tpu.memory_space<hbm>> -> memref<2x88xi32, #tpu.memory_space<hbm>>
    tpu.wait_dma2 semaphore(%arg20 : memref<!tpu.dma_semaphore, #tpu.memory_space<semaphore_mem>>) src(%dma_wait3A_112 : memref<2x88xi32, #tpu.memory_space<hbm>>) dst(%arg7 : memref<2x88xi32, #tpu.memory_space<vmem>>)
    %dma_start3A_113 = arith.constant 0 : i32
    %dma_start3A_114 = arith.constant 0 : i32
    %dma_start3A_115 = tpu.memref_slice %arg7[%dma_start3A_113, %dma_start3A_114] : memref<2x88xi32, #tpu.memory_space<vmem>> -> memref<1x88xi32, #tpu.memory_space<vmem>>
    %dma_start3A_116 = tpu.memref_squeeze %dma_start3A_115 : memref<1x88xi32, #tpu.memory_space<vmem>> -> memref<88xi32, #tpu.memory_space<vmem>>
    %dma_start3A_117 = arith.constant 0 : i32
    %dma_start3A_118 = arith.constant 0 : i32
    %dma_start3A_119 = tpu.memref_slice %arg2[%dma_start3A_117, %dma_start3A_118] : memref<10240x128xf32, #tpu.memory_space<hbm>> -> memref<10240x128xf32, #tpu.memory_space<hbm>>
    tpu.enqueue_indirect_dma source(%dma_start3A_119 : memref<10240x128xf32, #tpu.memory_space<hbm>>) target(%arg11 : memref<88x128xf32, #tpu.memory_space<vmem>>) offsets(%dma_start3A_116 : memref<88xi32, #tpu.memory_space<vmem>>) semaphore(%arg16 : memref<!tpu.dma_semaphore, #tpu.memory_space<semaphore_mem>>)
    %mul3A_120 = arith.constant 640 : i32
    %mul3A_121 = arith.muli %arg1, %mul3A_120 : i32
    %add3A_122 = arith.constant 0 : i32
    %add3A_123 = arith.addi %mul3A_121, %add3A_122 : i32
    "tpu.region"() ({
      %run_scoped3A_209 = tpu.sem_alloc : memref<!tpu.dma_semaphore, #tpu.memory_space<semaphore_mem>>
      %dma_start3A_210 = arith.constant 0 : i32
      %dma_start3A_211 = tpu.memref_slice %arg13[%add3A_123, %dma_start3A_210] : memref<10240x128xf32, #tpu.memory_space<vmem_shared>> -> memref<88x128xf32, #tpu.memory_space<vmem_shared>>
      %dma_start3A_212 = arith.constant 0 : i32
      %dma_start3A_213 = tpu.memref_slice %arg13[%add3A_123, %dma_start3A_212] : memref<10240x128xf32, #tpu.memory_space<vmem_shared>> -> memref<88x128xf32, #tpu.memory_space<vmem_shared>>
      tpu.enqueue_dma source(%arg12 : memref<88x128xf32, #tpu.memory_space<vmem>>) target(%dma_start3A_213 : memref<88x128xf32, #tpu.memory_space<vmem_shared>>) target_semaphore(%run_scoped3A_209 : memref<!tpu.dma_semaphore, #tpu.memory_space<semaphore_mem>>)
      %dma_wait3A_214 = arith.constant 0 : i32
      %dma_wait3A_215 = tpu.memref_slice %arg13[%add3A_123, %dma_wait3A_214] : memref<10240x128xf32, #tpu.memory_space<vmem_shared>> -> memref<88x128xf32, #tpu.memory_space<vmem_shared>>
      %dma_wait3A_216 = arith.constant 0 : i32
      %dma_wait3A_217 = tpu.memref_slice %arg13[%add3A_123, %dma_wait3A_216] : memref<10240x128xf32, #tpu.memory_space<vmem_shared>> -> memref<88x128xf32, #tpu.memory_space<vmem_shared>>
      tpu.wait_dma2 semaphore(%run_scoped3A_209 : memref<!tpu.dma_semaphore, #tpu.memory_space<semaphore_mem>>) src(%arg12 : memref<88x128xf32, #tpu.memory_space<vmem>>) dst(%dma_wait3A_217 : memref<88x128xf32, #tpu.memory_space<vmem_shared>>)
      tpu.yield
    }) : () -> ()
    %mul3A_124 = arith.constant 640 : i32
    %mul3A_125 = arith.muli %arg1, %mul3A_124 : i32
    %add3A_126 = arith.constant 88 : i32
    %add3A_127 = arith.addi %mul3A_125, %add3A_126 : i32
    "tpu.region"() ({
      %run_scoped3A_209 = tpu.sem_alloc : memref<!tpu.dma_semaphore, #tpu.memory_space<semaphore_mem>>
      %dma_start3A_210 = arith.constant 0 : i32
      %dma_start3A_211 = tpu.memref_slice %arg13[%add3A_127, %dma_start3A_210] : memref<10240x128xf32, #tpu.memory_space<vmem_shared>> -> memref<88x128xf32, #tpu.memory_space<vmem_shared>>
      %dma_start3A_212 = arith.constant 0 : i32
      %dma_start3A_213 = tpu.memref_slice %arg13[%add3A_127, %dma_start3A_212] : memref<10240x128xf32, #tpu.memory_space<vmem_shared>> -> memref<88x128xf32, #tpu.memory_space<vmem_shared>>
      tpu.enqueue_dma source(%arg12 : memref<88x128xf32, #tpu.memory_space<vmem>>) target(%dma_start3A_213 : memref<88x128xf32, #tpu.memory_space<vmem_shared>>) target_semaphore(%run_scoped3A_209 : memref<!tpu.dma_semaphore, #tpu.memory_space<semaphore_mem>>)
      %dma_wait3A_214 = arith.constant 0 : i32
      %dma_wait3A_215 = tpu.memref_slice %arg13[%add3A_127, %dma_wait3A_214] : memref<10240x128xf32, #tpu.memory_space<vmem_shared>> -> memref<88x128xf32, #tpu.memory_space<vmem_shared>>
      %dma_wait3A_216 = arith.constant 0 : i32
      %dma_wait3A_217 = tpu.memref_slice %arg13[%add3A_127, %dma_wait3A_216] : memref<10240x128xf32, #tpu.memory_space<vmem_shared>> -> memref<88x128xf32, #tpu.memory_space<vmem_shared>>
      tpu.wait_dma2 semaphore(%run_scoped3A_209 : memref<!tpu.dma_semaphore, #tpu.memory_space<semaphore_mem>>) src(%arg12 : memref<88x128xf32, #tpu.memory_space<vmem>>) dst(%dma_wait3A_217 : memref<88x128xf32, #tpu.memory_space<vmem_shared>>)
      tpu.yield
    }) : () -> ()
    %mul3A_128 = arith.constant 640 : i32
    %mul3A_129 = arith.muli %arg1, %mul3A_128 : i32
    %add3A_130 = arith.constant 176 : i32
    %add3A_131 = arith.addi %mul3A_129, %add3A_130 : i32
    "tpu.region"() ({
      %run_scoped3A_209 = tpu.sem_alloc : memref<!tpu.dma_semaphore, #tpu.memory_space<semaphore_mem>>
      %dma_start3A_210 = arith.constant 0 : i32
      %dma_start3A_211 = tpu.memref_slice %arg13[%add3A_131, %dma_start3A_210] : memref<10240x128xf32, #tpu.memory_space<vmem_shared>> -> memref<88x128xf32, #tpu.memory_space<vmem_shared>>
      %dma_start3A_212 = arith.constant 0 : i32
      %dma_start3A_213 = tpu.memref_slice %arg13[%add3A_131, %dma_start3A_212] : memref<10240x128xf32, #tpu.memory_space<vmem_shared>> -> memref<88x128xf32, #tpu.memory_space<vmem_shared>>
      tpu.enqueue_dma source(%arg12 : memref<88x128xf32, #tpu.memory_space<vmem>>) target(%dma_start3A_213 : memref<88x128xf32, #tpu.memory_space<vmem_shared>>) target_semaphore(%run_scoped3A_209 : memref<!tpu.dma_semaphore, #tpu.memory_space<semaphore_mem>>)
      %dma_wait3A_214 = arith.constant 0 : i32
      %dma_wait3A_215 = tpu.memref_slice %arg13[%add3A_131, %dma_wait3A_214] : memref<10240x128xf32, #tpu.memory_space<vmem_shared>> -> memref<88x128xf32, #tpu.memory_space<vmem_shared>>
      %dma_wait3A_216 = arith.constant 0 : i32
      %dma_wait3A_217 = tpu.memref_slice %arg13[%add3A_131, %dma_wait3A_216] : memref<10240x128xf32, #tpu.memory_space<vmem_shared>> -> memref<88x128xf32, #tpu.memory_space<vmem_shared>>
      tpu.wait_dma2 semaphore(%run_scoped3A_209 : memref<!tpu.dma_semaphore, #tpu.memory_space<semaphore_mem>>) src(%arg12 : memref<88x128xf32, #tpu.memory_space<vmem>>) dst(%dma_wait3A_217 : memref<88x128xf32, #tpu.memory_space<vmem_shared>>)
      tpu.yield
    }) : () -> ()
    %mul3A_132 = arith.constant 640 : i32
    %mul3A_133 = arith.muli %arg1, %mul3A_132 : i32
    %add3A_134 = arith.constant 264 : i32
    %add3A_135 = arith.addi %mul3A_133, %add3A_134 : i32
    "tpu.region"() ({
      %run_scoped3A_209 = tpu.sem_alloc : memref<!tpu.dma_semaphore, #tpu.memory_space<semaphore_mem>>
      %dma_start3A_210 = arith.constant 0 : i32
      %dma_start3A_211 = tpu.memref_slice %arg13[%add3A_135, %dma_start3A_210] : memref<10240x128xf32, #tpu.memory_space<vmem_shared>> -> memref<88x128xf32, #tpu.memory_space<vmem_shared>>
      %dma_start3A_212 = arith.constant 0 : i32
      %dma_start3A_213 = tpu.memref_slice %arg13[%add3A_135, %dma_start3A_212] : memref<10240x128xf32, #tpu.memory_space<vmem_shared>> -> memref<88x128xf32, #tpu.memory_space<vmem_shared>>
      tpu.enqueue_dma source(%arg12 : memref<88x128xf32, #tpu.memory_space<vmem>>) target(%dma_start3A_213 : memref<88x128xf32, #tpu.memory_space<vmem_shared>>) target_semaphore(%run_scoped3A_209 : memref<!tpu.dma_semaphore, #tpu.memory_space<semaphore_mem>>)
      %dma_wait3A_214 = arith.constant 0 : i32
      %dma_wait3A_215 = tpu.memref_slice %arg13[%add3A_135, %dma_wait3A_214] : memref<10240x128xf32, #tpu.memory_space<vmem_shared>> -> memref<88x128xf32, #tpu.memory_space<vmem_shared>>
      %dma_wait3A_216 = arith.constant 0 : i32
      %dma_wait3A_217 = tpu.memref_slice %arg13[%add3A_135, %dma_wait3A_216] : memref<10240x128xf32, #tpu.memory_space<vmem_shared>> -> memref<88x128xf32, #tpu.memory_space<vmem_shared>>
      tpu.wait_dma2 semaphore(%run_scoped3A_209 : memref<!tpu.dma_semaphore, #tpu.memory_space<semaphore_mem>>) src(%arg12 : memref<88x128xf32, #tpu.memory_space<vmem>>) dst(%dma_wait3A_217 : memref<88x128xf32, #tpu.memory_space<vmem_shared>>)
      tpu.yield
    }) : () -> ()
    %mul3A_136 = arith.constant 640 : i32
    %mul3A_137 = arith.muli %arg1, %mul3A_136 : i32
    %add3A_138 = arith.constant 352 : i32
    %add3A_139 = arith.addi %mul3A_137, %add3A_138 : i32
    "tpu.region"() ({
      %run_scoped3A_209 = tpu.sem_alloc : memref<!tpu.dma_semaphore, #tpu.memory_space<semaphore_mem>>
      %dma_start3A_210 = arith.constant 0 : i32
      %dma_start3A_211 = tpu.memref_slice %arg13[%add3A_139, %dma_start3A_210] : memref<10240x128xf32, #tpu.memory_space<vmem_shared>> -> memref<88x128xf32, #tpu.memory_space<vmem_shared>>
      %dma_start3A_212 = arith.constant 0 : i32
      %dma_start3A_213 = tpu.memref_slice %arg13[%add3A_139, %dma_start3A_212] : memref<10240x128xf32, #tpu.memory_space<vmem_shared>> -> memref<88x128xf32, #tpu.memory_space<vmem_shared>>
      tpu.enqueue_dma source(%arg12 : memref<88x128xf32, #tpu.memory_space<vmem>>) target(%dma_start3A_213 : memref<88x128xf32, #tpu.memory_space<vmem_shared>>) target_semaphore(%run_scoped3A_209 : memref<!tpu.dma_semaphore, #tpu.memory_space<semaphore_mem>>)
      %dma_wait3A_214 = arith.constant 0 : i32
      %dma_wait3A_215 = tpu.memref_slice %arg13[%add3A_139, %dma_wait3A_214] : memref<10240x128xf32, #tpu.memory_space<vmem_shared>> -> memref<88x128xf32, #tpu.memory_space<vmem_shared>>
      %dma_wait3A_216 = arith.constant 0 : i32
      %dma_wait3A_217 = tpu.memref_slice %arg13[%add3A_139, %dma_wait3A_216] : memref<10240x128xf32, #tpu.memory_space<vmem_shared>> -> memref<88x128xf32, #tpu.memory_space<vmem_shared>>
      tpu.wait_dma2 semaphore(%run_scoped3A_209 : memref<!tpu.dma_semaphore, #tpu.memory_space<semaphore_mem>>) src(%arg12 : memref<88x128xf32, #tpu.memory_space<vmem>>) dst(%dma_wait3A_217 : memref<88x128xf32, #tpu.memory_space<vmem_shared>>)
      tpu.yield
    }) : () -> ()
    %mul3A_140 = arith.constant 640 : i32
    %mul3A_141 = arith.muli %arg1, %mul3A_140 : i32
    %add3A_142 = arith.constant 440 : i32
    %add3A_143 = arith.addi %mul3A_141, %add3A_142 : i32
    "tpu.region"() ({
      %run_scoped3A_209 = tpu.sem_alloc : memref<!tpu.dma_semaphore, #tpu.memory_space<semaphore_mem>>
      %dma_start3A_210 = arith.constant 0 : i32
      %dma_start3A_211 = tpu.memref_slice %arg13[%add3A_143, %dma_start3A_210] : memref<10240x128xf32, #tpu.memory_space<vmem_shared>> -> memref<88x128xf32, #tpu.memory_space<vmem_shared>>
      %dma_start3A_212 = arith.constant 0 : i32
      %dma_start3A_213 = tpu.memref_slice %arg13[%add3A_143, %dma_start3A_212] : memref<10240x128xf32, #tpu.memory_space<vmem_shared>> -> memref<88x128xf32, #tpu.memory_space<vmem_shared>>
      tpu.enqueue_dma source(%arg12 : memref<88x128xf32, #tpu.memory_space<vmem>>) target(%dma_start3A_213 : memref<88x128xf32, #tpu.memory_space<vmem_shared>>) target_semaphore(%run_scoped3A_209 : memref<!tpu.dma_semaphore, #tpu.memory_space<semaphore_mem>>)
      %dma_wait3A_214 = arith.constant 0 : i32
      %dma_wait3A_215 = tpu.memref_slice %arg13[%add3A_143, %dma_wait3A_214] : memref<10240x128xf32, #tpu.memory_space<vmem_shared>> -> memref<88x128xf32, #tpu.memory_space<vmem_shared>>
      %dma_wait3A_216 = arith.constant 0 : i32
      %dma_wait3A_217 = tpu.memref_slice %arg13[%add3A_143, %dma_wait3A_216] : memref<10240x128xf32, #tpu.memory_space<vmem_shared>> -> memref<88x128xf32, #tpu.memory_space<vmem_shared>>
      tpu.wait_dma2 semaphore(%run_scoped3A_209 : memref<!tpu.dma_semaphore, #tpu.memory_space<semaphore_mem>>) src(%arg12 : memref<88x128xf32, #tpu.memory_space<vmem>>) dst(%dma_wait3A_217 : memref<88x128xf32, #tpu.memory_space<vmem_shared>>)
      tpu.yield
    }) : () -> ()
    %mul3A_144 = arith.constant 640 : i32
    %mul3A_145 = arith.muli %arg1, %mul3A_144 : i32
    %add3A_146 = arith.constant 528 : i32
    %add3A_147 = arith.addi %mul3A_145, %add3A_146 : i32
    "tpu.region"() ({
      %run_scoped3A_209 = tpu.sem_alloc : memref<!tpu.dma_semaphore, #tpu.memory_space<semaphore_mem>>
      %dma_start3A_210 = arith.constant 0 : i32
      %dma_start3A_211 = tpu.memref_slice %arg13[%add3A_147, %dma_start3A_210] : memref<10240x128xf32, #tpu.memory_space<vmem_shared>> -> memref<88x128xf32, #tpu.memory_space<vmem_shared>>
      %dma_start3A_212 = arith.constant 0 : i32
      %dma_start3A_213 = tpu.memref_slice %arg13[%add3A_147, %dma_start3A_212] : memref<10240x128xf32, #tpu.memory_space<vmem_shared>> -> memref<88x128xf32, #tpu.memory_space<vmem_shared>>
      tpu.enqueue_dma source(%arg12 : memref<88x128xf32, #tpu.memory_space<vmem>>) target(%dma_start3A_213 : memref<88x128xf32, #tpu.memory_space<vmem_shared>>) target_semaphore(%run_scoped3A_209 : memref<!tpu.dma_semaphore, #tpu.memory_space<semaphore_mem>>)
      %dma_wait3A_214 = arith.constant 0 : i32
      %dma_wait3A_215 = tpu.memref_slice %arg13[%add3A_147, %dma_wait3A_214] : memref<10240x128xf32, #tpu.memory_space<vmem_shared>> -> memref<88x128xf32, #tpu.memory_space<vmem_shared>>
      %dma_wait3A_216 = arith.constant 0 : i32
      %dma_wait3A_217 = tpu.memref_slice %arg13[%add3A_147, %dma_wait3A_216] : memref<10240x128xf32, #tpu.memory_space<vmem_shared>> -> memref<88x128xf32, #tpu.memory_space<vmem_shared>>
      tpu.wait_dma2 semaphore(%run_scoped3A_209 : memref<!tpu.dma_semaphore, #tpu.memory_space<semaphore_mem>>) src(%arg12 : memref<88x128xf32, #tpu.memory_space<vmem>>) dst(%dma_wait3A_217 : memref<88x128xf32, #tpu.memory_space<vmem_shared>>)
      tpu.yield
    }) : () -> ()
    %mul3A_148 = arith.constant 640 : i32
    %mul3A_149 = arith.muli %arg1, %mul3A_148 : i32
    %add3A_150 = arith.constant 616 : i32
    %add3A_151 = arith.addi %mul3A_149, %add3A_150 : i32
    "tpu.region"() ({
      %run_scoped3A_209 = tpu.sem_alloc : memref<!tpu.dma_semaphore, #tpu.memory_space<semaphore_mem>>
      %dma_start3A_210 = arith.constant 0 : i32
      %dma_start3A_211 = arith.constant 0 : i32
      %dma_start3A_212 = tpu.memref_slice %arg12[%dma_start3A_210, %dma_start3A_211] : memref<88x128xf32, #tpu.memory_space<vmem>> -> memref<24x128xf32, #tpu.memory_space<vmem>>
      %dma_start3A_213 = arith.constant 0 : i32
      %dma_start3A_214 = tpu.memref_slice %arg13[%add3A_151, %dma_start3A_213] : memref<10240x128xf32, #tpu.memory_space<vmem_shared>> -> memref<24x128xf32, #tpu.memory_space<vmem_shared>>
      %dma_start3A_215 = arith.constant 0 : i32
      %dma_start3A_216 = tpu.memref_slice %arg13[%add3A_151, %dma_start3A_215] : memref<10240x128xf32, #tpu.memory_space<vmem_shared>> -> memref<24x128xf32, #tpu.memory_space<vmem_shared>>
      %dma_start3A_217 = arith.constant 0 : i32
      %dma_start3A_218 = arith.constant 0 : i32
      %dma_start3A_219 = tpu.memref_slice %arg12[%dma_start3A_217, %dma_start3A_218] : memref<88x128xf32, #tpu.memory_space<vmem>> -> memref<24x128xf32, #tpu.memory_space<vmem>>
      tpu.enqueue_dma source(%dma_start3A_219 : memref<24x128xf32, #tpu.memory_space<vmem>>) target(%dma_start3A_216 : memref<24x128xf32, #tpu.memory_space<vmem_shared>>) target_semaphore(%run_scoped3A_209 : memref<!tpu.dma_semaphore, #tpu.memory_space<semaphore_mem>>)
      %dma_wait3A_220 = arith.constant 0 : i32
      %dma_wait3A_221 = arith.constant 0 : i32
      %dma_wait3A_222 = tpu.memref_slice %arg12[%dma_wait3A_220, %dma_wait3A_221] : memref<88x128xf32, #tpu.memory_space<vmem>> -> memref<24x128xf32, #tpu.memory_space<vmem>>
      %dma_wait3A_223 = arith.constant 0 : i32
      %dma_wait3A_224 = tpu.memref_slice %arg13[%add3A_151, %dma_wait3A_223] : memref<10240x128xf32, #tpu.memory_space<vmem_shared>> -> memref<24x128xf32, #tpu.memory_space<vmem_shared>>
      %dma_wait3A_225 = arith.constant 0 : i32
      %dma_wait3A_226 = tpu.memref_slice %arg13[%add3A_151, %dma_wait3A_225] : memref<10240x128xf32, #tpu.memory_space<vmem_shared>> -> memref<24x128xf32, #tpu.memory_space<vmem_shared>>
      %dma_wait3A_227 = arith.constant 0 : i32
      %dma_wait3A_228 = arith.constant 0 : i32
      %dma_wait3A_229 = tpu.memref_slice %arg12[%dma_wait3A_227, %dma_wait3A_228] : memref<88x128xf32, #tpu.memory_space<vmem>> -> memref<24x128xf32, #tpu.memory_space<vmem>>
      tpu.wait_dma2 semaphore(%run_scoped3A_209 : memref<!tpu.dma_semaphore, #tpu.memory_space<semaphore_mem>>) src(%dma_wait3A_229 : memref<24x128xf32, #tpu.memory_space<vmem>>) dst(%dma_wait3A_226 : memref<24x128xf32, #tpu.memory_space<vmem_shared>>)
      tpu.yield
    }) : () -> ()
    %dma_wait3A_152 = arith.constant 0 : i32
    %dma_wait3A_153 = arith.constant 0 : i32
    %dma_wait3A_154 = arith.constant 0 : i32
    %dma_wait3A_155 = tpu.memref_slice %arg3[%dma_wait3A_152, %dma_wait3A_153, %dma_wait3A_154] : memref<3648x2x88xi32, #tpu.memory_space<hbm>> -> memref<1x2x88xi32, #tpu.memory_space<hbm>>
    %dma_wait3A_156 = tpu.memref_squeeze %dma_wait3A_155 : memref<1x2x88xi32, #tpu.memory_space<hbm>> -> memref<2x88xi32, #tpu.memory_space<hbm>>
    %dma_wait3A_157 = arith.constant 0 : i32
    %dma_wait3A_158 = arith.constant 0 : i32
    %dma_wait3A_159 = tpu.memref_slice %arg3[%dma_wait3A_152, %dma_wait3A_157, %dma_wait3A_158] : memref<3648x2x88xi32, #tpu.memory_space<hbm>> -> memref<1x2x88xi32, #tpu.memory_space<hbm>>
    %dma_wait3A_160 = tpu.memref_squeeze %dma_wait3A_159 : memref<1x2x88xi32, #tpu.memory_space<hbm>> -> memref<2x88xi32, #tpu.memory_space<hbm>>
    tpu.wait_dma2 semaphore(%arg21 : memref<!tpu.dma_semaphore, #tpu.memory_space<semaphore_mem>>) src(%dma_wait3A_160 : memref<2x88xi32, #tpu.memory_space<hbm>>) dst(%arg8 : memref<2x88xi32, #tpu.memory_space<vmem>>)
    %dma_start3A_161 = arith.constant 0 : i32
    %dma_start3A_162 = arith.constant 0 : i32
    %dma_start3A_163 = tpu.memref_slice %arg8[%dma_start3A_161, %dma_start3A_162] : memref<2x88xi32, #tpu.memory_space<vmem>> -> memref<1x88xi32, #tpu.memory_space<vmem>>
    %dma_start3A_164 = tpu.memref_squeeze %dma_start3A_163 : memref<1x88xi32, #tpu.memory_space<vmem>> -> memref<88xi32, #tpu.memory_space<vmem>>
    %dma_start3A_165 = arith.constant 0 : i32
    %dma_start3A_166 = arith.constant 0 : i32
    %dma_start3A_167 = tpu.memref_slice %arg2[%dma_start3A_165, %dma_start3A_166] : memref<10240x128xf32, #tpu.memory_space<hbm>> -> memref<10240x128xf32, #tpu.memory_space<hbm>>
    tpu.enqueue_indirect_dma source(%dma_start3A_167 : memref<10240x128xf32, #tpu.memory_space<hbm>>) target(%arg12 : memref<88x128xf32, #tpu.memory_space<vmem>>) offsets(%dma_start3A_164 : memref<88xi32, #tpu.memory_space<vmem>>) semaphore(%arg17 : memref<!tpu.dma_semaphore, #tpu.memory_space<semaphore_mem>>)
    %barrier3A = arith.constant 0 : index
    tpu.barrier barrier_id(%barrier3A)
    %while3A = arith.constant 0 : i32
    %while3A_168 = arith.constant 0 : i32
    %while3A_169 = arith.subi %sub3A_28, %while3A_168 : i32
    %while3A_170 = arith.addi %while3A_168, %while3A_169 : i32
    %while3A_171 = arith.constant 1 : i32
    %while3A_172 = arith.divsi %while3A_169, %while3A_171 : i32
    %while3A_173 = arith.muli %while3A_172, %while3A_171 : i32
    %while3A_174 = arith.addi %while3A_168, %while3A_173 : i32
    %while3A_175 = arith.constant 1 : i32
    scf.for %while3A_209 = %while3A_168 to %while3A_174 step %while3A_175  : i32 {
      %mul3A_210 = arith.constant 4 : i32
      %mul3A_211 = arith.muli %mul3A_210, %while3A_209 : i32
      %add3A_212 = arith.addi %select_n3A, %mul3A_211 : i32
      %dma_wait3A_213 = arith.constant 0 : i32
      %dma_wait3A_214 = arith.constant 0 : i32
      %dma_wait3A_215 = tpu.memref_slice %arg2[%dma_wait3A_213, %dma_wait3A_214] : memref<10240x128xf32, #tpu.memory_space<hbm>> -> memref<88x128xf32, #tpu.memory_space<hbm>>
      %dma_wait3A_216 = arith.constant 0 : i32
      %dma_wait3A_217 = arith.constant 0 : i32
      %dma_wait3A_218 = tpu.memref_slice %arg2[%dma_wait3A_216, %dma_wait3A_217] : memref<10240x128xf32, #tpu.memory_space<hbm>> -> memref<88x128xf32, #tpu.memory_space<hbm>>
      tpu.wait_dma2 semaphore(%arg14 : memref<!tpu.dma_semaphore, #tpu.memory_space<semaphore_mem>>) src(%dma_wait3A_218 : memref<88x128xf32, #tpu.memory_space<hbm>>) dst(%arg9 : memref<88x128xf32, #tpu.memory_space<vmem>>)
      %run_scoped3A_219 = arith.constant 1 : i32
      "tpu.region"() ({
        %run_scoped3A_345 = tpu.sem_alloc : memref<!tpu.dma_semaphore, #tpu.memory_space<semaphore_mem>>
        %dma_start3A_346 = arith.constant 0 : i32
        %dma_start3A_347 = tpu.memref_slice %arg5[%run_scoped3A_219, %dma_start3A_346] : memref<2x88xi32, #tpu.memory_space<vmem>> -> memref<1x88xi32, #tpu.memory_space<vmem>>
        %dma_start3A_348 = tpu.memref_squeeze %dma_start3A_347 : memref<1x88xi32, #tpu.memory_space<vmem>> -> memref<88xi32, #tpu.memory_space<vmem>>
        %dma_start3A_349 = arith.constant 0 : i32
        %dma_start3A_350 = arith.constant 0 : i32
        %dma_start3A_351 = tpu.memref_slice %arg13[%dma_start3A_349, %dma_start3A_350] : memref<10240x128xf32, #tpu.memory_space<vmem_shared>> -> memref<10240x128xf32, #tpu.memory_space<vmem_shared>>
        tpu.enqueue_indirect_dma source(%arg9 : memref<88x128xf32, #tpu.memory_space<vmem>>) target(%dma_start3A_351 : memref<10240x128xf32, #tpu.memory_space<vmem_shared>>) offsets(%dma_start3A_348 : memref<88xi32, #tpu.memory_space<vmem>>) semaphore(%run_scoped3A_345 : memref<!tpu.dma_semaphore, #tpu.memory_space<semaphore_mem>>) {add = true}
        %dma_wait3A_352 = arith.constant 0 : i32
        %dma_wait3A_353 = tpu.memref_slice %arg5[%run_scoped3A_219, %dma_wait3A_352] : memref<2x88xi32, #tpu.memory_space<vmem>> -> memref<1x88xi32, #tpu.memory_space<vmem>>
        %dma_wait3A_354 = tpu.memref_squeeze %dma_wait3A_353 : memref<1x88xi32, #tpu.memory_space<vmem>> -> memref<88xi32, #tpu.memory_space<vmem>>
        %dma_wait3A_355 = arith.constant 0 : i32
        %dma_wait3A_356 = arith.constant 0 : i32
        %dma_wait3A_357 = tpu.memref_slice %arg13[%dma_wait3A_355, %dma_wait3A_356] : memref<10240x128xf32, #tpu.memory_space<vmem_shared>> -> memref<10240x128xf32, #tpu.memory_space<vmem_shared>>
        tpu.wait_indirect_dma semaphore(%run_scoped3A_345 : memref<!tpu.dma_semaphore, #tpu.memory_space<semaphore_mem>>) src(%arg9 : memref<88x128xf32, #tpu.memory_space<vmem>>) dst(%dma_wait3A_357 : memref<10240x128xf32, #tpu.memory_space<vmem_shared>>)
        tpu.yield
      }) : () -> ()
      %add3A_220 = arith.constant 4 : i32
      %add3A_221 = arith.addi %add3A_212, %add3A_220 : i32
      %dma_start3A_222 = arith.constant 0 : i32
      %dma_start3A_223 = arith.constant 0 : i32
      %dma_start3A_224 = tpu.memref_slice %arg3[%add3A_221, %dma_start3A_222, %dma_start3A_223] : memref<3648x2x88xi32, #tpu.memory_space<hbm>> -> memref<1x2x88xi32, #tpu.memory_space<hbm>>
      %dma_start3A_225 = tpu.memref_squeeze %dma_start3A_224 : memref<1x2x88xi32, #tpu.memory_space<hbm>> -> memref<2x88xi32, #tpu.memory_space<hbm>>
      %dma_start3A_226 = arith.constant 0 : i32
      %dma_start3A_227 = arith.constant 0 : i32
      %dma_start3A_228 = tpu.memref_slice %arg3[%add3A_221, %dma_start3A_226, %dma_start3A_227] : memref<3648x2x88xi32, #tpu.memory_space<hbm>> -> memref<1x2x88xi32, #tpu.memory_space<hbm>>
      %dma_start3A_229 = tpu.memref_squeeze %dma_start3A_228 : memref<1x2x88xi32, #tpu.memory_space<hbm>> -> memref<2x88xi32, #tpu.memory_space<hbm>>
      tpu.enqueue_dma source(%dma_start3A_229 : memref<2x88xi32, #tpu.memory_space<hbm>>) target(%arg5 : memref<2x88xi32, #tpu.memory_space<vmem>>) target_semaphore(%arg18 : memref<!tpu.dma_semaphore, #tpu.memory_space<semaphore_mem>>)
      %dma_wait3A_230 = arith.constant 0 : i32
      %dma_wait3A_231 = arith.constant 0 : i32
      %dma_wait3A_232 = tpu.memref_slice %arg2[%dma_wait3A_230, %dma_wait3A_231] : memref<10240x128xf32, #tpu.memory_space<hbm>> -> memref<88x128xf32, #tpu.memory_space<hbm>>
      %dma_wait3A_233 = arith.constant 0 : i32
      %dma_wait3A_234 = arith.constant 0 : i32
      %dma_wait3A_235 = tpu.memref_slice %arg2[%dma_wait3A_233, %dma_wait3A_234] : memref<10240x128xf32, #tpu.memory_space<hbm>> -> memref<88x128xf32, #tpu.memory_space<hbm>>
      tpu.wait_dma2 semaphore(%arg15 : memref<!tpu.dma_semaphore, #tpu.memory_space<semaphore_mem>>) src(%dma_wait3A_235 : memref<88x128xf32, #tpu.memory_space<hbm>>) dst(%arg10 : memref<88x128xf32, #tpu.memory_space<vmem>>)
      %run_scoped3A_236 = arith.constant 1 : i32
      "tpu.region"() ({
        %run_scoped3A_345 = tpu.sem_alloc : memref<!tpu.dma_semaphore, #tpu.memory_space<semaphore_mem>>
        %dma_start3A_346 = arith.constant 0 : i32
        %dma_start3A_347 = tpu.memref_slice %arg6[%run_scoped3A_236, %dma_start3A_346] : memref<2x88xi32, #tpu.memory_space<vmem>> -> memref<1x88xi32, #tpu.memory_space<vmem>>
        %dma_start3A_348 = tpu.memref_squeeze %dma_start3A_347 : memref<1x88xi32, #tpu.memory_space<vmem>> -> memref<88xi32, #tpu.memory_space<vmem>>
        %dma_start3A_349 = arith.constant 0 : i32
        %dma_start3A_350 = arith.constant 0 : i32
        %dma_start3A_351 = tpu.memref_slice %arg13[%dma_start3A_349, %dma_start3A_350] : memref<10240x128xf32, #tpu.memory_space<vmem_shared>> -> memref<10240x128xf32, #tpu.memory_space<vmem_shared>>
        tpu.enqueue_indirect_dma source(%arg10 : memref<88x128xf32, #tpu.memory_space<vmem>>) target(%dma_start3A_351 : memref<10240x128xf32, #tpu.memory_space<vmem_shared>>) offsets(%dma_start3A_348 : memref<88xi32, #tpu.memory_space<vmem>>) semaphore(%run_scoped3A_345 : memref<!tpu.dma_semaphore, #tpu.memory_space<semaphore_mem>>) {add = true}
        %dma_wait3A_352 = arith.constant 0 : i32
        %dma_wait3A_353 = tpu.memref_slice %arg6[%run_scoped3A_236, %dma_wait3A_352] : memref<2x88xi32, #tpu.memory_space<vmem>> -> memref<1x88xi32, #tpu.memory_space<vmem>>
        %dma_wait3A_354 = tpu.memref_squeeze %dma_wait3A_353 : memref<1x88xi32, #tpu.memory_space<vmem>> -> memref<88xi32, #tpu.memory_space<vmem>>
        %dma_wait3A_355 = arith.constant 0 : i32
        %dma_wait3A_356 = arith.constant 0 : i32
        %dma_wait3A_357 = tpu.memref_slice %arg13[%dma_wait3A_355, %dma_wait3A_356] : memref<10240x128xf32, #tpu.memory_space<vmem_shared>> -> memref<10240x128xf32, #tpu.memory_space<vmem_shared>>
        tpu.wait_indirect_dma semaphore(%run_scoped3A_345 : memref<!tpu.dma_semaphore, #tpu.memory_space<semaphore_mem>>) src(%arg10 : memref<88x128xf32, #tpu.memory_space<vmem>>) dst(%dma_wait3A_357 : memref<10240x128xf32, #tpu.memory_space<vmem_shared>>)
        tpu.yield
      }) : () -> ()
      %add3A_237 = arith.constant 5 : i32
      %add3A_238 = arith.addi %add3A_212, %add3A_237 : i32
      %dma_start3A_239 = arith.constant 0 : i32
      %dma_start3A_240 = arith.constant 0 : i32
      %dma_start3A_241 = tpu.memref_slice %arg3[%add3A_238, %dma_start3A_239, %dma_start3A_240] : memref<3648x2x88xi32, #tpu.memory_space<hbm>> -> memref<1x2x88xi32, #tpu.memory_space<hbm>>
      %dma_start3A_242 = tpu.memref_squeeze %dma_start3A_241 : memref<1x2x88xi32, #tpu.memory_space<hbm>> -> memref<2x88xi32, #tpu.memory_space<hbm>>
      %dma_start3A_243 = arith.constant 0 : i32
      %dma_start3A_244 = arith.constant 0 : i32
      %dma_start3A_245 = tpu.memref_slice %arg3[%add3A_238, %dma_start3A_243, %dma_start3A_244] : memref<3648x2x88xi32, #tpu.memory_space<hbm>> -> memref<1x2x88xi32, #tpu.memory_space<hbm>>
      %dma_start3A_246 = tpu.memref_squeeze %dma_start3A_245 : memref<1x2x88xi32, #tpu.memory_space<hbm>> -> memref<2x88xi32, #tpu.memory_space<hbm>>
      tpu.enqueue_dma source(%dma_start3A_246 : memref<2x88xi32, #tpu.memory_space<hbm>>) target(%arg6 : memref<2x88xi32, #tpu.memory_space<vmem>>) target_semaphore(%arg19 : memref<!tpu.dma_semaphore, #tpu.memory_space<semaphore_mem>>)
      %dma_wait3A_247 = arith.constant 0 : i32
      %dma_wait3A_248 = arith.constant 0 : i32
      %dma_wait3A_249 = arith.constant 0 : i32
      %dma_wait3A_250 = tpu.memref_slice %arg3[%dma_wait3A_247, %dma_wait3A_248, %dma_wait3A_249] : memref<3648x2x88xi32, #tpu.memory_space<hbm>> -> memref<1x2x88xi32, #tpu.memory_space<hbm>>
      %dma_wait3A_251 = tpu.memref_squeeze %dma_wait3A_250 : memref<1x2x88xi32, #tpu.memory_space<hbm>> -> memref<2x88xi32, #tpu.memory_space<hbm>>
      %dma_wait3A_252 = arith.constant 0 : i32
      %dma_wait3A_253 = arith.constant 0 : i32
      %dma_wait3A_254 = tpu.memref_slice %arg3[%dma_wait3A_247, %dma_wait3A_252, %dma_wait3A_253] : memref<3648x2x88xi32, #tpu.memory_space<hbm>> -> memref<1x2x88xi32, #tpu.memory_space<hbm>>
      %dma_wait3A_255 = tpu.memref_squeeze %dma_wait3A_254 : memref<1x2x88xi32, #tpu.memory_space<hbm>> -> memref<2x88xi32, #tpu.memory_space<hbm>>
      tpu.wait_dma2 semaphore(%arg18 : memref<!tpu.dma_semaphore, #tpu.memory_space<semaphore_mem>>) src(%dma_wait3A_255 : memref<2x88xi32, #tpu.memory_space<hbm>>) dst(%arg5 : memref<2x88xi32, #tpu.memory_space<vmem>>)
      %dma_start3A_256 = arith.constant 0 : i32
      %dma_start3A_257 = arith.constant 0 : i32
      %dma_start3A_258 = tpu.memref_slice %arg5[%dma_start3A_256, %dma_start3A_257] : memref<2x88xi32, #tpu.memory_space<vmem>> -> memref<1x88xi32, #tpu.memory_space<vmem>>
      %dma_start3A_259 = tpu.memref_squeeze %dma_start3A_258 : memref<1x88xi32, #tpu.memory_space<vmem>> -> memref<88xi32, #tpu.memory_space<vmem>>
      %dma_start3A_260 = arith.constant 0 : i32
      %dma_start3A_261 = arith.constant 0 : i32
      %dma_start3A_262 = tpu.memref_slice %arg2[%dma_start3A_260, %dma_start3A_261] : memref<10240x128xf32, #tpu.memory_space<hbm>> -> memref<10240x128xf32, #tpu.memory_space<hbm>>
      tpu.enqueue_indirect_dma source(%dma_start3A_262 : memref<10240x128xf32, #tpu.memory_space<hbm>>) target(%arg9 : memref<88x128xf32, #tpu.memory_space<vmem>>) offsets(%dma_start3A_259 : memref<88xi32, #tpu.memory_space<vmem>>) semaphore(%arg14 : memref<!tpu.dma_semaphore, #tpu.memory_space<semaphore_mem>>)
      %dma_wait3A_263 = arith.constant 0 : i32
      %dma_wait3A_264 = arith.constant 0 : i32
      %dma_wait3A_265 = tpu.memref_slice %arg2[%dma_wait3A_263, %dma_wait3A_264] : memref<10240x128xf32, #tpu.memory_space<hbm>> -> memref<88x128xf32, #tpu.memory_space<hbm>>
      %dma_wait3A_266 = arith.constant 0 : i32
      %dma_wait3A_267 = arith.constant 0 : i32
      %dma_wait3A_268 = tpu.memref_slice %arg2[%dma_wait3A_266, %dma_wait3A_267] : memref<10240x128xf32, #tpu.memory_space<hbm>> -> memref<88x128xf32, #tpu.memory_space<hbm>>
      tpu.wait_dma2 semaphore(%arg16 : memref<!tpu.dma_semaphore, #tpu.memory_space<semaphore_mem>>) src(%dma_wait3A_268 : memref<88x128xf32, #tpu.memory_space<hbm>>) dst(%arg11 : memref<88x128xf32, #tpu.memory_space<vmem>>)
      %run_scoped3A_269 = arith.constant 1 : i32
      "tpu.region"() ({
        %run_scoped3A_345 = tpu.sem_alloc : memref<!tpu.dma_semaphore, #tpu.memory_space<semaphore_mem>>
        %dma_start3A_346 = arith.constant 0 : i32
        %dma_start3A_347 = tpu.memref_slice %arg7[%run_scoped3A_269, %dma_start3A_346] : memref<2x88xi32, #tpu.memory_space<vmem>> -> memref<1x88xi32, #tpu.memory_space<vmem>>
        %dma_start3A_348 = tpu.memref_squeeze %dma_start3A_347 : memref<1x88xi32, #tpu.memory_space<vmem>> -> memref<88xi32, #tpu.memory_space<vmem>>
        %dma_start3A_349 = arith.constant 0 : i32
        %dma_start3A_350 = arith.constant 0 : i32
        %dma_start3A_351 = tpu.memref_slice %arg13[%dma_start3A_349, %dma_start3A_350] : memref<10240x128xf32, #tpu.memory_space<vmem_shared>> -> memref<10240x128xf32, #tpu.memory_space<vmem_shared>>
        tpu.enqueue_indirect_dma source(%arg11 : memref<88x128xf32, #tpu.memory_space<vmem>>) target(%dma_start3A_351 : memref<10240x128xf32, #tpu.memory_space<vmem_shared>>) offsets(%dma_start3A_348 : memref<88xi32, #tpu.memory_space<vmem>>) semaphore(%run_scoped3A_345 : memref<!tpu.dma_semaphore, #tpu.memory_space<semaphore_mem>>) {add = true}
        %dma_wait3A_352 = arith.constant 0 : i32
        %dma_wait3A_353 = tpu.memref_slice %arg7[%run_scoped3A_269, %dma_wait3A_352] : memref<2x88xi32, #tpu.memory_space<vmem>> -> memref<1x88xi32, #tpu.memory_space<vmem>>
        %dma_wait3A_354 = tpu.memref_squeeze %dma_wait3A_353 : memref<1x88xi32, #tpu.memory_space<vmem>> -> memref<88xi32, #tpu.memory_space<vmem>>
        %dma_wait3A_355 = arith.constant 0 : i32
        %dma_wait3A_356 = arith.constant 0 : i32
        %dma_wait3A_357 = tpu.memref_slice %arg13[%dma_wait3A_355, %dma_wait3A_356] : memref<10240x128xf32, #tpu.memory_space<vmem_shared>> -> memref<10240x128xf32, #tpu.memory_space<vmem_shared>>
        tpu.wait_indirect_dma semaphore(%run_scoped3A_345 : memref<!tpu.dma_semaphore, #tpu.memory_space<semaphore_mem>>) src(%arg11 : memref<88x128xf32, #tpu.memory_space<vmem>>) dst(%dma_wait3A_357 : memref<10240x128xf32, #tpu.memory_space<vmem_shared>>)
        tpu.yield
      }) : () -> ()
      %add3A_270 = arith.constant 6 : i32
      %add3A_271 = arith.addi %add3A_212, %add3A_270 : i32
      %dma_start3A_272 = arith.constant 0 : i32
      %dma_start3A_273 = arith.constant 0 : i32
      %dma_start3A_274 = tpu.memref_slice %arg3[%add3A_271, %dma_start3A_272, %dma_start3A_273] : memref<3648x2x88xi32, #tpu.memory_space<hbm>> -> memref<1x2x88xi32, #tpu.memory_space<hbm>>
      %dma_start3A_275 = tpu.memref_squeeze %dma_start3A_274 : memref<1x2x88xi32, #tpu.memory_space<hbm>> -> memref<2x88xi32, #tpu.memory_space<hbm>>
      %dma_start3A_276 = arith.constant 0 : i32
      %dma_start3A_277 = arith.constant 0 : i32
      %dma_start3A_278 = tpu.memref_slice %arg3[%add3A_271, %dma_start3A_276, %dma_start3A_277] : memref<3648x2x88xi32, #tpu.memory_space<hbm>> -> memref<1x2x88xi32, #tpu.memory_space<hbm>>
      %dma_start3A_279 = tpu.memref_squeeze %dma_start3A_278 : memref<1x2x88xi32, #tpu.memory_space<hbm>> -> memref<2x88xi32, #tpu.memory_space<hbm>>
      tpu.enqueue_dma source(%dma_start3A_279 : memref<2x88xi32, #tpu.memory_space<hbm>>) target(%arg7 : memref<2x88xi32, #tpu.memory_space<vmem>>) target_semaphore(%arg20 : memref<!tpu.dma_semaphore, #tpu.memory_space<semaphore_mem>>)
      %dma_wait3A_280 = arith.constant 0 : i32
      %dma_wait3A_281 = arith.constant 0 : i32
      %dma_wait3A_282 = arith.constant 0 : i32
      %dma_wait3A_283 = tpu.memref_slice %arg3[%dma_wait3A_280, %dma_wait3A_281, %dma_wait3A_282] : memref<3648x2x88xi32, #tpu.memory_space<hbm>> -> memref<1x2x88xi32, #tpu.memory_space<hbm>>
      %dma_wait3A_284 = tpu.memref_squeeze %dma_wait3A_283 : memref<1x2x88xi32, #tpu.memory_space<hbm>> -> memref<2x88xi32, #tpu.memory_space<hbm>>
      %dma_wait3A_285 = arith.constant 0 : i32
      %dma_wait3A_286 = arith.constant 0 : i32
      %dma_wait3A_287 = tpu.memref_slice %arg3[%dma_wait3A_280, %dma_wait3A_285, %dma_wait3A_286] : memref<3648x2x88xi32, #tpu.memory_space<hbm>> -> memref<1x2x88xi32, #tpu.memory_space<hbm>>
      %dma_wait3A_288 = tpu.memref_squeeze %dma_wait3A_287 : memref<1x2x88xi32, #tpu.memory_space<hbm>> -> memref<2x88xi32, #tpu.memory_space<hbm>>
      tpu.wait_dma2 semaphore(%arg19 : memref<!tpu.dma_semaphore, #tpu.memory_space<semaphore_mem>>) src(%dma_wait3A_288 : memref<2x88xi32, #tpu.memory_space<hbm>>) dst(%arg6 : memref<2x88xi32, #tpu.memory_space<vmem>>)
      %dma_start3A_289 = arith.constant 0 : i32
      %dma_start3A_290 = arith.constant 0 : i32
      %dma_start3A_291 = tpu.memref_slice %arg6[%dma_start3A_289, %dma_start3A_290] : memref<2x88xi32, #tpu.memory_space<vmem>> -> memref<1x88xi32, #tpu.memory_space<vmem>>
      %dma_start3A_292 = tpu.memref_squeeze %dma_start3A_291 : memref<1x88xi32, #tpu.memory_space<vmem>> -> memref<88xi32, #tpu.memory_space<vmem>>
      %dma_start3A_293 = arith.constant 0 : i32
      %dma_start3A_294 = arith.constant 0 : i32
      %dma_start3A_295 = tpu.memref_slice %arg2[%dma_start3A_293, %dma_start3A_294] : memref<10240x128xf32, #tpu.memory_space<hbm>> -> memref<10240x128xf32, #tpu.memory_space<hbm>>
      tpu.enqueue_indirect_dma source(%dma_start3A_295 : memref<10240x128xf32, #tpu.memory_space<hbm>>) target(%arg10 : memref<88x128xf32, #tpu.memory_space<vmem>>) offsets(%dma_start3A_292 : memref<88xi32, #tpu.memory_space<vmem>>) semaphore(%arg15 : memref<!tpu.dma_semaphore, #tpu.memory_space<semaphore_mem>>)
      %dma_wait3A_296 = arith.constant 0 : i32
      %dma_wait3A_297 = arith.constant 0 : i32
      %dma_wait3A_298 = tpu.memref_slice %arg2[%dma_wait3A_296, %dma_wait3A_297] : memref<10240x128xf32, #tpu.memory_space<hbm>> -> memref<88x128xf32, #tpu.memory_space<hbm>>
      %dma_wait3A_299 = arith.constant 0 : i32
      %dma_wait3A_300 = arith.constant 0 : i32
      %dma_wait3A_301 = tpu.memref_slice %arg2[%dma_wait3A_299, %dma_wait3A_300] : memref<10240x128xf32, #tpu.memory_space<hbm>> -> memref<88x128xf32, #tpu.memory_space<hbm>>
      tpu.wait_dma2 semaphore(%arg17 : memref<!tpu.dma_semaphore, #tpu.memory_space<semaphore_mem>>) src(%dma_wait3A_301 : memref<88x128xf32, #tpu.memory_space<hbm>>) dst(%arg12 : memref<88x128xf32, #tpu.memory_space<vmem>>)
      %run_scoped3A_302 = arith.constant 1 : i32
      "tpu.region"() ({
        %run_scoped3A_345 = tpu.sem_alloc : memref<!tpu.dma_semaphore, #tpu.memory_space<semaphore_mem>>
        %dma_start3A_346 = arith.constant 0 : i32
        %dma_start3A_347 = tpu.memref_slice %arg8[%run_scoped3A_302, %dma_start3A_346] : memref<2x88xi32, #tpu.memory_space<vmem>> -> memref<1x88xi32, #tpu.memory_space<vmem>>
        %dma_start3A_348 = tpu.memref_squeeze %dma_start3A_347 : memref<1x88xi32, #tpu.memory_space<vmem>> -> memref<88xi32, #tpu.memory_space<vmem>>
        %dma_start3A_349 = arith.constant 0 : i32
        %dma_start3A_350 = arith.constant 0 : i32
        %dma_start3A_351 = tpu.memref_slice %arg13[%dma_start3A_349, %dma_start3A_350] : memref<10240x128xf32, #tpu.memory_space<vmem_shared>> -> memref<10240x128xf32, #tpu.memory_space<vmem_shared>>
        tpu.enqueue_indirect_dma source(%arg12 : memref<88x128xf32, #tpu.memory_space<vmem>>) target(%dma_start3A_351 : memref<10240x128xf32, #tpu.memory_space<vmem_shared>>) offsets(%dma_start3A_348 : memref<88xi32, #tpu.memory_space<vmem>>) semaphore(%run_scoped3A_345 : memref<!tpu.dma_semaphore, #tpu.memory_space<semaphore_mem>>) {add = true}
        %dma_wait3A_352 = arith.constant 0 : i32
        %dma_wait3A_353 = tpu.memref_slice %arg8[%run_scoped3A_302, %dma_wait3A_352] : memref<2x88xi32, #tpu.memory_space<vmem>> -> memref<1x88xi32, #tpu.memory_space<vmem>>
        %dma_wait3A_354 = tpu.memref_squeeze %dma_wait3A_353 : memref<1x88xi32, #tpu.memory_space<vmem>> -> memref<88xi32, #tpu.memory_space<vmem>>
        %dma_wait3A_355 = arith.constant 0 : i32
        %dma_wait3A_356 = arith.constant 0 : i32
        %dma_wait3A_357 = tpu.memref_slice %arg13[%dma_wait3A_355, %dma_wait3A_356] : memref<10240x128xf32, #tpu.memory_space<vmem_shared>> -> memref<10240x128xf32, #tpu.memory_space<vmem_shared>>
        tpu.wait_indirect_dma semaphore(%run_scoped3A_345 : memref<!tpu.dma_semaphore, #tpu.memory_space<semaphore_mem>>) src(%arg12 : memref<88x128xf32, #tpu.memory_space<vmem>>) dst(%dma_wait3A_357 : memref<10240x128xf32, #tpu.memory_space<vmem_shared>>)
        tpu.yield
      }) : () -> ()
      %add3A_303 = arith.constant 7 : i32
      %add3A_304 = arith.addi %add3A_212, %add3A_303 : i32
      %dma_start3A_305 = arith.constant 0 : i32
      %dma_start3A_306 = arith.constant 0 : i32
      %dma_start3A_307 = tpu.memref_slice %arg3[%add3A_304, %dma_start3A_305, %dma_start3A_306] : memref<3648x2x88xi32, #tpu.memory_space<hbm>> -> memref<1x2x88xi32, #tpu.memory_space<hbm>>
      %dma_start3A_308 = tpu.memref_squeeze %dma_start3A_307 : memref<1x2x88xi32, #tpu.memory_space<hbm>> -> memref<2x88xi32, #tpu.memory_space<hbm>>
      %dma_start3A_309 = arith.constant 0 : i32
      %dma_start3A_310 = arith.constant 0 : i32
      %dma_start3A_311 = tpu.memref_slice %arg3[%add3A_304, %dma_start3A_309, %dma_start3A_310] : memref<3648x2x88xi32, #tpu.memory_space<hbm>> -> memref<1x2x88xi32, #tpu.memory_space<hbm>>
      %dma_start3A_312 = tpu.memref_squeeze %dma_start3A_311 : memref<1x2x88xi32, #tpu.memory_space<hbm>> -> memref<2x88xi32, #tpu.memory_space<hbm>>
      tpu.enqueue_dma source(%dma_start3A_312 : memref<2x88xi32, #tpu.memory_space<hbm>>) target(%arg8 : memref<2x88xi32, #tpu.memory_space<vmem>>) target_semaphore(%arg21 : memref<!tpu.dma_semaphore, #tpu.memory_space<semaphore_mem>>)
      %dma_wait3A_313 = arith.constant 0 : i32
      %dma_wait3A_314 = arith.constant 0 : i32
      %dma_wait3A_315 = arith.constant 0 : i32
      %dma_wait3A_316 = tpu.memref_slice %arg3[%dma_wait3A_313, %dma_wait3A_314, %dma_wait3A_315] : memref<3648x2x88xi32, #tpu.memory_space<hbm>> -> memref<1x2x88xi32, #tpu.memory_space<hbm>>
      %dma_wait3A_317 = tpu.memref_squeeze %dma_wait3A_316 : memref<1x2x88xi32, #tpu.memory_space<hbm>> -> memref<2x88xi32, #tpu.memory_space<hbm>>
      %dma_wait3A_318 = arith.constant 0 : i32
      %dma_wait3A_319 = arith.constant 0 : i32
      %dma_wait3A_320 = tpu.memref_slice %arg3[%dma_wait3A_313, %dma_wait3A_318, %dma_wait3A_319] : memref<3648x2x88xi32, #tpu.memory_space<hbm>> -> memref<1x2x88xi32, #tpu.memory_space<hbm>>
      %dma_wait3A_321 = tpu.memref_squeeze %dma_wait3A_320 : memref<1x2x88xi32, #tpu.memory_space<hbm>> -> memref<2x88xi32, #tpu.memory_space<hbm>>
      tpu.wait_dma2 semaphore(%arg20 : memref<!tpu.dma_semaphore, #tpu.memory_space<semaphore_mem>>) src(%dma_wait3A_321 : memref<2x88xi32, #tpu.memory_space<hbm>>) dst(%arg7 : memref<2x88xi32, #tpu.memory_space<vmem>>)
      %dma_start3A_322 = arith.constant 0 : i32
      %dma_start3A_323 = arith.constant 0 : i32
      %dma_start3A_324 = tpu.memref_slice %arg7[%dma_start3A_322, %dma_start3A_323] : memref<2x88xi32, #tpu.memory_space<vmem>> -> memref<1x88xi32, #tpu.memory_space<vmem>>
      %dma_start3A_325 = tpu.memref_squeeze %dma_start3A_324 : memref<1x88xi32, #tpu.memory_space<vmem>> -> memref<88xi32, #tpu.memory_space<vmem>>
      %dma_start3A_326 = arith.constant 0 : i32
      %dma_start3A_327 = arith.constant 0 : i32
      %dma_start3A_328 = tpu.memref_slice %arg2[%dma_start3A_326, %dma_start3A_327] : memref<10240x128xf32, #tpu.memory_space<hbm>> -> memref<10240x128xf32, #tpu.memory_space<hbm>>
      tpu.enqueue_indirect_dma source(%dma_start3A_328 : memref<10240x128xf32, #tpu.memory_space<hbm>>) target(%arg11 : memref<88x128xf32, #tpu.memory_space<vmem>>) offsets(%dma_start3A_325 : memref<88xi32, #tpu.memory_space<vmem>>) semaphore(%arg16 : memref<!tpu.dma_semaphore, #tpu.memory_space<semaphore_mem>>)
      %dma_wait3A_329 = arith.constant 0 : i32
      %dma_wait3A_330 = arith.constant 0 : i32
      %dma_wait3A_331 = arith.constant 0 : i32
      %dma_wait3A_332 = tpu.memref_slice %arg3[%dma_wait3A_329, %dma_wait3A_330, %dma_wait3A_331] : memref<3648x2x88xi32, #tpu.memory_space<hbm>> -> memref<1x2x88xi32, #tpu.memory_space<hbm>>
      %dma_wait3A_333 = tpu.memref_squeeze %dma_wait3A_332 : memref<1x2x88xi32, #tpu.memory_space<hbm>> -> memref<2x88xi32, #tpu.memory_space<hbm>>
      %dma_wait3A_334 = arith.constant 0 : i32
      %dma_wait3A_335 = arith.constant 0 : i32
      %dma_wait3A_336 = tpu.memref_slice %arg3[%dma_wait3A_329, %dma_wait3A_334, %dma_wait3A_335] : memref<3648x2x88xi32, #tpu.memory_space<hbm>> -> memref<1x2x88xi32, #tpu.memory_space<hbm>>
      %dma_wait3A_337 = tpu.memref_squeeze %dma_wait3A_336 : memref<1x2x88xi32, #tpu.memory_space<hbm>> -> memref<2x88xi32, #tpu.memory_space<hbm>>
      tpu.wait_dma2 semaphore(%arg21 : memref<!tpu.dma_semaphore, #tpu.memory_space<semaphore_mem>>) src(%dma_wait3A_337 : memref<2x88xi32, #tpu.memory_space<hbm>>) dst(%arg8 : memref<2x88xi32, #tpu.memory_space<vmem>>)
      %dma_start3A_338 = arith.constant 0 : i32
      %dma_start3A_339 = arith.constant 0 : i32
      %dma_start3A_340 = tpu.memref_slice %arg8[%dma_start3A_338, %dma_start3A_339] : memref<2x88xi32, #tpu.memory_space<vmem>> -> memref<1x88xi32, #tpu.memory_space<vmem>>
      %dma_start3A_341 = tpu.memref_squeeze %dma_start3A_340 : memref<1x88xi32, #tpu.memory_space<vmem>> -> memref<88xi32, #tpu.memory_space<vmem>>
      %dma_start3A_342 = arith.constant 0 : i32
      %dma_start3A_343 = arith.constant 0 : i32
      %dma_start3A_344 = tpu.memref_slice %arg2[%dma_start3A_342, %dma_start3A_343] : memref<10240x128xf32, #tpu.memory_space<hbm>> -> memref<10240x128xf32, #tpu.memory_space<hbm>>
      tpu.enqueue_indirect_dma source(%dma_start3A_344 : memref<10240x128xf32, #tpu.memory_space<hbm>>) target(%arg12 : memref<88x128xf32, #tpu.memory_space<vmem>>) offsets(%dma_start3A_341 : memref<88xi32, #tpu.memory_space<vmem>>) semaphore(%arg17 : memref<!tpu.dma_semaphore, #tpu.memory_space<semaphore_mem>>)
    }
    %while3A_176 = arith.constant 1 : i32
    scf.for %while3A_209 = %while3A_174 to %while3A_170 step %while3A_176  : i32 {
      %mul3A_210 = arith.constant 4 : i32
      %mul3A_211 = arith.muli %mul3A_210, %while3A_209 : i32
      %add3A_212 = arith.addi %select_n3A, %mul3A_211 : i32
      %dma_wait3A_213 = arith.constant 0 : i32
      %dma_wait3A_214 = arith.constant 0 : i32
      %dma_wait3A_215 = tpu.memref_slice %arg2[%dma_wait3A_213, %dma_wait3A_214] : memref<10240x128xf32, #tpu.memory_space<hbm>> -> memref<88x128xf32, #tpu.memory_space<hbm>>
      %dma_wait3A_216 = arith.constant 0 : i32
      %dma_wait3A_217 = arith.constant 0 : i32
      %dma_wait3A_218 = tpu.memref_slice %arg2[%dma_wait3A_216, %dma_wait3A_217] : memref<10240x128xf32, #tpu.memory_space<hbm>> -> memref<88x128xf32, #tpu.memory_space<hbm>>
      tpu.wait_dma2 semaphore(%arg14 : memref<!tpu.dma_semaphore, #tpu.memory_space<semaphore_mem>>) src(%dma_wait3A_218 : memref<88x128xf32, #tpu.memory_space<hbm>>) dst(%arg9 : memref<88x128xf32, #tpu.memory_space<vmem>>)
      %run_scoped3A_219 = arith.constant 1 : i32
      "tpu.region"() ({
        %run_scoped3A_345 = tpu.sem_alloc : memref<!tpu.dma_semaphore, #tpu.memory_space<semaphore_mem>>
        %dma_start3A_346 = arith.constant 0 : i32
        %dma_start3A_347 = tpu.memref_slice %arg5[%run_scoped3A_219, %dma_start3A_346] : memref<2x88xi32, #tpu.memory_space<vmem>> -> memref<1x88xi32, #tpu.memory_space<vmem>>
        %dma_start3A_348 = tpu.memref_squeeze %dma_start3A_347 : memref<1x88xi32, #tpu.memory_space<vmem>> -> memref<88xi32, #tpu.memory_space<vmem>>
        %dma_start3A_349 = arith.constant 0 : i32
        %dma_start3A_350 = arith.constant 0 : i32
        %dma_start3A_351 = tpu.memref_slice %arg13[%dma_start3A_349, %dma_start3A_350] : memref<10240x128xf32, #tpu.memory_space<vmem_shared>> -> memref<10240x128xf32, #tpu.memory_space<vmem_shared>>
        tpu.enqueue_indirect_dma source(%arg9 : memref<88x128xf32, #tpu.memory_space<vmem>>) target(%dma_start3A_351 : memref<10240x128xf32, #tpu.memory_space<vmem_shared>>) offsets(%dma_start3A_348 : memref<88xi32, #tpu.memory_space<vmem>>) semaphore(%run_scoped3A_345 : memref<!tpu.dma_semaphore, #tpu.memory_space<semaphore_mem>>) {add = true}
        %dma_wait3A_352 = arith.constant 0 : i32
        %dma_wait3A_353 = tpu.memref_slice %arg5[%run_scoped3A_219, %dma_wait3A_352] : memref<2x88xi32, #tpu.memory_space<vmem>> -> memref<1x88xi32, #tpu.memory_space<vmem>>
        %dma_wait3A_354 = tpu.memref_squeeze %dma_wait3A_353 : memref<1x88xi32, #tpu.memory_space<vmem>> -> memref<88xi32, #tpu.memory_space<vmem>>
        %dma_wait3A_355 = arith.constant 0 : i32
        %dma_wait3A_356 = arith.constant 0 : i32
        %dma_wait3A_357 = tpu.memref_slice %arg13[%dma_wait3A_355, %dma_wait3A_356] : memref<10240x128xf32, #tpu.memory_space<vmem_shared>> -> memref<10240x128xf32, #tpu.memory_space<vmem_shared>>
        tpu.wait_indirect_dma semaphore(%run_scoped3A_345 : memref<!tpu.dma_semaphore, #tpu.memory_space<semaphore_mem>>) src(%arg9 : memref<88x128xf32, #tpu.memory_space<vmem>>) dst(%dma_wait3A_357 : memref<10240x128xf32, #tpu.memory_space<vmem_shared>>)
        tpu.yield
      }) : () -> ()
      %add3A_220 = arith.constant 4 : i32
      %add3A_221 = arith.addi %add3A_212, %add3A_220 : i32
      %dma_start3A_222 = arith.constant 0 : i32
      %dma_start3A_223 = arith.constant 0 : i32
      %dma_start3A_224 = tpu.memref_slice %arg3[%add3A_221, %dma_start3A_222, %dma_start3A_223] : memref<3648x2x88xi32, #tpu.memory_space<hbm>> -> memref<1x2x88xi32, #tpu.memory_space<hbm>>
      %dma_start3A_225 = tpu.memref_squeeze %dma_start3A_224 : memref<1x2x88xi32, #tpu.memory_space<hbm>> -> memref<2x88xi32, #tpu.memory_space<hbm>>
      %dma_start3A_226 = arith.constant 0 : i32
      %dma_start3A_227 = arith.constant 0 : i32
      %dma_start3A_228 = tpu.memref_slice %arg3[%add3A_221, %dma_start3A_226, %dma_start3A_227] : memref<3648x2x88xi32, #tpu.memory_space<hbm>> -> memref<1x2x88xi32, #tpu.memory_space<hbm>>
      %dma_start3A_229 = tpu.memref_squeeze %dma_start3A_228 : memref<1x2x88xi32, #tpu.memory_space<hbm>> -> memref<2x88xi32, #tpu.memory_space<hbm>>
      tpu.enqueue_dma source(%dma_start3A_229 : memref<2x88xi32, #tpu.memory_space<hbm>>) target(%arg5 : memref<2x88xi32, #tpu.memory_space<vmem>>) target_semaphore(%arg18 : memref<!tpu.dma_semaphore, #tpu.memory_space<semaphore_mem>>)
      %dma_wait3A_230 = arith.constant 0 : i32
      %dma_wait3A_231 = arith.constant 0 : i32
      %dma_wait3A_232 = tpu.memref_slice %arg2[%dma_wait3A_230, %dma_wait3A_231] : memref<10240x128xf32, #tpu.memory_space<hbm>> -> memref<88x128xf32, #tpu.memory_space<hbm>>
      %dma_wait3A_233 = arith.constant 0 : i32
      %dma_wait3A_234 = arith.constant 0 : i32
      %dma_wait3A_235 = tpu.memref_slice %arg2[%dma_wait3A_233, %dma_wait3A_234] : memref<10240x128xf32, #tpu.memory_space<hbm>> -> memref<88x128xf32, #tpu.memory_space<hbm>>
      tpu.wait_dma2 semaphore(%arg15 : memref<!tpu.dma_semaphore, #tpu.memory_space<semaphore_mem>>) src(%dma_wait3A_235 : memref<88x128xf32, #tpu.memory_space<hbm>>) dst(%arg10 : memref<88x128xf32, #tpu.memory_space<vmem>>)
      %run_scoped3A_236 = arith.constant 1 : i32
      "tpu.region"() ({
        %run_scoped3A_345 = tpu.sem_alloc : memref<!tpu.dma_semaphore, #tpu.memory_space<semaphore_mem>>
        %dma_start3A_346 = arith.constant 0 : i32
        %dma_start3A_347 = tpu.memref_slice %arg6[%run_scoped3A_236, %dma_start3A_346] : memref<2x88xi32, #tpu.memory_space<vmem>> -> memref<1x88xi32, #tpu.memory_space<vmem>>
        %dma_start3A_348 = tpu.memref_squeeze %dma_start3A_347 : memref<1x88xi32, #tpu.memory_space<vmem>> -> memref<88xi32, #tpu.memory_space<vmem>>
        %dma_start3A_349 = arith.constant 0 : i32
        %dma_start3A_350 = arith.constant 0 : i32
        %dma_start3A_351 = tpu.memref_slice %arg13[%dma_start3A_349, %dma_start3A_350] : memref<10240x128xf32, #tpu.memory_space<vmem_shared>> -> memref<10240x128xf32, #tpu.memory_space<vmem_shared>>
        tpu.enqueue_indirect_dma source(%arg10 : memref<88x128xf32, #tpu.memory_space<vmem>>) target(%dma_start3A_351 : memref<10240x128xf32, #tpu.memory_space<vmem_shared>>) offsets(%dma_start3A_348 : memref<88xi32, #tpu.memory_space<vmem>>) semaphore(%run_scoped3A_345 : memref<!tpu.dma_semaphore, #tpu.memory_space<semaphore_mem>>) {add = true}
        %dma_wait3A_352 = arith.constant 0 : i32
        %dma_wait3A_353 = tpu.memref_slice %arg6[%run_scoped3A_236, %dma_wait3A_352] : memref<2x88xi32, #tpu.memory_space<vmem>> -> memref<1x88xi32, #tpu.memory_space<vmem>>
        %dma_wait3A_354 = tpu.memref_squeeze %dma_wait3A_353 : memref<1x88xi32, #tpu.memory_space<vmem>> -> memref<88xi32, #tpu.memory_space<vmem>>
        %dma_wait3A_355 = arith.constant 0 : i32
        %dma_wait3A_356 = arith.constant 0 : i32
        %dma_wait3A_357 = tpu.memref_slice %arg13[%dma_wait3A_355, %dma_wait3A_356] : memref<10240x128xf32, #tpu.memory_space<vmem_shared>> -> memref<10240x128xf32, #tpu.memory_space<vmem_shared>>
        tpu.wait_indirect_dma semaphore(%run_scoped3A_345 : memref<!tpu.dma_semaphore, #tpu.memory_space<semaphore_mem>>) src(%arg10 : memref<88x128xf32, #tpu.memory_space<vmem>>) dst(%dma_wait3A_357 : memref<10240x128xf32, #tpu.memory_space<vmem_shared>>)
        tpu.yield
      }) : () -> ()
      %add3A_237 = arith.constant 5 : i32
      %add3A_238 = arith.addi %add3A_212, %add3A_237 : i32
      %dma_start3A_239 = arith.constant 0 : i32
      %dma_start3A_240 = arith.constant 0 : i32
      %dma_start3A_241 = tpu.memref_slice %arg3[%add3A_238, %dma_start3A_239, %dma_start3A_240] : memref<3648x2x88xi32, #tpu.memory_space<hbm>> -> memref<1x2x88xi32, #tpu.memory_space<hbm>>
      %dma_start3A_242 = tpu.memref_squeeze %dma_start3A_241 : memref<1x2x88xi32, #tpu.memory_space<hbm>> -> memref<2x88xi32, #tpu.memory_space<hbm>>
      %dma_start3A_243 = arith.constant 0 : i32
      %dma_start3A_244 = arith.constant 0 : i32
      %dma_start3A_245 = tpu.memref_slice %arg3[%add3A_238, %dma_start3A_243, %dma_start3A_244] : memref<3648x2x88xi32, #tpu.memory_space<hbm>> -> memref<1x2x88xi32, #tpu.memory_space<hbm>>
      %dma_start3A_246 = tpu.memref_squeeze %dma_start3A_245 : memref<1x2x88xi32, #tpu.memory_space<hbm>> -> memref<2x88xi32, #tpu.memory_space<hbm>>
      tpu.enqueue_dma source(%dma_start3A_246 : memref<2x88xi32, #tpu.memory_space<hbm>>) target(%arg6 : memref<2x88xi32, #tpu.memory_space<vmem>>) target_semaphore(%arg19 : memref<!tpu.dma_semaphore, #tpu.memory_space<semaphore_mem>>)
      %dma_wait3A_247 = arith.constant 0 : i32
      %dma_wait3A_248 = arith.constant 0 : i32
      %dma_wait3A_249 = arith.constant 0 : i32
      %dma_wait3A_250 = tpu.memref_slice %arg3[%dma_wait3A_247, %dma_wait3A_248, %dma_wait3A_249] : memref<3648x2x88xi32, #tpu.memory_space<hbm>> -> memref<1x2x88xi32, #tpu.memory_space<hbm>>
      %dma_wait3A_251 = tpu.memref_squeeze %dma_wait3A_250 : memref<1x2x88xi32, #tpu.memory_space<hbm>> -> memref<2x88xi32, #tpu.memory_space<hbm>>
      %dma_wait3A_252 = arith.constant 0 : i32
      %dma_wait3A_253 = arith.constant 0 : i32
      %dma_wait3A_254 = tpu.memref_slice %arg3[%dma_wait3A_247, %dma_wait3A_252, %dma_wait3A_253] : memref<3648x2x88xi32, #tpu.memory_space<hbm>> -> memref<1x2x88xi32, #tpu.memory_space<hbm>>
      %dma_wait3A_255 = tpu.memref_squeeze %dma_wait3A_254 : memref<1x2x88xi32, #tpu.memory_space<hbm>> -> memref<2x88xi32, #tpu.memory_space<hbm>>
      tpu.wait_dma2 semaphore(%arg18 : memref<!tpu.dma_semaphore, #tpu.memory_space<semaphore_mem>>) src(%dma_wait3A_255 : memref<2x88xi32, #tpu.memory_space<hbm>>) dst(%arg5 : memref<2x88xi32, #tpu.memory_space<vmem>>)
      %dma_start3A_256 = arith.constant 0 : i32
      %dma_start3A_257 = arith.constant 0 : i32
      %dma_start3A_258 = tpu.memref_slice %arg5[%dma_start3A_256, %dma_start3A_257] : memref<2x88xi32, #tpu.memory_space<vmem>> -> memref<1x88xi32, #tpu.memory_space<vmem>>
      %dma_start3A_259 = tpu.memref_squeeze %dma_start3A_258 : memref<1x88xi32, #tpu.memory_space<vmem>> -> memref<88xi32, #tpu.memory_space<vmem>>
      %dma_start3A_260 = arith.constant 0 : i32
      %dma_start3A_261 = arith.constant 0 : i32
      %dma_start3A_262 = tpu.memref_slice %arg2[%dma_start3A_260, %dma_start3A_261] : memref<10240x128xf32, #tpu.memory_space<hbm>> -> memref<10240x128xf32, #tpu.memory_space<hbm>>
      tpu.enqueue_indirect_dma source(%dma_start3A_262 : memref<10240x128xf32, #tpu.memory_space<hbm>>) target(%arg9 : memref<88x128xf32, #tpu.memory_space<vmem>>) offsets(%dma_start3A_259 : memref<88xi32, #tpu.memory_space<vmem>>) semaphore(%arg14 : memref<!tpu.dma_semaphore, #tpu.memory_space<semaphore_mem>>)
      %dma_wait3A_263 = arith.constant 0 : i32
      %dma_wait3A_264 = arith.constant 0 : i32
      %dma_wait3A_265 = tpu.memref_slice %arg2[%dma_wait3A_263, %dma_wait3A_264] : memref<10240x128xf32, #tpu.memory_space<hbm>> -> memref<88x128xf32, #tpu.memory_space<hbm>>
      %dma_wait3A_266 = arith.constant 0 : i32
      %dma_wait3A_267 = arith.constant 0 : i32
      %dma_wait3A_268 = tpu.memref_slice %arg2[%dma_wait3A_266, %dma_wait3A_267] : memref<10240x128xf32, #tpu.memory_space<hbm>> -> memref<88x128xf32, #tpu.memory_space<hbm>>
      tpu.wait_dma2 semaphore(%arg16 : memref<!tpu.dma_semaphore, #tpu.memory_space<semaphore_mem>>) src(%dma_wait3A_268 : memref<88x128xf32, #tpu.memory_space<hbm>>) dst(%arg11 : memref<88x128xf32, #tpu.memory_space<vmem>>)
      %run_scoped3A_269 = arith.constant 1 : i32
      "tpu.region"() ({
        %run_scoped3A_345 = tpu.sem_alloc : memref<!tpu.dma_semaphore, #tpu.memory_space<semaphore_mem>>
        %dma_start3A_346 = arith.constant 0 : i32
        %dma_start3A_347 = tpu.memref_slice %arg7[%run_scoped3A_269, %dma_start3A_346] : memref<2x88xi32, #tpu.memory_space<vmem>> -> memref<1x88xi32, #tpu.memory_space<vmem>>
        %dma_start3A_348 = tpu.memref_squeeze %dma_start3A_347 : memref<1x88xi32, #tpu.memory_space<vmem>> -> memref<88xi32, #tpu.memory_space<vmem>>
        %dma_start3A_349 = arith.constant 0 : i32
        %dma_start3A_350 = arith.constant 0 : i32
        %dma_start3A_351 = tpu.memref_slice %arg13[%dma_start3A_349, %dma_start3A_350] : memref<10240x128xf32, #tpu.memory_space<vmem_shared>> -> memref<10240x128xf32, #tpu.memory_space<vmem_shared>>
        tpu.enqueue_indirect_dma source(%arg11 : memref<88x128xf32, #tpu.memory_space<vmem>>) target(%dma_start3A_351 : memref<10240x128xf32, #tpu.memory_space<vmem_shared>>) offsets(%dma_start3A_348 : memref<88xi32, #tpu.memory_space<vmem>>) semaphore(%run_scoped3A_345 : memref<!tpu.dma_semaphore, #tpu.memory_space<semaphore_mem>>) {add = true}
        %dma_wait3A_352 = arith.constant 0 : i32
        %dma_wait3A_353 = tpu.memref_slice %arg7[%run_scoped3A_269, %dma_wait3A_352] : memref<2x88xi32, #tpu.memory_space<vmem>> -> memref<1x88xi32, #tpu.memory_space<vmem>>
        %dma_wait3A_354 = tpu.memref_squeeze %dma_wait3A_353 : memref<1x88xi32, #tpu.memory_space<vmem>> -> memref<88xi32, #tpu.memory_space<vmem>>
        %dma_wait3A_355 = arith.constant 0 : i32
        %dma_wait3A_356 = arith.constant 0 : i32
        %dma_wait3A_357 = tpu.memref_slice %arg13[%dma_wait3A_355, %dma_wait3A_356] : memref<10240x128xf32, #tpu.memory_space<vmem_shared>> -> memref<10240x128xf32, #tpu.memory_space<vmem_shared>>
        tpu.wait_indirect_dma semaphore(%run_scoped3A_345 : memref<!tpu.dma_semaphore, #tpu.memory_space<semaphore_mem>>) src(%arg11 : memref<88x128xf32, #tpu.memory_space<vmem>>) dst(%dma_wait3A_357 : memref<10240x128xf32, #tpu.memory_space<vmem_shared>>)
        tpu.yield
      }) : () -> ()
      %add3A_270 = arith.constant 6 : i32
      %add3A_271 = arith.addi %add3A_212, %add3A_270 : i32
      %dma_start3A_272 = arith.constant 0 : i32
      %dma_start3A_273 = arith.constant 0 : i32
      %dma_start3A_274 = tpu.memref_slice %arg3[%add3A_271, %dma_start3A_272, %dma_start3A_273] : memref<3648x2x88xi32, #tpu.memory_space<hbm>> -> memref<1x2x88xi32, #tpu.memory_space<hbm>>
      %dma_start3A_275 = tpu.memref_squeeze %dma_start3A_274 : memref<1x2x88xi32, #tpu.memory_space<hbm>> -> memref<2x88xi32, #tpu.memory_space<hbm>>
      %dma_start3A_276 = arith.constant 0 : i32
      %dma_start3A_277 = arith.constant 0 : i32
      %dma_start3A_278 = tpu.memref_slice %arg3[%add3A_271, %dma_start3A_276, %dma_start3A_277] : memref<3648x2x88xi32, #tpu.memory_space<hbm>> -> memref<1x2x88xi32, #tpu.memory_space<hbm>>
      %dma_start3A_279 = tpu.memref_squeeze %dma_start3A_278 : memref<1x2x88xi32, #tpu.memory_space<hbm>> -> memref<2x88xi32, #tpu.memory_space<hbm>>
      tpu.enqueue_dma source(%dma_start3A_279 : memref<2x88xi32, #tpu.memory_space<hbm>>) target(%arg7 : memref<2x88xi32, #tpu.memory_space<vmem>>) target_semaphore(%arg20 : memref<!tpu.dma_semaphore, #tpu.memory_space<semaphore_mem>>)
      %dma_wait3A_280 = arith.constant 0 : i32
      %dma_wait3A_281 = arith.constant 0 : i32
      %dma_wait3A_282 = arith.constant 0 : i32
      %dma_wait3A_283 = tpu.memref_slice %arg3[%dma_wait3A_280, %dma_wait3A_281, %dma_wait3A_282] : memref<3648x2x88xi32, #tpu.memory_space<hbm>> -> memref<1x2x88xi32, #tpu.memory_space<hbm>>
      %dma_wait3A_284 = tpu.memref_squeeze %dma_wait3A_283 : memref<1x2x88xi32, #tpu.memory_space<hbm>> -> memref<2x88xi32, #tpu.memory_space<hbm>>
      %dma_wait3A_285 = arith.constant 0 : i32
      %dma_wait3A_286 = arith.constant 0 : i32
      %dma_wait3A_287 = tpu.memref_slice %arg3[%dma_wait3A_280, %dma_wait3A_285, %dma_wait3A_286] : memref<3648x2x88xi32, #tpu.memory_space<hbm>> -> memref<1x2x88xi32, #tpu.memory_space<hbm>>
      %dma_wait3A_288 = tpu.memref_squeeze %dma_wait3A_287 : memref<1x2x88xi32, #tpu.memory_space<hbm>> -> memref<2x88xi32, #tpu.memory_space<hbm>>
      tpu.wait_dma2 semaphore(%arg19 : memref<!tpu.dma_semaphore, #tpu.memory_space<semaphore_mem>>) src(%dma_wait3A_288 : memref<2x88xi32, #tpu.memory_space<hbm>>) dst(%arg6 : memref<2x88xi32, #tpu.memory_space<vmem>>)
      %dma_start3A_289 = arith.constant 0 : i32
      %dma_start3A_290 = arith.constant 0 : i32
      %dma_start3A_291 = tpu.memref_slice %arg6[%dma_start3A_289, %dma_start3A_290] : memref<2x88xi32, #tpu.memory_space<vmem>> -> memref<1x88xi32, #tpu.memory_space<vmem>>
      %dma_start3A_292 = tpu.memref_squeeze %dma_start3A_291 : memref<1x88xi32, #tpu.memory_space<vmem>> -> memref<88xi32, #tpu.memory_space<vmem>>
      %dma_start3A_293 = arith.constant 0 : i32
      %dma_start3A_294 = arith.constant 0 : i32
      %dma_start3A_295 = tpu.memref_slice %arg2[%dma_start3A_293, %dma_start3A_294] : memref<10240x128xf32, #tpu.memory_space<hbm>> -> memref<10240x128xf32, #tpu.memory_space<hbm>>
      tpu.enqueue_indirect_dma source(%dma_start3A_295 : memref<10240x128xf32, #tpu.memory_space<hbm>>) target(%arg10 : memref<88x128xf32, #tpu.memory_space<vmem>>) offsets(%dma_start3A_292 : memref<88xi32, #tpu.memory_space<vmem>>) semaphore(%arg15 : memref<!tpu.dma_semaphore, #tpu.memory_space<semaphore_mem>>)
      %dma_wait3A_296 = arith.constant 0 : i32
      %dma_wait3A_297 = arith.constant 0 : i32
      %dma_wait3A_298 = tpu.memref_slice %arg2[%dma_wait3A_296, %dma_wait3A_297] : memref<10240x128xf32, #tpu.memory_space<hbm>> -> memref<88x128xf32, #tpu.memory_space<hbm>>
      %dma_wait3A_299 = arith.constant 0 : i32
      %dma_wait3A_300 = arith.constant 0 : i32
      %dma_wait3A_301 = tpu.memref_slice %arg2[%dma_wait3A_299, %dma_wait3A_300] : memref<10240x128xf32, #tpu.memory_space<hbm>> -> memref<88x128xf32, #tpu.memory_space<hbm>>
      tpu.wait_dma2 semaphore(%arg17 : memref<!tpu.dma_semaphore, #tpu.memory_space<semaphore_mem>>) src(%dma_wait3A_301 : memref<88x128xf32, #tpu.memory_space<hbm>>) dst(%arg12 : memref<88x128xf32, #tpu.memory_space<vmem>>)
      %run_scoped3A_302 = arith.constant 1 : i32
      "tpu.region"() ({
        %run_scoped3A_345 = tpu.sem_alloc : memref<!tpu.dma_semaphore, #tpu.memory_space<semaphore_mem>>
        %dma_start3A_346 = arith.constant 0 : i32
        %dma_start3A_347 = tpu.memref_slice %arg8[%run_scoped3A_302, %dma_start3A_346] : memref<2x88xi32, #tpu.memory_space<vmem>> -> memref<1x88xi32, #tpu.memory_space<vmem>>
        %dma_start3A_348 = tpu.memref_squeeze %dma_start3A_347 : memref<1x88xi32, #tpu.memory_space<vmem>> -> memref<88xi32, #tpu.memory_space<vmem>>
        %dma_start3A_349 = arith.constant 0 : i32
        %dma_start3A_350 = arith.constant 0 : i32
        %dma_start3A_351 = tpu.memref_slice %arg13[%dma_start3A_349, %dma_start3A_350] : memref<10240x128xf32, #tpu.memory_space<vmem_shared>> -> memref<10240x128xf32, #tpu.memory_space<vmem_shared>>
        tpu.enqueue_indirect_dma source(%arg12 : memref<88x128xf32, #tpu.memory_space<vmem>>) target(%dma_start3A_351 : memref<10240x128xf32, #tpu.memory_space<vmem_shared>>) offsets(%dma_start3A_348 : memref<88xi32, #tpu.memory_space<vmem>>) semaphore(%run_scoped3A_345 : memref<!tpu.dma_semaphore, #tpu.memory_space<semaphore_mem>>) {add = true}
        %dma_wait3A_352 = arith.constant 0 : i32
        %dma_wait3A_353 = tpu.memref_slice %arg8[%run_scoped3A_302, %dma_wait3A_352] : memref<2x88xi32, #tpu.memory_space<vmem>> -> memref<1x88xi32, #tpu.memory_space<vmem>>
        %dma_wait3A_354 = tpu.memref_squeeze %dma_wait3A_353 : memref<1x88xi32, #tpu.memory_space<vmem>> -> memref<88xi32, #tpu.memory_space<vmem>>
        %dma_wait3A_355 = arith.constant 0 : i32
        %dma_wait3A_356 = arith.constant 0 : i32
        %dma_wait3A_357 = tpu.memref_slice %arg13[%dma_wait3A_355, %dma_wait3A_356] : memref<10240x128xf32, #tpu.memory_space<vmem_shared>> -> memref<10240x128xf32, #tpu.memory_space<vmem_shared>>
        tpu.wait_indirect_dma semaphore(%run_scoped3A_345 : memref<!tpu.dma_semaphore, #tpu.memory_space<semaphore_mem>>) src(%arg12 : memref<88x128xf32, #tpu.memory_space<vmem>>) dst(%dma_wait3A_357 : memref<10240x128xf32, #tpu.memory_space<vmem_shared>>)
        tpu.yield
      }) : () -> ()
      %add3A_303 = arith.constant 7 : i32
      %add3A_304 = arith.addi %add3A_212, %add3A_303 : i32
      %dma_start3A_305 = arith.constant 0 : i32
      %dma_start3A_306 = arith.constant 0 : i32
      %dma_start3A_307 = tpu.memref_slice %arg3[%add3A_304, %dma_start3A_305, %dma_start3A_306] : memref<3648x2x88xi32, #tpu.memory_space<hbm>> -> memref<1x2x88xi32, #tpu.memory_space<hbm>>
      %dma_start3A_308 = tpu.memref_squeeze %dma_start3A_307 : memref<1x2x88xi32, #tpu.memory_space<hbm>> -> memref<2x88xi32, #tpu.memory_space<hbm>>
      %dma_start3A_309 = arith.constant 0 : i32
      %dma_start3A_310 = arith.constant 0 : i32
      %dma_start3A_311 = tpu.memref_slice %arg3[%add3A_304, %dma_start3A_309, %dma_start3A_310] : memref<3648x2x88xi32, #tpu.memory_space<hbm>> -> memref<1x2x88xi32, #tpu.memory_space<hbm>>
      %dma_start3A_312 = tpu.memref_squeeze %dma_start3A_311 : memref<1x2x88xi32, #tpu.memory_space<hbm>> -> memref<2x88xi32, #tpu.memory_space<hbm>>
      tpu.enqueue_dma source(%dma_start3A_312 : memref<2x88xi32, #tpu.memory_space<hbm>>) target(%arg8 : memref<2x88xi32, #tpu.memory_space<vmem>>) target_semaphore(%arg21 : memref<!tpu.dma_semaphore, #tpu.memory_space<semaphore_mem>>)
      %dma_wait3A_313 = arith.constant 0 : i32
      %dma_wait3A_314 = arith.constant 0 : i32
      %dma_wait3A_315 = arith.constant 0 : i32
      %dma_wait3A_316 = tpu.memref_slice %arg3[%dma_wait3A_313, %dma_wait3A_314, %dma_wait3A_315] : memref<3648x2x88xi32, #tpu.memory_space<hbm>> -> memref<1x2x88xi32, #tpu.memory_space<hbm>>
      %dma_wait3A_317 = tpu.memref_squeeze %dma_wait3A_316 : memref<1x2x88xi32, #tpu.memory_space<hbm>> -> memref<2x88xi32, #tpu.memory_space<hbm>>
      %dma_wait3A_318 = arith.constant 0 : i32
      %dma_wait3A_319 = arith.constant 0 : i32
      %dma_wait3A_320 = tpu.memref_slice %arg3[%dma_wait3A_313, %dma_wait3A_318, %dma_wait3A_319] : memref<3648x2x88xi32, #tpu.memory_space<hbm>> -> memref<1x2x88xi32, #tpu.memory_space<hbm>>
      %dma_wait3A_321 = tpu.memref_squeeze %dma_wait3A_320 : memref<1x2x88xi32, #tpu.memory_space<hbm>> -> memref<2x88xi32, #tpu.memory_space<hbm>>
      tpu.wait_dma2 semaphore(%arg20 : memref<!tpu.dma_semaphore, #tpu.memory_space<semaphore_mem>>) src(%dma_wait3A_321 : memref<2x88xi32, #tpu.memory_space<hbm>>) dst(%arg7 : memref<2x88xi32, #tpu.memory_space<vmem>>)
      %dma_start3A_322 = arith.constant 0 : i32
      %dma_start3A_323 = arith.constant 0 : i32
      %dma_start3A_324 = tpu.memref_slice %arg7[%dma_start3A_322, %dma_start3A_323] : memref<2x88xi32, #tpu.memory_space<vmem>> -> memref<1x88xi32, #tpu.memory_space<vmem>>
      %dma_start3A_325 = tpu.memref_squeeze %dma_start3A_324 : memref<1x88xi32, #tpu.memory_space<vmem>> -> memref<88xi32, #tpu.memory_space<vmem>>
      %dma_start3A_326 = arith.constant 0 : i32
      %dma_start3A_327 = arith.constant 0 : i32
      %dma_start3A_328 = tpu.memref_slice %arg2[%dma_start3A_326, %dma_start3A_327] : memref<10240x128xf32, #tpu.memory_space<hbm>> -> memref<10240x128xf32, #tpu.memory_space<hbm>>
      tpu.enqueue_indirect_dma source(%dma_start3A_328 : memref<10240x128xf32, #tpu.memory_space<hbm>>) target(%arg11 : memref<88x128xf32, #tpu.memory_space<vmem>>) offsets(%dma_start3A_325 : memref<88xi32, #tpu.memory_space<vmem>>) semaphore(%arg16 : memref<!tpu.dma_semaphore, #tpu.memory_space<semaphore_mem>>)
      %dma_wait3A_329 = arith.constant 0 : i32
      %dma_wait3A_330 = arith.constant 0 : i32
      %dma_wait3A_331 = arith.constant 0 : i32
      %dma_wait3A_332 = tpu.memref_slice %arg3[%dma_wait3A_329, %dma_wait3A_330, %dma_wait3A_331] : memref<3648x2x88xi32, #tpu.memory_space<hbm>> -> memref<1x2x88xi32, #tpu.memory_space<hbm>>
      %dma_wait3A_333 = tpu.memref_squeeze %dma_wait3A_332 : memref<1x2x88xi32, #tpu.memory_space<hbm>> -> memref<2x88xi32, #tpu.memory_space<hbm>>
      %dma_wait3A_334 = arith.constant 0 : i32
      %dma_wait3A_335 = arith.constant 0 : i32
      %dma_wait3A_336 = tpu.memref_slice %arg3[%dma_wait3A_329, %dma_wait3A_334, %dma_wait3A_335] : memref<3648x2x88xi32, #tpu.memory_space<hbm>> -> memref<1x2x88xi32, #tpu.memory_space<hbm>>
      %dma_wait3A_337 = tpu.memref_squeeze %dma_wait3A_336 : memref<1x2x88xi32, #tpu.memory_space<hbm>> -> memref<2x88xi32, #tpu.memory_space<hbm>>
      tpu.wait_dma2 semaphore(%arg21 : memref<!tpu.dma_semaphore, #tpu.memory_space<semaphore_mem>>) src(%dma_wait3A_337 : memref<2x88xi32, #tpu.memory_space<hbm>>) dst(%arg8 : memref<2x88xi32, #tpu.memory_space<vmem>>)
      %dma_start3A_338 = arith.constant 0 : i32
      %dma_start3A_339 = arith.constant 0 : i32
      %dma_start3A_340 = tpu.memref_slice %arg8[%dma_start3A_338, %dma_start3A_339] : memref<2x88xi32, #tpu.memory_space<vmem>> -> memref<1x88xi32, #tpu.memory_space<vmem>>
      %dma_start3A_341 = tpu.memref_squeeze %dma_start3A_340 : memref<1x88xi32, #tpu.memory_space<vmem>> -> memref<88xi32, #tpu.memory_space<vmem>>
      %dma_start3A_342 = arith.constant 0 : i32
      %dma_start3A_343 = arith.constant 0 : i32
      %dma_start3A_344 = tpu.memref_slice %arg2[%dma_start3A_342, %dma_start3A_343] : memref<10240x128xf32, #tpu.memory_space<hbm>> -> memref<10240x128xf32, #tpu.memory_space<hbm>>
      tpu.enqueue_indirect_dma source(%dma_start3A_344 : memref<10240x128xf32, #tpu.memory_space<hbm>>) target(%arg12 : memref<88x128xf32, #tpu.memory_space<vmem>>) offsets(%dma_start3A_341 : memref<88xi32, #tpu.memory_space<vmem>>) semaphore(%arg17 : memref<!tpu.dma_semaphore, #tpu.memory_space<semaphore_mem>>)
    }
    %dma_wait3A_177 = arith.constant 0 : i32
    %dma_wait3A_178 = arith.constant 0 : i32
    %dma_wait3A_179 = tpu.memref_slice %arg2[%dma_wait3A_177, %dma_wait3A_178] : memref<10240x128xf32, #tpu.memory_space<hbm>> -> memref<88x128xf32, #tpu.memory_space<hbm>>
    %dma_wait3A_180 = arith.constant 0 : i32
    %dma_wait3A_181 = arith.constant 0 : i32
    %dma_wait3A_182 = tpu.memref_slice %arg2[%dma_wait3A_180, %dma_wait3A_181] : memref<10240x128xf32, #tpu.memory_space<hbm>> -> memref<88x128xf32, #tpu.memory_space<hbm>>
    tpu.wait_dma2 semaphore(%arg14 : memref<!tpu.dma_semaphore, #tpu.memory_space<semaphore_mem>>) src(%dma_wait3A_182 : memref<88x128xf32, #tpu.memory_space<hbm>>) dst(%arg9 : memref<88x128xf32, #tpu.memory_space<vmem>>)
    %run_scoped3A = arith.constant 1 : i32
    "tpu.region"() ({
      %run_scoped3A_209 = tpu.sem_alloc : memref<!tpu.dma_semaphore, #tpu.memory_space<semaphore_mem>>
      %dma_start3A_210 = arith.constant 0 : i32
      %dma_start3A_211 = tpu.memref_slice %arg5[%run_scoped3A, %dma_start3A_210] : memref<2x88xi32, #tpu.memory_space<vmem>> -> memref<1x88xi32, #tpu.memory_space<vmem>>
      %dma_start3A_212 = tpu.memref_squeeze %dma_start3A_211 : memref<1x88xi32, #tpu.memory_space<vmem>> -> memref<88xi32, #tpu.memory_space<vmem>>
      %dma_start3A_213 = arith.constant 0 : i32
      %dma_start3A_214 = arith.constant 0 : i32
      %dma_start3A_215 = tpu.memref_slice %arg13[%dma_start3A_213, %dma_start3A_214] : memref<10240x128xf32, #tpu.memory_space<vmem_shared>> -> memref<10240x128xf32, #tpu.memory_space<vmem_shared>>
      tpu.enqueue_indirect_dma source(%arg9 : memref<88x128xf32, #tpu.memory_space<vmem>>) target(%dma_start3A_215 : memref<10240x128xf32, #tpu.memory_space<vmem_shared>>) offsets(%dma_start3A_212 : memref<88xi32, #tpu.memory_space<vmem>>) semaphore(%run_scoped3A_209 : memref<!tpu.dma_semaphore, #tpu.memory_space<semaphore_mem>>) {add = true}
      %dma_wait3A_216 = arith.constant 0 : i32
      %dma_wait3A_217 = tpu.memref_slice %arg5[%run_scoped3A, %dma_wait3A_216] : memref<2x88xi32, #tpu.memory_space<vmem>> -> memref<1x88xi32, #tpu.memory_space<vmem>>
      %dma_wait3A_218 = tpu.memref_squeeze %dma_wait3A_217 : memref<1x88xi32, #tpu.memory_space<vmem>> -> memref<88xi32, #tpu.memory_space<vmem>>
      %dma_wait3A_219 = arith.constant 0 : i32
      %dma_wait3A_220 = arith.constant 0 : i32
      %dma_wait3A_221 = tpu.memref_slice %arg13[%dma_wait3A_219, %dma_wait3A_220] : memref<10240x128xf32, #tpu.memory_space<vmem_shared>> -> memref<10240x128xf32, #tpu.memory_space<vmem_shared>>
      tpu.wait_indirect_dma semaphore(%run_scoped3A_209 : memref<!tpu.dma_semaphore, #tpu.memory_space<semaphore_mem>>) src(%arg9 : memref<88x128xf32, #tpu.memory_space<vmem>>) dst(%dma_wait3A_221 : memref<10240x128xf32, #tpu.memory_space<vmem_shared>>)
      tpu.yield
    }) : () -> ()
    %dma_wait3A_183 = arith.constant 0 : i32
    %dma_wait3A_184 = arith.constant 0 : i32
    %dma_wait3A_185 = tpu.memref_slice %arg2[%dma_wait3A_183, %dma_wait3A_184] : memref<10240x128xf32, #tpu.memory_space<hbm>> -> memref<88x128xf32, #tpu.memory_space<hbm>>
    %dma_wait3A_186 = arith.constant 0 : i32
    %dma_wait3A_187 = arith.constant 0 : i32
    %dma_wait3A_188 = tpu.memref_slice %arg2[%dma_wait3A_186, %dma_wait3A_187] : memref<10240x128xf32, #tpu.memory_space<hbm>> -> memref<88x128xf32, #tpu.memory_space<hbm>>
    tpu.wait_dma2 semaphore(%arg15 : memref<!tpu.dma_semaphore, #tpu.memory_space<semaphore_mem>>) src(%dma_wait3A_188 : memref<88x128xf32, #tpu.memory_space<hbm>>) dst(%arg10 : memref<88x128xf32, #tpu.memory_space<vmem>>)
    %run_scoped3A_189 = arith.constant 1 : i32
    "tpu.region"() ({
      %run_scoped3A_209 = tpu.sem_alloc : memref<!tpu.dma_semaphore, #tpu.memory_space<semaphore_mem>>
      %dma_start3A_210 = arith.constant 0 : i32
      %dma_start3A_211 = tpu.memref_slice %arg6[%run_scoped3A_189, %dma_start3A_210] : memref<2x88xi32, #tpu.memory_space<vmem>> -> memref<1x88xi32, #tpu.memory_space<vmem>>
      %dma_start3A_212 = tpu.memref_squeeze %dma_start3A_211 : memref<1x88xi32, #tpu.memory_space<vmem>> -> memref<88xi32, #tpu.memory_space<vmem>>
      %dma_start3A_213 = arith.constant 0 : i32
      %dma_start3A_214 = arith.constant 0 : i32
      %dma_start3A_215 = tpu.memref_slice %arg13[%dma_start3A_213, %dma_start3A_214] : memref<10240x128xf32, #tpu.memory_space<vmem_shared>> -> memref<10240x128xf32, #tpu.memory_space<vmem_shared>>
      tpu.enqueue_indirect_dma source(%arg10 : memref<88x128xf32, #tpu.memory_space<vmem>>) target(%dma_start3A_215 : memref<10240x128xf32, #tpu.memory_space<vmem_shared>>) offsets(%dma_start3A_212 : memref<88xi32, #tpu.memory_space<vmem>>) semaphore(%run_scoped3A_209 : memref<!tpu.dma_semaphore, #tpu.memory_space<semaphore_mem>>) {add = true}
      %dma_wait3A_216 = arith.constant 0 : i32
      %dma_wait3A_217 = tpu.memref_slice %arg6[%run_scoped3A_189, %dma_wait3A_216] : memref<2x88xi32, #tpu.memory_space<vmem>> -> memref<1x88xi32, #tpu.memory_space<vmem>>
      %dma_wait3A_218 = tpu.memref_squeeze %dma_wait3A_217 : memref<1x88xi32, #tpu.memory_space<vmem>> -> memref<88xi32, #tpu.memory_space<vmem>>
      %dma_wait3A_219 = arith.constant 0 : i32
      %dma_wait3A_220 = arith.constant 0 : i32
      %dma_wait3A_221 = tpu.memref_slice %arg13[%dma_wait3A_219, %dma_wait3A_220] : memref<10240x128xf32, #tpu.memory_space<vmem_shared>> -> memref<10240x128xf32, #tpu.memory_space<vmem_shared>>
      tpu.wait_indirect_dma semaphore(%run_scoped3A_209 : memref<!tpu.dma_semaphore, #tpu.memory_space<semaphore_mem>>) src(%arg10 : memref<88x128xf32, #tpu.memory_space<vmem>>) dst(%dma_wait3A_221 : memref<10240x128xf32, #tpu.memory_space<vmem_shared>>)
      tpu.yield
    }) : () -> ()
    %dma_wait3A_190 = arith.constant 0 : i32
    %dma_wait3A_191 = arith.constant 0 : i32
    %dma_wait3A_192 = tpu.memref_slice %arg2[%dma_wait3A_190, %dma_wait3A_191] : memref<10240x128xf32, #tpu.memory_space<hbm>> -> memref<88x128xf32, #tpu.memory_space<hbm>>
    %dma_wait3A_193 = arith.constant 0 : i32
    %dma_wait3A_194 = arith.constant 0 : i32
    %dma_wait3A_195 = tpu.memref_slice %arg2[%dma_wait3A_193, %dma_wait3A_194] : memref<10240x128xf32, #tpu.memory_space<hbm>> -> memref<88x128xf32, #tpu.memory_space<hbm>>
    tpu.wait_dma2 semaphore(%arg16 : memref<!tpu.dma_semaphore, #tpu.memory_space<semaphore_mem>>) src(%dma_wait3A_195 : memref<88x128xf32, #tpu.memory_space<hbm>>) dst(%arg11 : memref<88x128xf32, #tpu.memory_space<vmem>>)
    %run_scoped3A_196 = arith.constant 1 : i32
    "tpu.region"() ({
      %run_scoped3A_209 = tpu.sem_alloc : memref<!tpu.dma_semaphore, #tpu.memory_space<semaphore_mem>>
      %dma_start3A_210 = arith.constant 0 : i32
      %dma_start3A_211 = tpu.memref_slice %arg7[%run_scoped3A_196, %dma_start3A_210] : memref<2x88xi32, #tpu.memory_space<vmem>> -> memref<1x88xi32, #tpu.memory_space<vmem>>
      %dma_start3A_212 = tpu.memref_squeeze %dma_start3A_211 : memref<1x88xi32, #tpu.memory_space<vmem>> -> memref<88xi32, #tpu.memory_space<vmem>>
      %dma_start3A_213 = arith.constant 0 : i32
      %dma_start3A_214 = arith.constant 0 : i32
      %dma_start3A_215 = tpu.memref_slice %arg13[%dma_start3A_213, %dma_start3A_214] : memref<10240x128xf32, #tpu.memory_space<vmem_shared>> -> memref<10240x128xf32, #tpu.memory_space<vmem_shared>>
      tpu.enqueue_indirect_dma source(%arg11 : memref<88x128xf32, #tpu.memory_space<vmem>>) target(%dma_start3A_215 : memref<10240x128xf32, #tpu.memory_space<vmem_shared>>) offsets(%dma_start3A_212 : memref<88xi32, #tpu.memory_space<vmem>>) semaphore(%run_scoped3A_209 : memref<!tpu.dma_semaphore, #tpu.memory_space<semaphore_mem>>) {add = true}
      %dma_wait3A_216 = arith.constant 0 : i32
      %dma_wait3A_217 = tpu.memref_slice %arg7[%run_scoped3A_196, %dma_wait3A_216] : memref<2x88xi32, #tpu.memory_space<vmem>> -> memref<1x88xi32, #tpu.memory_space<vmem>>
      %dma_wait3A_218 = tpu.memref_squeeze %dma_wait3A_217 : memref<1x88xi32, #tpu.memory_space<vmem>> -> memref<88xi32, #tpu.memory_space<vmem>>
      %dma_wait3A_219 = arith.constant 0 : i32
      %dma_wait3A_220 = arith.constant 0 : i32
      %dma_wait3A_221 = tpu.memref_slice %arg13[%dma_wait3A_219, %dma_wait3A_220] : memref<10240x128xf32, #tpu.memory_space<vmem_shared>> -> memref<10240x128xf32, #tpu.memory_space<vmem_shared>>
      tpu.wait_indirect_dma semaphore(%run_scoped3A_209 : memref<!tpu.dma_semaphore, #tpu.memory_space<semaphore_mem>>) src(%arg11 : memref<88x128xf32, #tpu.memory_space<vmem>>) dst(%dma_wait3A_221 : memref<10240x128xf32, #tpu.memory_space<vmem_shared>>)
      tpu.yield
    }) : () -> ()
    %dma_wait3A_197 = arith.constant 0 : i32
    %dma_wait3A_198 = arith.constant 0 : i32
    %dma_wait3A_199 = tpu.memref_slice %arg2[%dma_wait3A_197, %dma_wait3A_198] : memref<10240x128xf32, #tpu.memory_space<hbm>> -> memref<88x128xf32, #tpu.memory_space<hbm>>
    %dma_wait3A_200 = arith.constant 0 : i32
    %dma_wait3A_201 = arith.constant 0 : i32
    %dma_wait3A_202 = tpu.memref_slice %arg2[%dma_wait3A_200, %dma_wait3A_201] : memref<10240x128xf32, #tpu.memory_space<hbm>> -> memref<88x128xf32, #tpu.memory_space<hbm>>
    tpu.wait_dma2 semaphore(%arg17 : memref<!tpu.dma_semaphore, #tpu.memory_space<semaphore_mem>>) src(%dma_wait3A_202 : memref<88x128xf32, #tpu.memory_space<hbm>>) dst(%arg12 : memref<88x128xf32, #tpu.memory_space<vmem>>)
    %run_scoped3A_203 = arith.constant 1 : i32
    "tpu.region"() ({
      %run_scoped3A_209 = tpu.sem_alloc : memref<!tpu.dma_semaphore, #tpu.memory_space<semaphore_mem>>
      %dma_start3A_210 = arith.constant 0 : i32
      %dma_start3A_211 = tpu.memref_slice %arg8[%run_scoped3A_203, %dma_start3A_210] : memref<2x88xi32, #tpu.memory_space<vmem>> -> memref<1x88xi32, #tpu.memory_space<vmem>>
      %dma_start3A_212 = tpu.memref_squeeze %dma_start3A_211 : memref<1x88xi32, #tpu.memory_space<vmem>> -> memref<88xi32, #tpu.memory_space<vmem>>
      %dma_start3A_213 = arith.constant 0 : i32
      %dma_start3A_214 = arith.constant 0 : i32
      %dma_start3A_215 = tpu.memref_slice %arg13[%dma_start3A_213, %dma_start3A_214] : memref<10240x128xf32, #tpu.memory_space<vmem_shared>> -> memref<10240x128xf32, #tpu.memory_space<vmem_shared>>
      tpu.enqueue_indirect_dma source(%arg12 : memref<88x128xf32, #tpu.memory_space<vmem>>) target(%dma_start3A_215 : memref<10240x128xf32, #tpu.memory_space<vmem_shared>>) offsets(%dma_start3A_212 : memref<88xi32, #tpu.memory_space<vmem>>) semaphore(%run_scoped3A_209 : memref<!tpu.dma_semaphore, #tpu.memory_space<semaphore_mem>>) {add = true}
      %dma_wait3A_216 = arith.constant 0 : i32
      %dma_wait3A_217 = tpu.memref_slice %arg8[%run_scoped3A_203, %dma_wait3A_216] : memref<2x88xi32, #tpu.memory_space<vmem>> -> memref<1x88xi32, #tpu.memory_space<vmem>>
      %dma_wait3A_218 = tpu.memref_squeeze %dma_wait3A_217 : memref<1x88xi32, #tpu.memory_space<vmem>> -> memref<88xi32, #tpu.memory_space<vmem>>
      %dma_wait3A_219 = arith.constant 0 : i32
      %dma_wait3A_220 = arith.constant 0 : i32
      %dma_wait3A_221 = tpu.memref_slice %arg13[%dma_wait3A_219, %dma_wait3A_220] : memref<10240x128xf32, #tpu.memory_space<vmem_shared>> -> memref<10240x128xf32, #tpu.memory_space<vmem_shared>>
      tpu.wait_indirect_dma semaphore(%run_scoped3A_209 : memref<!tpu.dma_semaphore, #tpu.memory_space<semaphore_mem>>) src(%arg12 : memref<88x128xf32, #tpu.memory_space<vmem>>) dst(%dma_wait3A_221 : memref<10240x128xf32, #tpu.memory_space<vmem_shared>>)
      tpu.yield
    }) : () -> ()
    %barrier3A_204 = arith.constant 0 : index
    tpu.barrier barrier_id(%barrier3A_204)
    %mul3A_205 = arith.constant 640 : i32
    %mul3A_206 = arith.muli %arg1, %mul3A_205 : i32
    %mul3A_207 = arith.constant 640 : i32
    %mul3A_208 = arith.muli %arg1, %mul3A_207 : i32
    "tpu.region"() ({
      %run_scoped3A_209 = tpu.sem_alloc : memref<!tpu.dma_semaphore, #tpu.memory_space<semaphore_mem>>
      %dma_start3A_210 = arith.constant 0 : i32
      %dma_start3A_211 = tpu.memref_slice %arg4[%arg0, %mul3A_208, %dma_start3A_210] : memref<2x10240x128xf32, #tpu.memory_space<hbm>> -> memref<1x640x128xf32, #tpu.memory_space<hbm>>
      %dma_start3A_212 = tpu.memref_squeeze %dma_start3A_211 : memref<1x640x128xf32, #tpu.memory_space<hbm>> -> memref<640x128xf32, #tpu.memory_space<hbm>>
      %dma_start3A_213 = arith.constant 0 : i32
      %dma_start3A_214 = tpu.memref_slice %arg13[%mul3A_206, %dma_start3A_213] : memref<10240x128xf32, #tpu.memory_space<vmem_shared>> -> memref<640x128xf32, #tpu.memory_space<vmem_shared>>
      tpu.enqueue_dma source(%dma_start3A_214 : memref<640x128xf32, #tpu.memory_space<vmem_shared>>) target(%dma_start3A_212 : memref<640x128xf32, #tpu.memory_space<hbm>>) target_semaphore(%run_scoped3A_209 : memref<!tpu.dma_semaphore, #tpu.memory_space<semaphore_mem>>)
      %dma_wait3A_215 = arith.constant 0 : i32
      %dma_wait3A_216 = tpu.memref_slice %arg4[%arg0, %mul3A_208, %dma_wait3A_215] : memref<2x10240x128xf32, #tpu.memory_space<hbm>> -> memref<1x640x128xf32, #tpu.memory_space<hbm>>
      %dma_wait3A_217 = tpu.memref_squeeze %dma_wait3A_216 : memref<1x640x128xf32, #tpu.memory_space<hbm>> -> memref<640x128xf32, #tpu.memory_space<hbm>>
      %dma_wait3A_218 = arith.constant 0 : i32
      %dma_wait3A_219 = tpu.memref_slice %arg13[%mul3A_206, %dma_wait3A_218] : memref<10240x128xf32, #tpu.memory_space<vmem_shared>> -> memref<640x128xf32, #tpu.memory_space<vmem_shared>>
      tpu.wait_dma2 semaphore(%run_scoped3A_209 : memref<!tpu.dma_semaphore, #tpu.memory_space<semaphore_mem>>) src(%dma_wait3A_219 : memref<640x128xf32, #tpu.memory_space<vmem_shared>>) dst(%dma_wait3A_217 : memref<640x128xf32, #tpu.memory_space<hbm>>)
      tpu.yield
    }) : () -> ()
    return
  }
}

#map = affine_map<(d0, d1) -> (0, 0, 0)>
#map1 = affine_map<(d0, d1) -> (0, 0)>
module attributes {stable_mosaic.version = 14 : i64} {
  func.func @_sc_deg(%arg0: i32, %arg1: i32, %arg2: memref<32x80x128xi32, #tpu.memory_space<hbm>>, %arg3: memref<2x10240xf32, #tpu.memory_space<hbm>>, %arg4: memref<80x128xi32, #tpu.memory_space<vmem>>, %arg5: memref<128xf32, #tpu.memory_space<vmem>>, %arg6: memref<640xf32, #tpu.memory_space<vmem>>, %arg7: memref<10240xf32, #tpu.memory_space<vmem_shared>>, %arg8: memref<!tpu.dma_semaphore, #tpu.memory_space<semaphore_mem>>) attributes {dimension_semantics = [#tpu.dimension_semantics<core_parallel>, #tpu.dimension_semantics<subcore_parallel>], iteration_bounds = array<i64: 2, 16>, scalar_prefetch = 0 : i64, scratch_operands = 5 : i64, tpu.core_type = #tpu.core_type<sc_vector_subcore>, window_params = [{transform_indices = #map}, {transform_indices = #map1}]} {
    %mul3A = arith.constant 2 : i32
    %mul3A_0 = arith.muli %arg1, %mul3A : i32
    %add3A = arith.addi %mul3A_0, %arg0 : i32
    %broadcast_in_dim3A = arith.constant 1.000000e+00 : f32
    %broadcast_in_dim3A_1 = vector.broadcast %broadcast_in_dim3A : f32 to vector<16xf32>
    %swap3A = arith.constant 0 : index
    %swap3A_2 = tpu.vector_load %arg5[%swap3A] {strides = array<i32>} : memref<128xf32, #tpu.memory_space<vmem>>, vector<16xf32>,
    %swap3A_3 = vector.shape_cast %swap3A_2 : vector<16xf32> to vector<16xf32>
    %swap3A_4 = vector.shape_cast %broadcast_in_dim3A_1 : vector<16xf32> to vector<16xf32>
    tpu.vector_store %arg5[%swap3A], %swap3A_4 {strides = array<i32>} : memref<128xf32, #tpu.memory_space<vmem>>, vector<16xf32>,
    %broadcast_in_dim3A_5 = arith.constant 1.000000e+00 : f32
    %broadcast_in_dim3A_6 = vector.broadcast %broadcast_in_dim3A_5 : f32 to vector<16xf32>
    %swap3A_7 = arith.constant 16 : index
    %swap3A_8 = tpu.vector_load %arg5[%swap3A_7] {strides = array<i32>} : memref<128xf32, #tpu.memory_space<vmem>>, vector<16xf32>,
    %swap3A_9 = vector.shape_cast %swap3A_8 : vector<16xf32> to vector<16xf32>
    %swap3A_10 = vector.shape_cast %broadcast_in_dim3A_6 : vector<16xf32> to vector<16xf32>
    tpu.vector_store %arg5[%swap3A_7], %swap3A_10 {strides = array<i32>} : memref<128xf32, #tpu.memory_space<vmem>>, vector<16xf32>,
    %broadcast_in_dim3A_11 = arith.constant 1.000000e+00 : f32
    %broadcast_in_dim3A_12 = vector.broadcast %broadcast_in_dim3A_11 : f32 to vector<16xf32>
    %swap3A_13 = arith.constant 32 : index
    %swap3A_14 = tpu.vector_load %arg5[%swap3A_13] {strides = array<i32>} : memref<128xf32, #tpu.memory_space<vmem>>, vector<16xf32>,
    %swap3A_15 = vector.shape_cast %swap3A_14 : vector<16xf32> to vector<16xf32>
    %swap3A_16 = vector.shape_cast %broadcast_in_dim3A_12 : vector<16xf32> to vector<16xf32>
    tpu.vector_store %arg5[%swap3A_13], %swap3A_16 {strides = array<i32>} : memref<128xf32, #tpu.memory_space<vmem>>, vector<16xf32>,
    %broadcast_in_dim3A_17 = arith.constant 1.000000e+00 : f32
    %broadcast_in_dim3A_18 = vector.broadcast %broadcast_in_dim3A_17 : f32 to vector<16xf32>
    %swap3A_19 = arith.constant 48 : index
    %swap3A_20 = tpu.vector_load %arg5[%swap3A_19] {strides = array<i32>} : memref<128xf32, #tpu.memory_space<vmem>>, vector<16xf32>,
    %swap3A_21 = vector.shape_cast %swap3A_20 : vector<16xf32> to vector<16xf32>
    %swap3A_22 = vector.shape_cast %broadcast_in_dim3A_18 : vector<16xf32> to vector<16xf32>
    tpu.vector_store %arg5[%swap3A_19], %swap3A_22 {strides = array<i32>} : memref<128xf32, #tpu.memory_space<vmem>>, vector<16xf32>,
    %broadcast_in_dim3A_23 = arith.constant 1.000000e+00 : f32
    %broadcast_in_dim3A_24 = vector.broadcast %broadcast_in_dim3A_23 : f32 to vector<16xf32>
    %swap3A_25 = arith.constant 64 : index
    %swap3A_26 = tpu.vector_load %arg5[%swap3A_25] {strides = array<i32>} : memref<128xf32, #tpu.memory_space<vmem>>, vector<16xf32>,
    %swap3A_27 = vector.shape_cast %swap3A_26 : vector<16xf32> to vector<16xf32>
    %swap3A_28 = vector.shape_cast %broadcast_in_dim3A_24 : vector<16xf32> to vector<16xf32>
    tpu.vector_store %arg5[%swap3A_25], %swap3A_28 {strides = array<i32>} : memref<128xf32, #tpu.memory_space<vmem>>, vector<16xf32>,
    %broadcast_in_dim3A_29 = arith.constant 1.000000e+00 : f32
    %broadcast_in_dim3A_30 = vector.broadcast %broadcast_in_dim3A_29 : f32 to vector<16xf32>
    %swap3A_31 = arith.constant 80 : index
    %swap3A_32 = tpu.vector_load %arg5[%swap3A_31] {strides = array<i32>} : memref<128xf32, #tpu.memory_space<vmem>>, vector<16xf32>,
    %swap3A_33 = vector.shape_cast %swap3A_32 : vector<16xf32> to vector<16xf32>
    %swap3A_34 = vector.shape_cast %broadcast_in_dim3A_30 : vector<16xf32> to vector<16xf32>
    tpu.vector_store %arg5[%swap3A_31], %swap3A_34 {strides = array<i32>} : memref<128xf32, #tpu.memory_space<vmem>>, vector<16xf32>,
    %broadcast_in_dim3A_35 = arith.constant 1.000000e+00 : f32
    %broadcast_in_dim3A_36 = vector.broadcast %broadcast_in_dim3A_35 : f32 to vector<16xf32>
    %swap3A_37 = arith.constant 96 : index
    %swap3A_38 = tpu.vector_load %arg5[%swap3A_37] {strides = array<i32>} : memref<128xf32, #tpu.memory_space<vmem>>, vector<16xf32>,
    %swap3A_39 = vector.shape_cast %swap3A_38 : vector<16xf32> to vector<16xf32>
    %swap3A_40 = vector.shape_cast %broadcast_in_dim3A_36 : vector<16xf32> to vector<16xf32>
    tpu.vector_store %arg5[%swap3A_37], %swap3A_40 {strides = array<i32>} : memref<128xf32, #tpu.memory_space<vmem>>, vector<16xf32>,
    %broadcast_in_dim3A_41 = arith.constant 1.000000e+00 : f32
    %broadcast_in_dim3A_42 = vector.broadcast %broadcast_in_dim3A_41 : f32 to vector<16xf32>
    %swap3A_43 = arith.constant 112 : index
    %swap3A_44 = tpu.vector_load %arg5[%swap3A_43] {strides = array<i32>} : memref<128xf32, #tpu.memory_space<vmem>>, vector<16xf32>,
    %swap3A_45 = vector.shape_cast %swap3A_44 : vector<16xf32> to vector<16xf32>
    %swap3A_46 = vector.shape_cast %broadcast_in_dim3A_42 : vector<16xf32> to vector<16xf32>
    tpu.vector_store %arg5[%swap3A_43], %swap3A_46 {strides = array<i32>} : memref<128xf32, #tpu.memory_space<vmem>>, vector<16xf32>,
    %dma_start3A = arith.constant 0 : i32
    %dma_start3A_47 = arith.constant 0 : i32
    %dma_start3A_48 = tpu.memref_slice %arg2[%add3A, %dma_start3A, %dma_start3A_47] : memref<32x80x128xi32, #tpu.memory_space<hbm>> -> memref<1x80x128xi32, #tpu.memory_space<hbm>>
    %dma_start3A_49 = tpu.memref_squeeze %dma_start3A_48 : memref<1x80x128xi32, #tpu.memory_space<hbm>> -> memref<80x128xi32, #tpu.memory_space<hbm>>
    %dma_start3A_50 = arith.constant 0 : i32
    %dma_start3A_51 = arith.constant 0 : i32
    %dma_start3A_52 = tpu.memref_slice %arg2[%add3A, %dma_start3A_50, %dma_start3A_51] : memref<32x80x128xi32, #tpu.memory_space<hbm>> -> memref<1x80x128xi32, #tpu.memory_space<hbm>>
    %dma_start3A_53 = tpu.memref_squeeze %dma_start3A_52 : memref<1x80x128xi32, #tpu.memory_space<hbm>> -> memref<80x128xi32, #tpu.memory_space<hbm>>
    tpu.enqueue_dma source(%dma_start3A_53 : memref<80x128xi32, #tpu.memory_space<hbm>>) target(%arg4 : memref<80x128xi32, #tpu.memory_space<vmem>>) target_semaphore(%arg8 : memref<!tpu.dma_semaphore, #tpu.memory_space<semaphore_mem>>)
    %scan3A = arith.constant 0 : i32
    %scan3A_54 = arith.constant 0 : i32
    %scan3A_55 = arith.constant 40 : i32
    %scan3A_56 = arith.addi %scan3A_54, %scan3A_55 : i32
    %scan3A_57 = arith.constant 1 : i32
    scf.for %scan3A_86 = %scan3A_54 to %scan3A_56 step %scan3A_57  : i32 {
      %broadcast_in_dim3A_87 = arith.constant 0.000000e+00 : f32
      %broadcast_in_dim3A_88 = vector.broadcast %broadcast_in_dim3A_87 : f32 to vector<16xf32>
      %mul3A_89 = arith.constant 16 : i32
      %mul3A_90 = arith.muli %scan3A_86, %mul3A_89 : i32
      %swap3A_91 = arith.index_cast %mul3A_90 : i32 to index
      %swap3A_92 = tpu.vector_load %arg6[%swap3A_91] {strides = array<i32>} : memref<640xf32, #tpu.memory_space<vmem>>, vector<16xf32>,
      %swap3A_93 = vector.shape_cast %swap3A_92 : vector<16xf32> to vector<16xf32>
      %swap3A_94 = vector.shape_cast %broadcast_in_dim3A_88 : vector<16xf32> to vector<16xf32>
      tpu.vector_store %arg6[%swap3A_91], %swap3A_94 {strides = array<i32>} : memref<640xf32, #tpu.memory_space<vmem>>, vector<16xf32>,
    }
    %scan3A_58 = arith.constant 40 : i32
    %mul3A_59 = arith.constant 640 : i32
    %mul3A_60 = arith.muli %arg1, %mul3A_59 : i32
    "tpu.region"() ({
      %run_scoped3A = tpu.sem_alloc : memref<!tpu.dma_semaphore, #tpu.memory_space<semaphore_mem>>
      %dma_start3A_86 = tpu.memref_slice %arg7[%mul3A_60] : memref<10240xf32, #tpu.memory_space<vmem_shared>> -> memref<640xf32, #tpu.memory_space<vmem_shared>>
      %dma_start3A_87 = tpu.memref_slice %arg7[%mul3A_60] : memref<10240xf32, #tpu.memory_space<vmem_shared>> -> memref<640xf32, #tpu.memory_space<vmem_shared>>
      tpu.enqueue_dma source(%arg6 : memref<640xf32, #tpu.memory_space<vmem>>) target(%dma_start3A_87 : memref<640xf32, #tpu.memory_space<vmem_shared>>) target_semaphore(%run_scoped3A : memref<!tpu.dma_semaphore, #tpu.memory_space<semaphore_mem>>)
      %dma_wait3A_88 = tpu.memref_slice %arg7[%mul3A_60] : memref<10240xf32, #tpu.memory_space<vmem_shared>> -> memref<640xf32, #tpu.memory_space<vmem_shared>>
      %dma_wait3A_89 = tpu.memref_slice %arg7[%mul3A_60] : memref<10240xf32, #tpu.memory_space<vmem_shared>> -> memref<640xf32, #tpu.memory_space<vmem_shared>>
      tpu.wait_dma2 semaphore(%run_scoped3A : memref<!tpu.dma_semaphore, #tpu.memory_space<semaphore_mem>>) src(%arg6 : memref<640xf32, #tpu.memory_space<vmem>>) dst(%dma_wait3A_89 : memref<640xf32, #tpu.memory_space<vmem_shared>>)
      tpu.yield
    }) : () -> ()
    %dma_wait3A = arith.constant 0 : i32
    %dma_wait3A_61 = arith.constant 0 : i32
    %dma_wait3A_62 = arith.constant 0 : i32
    %dma_wait3A_63 = tpu.memref_slice %arg2[%dma_wait3A, %dma_wait3A_61, %dma_wait3A_62] : memref<32x80x128xi32, #tpu.memory_space<hbm>> -> memref<1x80x128xi32, #tpu.memory_space<hbm>>
    %dma_wait3A_64 = tpu.memref_squeeze %dma_wait3A_63 : memref<1x80x128xi32, #tpu.memory_space<hbm>> -> memref<80x128xi32, #tpu.memory_space<hbm>>
    %dma_wait3A_65 = arith.constant 0 : i32
    %dma_wait3A_66 = arith.constant 0 : i32
    %dma_wait3A_67 = tpu.memref_slice %arg2[%dma_wait3A, %dma_wait3A_65, %dma_wait3A_66] : memref<32x80x128xi32, #tpu.memory_space<hbm>> -> memref<1x80x128xi32, #tpu.memory_space<hbm>>
    %dma_wait3A_68 = tpu.memref_squeeze %dma_wait3A_67 : memref<1x80x128xi32, #tpu.memory_space<hbm>> -> memref<80x128xi32, #tpu.memory_space<hbm>>
    tpu.wait_dma2 semaphore(%arg8 : memref<!tpu.dma_semaphore, #tpu.memory_space<semaphore_mem>>) src(%dma_wait3A_68 : memref<80x128xi32, #tpu.memory_space<hbm>>) dst(%arg4 : memref<80x128xi32, #tpu.memory_space<vmem>>)
    %barrier3A = arith.constant 0 : index
    tpu.barrier barrier_id(%barrier3A)
    %scan3A_69 = arith.constant 0 : i32
    %scan3A_70 = arith.constant 0 : i32
    %scan3A_71 = arith.constant 80 : i32
    %scan3A_72 = arith.addi %scan3A_70, %scan3A_71 : i32
    %scan3A_73 = arith.constant 1 : i32
    scf.for %scan3A_86 = %scan3A_70 to %scan3A_72 step %scan3A_73  : i32 {
      %dma_start3A_87 = arith.constant 0 : i32
      %dma_start3A_88 = tpu.memref_slice %arg4[%scan3A_86, %dma_start3A_87] : memref<80x128xi32, #tpu.memory_space<vmem>> -> memref<1x128xi32, #tpu.memory_space<vmem>>
      %dma_start3A_89 = tpu.memref_squeeze %dma_start3A_88 : memref<1x128xi32, #tpu.memory_space<vmem>> -> memref<128xi32, #tpu.memory_space<vmem>>
      %dma_start3A_90 = arith.constant 0 : i32
      %dma_start3A_91 = tpu.memref_slice %arg7[%dma_start3A_90] : memref<10240xf32, #tpu.memory_space<vmem_shared>> -> memref<10240xf32, #tpu.memory_space<vmem_shared>>
      tpu.enqueue_indirect_dma source(%arg5 : memref<128xf32, #tpu.memory_space<vmem>>) target(%dma_start3A_91 : memref<10240xf32, #tpu.memory_space<vmem_shared>>) offsets(%dma_start3A_89 : memref<128xi32, #tpu.memory_space<vmem>>) semaphore(%arg8 : memref<!tpu.dma_semaphore, #tpu.memory_space<semaphore_mem>>) {add = true}
      %ge3A = arith.constant 6 : i32
      %ge3A_92 = arith.cmpi sge, %scan3A_86, %ge3A : i32
      %convert_element_type3A = arith.extui %ge3A_92 : i1 to i32
      %cond3A = arith.constant 0 : i32
      %cond3A_93 = arith.cmpi ne, %convert_element_type3A, %cond3A : i32
      scf.if %cond3A_93 {
        %dma_wait3A_94 = arith.constant 0 : i32
        %dma_wait3A_95 = arith.constant 0 : i32
        %dma_wait3A_96 = tpu.memref_slice %arg3[%dma_wait3A_94, %dma_wait3A_95] : memref<2x10240xf32, #tpu.memory_space<hbm>> -> memref<1x128xf32, #tpu.memory_space<hbm>>
        %dma_wait3A_97 = tpu.memref_squeeze %dma_wait3A_96 : memref<1x128xf32, #tpu.memory_space<hbm>> -> memref<128xf32, #tpu.memory_space<hbm>>
        %dma_wait3A_98 = arith.constant 0 : i32
        %dma_wait3A_99 = tpu.memref_slice %arg3[%dma_wait3A_94, %dma_wait3A_98] : memref<2x10240xf32, #tpu.memory_space<hbm>> -> memref<1x128xf32, #tpu.memory_space<hbm>>
        %dma_wait3A_100 = tpu.memref_squeeze %dma_wait3A_99 : memref<1x128xf32, #tpu.memory_space<hbm>> -> memref<128xf32, #tpu.memory_space<hbm>>
        tpu.wait_dma2 semaphore(%arg8 : memref<!tpu.dma_semaphore, #tpu.memory_space<semaphore_mem>>) src(%dma_wait3A_100 : memref<128xf32, #tpu.memory_space<hbm>>) dst(%arg5 : memref<128xf32, #tpu.memory_space<vmem>>)
      } else {
      }
    }
    %scan3A_74 = arith.constant 80 : i32
    %scan3A_75 = arith.constant 0 : i32
    %scan3A_76 = arith.constant 0 : i32
    %scan3A_77 = arith.constant 6 : i32
    %scan3A_78 = arith.addi %scan3A_76, %scan3A_77 : i32
    %scan3A_79 = arith.constant 1 : i32
    scf.for %scan3A_86 = %scan3A_76 to %scan3A_78 step %scan3A_79  : i32 {
      %dma_wait3A_87 = arith.constant 0 : i32
      %dma_wait3A_88 = arith.constant 0 : i32
      %dma_wait3A_89 = tpu.memref_slice %arg3[%dma_wait3A_87, %dma_wait3A_88] : memref<2x10240xf32, #tpu.memory_space<hbm>> -> memref<1x128xf32, #tpu.memory_space<hbm>>
      %dma_wait3A_90 = tpu.memref_squeeze %dma_wait3A_89 : memref<1x128xf32, #tpu.memory_space<hbm>> -> memref<128xf32, #tpu.memory_space<hbm>>
      %dma_wait3A_91 = arith.constant 0 : i32
      %dma_wait3A_92 = tpu.memref_slice %arg3[%dma_wait3A_87, %dma_wait3A_91] : memref<2x10240xf32, #tpu.memory_space<hbm>> -> memref<1x128xf32, #tpu.memory_space<hbm>>
      %dma_wait3A_93 = tpu.memref_squeeze %dma_wait3A_92 : memref<1x128xf32, #tpu.memory_space<hbm>> -> memref<128xf32, #tpu.memory_space<hbm>>
      tpu.wait_dma2 semaphore(%arg8 : memref<!tpu.dma_semaphore, #tpu.memory_space<semaphore_mem>>) src(%dma_wait3A_93 : memref<128xf32, #tpu.memory_space<hbm>>) dst(%arg5 : memref<128xf32, #tpu.memory_space<vmem>>)
    }
    %scan3A_80 = arith.constant 6 : i32
    %barrier3A_81 = arith.constant 0 : index
    tpu.barrier barrier_id(%barrier3A_81)
    %mul3A_82 = arith.constant 640 : i32
    %mul3A_83 = arith.muli %arg1, %mul3A_82 : i32
    %mul3A_84 = arith.constant 640 : i32
    %mul3A_85 = arith.muli %arg1, %mul3A_84 : i32
    "tpu.region"() ({
      %run_scoped3A = tpu.sem_alloc : memref<!tpu.dma_semaphore, #tpu.memory_space<semaphore_mem>>
      %dma_start3A_86 = tpu.memref_slice %arg3[%arg0, %mul3A_85] : memref<2x10240xf32, #tpu.memory_space<hbm>> -> memref<1x640xf32, #tpu.memory_space<hbm>>
      %dma_start3A_87 = tpu.memref_squeeze %dma_start3A_86 : memref<1x640xf32, #tpu.memory_space<hbm>> -> memref<640xf32, #tpu.memory_space<hbm>>
      %dma_start3A_88 = tpu.memref_slice %arg7[%mul3A_83] : memref<10240xf32, #tpu.memory_space<vmem_shared>> -> memref<640xf32, #tpu.memory_space<vmem_shared>>
      tpu.enqueue_dma source(%dma_start3A_88 : memref<640xf32, #tpu.memory_space<vmem_shared>>) target(%dma_start3A_87 : memref<640xf32, #tpu.memory_space<hbm>>) target_semaphore(%run_scoped3A : memref<!tpu.dma_semaphore, #tpu.memory_space<semaphore_mem>>)
      %dma_wait3A_89 = tpu.memref_slice %arg3[%arg0, %mul3A_85] : memref<2x10240xf32, #tpu.memory_space<hbm>> -> memref<1x640xf32, #tpu.memory_space<hbm>>
      %dma_wait3A_90 = tpu.memref_squeeze %dma_wait3A_89 : memref<1x640xf32, #tpu.memory_space<hbm>> -> memref<640xf32, #tpu.memory_space<hbm>>
      %dma_wait3A_91 = tpu.memref_slice %arg7[%mul3A_83] : memref<10240xf32, #tpu.memory_space<vmem_shared>> -> memref<640xf32, #tpu.memory_space<vmem_shared>>
      tpu.wait_dma2 semaphore(%run_scoped3A : memref<!tpu.dma_semaphore, #tpu.memory_space<semaphore_mem>>) src(%dma_wait3A_91 : memref<640xf32, #tpu.memory_space<vmem_shared>>) dst(%dma_wait3A_90 : memref<640xf32, #tpu.memory_space<hbm>>)
      tpu.yield
    }) : () -> ()
    return
  }
}

#map = affine_map<(d0, d1) -> (0, 0)>
#map1 = affine_map<(d0, d1) -> (0, 0, 0)>
module attributes {stable_mosaic.version = 14 : i64} {
  func.func @_sc_agg(%arg0: i32, %arg1: i32, %arg2: memref<10240x128xf32, #tpu.memory_space<hbm>>, %arg3: memref<3648x2x88xi32, #tpu.memory_space<hbm>>, %arg4: memref<2x10240x128xf32, #tpu.memory_space<hbm>>, %arg5: memref<2x88xi32, #tpu.memory_space<vmem>>, %arg6: memref<2x88xi32, #tpu.memory_space<vmem>>, %arg7: memref<2x88xi32, #tpu.memory_space<vmem>>, %arg8: memref<2x88xi32, #tpu.memory_space<vmem>>, %arg9: memref<88x128xf32, #tpu.memory_space<vmem>>, %arg10: memref<88x128xf32, #tpu.memory_space<vmem>>, %arg11: memref<88x128xf32, #tpu.memory_space<vmem>>, %arg12: memref<88x128xf32, #tpu.memory_space<vmem>>, %arg13: memref<10240x128xf32, #tpu.memory_space<vmem_shared>>, %arg14: memref<!tpu.dma_semaphore, #tpu.memory_space<semaphore_mem>>, %arg15: memref<!tpu.dma_semaphore, #tpu.memory_space<semaphore_mem>>, %arg16: memref<!tpu.dma_semaphore, #tpu.memory_space<semaphore_mem>>, %arg17: memref<!tpu.dma_semaphore, #tpu.memory_space<semaphore_mem>>, %arg18: memref<!tpu.dma_semaphore, #tpu.memory_space<semaphore_mem>>, %arg19: memref<!tpu.dma_semaphore, #tpu.memory_space<semaphore_mem>>, %arg20: memref<!tpu.dma_semaphore, #tpu.memory_space<semaphore_mem>>, %arg21: memref<!tpu.dma_semaphore, #tpu.memory_space<semaphore_mem>>) attributes {dimension_semantics = [#tpu.dimension_semantics<core_parallel>, #tpu.dimension_semantics<subcore_parallel>], iteration_bounds = array<i64: 2, 16>, scalar_prefetch = 0 : i64, scratch_operands = 17 : i64, tpu.core_type = #tpu.core_type<sc_vector_subcore>, window_params = [{transform_indices = #map}, {transform_indices = #map1}, {transform_indices = #map1}]} {
    %eq3A = arith.constant 0 : i32
    %eq3A_0 = arith.cmpi eq, %arg0, %eq3A : i32
    %mul3A = arith.constant 148 : i32
    %mul3A_1 = arith.muli %arg1, %mul3A : i32
    %mul3A_2 = arith.constant 80 : i32
    %mul3A_3 = arith.muli %arg1, %mul3A_2 : i32
    %add3A = arith.constant 2368 : i32
    %add3A_4 = arith.addi %add3A, %mul3A_3 : i32
    %select_n3A = arith.select %eq3A_0, %mul3A_1, %add3A_4 : i32
    %eq3A_5 = arith.constant 0 : i32
    %eq3A_6 = arith.cmpi eq, %arg0, %eq3A_5 : i32
    %jit3A = arith.constant 148 : i32
    %jit3A_7 = arith.constant 80 : i32
    %select_n3A_8 = arith.select %eq3A_6, %jit3A, %jit3A_7 : i32
    %jit3A_9 = arith.constant 4 : i32
    %div3A = arith.divsi %select_n3A_8, %jit3A_9 : i32
    %sign3A = arith.constant 0 : i32
    %sign3A_10 = arith.cmpi sgt, %select_n3A_8, %sign3A : i32
    %sign3A_11 = arith.extui %sign3A_10 : i1 to i32
    %sign3A_12 = arith.constant 0 : i32
    %sign3A_13 = arith.cmpi slt, %select_n3A_8, %sign3A_12 : i32
    %sign3A_14 = arith.extui %sign3A_13 : i1 to i32
    %sign3A_15 = arith.subi %sign3A_11, %sign3A_14 : i32
    %sign3A_16 = arith.constant 0 : i32
    %sign3A_17 = arith.cmpi sgt, %jit3A_9, %sign3A_16 : i32
    %sign3A_18 = arith.extui %sign3A_17 : i1 to i32
    %sign3A_19 = arith.constant 0 : i32
    %sign3A_20 = arith.cmpi slt, %jit3A_9, %sign3A_19 : i32
    %sign3A_21 = arith.extui %sign3A_20 : i1 to i32
    %sign3A_22 = arith.subi %sign3A_18, %sign3A_21 : i32
    %ne3A = arith.cmpi ne, %sign3A_15, %sign3A_22 : i32
    %rem3A = arith.remsi %select_n3A_8, %jit3A_9 : i32
    %ne3A_23 = arith.constant 0 : i32
    %ne3A_24 = arith.cmpi ne, %rem3A, %ne3A_23 : i32
    %and3A = arith.andi %ne3A, %ne3A_24 : i1
    %sub3A = arith.constant 1 : i32
    %sub3A_25 = arith.subi %div3A, %sub3A : i32
    %select_n3A_26 = arith.select %and3A, %sub3A_25, %div3A : i32
    %sub3A_27 = arith.constant 1 : i32
    %sub3A_28 = arith.subi %select_n3A_26, %sub3A_27 : i32
    %add3A_29 = arith.constant 0 : i32
    %add3A_30 = arith.addi %select_n3A, %add3A_29 : i32
    %dma_start3A = arith.constant 0 : i32
    %dma_start3A_31 = arith.constant 0 : i32
    %dma_start3A_32 = tpu.memref_slice %arg3[%add3A_30, %dma_start3A, %dma_start3A_31] : memref<3648x2x88xi32, #tpu.memory_space<hbm>> -> memref<1x2x88xi32, #tpu.memory_space<hbm>>
    %dma_start3A_33 = tpu.memref_squeeze %dma_start3A_32 : memref<1x2x88xi32, #tpu.memory_space<hbm>> -> memref<2x88xi32, #tpu.memory_space<hbm>>
    %dma_start3A_34 = arith.constant 0 : i32
    %dma_start3A_35 = arith.constant 0 : i32
    %dma_start3A_36 = tpu.memref_slice %arg3[%add3A_30, %dma_start3A_34, %dma_start3A_35] : memref<3648x2x88xi32, #tpu.memory_space<hbm>> -> memref<1x2x88xi32, #tpu.memory_space<hbm>>
    %dma_start3A_37 = tpu.memref_squeeze %dma_start3A_36 : memref<1x2x88xi32, #tpu.memory_space<hbm>> -> memref<2x88xi32, #tpu.memory_space<hbm>>
    tpu.enqueue_dma source(%dma_start3A_37 : memref<2x88xi32, #tpu.memory_space<hbm>>) target(%arg5 : memref<2x88xi32, #tpu.memory_space<vmem>>) target_semaphore(%arg18 : memref<!tpu.dma_semaphore, #tpu.memory_space<semaphore_mem>>)
    %add3A_38 = arith.constant 1 : i32
    %add3A_39 = arith.addi %select_n3A, %add3A_38 : i32
    %dma_start3A_40 = arith.constant 0 : i32
    %dma_start3A_41 = arith.constant 0 : i32
    %dma_start3A_42 = tpu.memref_slice %arg3[%add3A_39, %dma_start3A_40, %dma_start3A_41] : memref<3648x2x88xi32, #tpu.memory_space<hbm>> -> memref<1x2x88xi32, #tpu.memory_space<hbm>>
    %dma_start3A_43 = tpu.memref_squeeze %dma_start3A_42 : memref<1x2x88xi32, #tpu.memory_space<hbm>> -> memref<2x88xi32, #tpu.memory_space<hbm>>
    %dma_start3A_44 = arith.constant 0 : i32
    %dma_start3A_45 = arith.constant 0 : i32
    %dma_start3A_46 = tpu.memref_slice %arg3[%add3A_39, %dma_start3A_44, %dma_start3A_45] : memref<3648x2x88xi32, #tpu.memory_space<hbm>> -> memref<1x2x88xi32, #tpu.memory_space<hbm>>
    %dma_start3A_47 = tpu.memref_squeeze %dma_start3A_46 : memref<1x2x88xi32, #tpu.memory_space<hbm>> -> memref<2x88xi32, #tpu.memory_space<hbm>>
    tpu.enqueue_dma source(%dma_start3A_47 : memref<2x88xi32, #tpu.memory_space<hbm>>) target(%arg6 : memref<2x88xi32, #tpu.memory_space<vmem>>) target_semaphore(%arg19 : memref<!tpu.dma_semaphore, #tpu.memory_space<semaphore_mem>>)
    %add3A_48 = arith.constant 2 : i32
    %add3A_49 = arith.addi %select_n3A, %add3A_48 : i32
    %dma_start3A_50 = arith.constant 0 : i32
    %dma_start3A_51 = arith.constant 0 : i32
    %dma_start3A_52 = tpu.memref_slice %arg3[%add3A_49, %dma_start3A_50, %dma_start3A_51] : memref<3648x2x88xi32, #tpu.memory_space<hbm>> -> memref<1x2x88xi32, #tpu.memory_space<hbm>>
    %dma_start3A_53 = tpu.memref_squeeze %dma_start3A_52 : memref<1x2x88xi32, #tpu.memory_space<hbm>> -> memref<2x88xi32, #tpu.memory_space<hbm>>
    %dma_start3A_54 = arith.constant 0 : i32
    %dma_start3A_55 = arith.constant 0 : i32
    %dma_start3A_56 = tpu.memref_slice %arg3[%add3A_49, %dma_start3A_54, %dma_start3A_55] : memref<3648x2x88xi32, #tpu.memory_space<hbm>> -> memref<1x2x88xi32, #tpu.memory_space<hbm>>
    %dma_start3A_57 = tpu.memref_squeeze %dma_start3A_56 : memref<1x2x88xi32, #tpu.memory_space<hbm>> -> memref<2x88xi32, #tpu.memory_space<hbm>>
    tpu.enqueue_dma source(%dma_start3A_57 : memref<2x88xi32, #tpu.memory_space<hbm>>) target(%arg7 : memref<2x88xi32, #tpu.memory_space<vmem>>) target_semaphore(%arg20 : memref<!tpu.dma_semaphore, #tpu.memory_space<semaphore_mem>>)
    %add3A_58 = arith.constant 3 : i32
    %add3A_59 = arith.addi %select_n3A, %add3A_58 : i32
    %dma_start3A_60 = arith.constant 0 : i32
    %dma_start3A_61 = arith.constant 0 : i32
    %dma_start3A_62 = tpu.memref_slice %arg3[%add3A_59, %dma_start3A_60, %dma_start3A_61] : memref<3648x2x88xi32, #tpu.memory_space<hbm>> -> memref<1x2x88xi32, #tpu.memory_space<hbm>>
    %dma_start3A_63 = tpu.memref_squeeze %dma_start3A_62 : memref<1x2x88xi32, #tpu.memory_space<hbm>> -> memref<2x88xi32, #tpu.memory_space<hbm>>
    %dma_start3A_64 = arith.constant 0 : i32
    %dma_start3A_65 = arith.constant 0 : i32
    %dma_start3A_66 = tpu.memref_slice %arg3[%add3A_59, %dma_start3A_64, %dma_start3A_65] : memref<3648x2x88xi32, #tpu.memory_space<hbm>> -> memref<1x2x88xi32, #tpu.memory_space<hbm>>
    %dma_start3A_67 = tpu.memref_squeeze %dma_start3A_66 : memref<1x2x88xi32, #tpu.memory_space<hbm>> -> memref<2x88xi32, #tpu.memory_space<hbm>>
    tpu.enqueue_dma source(%dma_start3A_67 : memref<2x88xi32, #tpu.memory_space<hbm>>) target(%arg8 : memref<2x88xi32, #tpu.memory_space<vmem>>) target_semaphore(%arg21 : memref<!tpu.dma_semaphore, #tpu.memory_space<semaphore_mem>>)
    %scan3A = arith.constant 0 : i32
    %scan3A_68 = arith.constant 0 : i32
    %scan3A_69 = arith.constant 88 : i32
    %scan3A_70 = arith.addi %scan3A_68, %scan3A_69 : i32
    %scan3A_71 = arith.constant 1 : i32
    scf.for %scan3A_209 = %scan3A_68 to %scan3A_70 step %scan3A_71  : i32 {
      %broadcast_in_dim3A = arith.constant 0.000000e+00 : f32
      %broadcast_in_dim3A_210 = vector.broadcast %broadcast_in_dim3A : f32 to vector<16xf32>
      %swap3A = arith.index_cast %scan3A_209 : i32 to index
      %swap3A_211 = arith.constant 0 : index
      %swap3A_212 = tpu.vector_load %arg12[%swap3A, %swap3A_211] {strides = array<i32>} : memref<88x128xf32, #tpu.memory_space<vmem>>, vector<1x16xf32>,
      %swap3A_213 = vector.shape_cast %swap3A_212 : vector<1x16xf32> to vector<16xf32>
      %swap3A_214 = vector.shape_cast %broadcast_in_dim3A_210 : vector<16xf32> to vector<1x16xf32>
      tpu.vector_store %arg12[%swap3A, %swap3A_211], %swap3A_214 {strides = array<i32>} : memref<88x128xf32, #tpu.memory_space<vmem>>, vector<1x16xf32>,
      %broadcast_in_dim3A_215 = arith.constant 0.000000e+00 : f32
      %broadcast_in_dim3A_216 = vector.broadcast %broadcast_in_dim3A_215 : f32 to vector<16xf32>
      %swap3A_217 = arith.index_cast %scan3A_209 : i32 to index
      %swap3A_218 = arith.constant 16 : index
      %swap3A_219 = tpu.vector_load %arg12[%swap3A_217, %swap3A_218] {strides = array<i32>} : memref<88x128xf32, #tpu.memory_space<vmem>>, vector<1x16xf32>,
      %swap3A_220 = vector.shape_cast %swap3A_219 : vector<1x16xf32> to vector<16xf32>
      %swap3A_221 = vector.shape_cast %broadcast_in_dim3A_216 : vector<16xf32> to vector<1x16xf32>
      tpu.vector_store %arg12[%swap3A_217, %swap3A_218], %swap3A_221 {strides = array<i32>} : memref<88x128xf32, #tpu.memory_space<vmem>>, vector<1x16xf32>,
      %broadcast_in_dim3A_222 = arith.constant 0.000000e+00 : f32
      %broadcast_in_dim3A_223 = vector.broadcast %broadcast_in_dim3A_222 : f32 to vector<16xf32>
      %swap3A_224 = arith.index_cast %scan3A_209 : i32 to index
      %swap3A_225 = arith.constant 32 : index
      %swap3A_226 = tpu.vector_load %arg12[%swap3A_224, %swap3A_225] {strides = array<i32>} : memref<88x128xf32, #tpu.memory_space<vmem>>, vector<1x16xf32>,
      %swap3A_227 = vector.shape_cast %swap3A_226 : vector<1x16xf32> to vector<16xf32>
      %swap3A_228 = vector.shape_cast %broadcast_in_dim3A_223 : vector<16xf32> to vector<1x16xf32>
      tpu.vector_store %arg12[%swap3A_224, %swap3A_225], %swap3A_228 {strides = array<i32>} : memref<88x128xf32, #tpu.memory_space<vmem>>, vector<1x16xf32>,
      %broadcast_in_dim3A_229 = arith.constant 0.000000e+00 : f32
      %broadcast_in_dim3A_230 = vector.broadcast %broadcast_in_dim3A_229 : f32 to vector<16xf32>
      %swap3A_231 = arith.index_cast %scan3A_209 : i32 to index
      %swap3A_232 = arith.constant 48 : index
      %swap3A_233 = tpu.vector_load %arg12[%swap3A_231, %swap3A_232] {strides = array<i32>} : memref<88x128xf32, #tpu.memory_space<vmem>>, vector<1x16xf32>,
      %swap3A_234 = vector.shape_cast %swap3A_233 : vector<1x16xf32> to vector<16xf32>
      %swap3A_235 = vector.shape_cast %broadcast_in_dim3A_230 : vector<16xf32> to vector<1x16xf32>
      tpu.vector_store %arg12[%swap3A_231, %swap3A_232], %swap3A_235 {strides = array<i32>} : memref<88x128xf32, #tpu.memory_space<vmem>>, vector<1x16xf32>,
      %broadcast_in_dim3A_236 = arith.constant 0.000000e+00 : f32
      %broadcast_in_dim3A_237 = vector.broadcast %broadcast_in_dim3A_236 : f32 to vector<16xf32>
      %swap3A_238 = arith.index_cast %scan3A_209 : i32 to index
      %swap3A_239 = arith.constant 64 : index
      %swap3A_240 = tpu.vector_load %arg12[%swap3A_238, %swap3A_239] {strides = array<i32>} : memref<88x128xf32, #tpu.memory_space<vmem>>, vector<1x16xf32>,
      %swap3A_241 = vector.shape_cast %swap3A_240 : vector<1x16xf32> to vector<16xf32>
      %swap3A_242 = vector.shape_cast %broadcast_in_dim3A_237 : vector<16xf32> to vector<1x16xf32>
      tpu.vector_store %arg12[%swap3A_238, %swap3A_239], %swap3A_242 {strides = array<i32>} : memref<88x128xf32, #tpu.memory_space<vmem>>, vector<1x16xf32>,
      %broadcast_in_dim3A_243 = arith.constant 0.000000e+00 : f32
      %broadcast_in_dim3A_244 = vector.broadcast %broadcast_in_dim3A_243 : f32 to vector<16xf32>
      %swap3A_245 = arith.index_cast %scan3A_209 : i32 to index
      %swap3A_246 = arith.constant 80 : index
      %swap3A_247 = tpu.vector_load %arg12[%swap3A_245, %swap3A_246] {strides = array<i32>} : memref<88x128xf32, #tpu.memory_space<vmem>>, vector<1x16xf32>,
      %swap3A_248 = vector.shape_cast %swap3A_247 : vector<1x16xf32> to vector<16xf32>
      %swap3A_249 = vector.shape_cast %broadcast_in_dim3A_244 : vector<16xf32> to vector<1x16xf32>
      tpu.vector_store %arg12[%swap3A_245, %swap3A_246], %swap3A_249 {strides = array<i32>} : memref<88x128xf32, #tpu.memory_space<vmem>>, vector<1x16xf32>,
      %broadcast_in_dim3A_250 = arith.constant 0.000000e+00 : f32
      %broadcast_in_dim3A_251 = vector.broadcast %broadcast_in_dim3A_250 : f32 to vector<16xf32>
      %swap3A_252 = arith.index_cast %scan3A_209 : i32 to index
      %swap3A_253 = arith.constant 96 : index
      %swap3A_254 = tpu.vector_load %arg12[%swap3A_252, %swap3A_253] {strides = array<i32>} : memref<88x128xf32, #tpu.memory_space<vmem>>, vector<1x16xf32>,
      %swap3A_255 = vector.shape_cast %swap3A_254 : vector<1x16xf32> to vector<16xf32>
      %swap3A_256 = vector.shape_cast %broadcast_in_dim3A_251 : vector<16xf32> to vector<1x16xf32>
      tpu.vector_store %arg12[%swap3A_252, %swap3A_253], %swap3A_256 {strides = array<i32>} : memref<88x128xf32, #tpu.memory_space<vmem>>, vector<1x16xf32>,
      %broadcast_in_dim3A_257 = arith.constant 0.000000e+00 : f32
      %broadcast_in_dim3A_258 = vector.broadcast %broadcast_in_dim3A_257 : f32 to vector<16xf32>
      %swap3A_259 = arith.index_cast %scan3A_209 : i32 to index
      %swap3A_260 = arith.constant 112 : index
      %swap3A_261 = tpu.vector_load %arg12[%swap3A_259, %swap3A_260] {strides = array<i32>} : memref<88x128xf32, #tpu.memory_space<vmem>>, vector<1x16xf32>,
      %swap3A_262 = vector.shape_cast %swap3A_261 : vector<1x16xf32> to vector<16xf32>
      %swap3A_263 = vector.shape_cast %broadcast_in_dim3A_258 : vector<16xf32> to vector<1x16xf32>
      tpu.vector_store %arg12[%swap3A_259, %swap3A_260], %swap3A_263 {strides = array<i32>} : memref<88x128xf32, #tpu.memory_space<vmem>>, vector<1x16xf32>,
    }
    %scan3A_72 = arith.constant 88 : i32
    %dma_wait3A = arith.constant 0 : i32
    %dma_wait3A_73 = arith.constant 0 : i32
    %dma_wait3A_74 = arith.constant 0 : i32
    %dma_wait3A_75 = tpu.memref_slice %arg3[%dma_wait3A, %dma_wait3A_73, %dma_wait3A_74] : memref<3648x2x88xi32, #tpu.memory_space<hbm>> -> memref<1x2x88xi32, #tpu.memory_space<hbm>>
    %dma_wait3A_76 = tpu.memref_squeeze %dma_wait3A_75 : memref<1x2x88xi32, #tpu.memory_space<hbm>> -> memref<2x88xi32, #tpu.memory_space<hbm>>
    %dma_wait3A_77 = arith.constant 0 : i32
    %dma_wait3A_78 = arith.constant 0 : i32
    %dma_wait3A_79 = tpu.memref_slice %arg3[%dma_wait3A, %dma_wait3A_77, %dma_wait3A_78] : memref<3648x2x88xi32, #tpu.memory_space<hbm>> -> memref<1x2x88xi32, #tpu.memory_space<hbm>>
    %dma_wait3A_80 = tpu.memref_squeeze %dma_wait3A_79 : memref<1x2x88xi32, #tpu.memory_space<hbm>> -> memref<2x88xi32, #tpu.memory_space<hbm>>
    tpu.wait_dma2 semaphore(%arg18 : memref<!tpu.dma_semaphore, #tpu.memory_space<semaphore_mem>>) src(%dma_wait3A_80 : memref<2x88xi32, #tpu.memory_space<hbm>>) dst(%arg5 : memref<2x88xi32, #tpu.memory_space<vmem>>)
    %dma_start3A_81 = arith.constant 0 : i32
    %dma_start3A_82 = arith.constant 0 : i32
    %dma_start3A_83 = tpu.memref_slice %arg5[%dma_start3A_81, %dma_start3A_82] : memref<2x88xi32, #tpu.memory_space<vmem>> -> memref<1x88xi32, #tpu.memory_space<vmem>>
    %dma_start3A_84 = tpu.memref_squeeze %dma_start3A_83 : memref<1x88xi32, #tpu.memory_space<vmem>> -> memref<88xi32, #tpu.memory_space<vmem>>
    %dma_start3A_85 = arith.constant 0 : i32
    %dma_start3A_86 = arith.constant 0 : i32
    %dma_start3A_87 = tpu.memref_slice %arg2[%dma_start3A_85, %dma_start3A_86] : memref<10240x128xf32, #tpu.memory_space<hbm>> -> memref<10240x128xf32, #tpu.memory_space<hbm>>
    tpu.enqueue_indirect_dma source(%dma_start3A_87 : memref<10240x128xf32, #tpu.memory_space<hbm>>) target(%arg9 : memref<88x128xf32, #tpu.memory_space<vmem>>) offsets(%dma_start3A_84 : memref<88xi32, #tpu.memory_space<vmem>>) semaphore(%arg14 : memref<!tpu.dma_semaphore, #tpu.memory_space<semaphore_mem>>)
    %dma_wait3A_88 = arith.constant 0 : i32
    %dma_wait3A_89 = arith.constant 0 : i32
    %dma_wait3A_90 = arith.constant 0 : i32
    %dma_wait3A_91 = tpu.memref_slice %arg3[%dma_wait3A_88, %dma_wait3A_89, %dma_wait3A_90] : memref<3648x2x88xi32, #tpu.memory_space<hbm>> -> memref<1x2x88xi32, #tpu.memory_space<hbm>>
    %dma_wait3A_92 = tpu.memref_squeeze %dma_wait3A_91 : memref<1x2x88xi32, #tpu.memory_space<hbm>> -> memref<2x88xi32, #tpu.memory_space<hbm>>
    %dma_wait3A_93 = arith.constant 0 : i32
    %dma_wait3A_94 = arith.constant 0 : i32
    %dma_wait3A_95 = tpu.memref_slice %arg3[%dma_wait3A_88, %dma_wait3A_93, %dma_wait3A_94] : memref<3648x2x88xi32, #tpu.memory_space<hbm>> -> memref<1x2x88xi32, #tpu.memory_space<hbm>>
    %dma_wait3A_96 = tpu.memref_squeeze %dma_wait3A_95 : memref<1x2x88xi32, #tpu.memory_space<hbm>> -> memref<2x88xi32, #tpu.memory_space<hbm>>
    tpu.wait_dma2 semaphore(%arg19 : memref<!tpu.dma_semaphore, #tpu.memory_space<semaphore_mem>>) src(%dma_wait3A_96 : memref<2x88xi32, #tpu.memory_space<hbm>>) dst(%arg6 : memref<2x88xi32, #tpu.memory_space<vmem>>)
    %dma_start3A_97 = arith.constant 0 : i32
    %dma_start3A_98 = arith.constant 0 : i32
    %dma_start3A_99 = tpu.memref_slice %arg6[%dma_start3A_97, %dma_start3A_98] : memref<2x88xi32, #tpu.memory_space<vmem>> -> memref<1x88xi32, #tpu.memory_space<vmem>>
    %dma_start3A_100 = tpu.memref_squeeze %dma_start3A_99 : memref<1x88xi32, #tpu.memory_space<vmem>> -> memref<88xi32, #tpu.memory_space<vmem>>
    %dma_start3A_101 = arith.constant 0 : i32
    %dma_start3A_102 = arith.constant 0 : i32
    %dma_start3A_103 = tpu.memref_slice %arg2[%dma_start3A_101, %dma_start3A_102] : memref<10240x128xf32, #tpu.memory_space<hbm>> -> memref<10240x128xf32, #tpu.memory_space<hbm>>
    tpu.enqueue_indirect_dma source(%dma_start3A_103 : memref<10240x128xf32, #tpu.memory_space<hbm>>) target(%arg10 : memref<88x128xf32, #tpu.memory_space<vmem>>) offsets(%dma_start3A_100 : memref<88xi32, #tpu.memory_space<vmem>>) semaphore(%arg15 : memref<!tpu.dma_semaphore, #tpu.memory_space<semaphore_mem>>)
    %dma_wait3A_104 = arith.constant 0 : i32
    %dma_wait3A_105 = arith.constant 0 : i32
    %dma_wait3A_106 = arith.constant 0 : i32
    %dma_wait3A_107 = tpu.memref_slice %arg3[%dma_wait3A_104, %dma_wait3A_105, %dma_wait3A_106] : memref<3648x2x88xi32, #tpu.memory_space<hbm>> -> memref<1x2x88xi32, #tpu.memory_space<hbm>>
    %dma_wait3A_108 = tpu.memref_squeeze %dma_wait3A_107 : memref<1x2x88xi32, #tpu.memory_space<hbm>> -> memref<2x88xi32, #tpu.memory_space<hbm>>
    %dma_wait3A_109 = arith.constant 0 : i32
    %dma_wait3A_110 = arith.constant 0 : i32
    %dma_wait3A_111 = tpu.memref_slice %arg3[%dma_wait3A_104, %dma_wait3A_109, %dma_wait3A_110] : memref<3648x2x88xi32, #tpu.memory_space<hbm>> -> memref<1x2x88xi32, #tpu.memory_space<hbm>>
    %dma_wait3A_112 = tpu.memref_squeeze %dma_wait3A_111 : memref<1x2x88xi32, #tpu.memory_space<hbm>> -> memref<2x88xi32, #tpu.memory_space<hbm>>
    tpu.wait_dma2 semaphore(%arg20 : memref<!tpu.dma_semaphore, #tpu.memory_space<semaphore_mem>>) src(%dma_wait3A_112 : memref<2x88xi32, #tpu.memory_space<hbm>>) dst(%arg7 : memref<2x88xi32, #tpu.memory_space<vmem>>)
    %dma_start3A_113 = arith.constant 0 : i32
    %dma_start3A_114 = arith.constant 0 : i32
    %dma_start3A_115 = tpu.memref_slice %arg7[%dma_start3A_113, %dma_start3A_114] : memref<2x88xi32, #tpu.memory_space<vmem>> -> memref<1x88xi32, #tpu.memory_space<vmem>>
    %dma_start3A_116 = tpu.memref_squeeze %dma_start3A_115 : memref<1x88xi32, #tpu.memory_space<vmem>> -> memref<88xi32, #tpu.memory_space<vmem>>
    %dma_start3A_117 = arith.constant 0 : i32
    %dma_start3A_118 = arith.constant 0 : i32
    %dma_start3A_119 = tpu.memref_slice %arg2[%dma_start3A_117, %dma_start3A_118] : memref<10240x128xf32, #tpu.memory_space<hbm>> -> memref<10240x128xf32, #tpu.memory_space<hbm>>
    tpu.enqueue_indirect_dma source(%dma_start3A_119 : memref<10240x128xf32, #tpu.memory_space<hbm>>) target(%arg11 : memref<88x128xf32, #tpu.memory_space<vmem>>) offsets(%dma_start3A_116 : memref<88xi32, #tpu.memory_space<vmem>>) semaphore(%arg16 : memref<!tpu.dma_semaphore, #tpu.memory_space<semaphore_mem>>)
    %mul3A_120 = arith.constant 640 : i32
    %mul3A_121 = arith.muli %arg1, %mul3A_120 : i32
    %add3A_122 = arith.constant 0 : i32
    %add3A_123 = arith.addi %mul3A_121, %add3A_122 : i32
    "tpu.region"() ({
      %run_scoped3A_209 = tpu.sem_alloc : memref<!tpu.dma_semaphore, #tpu.memory_space<semaphore_mem>>
      %dma_start3A_210 = arith.constant 0 : i32
      %dma_start3A_211 = tpu.memref_slice %arg13[%add3A_123, %dma_start3A_210] : memref<10240x128xf32, #tpu.memory_space<vmem_shared>> -> memref<88x128xf32, #tpu.memory_space<vmem_shared>>
      %dma_start3A_212 = arith.constant 0 : i32
      %dma_start3A_213 = tpu.memref_slice %arg13[%add3A_123, %dma_start3A_212] : memref<10240x128xf32, #tpu.memory_space<vmem_shared>> -> memref<88x128xf32, #tpu.memory_space<vmem_shared>>
      tpu.enqueue_dma source(%arg12 : memref<88x128xf32, #tpu.memory_space<vmem>>) target(%dma_start3A_213 : memref<88x128xf32, #tpu.memory_space<vmem_shared>>) target_semaphore(%run_scoped3A_209 : memref<!tpu.dma_semaphore, #tpu.memory_space<semaphore_mem>>)
      %dma_wait3A_214 = arith.constant 0 : i32
      %dma_wait3A_215 = tpu.memref_slice %arg13[%add3A_123, %dma_wait3A_214] : memref<10240x128xf32, #tpu.memory_space<vmem_shared>> -> memref<88x128xf32, #tpu.memory_space<vmem_shared>>
      %dma_wait3A_216 = arith.constant 0 : i32
      %dma_wait3A_217 = tpu.memref_slice %arg13[%add3A_123, %dma_wait3A_216] : memref<10240x128xf32, #tpu.memory_space<vmem_shared>> -> memref<88x128xf32, #tpu.memory_space<vmem_shared>>
      tpu.wait_dma2 semaphore(%run_scoped3A_209 : memref<!tpu.dma_semaphore, #tpu.memory_space<semaphore_mem>>) src(%arg12 : memref<88x128xf32, #tpu.memory_space<vmem>>) dst(%dma_wait3A_217 : memref<88x128xf32, #tpu.memory_space<vmem_shared>>)
      tpu.yield
    }) : () -> ()
    %mul3A_124 = arith.constant 640 : i32
    %mul3A_125 = arith.muli %arg1, %mul3A_124 : i32
    %add3A_126 = arith.constant 88 : i32
    %add3A_127 = arith.addi %mul3A_125, %add3A_126 : i32
    "tpu.region"() ({
      %run_scoped3A_209 = tpu.sem_alloc : memref<!tpu.dma_semaphore, #tpu.memory_space<semaphore_mem>>
      %dma_start3A_210 = arith.constant 0 : i32
      %dma_start3A_211 = tpu.memref_slice %arg13[%add3A_127, %dma_start3A_210] : memref<10240x128xf32, #tpu.memory_space<vmem_shared>> -> memref<88x128xf32, #tpu.memory_space<vmem_shared>>
      %dma_start3A_212 = arith.constant 0 : i32
      %dma_start3A_213 = tpu.memref_slice %arg13[%add3A_127, %dma_start3A_212] : memref<10240x128xf32, #tpu.memory_space<vmem_shared>> -> memref<88x128xf32, #tpu.memory_space<vmem_shared>>
      tpu.enqueue_dma source(%arg12 : memref<88x128xf32, #tpu.memory_space<vmem>>) target(%dma_start3A_213 : memref<88x128xf32, #tpu.memory_space<vmem_shared>>) target_semaphore(%run_scoped3A_209 : memref<!tpu.dma_semaphore, #tpu.memory_space<semaphore_mem>>)
      %dma_wait3A_214 = arith.constant 0 : i32
      %dma_wait3A_215 = tpu.memref_slice %arg13[%add3A_127, %dma_wait3A_214] : memref<10240x128xf32, #tpu.memory_space<vmem_shared>> -> memref<88x128xf32, #tpu.memory_space<vmem_shared>>
      %dma_wait3A_216 = arith.constant 0 : i32
      %dma_wait3A_217 = tpu.memref_slice %arg13[%add3A_127, %dma_wait3A_216] : memref<10240x128xf32, #tpu.memory_space<vmem_shared>> -> memref<88x128xf32, #tpu.memory_space<vmem_shared>>
      tpu.wait_dma2 semaphore(%run_scoped3A_209 : memref<!tpu.dma_semaphore, #tpu.memory_space<semaphore_mem>>) src(%arg12 : memref<88x128xf32, #tpu.memory_space<vmem>>) dst(%dma_wait3A_217 : memref<88x128xf32, #tpu.memory_space<vmem_shared>>)
      tpu.yield
    }) : () -> ()
    %mul3A_128 = arith.constant 640 : i32
    %mul3A_129 = arith.muli %arg1, %mul3A_128 : i32
    %add3A_130 = arith.constant 176 : i32
    %add3A_131 = arith.addi %mul3A_129, %add3A_130 : i32
    "tpu.region"() ({
      %run_scoped3A_209 = tpu.sem_alloc : memref<!tpu.dma_semaphore, #tpu.memory_space<semaphore_mem>>
      %dma_start3A_210 = arith.constant 0 : i32
      %dma_start3A_211 = tpu.memref_slice %arg13[%add3A_131, %dma_start3A_210] : memref<10240x128xf32, #tpu.memory_space<vmem_shared>> -> memref<88x128xf32, #tpu.memory_space<vmem_shared>>
      %dma_start3A_212 = arith.constant 0 : i32
      %dma_start3A_213 = tpu.memref_slice %arg13[%add3A_131, %dma_start3A_212] : memref<10240x128xf32, #tpu.memory_space<vmem_shared>> -> memref<88x128xf32, #tpu.memory_space<vmem_shared>>
      tpu.enqueue_dma source(%arg12 : memref<88x128xf32, #tpu.memory_space<vmem>>) target(%dma_start3A_213 : memref<88x128xf32, #tpu.memory_space<vmem_shared>>) target_semaphore(%run_scoped3A_209 : memref<!tpu.dma_semaphore, #tpu.memory_space<semaphore_mem>>)
      %dma_wait3A_214 = arith.constant 0 : i32
      %dma_wait3A_215 = tpu.memref_slice %arg13[%add3A_131, %dma_wait3A_214] : memref<10240x128xf32, #tpu.memory_space<vmem_shared>> -> memref<88x128xf32, #tpu.memory_space<vmem_shared>>
      %dma_wait3A_216 = arith.constant 0 : i32
      %dma_wait3A_217 = tpu.memref_slice %arg13[%add3A_131, %dma_wait3A_216] : memref<10240x128xf32, #tpu.memory_space<vmem_shared>> -> memref<88x128xf32, #tpu.memory_space<vmem_shared>>
      tpu.wait_dma2 semaphore(%run_scoped3A_209 : memref<!tpu.dma_semaphore, #tpu.memory_space<semaphore_mem>>) src(%arg12 : memref<88x128xf32, #tpu.memory_space<vmem>>) dst(%dma_wait3A_217 : memref<88x128xf32, #tpu.memory_space<vmem_shared>>)
      tpu.yield
    }) : () -> ()
    %mul3A_132 = arith.constant 640 : i32
    %mul3A_133 = arith.muli %arg1, %mul3A_132 : i32
    %add3A_134 = arith.constant 264 : i32
    %add3A_135 = arith.addi %mul3A_133, %add3A_134 : i32
    "tpu.region"() ({
      %run_scoped3A_209 = tpu.sem_alloc : memref<!tpu.dma_semaphore, #tpu.memory_space<semaphore_mem>>
      %dma_start3A_210 = arith.constant 0 : i32
      %dma_start3A_211 = tpu.memref_slice %arg13[%add3A_135, %dma_start3A_210] : memref<10240x128xf32, #tpu.memory_space<vmem_shared>> -> memref<88x128xf32, #tpu.memory_space<vmem_shared>>
      %dma_start3A_212 = arith.constant 0 : i32
      %dma_start3A_213 = tpu.memref_slice %arg13[%add3A_135, %dma_start3A_212] : memref<10240x128xf32, #tpu.memory_space<vmem_shared>> -> memref<88x128xf32, #tpu.memory_space<vmem_shared>>
      tpu.enqueue_dma source(%arg12 : memref<88x128xf32, #tpu.memory_space<vmem>>) target(%dma_start3A_213 : memref<88x128xf32, #tpu.memory_space<vmem_shared>>) target_semaphore(%run_scoped3A_209 : memref<!tpu.dma_semaphore, #tpu.memory_space<semaphore_mem>>)
      %dma_wait3A_214 = arith.constant 0 : i32
      %dma_wait3A_215 = tpu.memref_slice %arg13[%add3A_135, %dma_wait3A_214] : memref<10240x128xf32, #tpu.memory_space<vmem_shared>> -> memref<88x128xf32, #tpu.memory_space<vmem_shared>>
      %dma_wait3A_216 = arith.constant 0 : i32
      %dma_wait3A_217 = tpu.memref_slice %arg13[%add3A_135, %dma_wait3A_216] : memref<10240x128xf32, #tpu.memory_space<vmem_shared>> -> memref<88x128xf32, #tpu.memory_space<vmem_shared>>
      tpu.wait_dma2 semaphore(%run_scoped3A_209 : memref<!tpu.dma_semaphore, #tpu.memory_space<semaphore_mem>>) src(%arg12 : memref<88x128xf32, #tpu.memory_space<vmem>>) dst(%dma_wait3A_217 : memref<88x128xf32, #tpu.memory_space<vmem_shared>>)
      tpu.yield
    }) : () -> ()
    %mul3A_136 = arith.constant 640 : i32
    %mul3A_137 = arith.muli %arg1, %mul3A_136 : i32
    %add3A_138 = arith.constant 352 : i32
    %add3A_139 = arith.addi %mul3A_137, %add3A_138 : i32
    "tpu.region"() ({
      %run_scoped3A_209 = tpu.sem_alloc : memref<!tpu.dma_semaphore, #tpu.memory_space<semaphore_mem>>
      %dma_start3A_210 = arith.constant 0 : i32
      %dma_start3A_211 = tpu.memref_slice %arg13[%add3A_139, %dma_start3A_210] : memref<10240x128xf32, #tpu.memory_space<vmem_shared>> -> memref<88x128xf32, #tpu.memory_space<vmem_shared>>
      %dma_start3A_212 = arith.constant 0 : i32
      %dma_start3A_213 = tpu.memref_slice %arg13[%add3A_139, %dma_start3A_212] : memref<10240x128xf32, #tpu.memory_space<vmem_shared>> -> memref<88x128xf32, #tpu.memory_space<vmem_shared>>
      tpu.enqueue_dma source(%arg12 : memref<88x128xf32, #tpu.memory_space<vmem>>) target(%dma_start3A_213 : memref<88x128xf32, #tpu.memory_space<vmem_shared>>) target_semaphore(%run_scoped3A_209 : memref<!tpu.dma_semaphore, #tpu.memory_space<semaphore_mem>>)
      %dma_wait3A_214 = arith.constant 0 : i32
      %dma_wait3A_215 = tpu.memref_slice %arg13[%add3A_139, %dma_wait3A_214] : memref<10240x128xf32, #tpu.memory_space<vmem_shared>> -> memref<88x128xf32, #tpu.memory_space<vmem_shared>>
      %dma_wait3A_216 = arith.constant 0 : i32
      %dma_wait3A_217 = tpu.memref_slice %arg13[%add3A_139, %dma_wait3A_216] : memref<10240x128xf32, #tpu.memory_space<vmem_shared>> -> memref<88x128xf32, #tpu.memory_space<vmem_shared>>
      tpu.wait_dma2 semaphore(%run_scoped3A_209 : memref<!tpu.dma_semaphore, #tpu.memory_space<semaphore_mem>>) src(%arg12 : memref<88x128xf32, #tpu.memory_space<vmem>>) dst(%dma_wait3A_217 : memref<88x128xf32, #tpu.memory_space<vmem_shared>>)
      tpu.yield
    }) : () -> ()
    %mul3A_140 = arith.constant 640 : i32
    %mul3A_141 = arith.muli %arg1, %mul3A_140 : i32
    %add3A_142 = arith.constant 440 : i32
    %add3A_143 = arith.addi %mul3A_141, %add3A_142 : i32
    "tpu.region"() ({
      %run_scoped3A_209 = tpu.sem_alloc : memref<!tpu.dma_semaphore, #tpu.memory_space<semaphore_mem>>
      %dma_start3A_210 = arith.constant 0 : i32
      %dma_start3A_211 = tpu.memref_slice %arg13[%add3A_143, %dma_start3A_210] : memref<10240x128xf32, #tpu.memory_space<vmem_shared>> -> memref<88x128xf32, #tpu.memory_space<vmem_shared>>
      %dma_start3A_212 = arith.constant 0 : i32
      %dma_start3A_213 = tpu.memref_slice %arg13[%add3A_143, %dma_start3A_212] : memref<10240x128xf32, #tpu.memory_space<vmem_shared>> -> memref<88x128xf32, #tpu.memory_space<vmem_shared>>
      tpu.enqueue_dma source(%arg12 : memref<88x128xf32, #tpu.memory_space<vmem>>) target(%dma_start3A_213 : memref<88x128xf32, #tpu.memory_space<vmem_shared>>) target_semaphore(%run_scoped3A_209 : memref<!tpu.dma_semaphore, #tpu.memory_space<semaphore_mem>>)
      %dma_wait3A_214 = arith.constant 0 : i32
      %dma_wait3A_215 = tpu.memref_slice %arg13[%add3A_143, %dma_wait3A_214] : memref<10240x128xf32, #tpu.memory_space<vmem_shared>> -> memref<88x128xf32, #tpu.memory_space<vmem_shared>>
      %dma_wait3A_216 = arith.constant 0 : i32
      %dma_wait3A_217 = tpu.memref_slice %arg13[%add3A_143, %dma_wait3A_216] : memref<10240x128xf32, #tpu.memory_space<vmem_shared>> -> memref<88x128xf32, #tpu.memory_space<vmem_shared>>
      tpu.wait_dma2 semaphore(%run_scoped3A_209 : memref<!tpu.dma_semaphore, #tpu.memory_space<semaphore_mem>>) src(%arg12 : memref<88x128xf32, #tpu.memory_space<vmem>>) dst(%dma_wait3A_217 : memref<88x128xf32, #tpu.memory_space<vmem_shared>>)
      tpu.yield
    }) : () -> ()
    %mul3A_144 = arith.constant 640 : i32
    %mul3A_145 = arith.muli %arg1, %mul3A_144 : i32
    %add3A_146 = arith.constant 528 : i32
    %add3A_147 = arith.addi %mul3A_145, %add3A_146 : i32
    "tpu.region"() ({
      %run_scoped3A_209 = tpu.sem_alloc : memref<!tpu.dma_semaphore, #tpu.memory_space<semaphore_mem>>
      %dma_start3A_210 = arith.constant 0 : i32
      %dma_start3A_211 = tpu.memref_slice %arg13[%add3A_147, %dma_start3A_210] : memref<10240x128xf32, #tpu.memory_space<vmem_shared>> -> memref<88x128xf32, #tpu.memory_space<vmem_shared>>
      %dma_start3A_212 = arith.constant 0 : i32
      %dma_start3A_213 = tpu.memref_slice %arg13[%add3A_147, %dma_start3A_212] : memref<10240x128xf32, #tpu.memory_space<vmem_shared>> -> memref<88x128xf32, #tpu.memory_space<vmem_shared>>
      tpu.enqueue_dma source(%arg12 : memref<88x128xf32, #tpu.memory_space<vmem>>) target(%dma_start3A_213 : memref<88x128xf32, #tpu.memory_space<vmem_shared>>) target_semaphore(%run_scoped3A_209 : memref<!tpu.dma_semaphore, #tpu.memory_space<semaphore_mem>>)
      %dma_wait3A_214 = arith.constant 0 : i32
      %dma_wait3A_215 = tpu.memref_slice %arg13[%add3A_147, %dma_wait3A_214] : memref<10240x128xf32, #tpu.memory_space<vmem_shared>> -> memref<88x128xf32, #tpu.memory_space<vmem_shared>>
      %dma_wait3A_216 = arith.constant 0 : i32
      %dma_wait3A_217 = tpu.memref_slice %arg13[%add3A_147, %dma_wait3A_216] : memref<10240x128xf32, #tpu.memory_space<vmem_shared>> -> memref<88x128xf32, #tpu.memory_space<vmem_shared>>
      tpu.wait_dma2 semaphore(%run_scoped3A_209 : memref<!tpu.dma_semaphore, #tpu.memory_space<semaphore_mem>>) src(%arg12 : memref<88x128xf32, #tpu.memory_space<vmem>>) dst(%dma_wait3A_217 : memref<88x128xf32, #tpu.memory_space<vmem_shared>>)
      tpu.yield
    }) : () -> ()
    %mul3A_148 = arith.constant 640 : i32
    %mul3A_149 = arith.muli %arg1, %mul3A_148 : i32
    %add3A_150 = arith.constant 616 : i32
    %add3A_151 = arith.addi %mul3A_149, %add3A_150 : i32
    "tpu.region"() ({
      %run_scoped3A_209 = tpu.sem_alloc : memref<!tpu.dma_semaphore, #tpu.memory_space<semaphore_mem>>
      %dma_start3A_210 = arith.constant 0 : i32
      %dma_start3A_211 = arith.constant 0 : i32
      %dma_start3A_212 = tpu.memref_slice %arg12[%dma_start3A_210, %dma_start3A_211] : memref<88x128xf32, #tpu.memory_space<vmem>> -> memref<24x128xf32, #tpu.memory_space<vmem>>
      %dma_start3A_213 = arith.constant 0 : i32
      %dma_start3A_214 = tpu.memref_slice %arg13[%add3A_151, %dma_start3A_213] : memref<10240x128xf32, #tpu.memory_space<vmem_shared>> -> memref<24x128xf32, #tpu.memory_space<vmem_shared>>
      %dma_start3A_215 = arith.constant 0 : i32
      %dma_start3A_216 = tpu.memref_slice %arg13[%add3A_151, %dma_start3A_215] : memref<10240x128xf32, #tpu.memory_space<vmem_shared>> -> memref<24x128xf32, #tpu.memory_space<vmem_shared>>
      %dma_start3A_217 = arith.constant 0 : i32
      %dma_start3A_218 = arith.constant 0 : i32
      %dma_start3A_219 = tpu.memref_slice %arg12[%dma_start3A_217, %dma_start3A_218] : memref<88x128xf32, #tpu.memory_space<vmem>> -> memref<24x128xf32, #tpu.memory_space<vmem>>
      tpu.enqueue_dma source(%dma_start3A_219 : memref<24x128xf32, #tpu.memory_space<vmem>>) target(%dma_start3A_216 : memref<24x128xf32, #tpu.memory_space<vmem_shared>>) target_semaphore(%run_scoped3A_209 : memref<!tpu.dma_semaphore, #tpu.memory_space<semaphore_mem>>)
      %dma_wait3A_220 = arith.constant 0 : i32
      %dma_wait3A_221 = arith.constant 0 : i32
      %dma_wait3A_222 = tpu.memref_slice %arg12[%dma_wait3A_220, %dma_wait3A_221] : memref<88x128xf32, #tpu.memory_space<vmem>> -> memref<24x128xf32, #tpu.memory_space<vmem>>
      %dma_wait3A_223 = arith.constant 0 : i32
      %dma_wait3A_224 = tpu.memref_slice %arg13[%add3A_151, %dma_wait3A_223] : memref<10240x128xf32, #tpu.memory_space<vmem_shared>> -> memref<24x128xf32, #tpu.memory_space<vmem_shared>>
      %dma_wait3A_225 = arith.constant 0 : i32
      %dma_wait3A_226 = tpu.memref_slice %arg13[%add3A_151, %dma_wait3A_225] : memref<10240x128xf32, #tpu.memory_space<vmem_shared>> -> memref<24x128xf32, #tpu.memory_space<vmem_shared>>
      %dma_wait3A_227 = arith.constant 0 : i32
      %dma_wait3A_228 = arith.constant 0 : i32
      %dma_wait3A_229 = tpu.memref_slice %arg12[%dma_wait3A_227, %dma_wait3A_228] : memref<88x128xf32, #tpu.memory_space<vmem>> -> memref<24x128xf32, #tpu.memory_space<vmem>>
      tpu.wait_dma2 semaphore(%run_scoped3A_209 : memref<!tpu.dma_semaphore, #tpu.memory_space<semaphore_mem>>) src(%dma_wait3A_229 : memref<24x128xf32, #tpu.memory_space<vmem>>) dst(%dma_wait3A_226 : memref<24x128xf32, #tpu.memory_space<vmem_shared>>)
      tpu.yield
    }) : () -> ()
    %dma_wait3A_152 = arith.constant 0 : i32
    %dma_wait3A_153 = arith.constant 0 : i32
    %dma_wait3A_154 = arith.constant 0 : i32
    %dma_wait3A_155 = tpu.memref_slice %arg3[%dma_wait3A_152, %dma_wait3A_153, %dma_wait3A_154] : memref<3648x2x88xi32, #tpu.memory_space<hbm>> -> memref<1x2x88xi32, #tpu.memory_space<hbm>>
    %dma_wait3A_156 = tpu.memref_squeeze %dma_wait3A_155 : memref<1x2x88xi32, #tpu.memory_space<hbm>> -> memref<2x88xi32, #tpu.memory_space<hbm>>
    %dma_wait3A_157 = arith.constant 0 : i32
    %dma_wait3A_158 = arith.constant 0 : i32
    %dma_wait3A_159 = tpu.memref_slice %arg3[%dma_wait3A_152, %dma_wait3A_157, %dma_wait3A_158] : memref<3648x2x88xi32, #tpu.memory_space<hbm>> -> memref<1x2x88xi32, #tpu.memory_space<hbm>>
    %dma_wait3A_160 = tpu.memref_squeeze %dma_wait3A_159 : memref<1x2x88xi32, #tpu.memory_space<hbm>> -> memref<2x88xi32, #tpu.memory_space<hbm>>
    tpu.wait_dma2 semaphore(%arg21 : memref<!tpu.dma_semaphore, #tpu.memory_space<semaphore_mem>>) src(%dma_wait3A_160 : memref<2x88xi32, #tpu.memory_space<hbm>>) dst(%arg8 : memref<2x88xi32, #tpu.memory_space<vmem>>)
    %dma_start3A_161 = arith.constant 0 : i32
    %dma_start3A_162 = arith.constant 0 : i32
    %dma_start3A_163 = tpu.memref_slice %arg8[%dma_start3A_161, %dma_start3A_162] : memref<2x88xi32, #tpu.memory_space<vmem>> -> memref<1x88xi32, #tpu.memory_space<vmem>>
    %dma_start3A_164 = tpu.memref_squeeze %dma_start3A_163 : memref<1x88xi32, #tpu.memory_space<vmem>> -> memref<88xi32, #tpu.memory_space<vmem>>
    %dma_start3A_165 = arith.constant 0 : i32
    %dma_start3A_166 = arith.constant 0 : i32
    %dma_start3A_167 = tpu.memref_slice %arg2[%dma_start3A_165, %dma_start3A_166] : memref<10240x128xf32, #tpu.memory_space<hbm>> -> memref<10240x128xf32, #tpu.memory_space<hbm>>
    tpu.enqueue_indirect_dma source(%dma_start3A_167 : memref<10240x128xf32, #tpu.memory_space<hbm>>) target(%arg12 : memref<88x128xf32, #tpu.memory_space<vmem>>) offsets(%dma_start3A_164 : memref<88xi32, #tpu.memory_space<vmem>>) semaphore(%arg17 : memref<!tpu.dma_semaphore, #tpu.memory_space<semaphore_mem>>)
    %barrier3A = arith.constant 0 : index
    tpu.barrier barrier_id(%barrier3A)
    %while3A = arith.constant 0 : i32
    %while3A_168 = arith.constant 0 : i32
    %while3A_169 = arith.subi %sub3A_28, %while3A_168 : i32
    %while3A_170 = arith.addi %while3A_168, %while3A_169 : i32
    %while3A_171 = arith.constant 1 : i32
    %while3A_172 = arith.divsi %while3A_169, %while3A_171 : i32
    %while3A_173 = arith.muli %while3A_172, %while3A_171 : i32
    %while3A_174 = arith.addi %while3A_168, %while3A_173 : i32
    %while3A_175 = arith.constant 1 : i32
    scf.for %while3A_209 = %while3A_168 to %while3A_174 step %while3A_175  : i32 {
      %mul3A_210 = arith.constant 4 : i32
      %mul3A_211 = arith.muli %mul3A_210, %while3A_209 : i32
      %add3A_212 = arith.addi %select_n3A, %mul3A_211 : i32
      %dma_wait3A_213 = arith.constant 0 : i32
      %dma_wait3A_214 = arith.constant 0 : i32
      %dma_wait3A_215 = tpu.memref_slice %arg2[%dma_wait3A_213, %dma_wait3A_214] : memref<10240x128xf32, #tpu.memory_space<hbm>> -> memref<88x128xf32, #tpu.memory_space<hbm>>
      %dma_wait3A_216 = arith.constant 0 : i32
      %dma_wait3A_217 = arith.constant 0 : i32
      %dma_wait3A_218 = tpu.memref_slice %arg2[%dma_wait3A_216, %dma_wait3A_217] : memref<10240x128xf32, #tpu.memory_space<hbm>> -> memref<88x128xf32, #tpu.memory_space<hbm>>
      tpu.wait_dma2 semaphore(%arg14 : memref<!tpu.dma_semaphore, #tpu.memory_space<semaphore_mem>>) src(%dma_wait3A_218 : memref<88x128xf32, #tpu.memory_space<hbm>>) dst(%arg9 : memref<88x128xf32, #tpu.memory_space<vmem>>)
      %run_scoped3A_219 = arith.constant 1 : i32
      "tpu.region"() ({
        %run_scoped3A_345 = tpu.sem_alloc : memref<!tpu.dma_semaphore, #tpu.memory_space<semaphore_mem>>
        %dma_start3A_346 = arith.constant 0 : i32
        %dma_start3A_347 = tpu.memref_slice %arg5[%run_scoped3A_219, %dma_start3A_346] : memref<2x88xi32, #tpu.memory_space<vmem>> -> memref<1x88xi32, #tpu.memory_space<vmem>>
        %dma_start3A_348 = tpu.memref_squeeze %dma_start3A_347 : memref<1x88xi32, #tpu.memory_space<vmem>> -> memref<88xi32, #tpu.memory_space<vmem>>
        %dma_start3A_349 = arith.constant 0 : i32
        %dma_start3A_350 = arith.constant 0 : i32
        %dma_start3A_351 = tpu.memref_slice %arg13[%dma_start3A_349, %dma_start3A_350] : memref<10240x128xf32, #tpu.memory_space<vmem_shared>> -> memref<10240x128xf32, #tpu.memory_space<vmem_shared>>
        tpu.enqueue_indirect_dma source(%arg9 : memref<88x128xf32, #tpu.memory_space<vmem>>) target(%dma_start3A_351 : memref<10240x128xf32, #tpu.memory_space<vmem_shared>>) offsets(%dma_start3A_348 : memref<88xi32, #tpu.memory_space<vmem>>) semaphore(%run_scoped3A_345 : memref<!tpu.dma_semaphore, #tpu.memory_space<semaphore_mem>>) {add = true}
        %dma_wait3A_352 = arith.constant 0 : i32
        %dma_wait3A_353 = tpu.memref_slice %arg5[%run_scoped3A_219, %dma_wait3A_352] : memref<2x88xi32, #tpu.memory_space<vmem>> -> memref<1x88xi32, #tpu.memory_space<vmem>>
        %dma_wait3A_354 = tpu.memref_squeeze %dma_wait3A_353 : memref<1x88xi32, #tpu.memory_space<vmem>> -> memref<88xi32, #tpu.memory_space<vmem>>
        %dma_wait3A_355 = arith.constant 0 : i32
        %dma_wait3A_356 = arith.constant 0 : i32
        %dma_wait3A_357 = tpu.memref_slice %arg13[%dma_wait3A_355, %dma_wait3A_356] : memref<10240x128xf32, #tpu.memory_space<vmem_shared>> -> memref<10240x128xf32, #tpu.memory_space<vmem_shared>>
        tpu.wait_indirect_dma semaphore(%run_scoped3A_345 : memref<!tpu.dma_semaphore, #tpu.memory_space<semaphore_mem>>) src(%arg9 : memref<88x128xf32, #tpu.memory_space<vmem>>) dst(%dma_wait3A_357 : memref<10240x128xf32, #tpu.memory_space<vmem_shared>>)
        tpu.yield
      }) : () -> ()
      %add3A_220 = arith.constant 4 : i32
      %add3A_221 = arith.addi %add3A_212, %add3A_220 : i32
      %dma_start3A_222 = arith.constant 0 : i32
      %dma_start3A_223 = arith.constant 0 : i32
      %dma_start3A_224 = tpu.memref_slice %arg3[%add3A_221, %dma_start3A_222, %dma_start3A_223] : memref<3648x2x88xi32, #tpu.memory_space<hbm>> -> memref<1x2x88xi32, #tpu.memory_space<hbm>>
      %dma_start3A_225 = tpu.memref_squeeze %dma_start3A_224 : memref<1x2x88xi32, #tpu.memory_space<hbm>> -> memref<2x88xi32, #tpu.memory_space<hbm>>
      %dma_start3A_226 = arith.constant 0 : i32
      %dma_start3A_227 = arith.constant 0 : i32
      %dma_start3A_228 = tpu.memref_slice %arg3[%add3A_221, %dma_start3A_226, %dma_start3A_227] : memref<3648x2x88xi32, #tpu.memory_space<hbm>> -> memref<1x2x88xi32, #tpu.memory_space<hbm>>
      %dma_start3A_229 = tpu.memref_squeeze %dma_start3A_228 : memref<1x2x88xi32, #tpu.memory_space<hbm>> -> memref<2x88xi32, #tpu.memory_space<hbm>>
      tpu.enqueue_dma source(%dma_start3A_229 : memref<2x88xi32, #tpu.memory_space<hbm>>) target(%arg5 : memref<2x88xi32, #tpu.memory_space<vmem>>) target_semaphore(%arg18 : memref<!tpu.dma_semaphore, #tpu.memory_space<semaphore_mem>>)
      %dma_wait3A_230 = arith.constant 0 : i32
      %dma_wait3A_231 = arith.constant 0 : i32
      %dma_wait3A_232 = tpu.memref_slice %arg2[%dma_wait3A_230, %dma_wait3A_231] : memref<10240x128xf32, #tpu.memory_space<hbm>> -> memref<88x128xf32, #tpu.memory_space<hbm>>
      %dma_wait3A_233 = arith.constant 0 : i32
      %dma_wait3A_234 = arith.constant 0 : i32
      %dma_wait3A_235 = tpu.memref_slice %arg2[%dma_wait3A_233, %dma_wait3A_234] : memref<10240x128xf32, #tpu.memory_space<hbm>> -> memref<88x128xf32, #tpu.memory_space<hbm>>
      tpu.wait_dma2 semaphore(%arg15 : memref<!tpu.dma_semaphore, #tpu.memory_space<semaphore_mem>>) src(%dma_wait3A_235 : memref<88x128xf32, #tpu.memory_space<hbm>>) dst(%arg10 : memref<88x128xf32, #tpu.memory_space<vmem>>)
      %run_scoped3A_236 = arith.constant 1 : i32
      "tpu.region"() ({
        %run_scoped3A_345 = tpu.sem_alloc : memref<!tpu.dma_semaphore, #tpu.memory_space<semaphore_mem>>
        %dma_start3A_346 = arith.constant 0 : i32
        %dma_start3A_347 = tpu.memref_slice %arg6[%run_scoped3A_236, %dma_start3A_346] : memref<2x88xi32, #tpu.memory_space<vmem>> -> memref<1x88xi32, #tpu.memory_space<vmem>>
        %dma_start3A_348 = tpu.memref_squeeze %dma_start3A_347 : memref<1x88xi32, #tpu.memory_space<vmem>> -> memref<88xi32, #tpu.memory_space<vmem>>
        %dma_start3A_349 = arith.constant 0 : i32
        %dma_start3A_350 = arith.constant 0 : i32
        %dma_start3A_351 = tpu.memref_slice %arg13[%dma_start3A_349, %dma_start3A_350] : memref<10240x128xf32, #tpu.memory_space<vmem_shared>> -> memref<10240x128xf32, #tpu.memory_space<vmem_shared>>
        tpu.enqueue_indirect_dma source(%arg10 : memref<88x128xf32, #tpu.memory_space<vmem>>) target(%dma_start3A_351 : memref<10240x128xf32, #tpu.memory_space<vmem_shared>>) offsets(%dma_start3A_348 : memref<88xi32, #tpu.memory_space<vmem>>) semaphore(%run_scoped3A_345 : memref<!tpu.dma_semaphore, #tpu.memory_space<semaphore_mem>>) {add = true}
        %dma_wait3A_352 = arith.constant 0 : i32
        %dma_wait3A_353 = tpu.memref_slice %arg6[%run_scoped3A_236, %dma_wait3A_352] : memref<2x88xi32, #tpu.memory_space<vmem>> -> memref<1x88xi32, #tpu.memory_space<vmem>>
        %dma_wait3A_354 = tpu.memref_squeeze %dma_wait3A_353 : memref<1x88xi32, #tpu.memory_space<vmem>> -> memref<88xi32, #tpu.memory_space<vmem>>
        %dma_wait3A_355 = arith.constant 0 : i32
        %dma_wait3A_356 = arith.constant 0 : i32
        %dma_wait3A_357 = tpu.memref_slice %arg13[%dma_wait3A_355, %dma_wait3A_356] : memref<10240x128xf32, #tpu.memory_space<vmem_shared>> -> memref<10240x128xf32, #tpu.memory_space<vmem_shared>>
        tpu.wait_indirect_dma semaphore(%run_scoped3A_345 : memref<!tpu.dma_semaphore, #tpu.memory_space<semaphore_mem>>) src(%arg10 : memref<88x128xf32, #tpu.memory_space<vmem>>) dst(%dma_wait3A_357 : memref<10240x128xf32, #tpu.memory_space<vmem_shared>>)
        tpu.yield
      }) : () -> ()
      %add3A_237 = arith.constant 5 : i32
      %add3A_238 = arith.addi %add3A_212, %add3A_237 : i32
      %dma_start3A_239 = arith.constant 0 : i32
      %dma_start3A_240 = arith.constant 0 : i32
      %dma_start3A_241 = tpu.memref_slice %arg3[%add3A_238, %dma_start3A_239, %dma_start3A_240] : memref<3648x2x88xi32, #tpu.memory_space<hbm>> -> memref<1x2x88xi32, #tpu.memory_space<hbm>>
      %dma_start3A_242 = tpu.memref_squeeze %dma_start3A_241 : memref<1x2x88xi32, #tpu.memory_space<hbm>> -> memref<2x88xi32, #tpu.memory_space<hbm>>
      %dma_start3A_243 = arith.constant 0 : i32
      %dma_start3A_244 = arith.constant 0 : i32
      %dma_start3A_245 = tpu.memref_slice %arg3[%add3A_238, %dma_start3A_243, %dma_start3A_244] : memref<3648x2x88xi32, #tpu.memory_space<hbm>> -> memref<1x2x88xi32, #tpu.memory_space<hbm>>
      %dma_start3A_246 = tpu.memref_squeeze %dma_start3A_245 : memref<1x2x88xi32, #tpu.memory_space<hbm>> -> memref<2x88xi32, #tpu.memory_space<hbm>>
      tpu.enqueue_dma source(%dma_start3A_246 : memref<2x88xi32, #tpu.memory_space<hbm>>) target(%arg6 : memref<2x88xi32, #tpu.memory_space<vmem>>) target_semaphore(%arg19 : memref<!tpu.dma_semaphore, #tpu.memory_space<semaphore_mem>>)
      %dma_wait3A_247 = arith.constant 0 : i32
      %dma_wait3A_248 = arith.constant 0 : i32
      %dma_wait3A_249 = arith.constant 0 : i32
      %dma_wait3A_250 = tpu.memref_slice %arg3[%dma_wait3A_247, %dma_wait3A_248, %dma_wait3A_249] : memref<3648x2x88xi32, #tpu.memory_space<hbm>> -> memref<1x2x88xi32, #tpu.memory_space<hbm>>
      %dma_wait3A_251 = tpu.memref_squeeze %dma_wait3A_250 : memref<1x2x88xi32, #tpu.memory_space<hbm>> -> memref<2x88xi32, #tpu.memory_space<hbm>>
      %dma_wait3A_252 = arith.constant 0 : i32
      %dma_wait3A_253 = arith.constant 0 : i32
      %dma_wait3A_254 = tpu.memref_slice %arg3[%dma_wait3A_247, %dma_wait3A_252, %dma_wait3A_253] : memref<3648x2x88xi32, #tpu.memory_space<hbm>> -> memref<1x2x88xi32, #tpu.memory_space<hbm>>
      %dma_wait3A_255 = tpu.memref_squeeze %dma_wait3A_254 : memref<1x2x88xi32, #tpu.memory_space<hbm>> -> memref<2x88xi32, #tpu.memory_space<hbm>>
      tpu.wait_dma2 semaphore(%arg18 : memref<!tpu.dma_semaphore, #tpu.memory_space<semaphore_mem>>) src(%dma_wait3A_255 : memref<2x88xi32, #tpu.memory_space<hbm>>) dst(%arg5 : memref<2x88xi32, #tpu.memory_space<vmem>>)
      %dma_start3A_256 = arith.constant 0 : i32
      %dma_start3A_257 = arith.constant 0 : i32
      %dma_start3A_258 = tpu.memref_slice %arg5[%dma_start3A_256, %dma_start3A_257] : memref<2x88xi32, #tpu.memory_space<vmem>> -> memref<1x88xi32, #tpu.memory_space<vmem>>
      %dma_start3A_259 = tpu.memref_squeeze %dma_start3A_258 : memref<1x88xi32, #tpu.memory_space<vmem>> -> memref<88xi32, #tpu.memory_space<vmem>>
      %dma_start3A_260 = arith.constant 0 : i32
      %dma_start3A_261 = arith.constant 0 : i32
      %dma_start3A_262 = tpu.memref_slice %arg2[%dma_start3A_260, %dma_start3A_261] : memref<10240x128xf32, #tpu.memory_space<hbm>> -> memref<10240x128xf32, #tpu.memory_space<hbm>>
      tpu.enqueue_indirect_dma source(%dma_start3A_262 : memref<10240x128xf32, #tpu.memory_space<hbm>>) target(%arg9 : memref<88x128xf32, #tpu.memory_space<vmem>>) offsets(%dma_start3A_259 : memref<88xi32, #tpu.memory_space<vmem>>) semaphore(%arg14 : memref<!tpu.dma_semaphore, #tpu.memory_space<semaphore_mem>>)
      %dma_wait3A_263 = arith.constant 0 : i32
      %dma_wait3A_264 = arith.constant 0 : i32
      %dma_wait3A_265 = tpu.memref_slice %arg2[%dma_wait3A_263, %dma_wait3A_264] : memref<10240x128xf32, #tpu.memory_space<hbm>> -> memref<88x128xf32, #tpu.memory_space<hbm>>
      %dma_wait3A_266 = arith.constant 0 : i32
      %dma_wait3A_267 = arith.constant 0 : i32
      %dma_wait3A_268 = tpu.memref_slice %arg2[%dma_wait3A_266, %dma_wait3A_267] : memref<10240x128xf32, #tpu.memory_space<hbm>> -> memref<88x128xf32, #tpu.memory_space<hbm>>
      tpu.wait_dma2 semaphore(%arg16 : memref<!tpu.dma_semaphore, #tpu.memory_space<semaphore_mem>>) src(%dma_wait3A_268 : memref<88x128xf32, #tpu.memory_space<hbm>>) dst(%arg11 : memref<88x128xf32, #tpu.memory_space<vmem>>)
      %run_scoped3A_269 = arith.constant 1 : i32
      "tpu.region"() ({
        %run_scoped3A_345 = tpu.sem_alloc : memref<!tpu.dma_semaphore, #tpu.memory_space<semaphore_mem>>
        %dma_start3A_346 = arith.constant 0 : i32
        %dma_start3A_347 = tpu.memref_slice %arg7[%run_scoped3A_269, %dma_start3A_346] : memref<2x88xi32, #tpu.memory_space<vmem>> -> memref<1x88xi32, #tpu.memory_space<vmem>>
        %dma_start3A_348 = tpu.memref_squeeze %dma_start3A_347 : memref<1x88xi32, #tpu.memory_space<vmem>> -> memref<88xi32, #tpu.memory_space<vmem>>
        %dma_start3A_349 = arith.constant 0 : i32
        %dma_start3A_350 = arith.constant 0 : i32
        %dma_start3A_351 = tpu.memref_slice %arg13[%dma_start3A_349, %dma_start3A_350] : memref<10240x128xf32, #tpu.memory_space<vmem_shared>> -> memref<10240x128xf32, #tpu.memory_space<vmem_shared>>
        tpu.enqueue_indirect_dma source(%arg11 : memref<88x128xf32, #tpu.memory_space<vmem>>) target(%dma_start3A_351 : memref<10240x128xf32, #tpu.memory_space<vmem_shared>>) offsets(%dma_start3A_348 : memref<88xi32, #tpu.memory_space<vmem>>) semaphore(%run_scoped3A_345 : memref<!tpu.dma_semaphore, #tpu.memory_space<semaphore_mem>>) {add = true}
        %dma_wait3A_352 = arith.constant 0 : i32
        %dma_wait3A_353 = tpu.memref_slice %arg7[%run_scoped3A_269, %dma_wait3A_352] : memref<2x88xi32, #tpu.memory_space<vmem>> -> memref<1x88xi32, #tpu.memory_space<vmem>>
        %dma_wait3A_354 = tpu.memref_squeeze %dma_wait3A_353 : memref<1x88xi32, #tpu.memory_space<vmem>> -> memref<88xi32, #tpu.memory_space<vmem>>
        %dma_wait3A_355 = arith.constant 0 : i32
        %dma_wait3A_356 = arith.constant 0 : i32
        %dma_wait3A_357 = tpu.memref_slice %arg13[%dma_wait3A_355, %dma_wait3A_356] : memref<10240x128xf32, #tpu.memory_space<vmem_shared>> -> memref<10240x128xf32, #tpu.memory_space<vmem_shared>>
        tpu.wait_indirect_dma semaphore(%run_scoped3A_345 : memref<!tpu.dma_semaphore, #tpu.memory_space<semaphore_mem>>) src(%arg11 : memref<88x128xf32, #tpu.memory_space<vmem>>) dst(%dma_wait3A_357 : memref<10240x128xf32, #tpu.memory_space<vmem_shared>>)
        tpu.yield
      }) : () -> ()
      %add3A_270 = arith.constant 6 : i32
      %add3A_271 = arith.addi %add3A_212, %add3A_270 : i32
      %dma_start3A_272 = arith.constant 0 : i32
      %dma_start3A_273 = arith.constant 0 : i32
      %dma_start3A_274 = tpu.memref_slice %arg3[%add3A_271, %dma_start3A_272, %dma_start3A_273] : memref<3648x2x88xi32, #tpu.memory_space<hbm>> -> memref<1x2x88xi32, #tpu.memory_space<hbm>>
      %dma_start3A_275 = tpu.memref_squeeze %dma_start3A_274 : memref<1x2x88xi32, #tpu.memory_space<hbm>> -> memref<2x88xi32, #tpu.memory_space<hbm>>
      %dma_start3A_276 = arith.constant 0 : i32
      %dma_start3A_277 = arith.constant 0 : i32
      %dma_start3A_278 = tpu.memref_slice %arg3[%add3A_271, %dma_start3A_276, %dma_start3A_277] : memref<3648x2x88xi32, #tpu.memory_space<hbm>> -> memref<1x2x88xi32, #tpu.memory_space<hbm>>
      %dma_start3A_279 = tpu.memref_squeeze %dma_start3A_278 : memref<1x2x88xi32, #tpu.memory_space<hbm>> -> memref<2x88xi32, #tpu.memory_space<hbm>>
      tpu.enqueue_dma source(%dma_start3A_279 : memref<2x88xi32, #tpu.memory_space<hbm>>) target(%arg7 : memref<2x88xi32, #tpu.memory_space<vmem>>) target_semaphore(%arg20 : memref<!tpu.dma_semaphore, #tpu.memory_space<semaphore_mem>>)
      %dma_wait3A_280 = arith.constant 0 : i32
      %dma_wait3A_281 = arith.constant 0 : i32
      %dma_wait3A_282 = arith.constant 0 : i32
      %dma_wait3A_283 = tpu.memref_slice %arg3[%dma_wait3A_280, %dma_wait3A_281, %dma_wait3A_282] : memref<3648x2x88xi32, #tpu.memory_space<hbm>> -> memref<1x2x88xi32, #tpu.memory_space<hbm>>
      %dma_wait3A_284 = tpu.memref_squeeze %dma_wait3A_283 : memref<1x2x88xi32, #tpu.memory_space<hbm>> -> memref<2x88xi32, #tpu.memory_space<hbm>>
      %dma_wait3A_285 = arith.constant 0 : i32
      %dma_wait3A_286 = arith.constant 0 : i32
      %dma_wait3A_287 = tpu.memref_slice %arg3[%dma_wait3A_280, %dma_wait3A_285, %dma_wait3A_286] : memref<3648x2x88xi32, #tpu.memory_space<hbm>> -> memref<1x2x88xi32, #tpu.memory_space<hbm>>
      %dma_wait3A_288 = tpu.memref_squeeze %dma_wait3A_287 : memref<1x2x88xi32, #tpu.memory_space<hbm>> -> memref<2x88xi32, #tpu.memory_space<hbm>>
      tpu.wait_dma2 semaphore(%arg19 : memref<!tpu.dma_semaphore, #tpu.memory_space<semaphore_mem>>) src(%dma_wait3A_288 : memref<2x88xi32, #tpu.memory_space<hbm>>) dst(%arg6 : memref<2x88xi32, #tpu.memory_space<vmem>>)
      %dma_start3A_289 = arith.constant 0 : i32
      %dma_start3A_290 = arith.constant 0 : i32
      %dma_start3A_291 = tpu.memref_slice %arg6[%dma_start3A_289, %dma_start3A_290] : memref<2x88xi32, #tpu.memory_space<vmem>> -> memref<1x88xi32, #tpu.memory_space<vmem>>
      %dma_start3A_292 = tpu.memref_squeeze %dma_start3A_291 : memref<1x88xi32, #tpu.memory_space<vmem>> -> memref<88xi32, #tpu.memory_space<vmem>>
      %dma_start3A_293 = arith.constant 0 : i32
      %dma_start3A_294 = arith.constant 0 : i32
      %dma_start3A_295 = tpu.memref_slice %arg2[%dma_start3A_293, %dma_start3A_294] : memref<10240x128xf32, #tpu.memory_space<hbm>> -> memref<10240x128xf32, #tpu.memory_space<hbm>>
      tpu.enqueue_indirect_dma source(%dma_start3A_295 : memref<10240x128xf32, #tpu.memory_space<hbm>>) target(%arg10 : memref<88x128xf32, #tpu.memory_space<vmem>>) offsets(%dma_start3A_292 : memref<88xi32, #tpu.memory_space<vmem>>) semaphore(%arg15 : memref<!tpu.dma_semaphore, #tpu.memory_space<semaphore_mem>>)
      %dma_wait3A_296 = arith.constant 0 : i32
      %dma_wait3A_297 = arith.constant 0 : i32
      %dma_wait3A_298 = tpu.memref_slice %arg2[%dma_wait3A_296, %dma_wait3A_297] : memref<10240x128xf32, #tpu.memory_space<hbm>> -> memref<88x128xf32, #tpu.memory_space<hbm>>
      %dma_wait3A_299 = arith.constant 0 : i32
      %dma_wait3A_300 = arith.constant 0 : i32
      %dma_wait3A_301 = tpu.memref_slice %arg2[%dma_wait3A_299, %dma_wait3A_300] : memref<10240x128xf32, #tpu.memory_space<hbm>> -> memref<88x128xf32, #tpu.memory_space<hbm>>
      tpu.wait_dma2 semaphore(%arg17 : memref<!tpu.dma_semaphore, #tpu.memory_space<semaphore_mem>>) src(%dma_wait3A_301 : memref<88x128xf32, #tpu.memory_space<hbm>>) dst(%arg12 : memref<88x128xf32, #tpu.memory_space<vmem>>)
      %run_scoped3A_302 = arith.constant 1 : i32
      "tpu.region"() ({
        %run_scoped3A_345 = tpu.sem_alloc : memref<!tpu.dma_semaphore, #tpu.memory_space<semaphore_mem>>
        %dma_start3A_346 = arith.constant 0 : i32
        %dma_start3A_347 = tpu.memref_slice %arg8[%run_scoped3A_302, %dma_start3A_346] : memref<2x88xi32, #tpu.memory_space<vmem>> -> memref<1x88xi32, #tpu.memory_space<vmem>>
        %dma_start3A_348 = tpu.memref_squeeze %dma_start3A_347 : memref<1x88xi32, #tpu.memory_space<vmem>> -> memref<88xi32, #tpu.memory_space<vmem>>
        %dma_start3A_349 = arith.constant 0 : i32
        %dma_start3A_350 = arith.constant 0 : i32
        %dma_start3A_351 = tpu.memref_slice %arg13[%dma_start3A_349, %dma_start3A_350] : memref<10240x128xf32, #tpu.memory_space<vmem_shared>> -> memref<10240x128xf32, #tpu.memory_space<vmem_shared>>
        tpu.enqueue_indirect_dma source(%arg12 : memref<88x128xf32, #tpu.memory_space<vmem>>) target(%dma_start3A_351 : memref<10240x128xf32, #tpu.memory_space<vmem_shared>>) offsets(%dma_start3A_348 : memref<88xi32, #tpu.memory_space<vmem>>) semaphore(%run_scoped3A_345 : memref<!tpu.dma_semaphore, #tpu.memory_space<semaphore_mem>>) {add = true}
        %dma_wait3A_352 = arith.constant 0 : i32
        %dma_wait3A_353 = tpu.memref_slice %arg8[%run_scoped3A_302, %dma_wait3A_352] : memref<2x88xi32, #tpu.memory_space<vmem>> -> memref<1x88xi32, #tpu.memory_space<vmem>>
        %dma_wait3A_354 = tpu.memref_squeeze %dma_wait3A_353 : memref<1x88xi32, #tpu.memory_space<vmem>> -> memref<88xi32, #tpu.memory_space<vmem>>
        %dma_wait3A_355 = arith.constant 0 : i32
        %dma_wait3A_356 = arith.constant 0 : i32
        %dma_wait3A_357 = tpu.memref_slice %arg13[%dma_wait3A_355, %dma_wait3A_356] : memref<10240x128xf32, #tpu.memory_space<vmem_shared>> -> memref<10240x128xf32, #tpu.memory_space<vmem_shared>>
        tpu.wait_indirect_dma semaphore(%run_scoped3A_345 : memref<!tpu.dma_semaphore, #tpu.memory_space<semaphore_mem>>) src(%arg12 : memref<88x128xf32, #tpu.memory_space<vmem>>) dst(%dma_wait3A_357 : memref<10240x128xf32, #tpu.memory_space<vmem_shared>>)
        tpu.yield
      }) : () -> ()
      %add3A_303 = arith.constant 7 : i32
      %add3A_304 = arith.addi %add3A_212, %add3A_303 : i32
      %dma_start3A_305 = arith.constant 0 : i32
      %dma_start3A_306 = arith.constant 0 : i32
      %dma_start3A_307 = tpu.memref_slice %arg3[%add3A_304, %dma_start3A_305, %dma_start3A_306] : memref<3648x2x88xi32, #tpu.memory_space<hbm>> -> memref<1x2x88xi32, #tpu.memory_space<hbm>>
      %dma_start3A_308 = tpu.memref_squeeze %dma_start3A_307 : memref<1x2x88xi32, #tpu.memory_space<hbm>> -> memref<2x88xi32, #tpu.memory_space<hbm>>
      %dma_start3A_309 = arith.constant 0 : i32
      %dma_start3A_310 = arith.constant 0 : i32
      %dma_start3A_311 = tpu.memref_slice %arg3[%add3A_304, %dma_start3A_309, %dma_start3A_310] : memref<3648x2x88xi32, #tpu.memory_space<hbm>> -> memref<1x2x88xi32, #tpu.memory_space<hbm>>
      %dma_start3A_312 = tpu.memref_squeeze %dma_start3A_311 : memref<1x2x88xi32, #tpu.memory_space<hbm>> -> memref<2x88xi32, #tpu.memory_space<hbm>>
      tpu.enqueue_dma source(%dma_start3A_312 : memref<2x88xi32, #tpu.memory_space<hbm>>) target(%arg8 : memref<2x88xi32, #tpu.memory_space<vmem>>) target_semaphore(%arg21 : memref<!tpu.dma_semaphore, #tpu.memory_space<semaphore_mem>>)
      %dma_wait3A_313 = arith.constant 0 : i32
      %dma_wait3A_314 = arith.constant 0 : i32
      %dma_wait3A_315 = arith.constant 0 : i32
      %dma_wait3A_316 = tpu.memref_slice %arg3[%dma_wait3A_313, %dma_wait3A_314, %dma_wait3A_315] : memref<3648x2x88xi32, #tpu.memory_space<hbm>> -> memref<1x2x88xi32, #tpu.memory_space<hbm>>
      %dma_wait3A_317 = tpu.memref_squeeze %dma_wait3A_316 : memref<1x2x88xi32, #tpu.memory_space<hbm>> -> memref<2x88xi32, #tpu.memory_space<hbm>>
      %dma_wait3A_318 = arith.constant 0 : i32
      %dma_wait3A_319 = arith.constant 0 : i32
      %dma_wait3A_320 = tpu.memref_slice %arg3[%dma_wait3A_313, %dma_wait3A_318, %dma_wait3A_319] : memref<3648x2x88xi32, #tpu.memory_space<hbm>> -> memref<1x2x88xi32, #tpu.memory_space<hbm>>
      %dma_wait3A_321 = tpu.memref_squeeze %dma_wait3A_320 : memref<1x2x88xi32, #tpu.memory_space<hbm>> -> memref<2x88xi32, #tpu.memory_space<hbm>>
      tpu.wait_dma2 semaphore(%arg20 : memref<!tpu.dma_semaphore, #tpu.memory_space<semaphore_mem>>) src(%dma_wait3A_321 : memref<2x88xi32, #tpu.memory_space<hbm>>) dst(%arg7 : memref<2x88xi32, #tpu.memory_space<vmem>>)
      %dma_start3A_322 = arith.constant 0 : i32
      %dma_start3A_323 = arith.constant 0 : i32
      %dma_start3A_324 = tpu.memref_slice %arg7[%dma_start3A_322, %dma_start3A_323] : memref<2x88xi32, #tpu.memory_space<vmem>> -> memref<1x88xi32, #tpu.memory_space<vmem>>
      %dma_start3A_325 = tpu.memref_squeeze %dma_start3A_324 : memref<1x88xi32, #tpu.memory_space<vmem>> -> memref<88xi32, #tpu.memory_space<vmem>>
      %dma_start3A_326 = arith.constant 0 : i32
      %dma_start3A_327 = arith.constant 0 : i32
      %dma_start3A_328 = tpu.memref_slice %arg2[%dma_start3A_326, %dma_start3A_327] : memref<10240x128xf32, #tpu.memory_space<hbm>> -> memref<10240x128xf32, #tpu.memory_space<hbm>>
      tpu.enqueue_indirect_dma source(%dma_start3A_328 : memref<10240x128xf32, #tpu.memory_space<hbm>>) target(%arg11 : memref<88x128xf32, #tpu.memory_space<vmem>>) offsets(%dma_start3A_325 : memref<88xi32, #tpu.memory_space<vmem>>) semaphore(%arg16 : memref<!tpu.dma_semaphore, #tpu.memory_space<semaphore_mem>>)
      %dma_wait3A_329 = arith.constant 0 : i32
      %dma_wait3A_330 = arith.constant 0 : i32
      %dma_wait3A_331 = arith.constant 0 : i32
      %dma_wait3A_332 = tpu.memref_slice %arg3[%dma_wait3A_329, %dma_wait3A_330, %dma_wait3A_331] : memref<3648x2x88xi32, #tpu.memory_space<hbm>> -> memref<1x2x88xi32, #tpu.memory_space<hbm>>
      %dma_wait3A_333 = tpu.memref_squeeze %dma_wait3A_332 : memref<1x2x88xi32, #tpu.memory_space<hbm>> -> memref<2x88xi32, #tpu.memory_space<hbm>>
      %dma_wait3A_334 = arith.constant 0 : i32
      %dma_wait3A_335 = arith.constant 0 : i32
      %dma_wait3A_336 = tpu.memref_slice %arg3[%dma_wait3A_329, %dma_wait3A_334, %dma_wait3A_335] : memref<3648x2x88xi32, #tpu.memory_space<hbm>> -> memref<1x2x88xi32, #tpu.memory_space<hbm>>
      %dma_wait3A_337 = tpu.memref_squeeze %dma_wait3A_336 : memref<1x2x88xi32, #tpu.memory_space<hbm>> -> memref<2x88xi32, #tpu.memory_space<hbm>>
      tpu.wait_dma2 semaphore(%arg21 : memref<!tpu.dma_semaphore, #tpu.memory_space<semaphore_mem>>) src(%dma_wait3A_337 : memref<2x88xi32, #tpu.memory_space<hbm>>) dst(%arg8 : memref<2x88xi32, #tpu.memory_space<vmem>>)
      %dma_start3A_338 = arith.constant 0 : i32
      %dma_start3A_339 = arith.constant 0 : i32
      %dma_start3A_340 = tpu.memref_slice %arg8[%dma_start3A_338, %dma_start3A_339] : memref<2x88xi32, #tpu.memory_space<vmem>> -> memref<1x88xi32, #tpu.memory_space<vmem>>
      %dma_start3A_341 = tpu.memref_squeeze %dma_start3A_340 : memref<1x88xi32, #tpu.memory_space<vmem>> -> memref<88xi32, #tpu.memory_space<vmem>>
      %dma_start3A_342 = arith.constant 0 : i32
      %dma_start3A_343 = arith.constant 0 : i32
      %dma_start3A_344 = tpu.memref_slice %arg2[%dma_start3A_342, %dma_start3A_343] : memref<10240x128xf32, #tpu.memory_space<hbm>> -> memref<10240x128xf32, #tpu.memory_space<hbm>>
      tpu.enqueue_indirect_dma source(%dma_start3A_344 : memref<10240x128xf32, #tpu.memory_space<hbm>>) target(%arg12 : memref<88x128xf32, #tpu.memory_space<vmem>>) offsets(%dma_start3A_341 : memref<88xi32, #tpu.memory_space<vmem>>) semaphore(%arg17 : memref<!tpu.dma_semaphore, #tpu.memory_space<semaphore_mem>>)
    }
    %while3A_176 = arith.constant 1 : i32
    scf.for %while3A_209 = %while3A_174 to %while3A_170 step %while3A_176  : i32 {
      %mul3A_210 = arith.constant 4 : i32
      %mul3A_211 = arith.muli %mul3A_210, %while3A_209 : i32
      %add3A_212 = arith.addi %select_n3A, %mul3A_211 : i32
      %dma_wait3A_213 = arith.constant 0 : i32
      %dma_wait3A_214 = arith.constant 0 : i32
      %dma_wait3A_215 = tpu.memref_slice %arg2[%dma_wait3A_213, %dma_wait3A_214] : memref<10240x128xf32, #tpu.memory_space<hbm>> -> memref<88x128xf32, #tpu.memory_space<hbm>>
      %dma_wait3A_216 = arith.constant 0 : i32
      %dma_wait3A_217 = arith.constant 0 : i32
      %dma_wait3A_218 = tpu.memref_slice %arg2[%dma_wait3A_216, %dma_wait3A_217] : memref<10240x128xf32, #tpu.memory_space<hbm>> -> memref<88x128xf32, #tpu.memory_space<hbm>>
      tpu.wait_dma2 semaphore(%arg14 : memref<!tpu.dma_semaphore, #tpu.memory_space<semaphore_mem>>) src(%dma_wait3A_218 : memref<88x128xf32, #tpu.memory_space<hbm>>) dst(%arg9 : memref<88x128xf32, #tpu.memory_space<vmem>>)
      %run_scoped3A_219 = arith.constant 1 : i32
      "tpu.region"() ({
        %run_scoped3A_345 = tpu.sem_alloc : memref<!tpu.dma_semaphore, #tpu.memory_space<semaphore_mem>>
        %dma_start3A_346 = arith.constant 0 : i32
        %dma_start3A_347 = tpu.memref_slice %arg5[%run_scoped3A_219, %dma_start3A_346] : memref<2x88xi32, #tpu.memory_space<vmem>> -> memref<1x88xi32, #tpu.memory_space<vmem>>
        %dma_start3A_348 = tpu.memref_squeeze %dma_start3A_347 : memref<1x88xi32, #tpu.memory_space<vmem>> -> memref<88xi32, #tpu.memory_space<vmem>>
        %dma_start3A_349 = arith.constant 0 : i32
        %dma_start3A_350 = arith.constant 0 : i32
        %dma_start3A_351 = tpu.memref_slice %arg13[%dma_start3A_349, %dma_start3A_350] : memref<10240x128xf32, #tpu.memory_space<vmem_shared>> -> memref<10240x128xf32, #tpu.memory_space<vmem_shared>>
        tpu.enqueue_indirect_dma source(%arg9 : memref<88x128xf32, #tpu.memory_space<vmem>>) target(%dma_start3A_351 : memref<10240x128xf32, #tpu.memory_space<vmem_shared>>) offsets(%dma_start3A_348 : memref<88xi32, #tpu.memory_space<vmem>>) semaphore(%run_scoped3A_345 : memref<!tpu.dma_semaphore, #tpu.memory_space<semaphore_mem>>) {add = true}
        %dma_wait3A_352 = arith.constant 0 : i32
        %dma_wait3A_353 = tpu.memref_slice %arg5[%run_scoped3A_219, %dma_wait3A_352] : memref<2x88xi32, #tpu.memory_space<vmem>> -> memref<1x88xi32, #tpu.memory_space<vmem>>
        %dma_wait3A_354 = tpu.memref_squeeze %dma_wait3A_353 : memref<1x88xi32, #tpu.memory_space<vmem>> -> memref<88xi32, #tpu.memory_space<vmem>>
        %dma_wait3A_355 = arith.constant 0 : i32
        %dma_wait3A_356 = arith.constant 0 : i32
        %dma_wait3A_357 = tpu.memref_slice %arg13[%dma_wait3A_355, %dma_wait3A_356] : memref<10240x128xf32, #tpu.memory_space<vmem_shared>> -> memref<10240x128xf32, #tpu.memory_space<vmem_shared>>
        tpu.wait_indirect_dma semaphore(%run_scoped3A_345 : memref<!tpu.dma_semaphore, #tpu.memory_space<semaphore_mem>>) src(%arg9 : memref<88x128xf32, #tpu.memory_space<vmem>>) dst(%dma_wait3A_357 : memref<10240x128xf32, #tpu.memory_space<vmem_shared>>)
        tpu.yield
      }) : () -> ()
      %add3A_220 = arith.constant 4 : i32
      %add3A_221 = arith.addi %add3A_212, %add3A_220 : i32
      %dma_start3A_222 = arith.constant 0 : i32
      %dma_start3A_223 = arith.constant 0 : i32
      %dma_start3A_224 = tpu.memref_slice %arg3[%add3A_221, %dma_start3A_222, %dma_start3A_223] : memref<3648x2x88xi32, #tpu.memory_space<hbm>> -> memref<1x2x88xi32, #tpu.memory_space<hbm>>
      %dma_start3A_225 = tpu.memref_squeeze %dma_start3A_224 : memref<1x2x88xi32, #tpu.memory_space<hbm>> -> memref<2x88xi32, #tpu.memory_space<hbm>>
      %dma_start3A_226 = arith.constant 0 : i32
      %dma_start3A_227 = arith.constant 0 : i32
      %dma_start3A_228 = tpu.memref_slice %arg3[%add3A_221, %dma_start3A_226, %dma_start3A_227] : memref<3648x2x88xi32, #tpu.memory_space<hbm>> -> memref<1x2x88xi32, #tpu.memory_space<hbm>>
      %dma_start3A_229 = tpu.memref_squeeze %dma_start3A_228 : memref<1x2x88xi32, #tpu.memory_space<hbm>> -> memref<2x88xi32, #tpu.memory_space<hbm>>
      tpu.enqueue_dma source(%dma_start3A_229 : memref<2x88xi32, #tpu.memory_space<hbm>>) target(%arg5 : memref<2x88xi32, #tpu.memory_space<vmem>>) target_semaphore(%arg18 : memref<!tpu.dma_semaphore, #tpu.memory_space<semaphore_mem>>)
      %dma_wait3A_230 = arith.constant 0 : i32
      %dma_wait3A_231 = arith.constant 0 : i32
      %dma_wait3A_232 = tpu.memref_slice %arg2[%dma_wait3A_230, %dma_wait3A_231] : memref<10240x128xf32, #tpu.memory_space<hbm>> -> memref<88x128xf32, #tpu.memory_space<hbm>>
      %dma_wait3A_233 = arith.constant 0 : i32
      %dma_wait3A_234 = arith.constant 0 : i32
      %dma_wait3A_235 = tpu.memref_slice %arg2[%dma_wait3A_233, %dma_wait3A_234] : memref<10240x128xf32, #tpu.memory_space<hbm>> -> memref<88x128xf32, #tpu.memory_space<hbm>>
      tpu.wait_dma2 semaphore(%arg15 : memref<!tpu.dma_semaphore, #tpu.memory_space<semaphore_mem>>) src(%dma_wait3A_235 : memref<88x128xf32, #tpu.memory_space<hbm>>) dst(%arg10 : memref<88x128xf32, #tpu.memory_space<vmem>>)
      %run_scoped3A_236 = arith.constant 1 : i32
      "tpu.region"() ({
        %run_scoped3A_345 = tpu.sem_alloc : memref<!tpu.dma_semaphore, #tpu.memory_space<semaphore_mem>>
        %dma_start3A_346 = arith.constant 0 : i32
        %dma_start3A_347 = tpu.memref_slice %arg6[%run_scoped3A_236, %dma_start3A_346] : memref<2x88xi32, #tpu.memory_space<vmem>> -> memref<1x88xi32, #tpu.memory_space<vmem>>
        %dma_start3A_348 = tpu.memref_squeeze %dma_start3A_347 : memref<1x88xi32, #tpu.memory_space<vmem>> -> memref<88xi32, #tpu.memory_space<vmem>>
        %dma_start3A_349 = arith.constant 0 : i32
        %dma_start3A_350 = arith.constant 0 : i32
        %dma_start3A_351 = tpu.memref_slice %arg13[%dma_start3A_349, %dma_start3A_350] : memref<10240x128xf32, #tpu.memory_space<vmem_shared>> -> memref<10240x128xf32, #tpu.memory_space<vmem_shared>>
        tpu.enqueue_indirect_dma source(%arg10 : memref<88x128xf32, #tpu.memory_space<vmem>>) target(%dma_start3A_351 : memref<10240x128xf32, #tpu.memory_space<vmem_shared>>) offsets(%dma_start3A_348 : memref<88xi32, #tpu.memory_space<vmem>>) semaphore(%run_scoped3A_345 : memref<!tpu.dma_semaphore, #tpu.memory_space<semaphore_mem>>) {add = true}
        %dma_wait3A_352 = arith.constant 0 : i32
        %dma_wait3A_353 = tpu.memref_slice %arg6[%run_scoped3A_236, %dma_wait3A_352] : memref<2x88xi32, #tpu.memory_space<vmem>> -> memref<1x88xi32, #tpu.memory_space<vmem>>
        %dma_wait3A_354 = tpu.memref_squeeze %dma_wait3A_353 : memref<1x88xi32, #tpu.memory_space<vmem>> -> memref<88xi32, #tpu.memory_space<vmem>>
        %dma_wait3A_355 = arith.constant 0 : i32
        %dma_wait3A_356 = arith.constant 0 : i32
        %dma_wait3A_357 = tpu.memref_slice %arg13[%dma_wait3A_355, %dma_wait3A_356] : memref<10240x128xf32, #tpu.memory_space<vmem_shared>> -> memref<10240x128xf32, #tpu.memory_space<vmem_shared>>
        tpu.wait_indirect_dma semaphore(%run_scoped3A_345 : memref<!tpu.dma_semaphore, #tpu.memory_space<semaphore_mem>>) src(%arg10 : memref<88x128xf32, #tpu.memory_space<vmem>>) dst(%dma_wait3A_357 : memref<10240x128xf32, #tpu.memory_space<vmem_shared>>)
        tpu.yield
      }) : () -> ()
      %add3A_237 = arith.constant 5 : i32
      %add3A_238 = arith.addi %add3A_212, %add3A_237 : i32
      %dma_start3A_239 = arith.constant 0 : i32
      %dma_start3A_240 = arith.constant 0 : i32
      %dma_start3A_241 = tpu.memref_slice %arg3[%add3A_238, %dma_start3A_239, %dma_start3A_240] : memref<3648x2x88xi32, #tpu.memory_space<hbm>> -> memref<1x2x88xi32, #tpu.memory_space<hbm>>
      %dma_start3A_242 = tpu.memref_squeeze %dma_start3A_241 : memref<1x2x88xi32, #tpu.memory_space<hbm>> -> memref<2x88xi32, #tpu.memory_space<hbm>>
      %dma_start3A_243 = arith.constant 0 : i32
      %dma_start3A_244 = arith.constant 0 : i32
      %dma_start3A_245 = tpu.memref_slice %arg3[%add3A_238, %dma_start3A_243, %dma_start3A_244] : memref<3648x2x88xi32, #tpu.memory_space<hbm>> -> memref<1x2x88xi32, #tpu.memory_space<hbm>>
      %dma_start3A_246 = tpu.memref_squeeze %dma_start3A_245 : memref<1x2x88xi32, #tpu.memory_space<hbm>> -> memref<2x88xi32, #tpu.memory_space<hbm>>
      tpu.enqueue_dma source(%dma_start3A_246 : memref<2x88xi32, #tpu.memory_space<hbm>>) target(%arg6 : memref<2x88xi32, #tpu.memory_space<vmem>>) target_semaphore(%arg19 : memref<!tpu.dma_semaphore, #tpu.memory_space<semaphore_mem>>)
      %dma_wait3A_247 = arith.constant 0 : i32
      %dma_wait3A_248 = arith.constant 0 : i32
      %dma_wait3A_249 = arith.constant 0 : i32
      %dma_wait3A_250 = tpu.memref_slice %arg3[%dma_wait3A_247, %dma_wait3A_248, %dma_wait3A_249] : memref<3648x2x88xi32, #tpu.memory_space<hbm>> -> memref<1x2x88xi32, #tpu.memory_space<hbm>>
      %dma_wait3A_251 = tpu.memref_squeeze %dma_wait3A_250 : memref<1x2x88xi32, #tpu.memory_space<hbm>> -> memref<2x88xi32, #tpu.memory_space<hbm>>
      %dma_wait3A_252 = arith.constant 0 : i32
      %dma_wait3A_253 = arith.constant 0 : i32
      %dma_wait3A_254 = tpu.memref_slice %arg3[%dma_wait3A_247, %dma_wait3A_252, %dma_wait3A_253] : memref<3648x2x88xi32, #tpu.memory_space<hbm>> -> memref<1x2x88xi32, #tpu.memory_space<hbm>>
      %dma_wait3A_255 = tpu.memref_squeeze %dma_wait3A_254 : memref<1x2x88xi32, #tpu.memory_space<hbm>> -> memref<2x88xi32, #tpu.memory_space<hbm>>
      tpu.wait_dma2 semaphore(%arg18 : memref<!tpu.dma_semaphore, #tpu.memory_space<semaphore_mem>>) src(%dma_wait3A_255 : memref<2x88xi32, #tpu.memory_space<hbm>>) dst(%arg5 : memref<2x88xi32, #tpu.memory_space<vmem>>)
      %dma_start3A_256 = arith.constant 0 : i32
      %dma_start3A_257 = arith.constant 0 : i32
      %dma_start3A_258 = tpu.memref_slice %arg5[%dma_start3A_256, %dma_start3A_257] : memref<2x88xi32, #tpu.memory_space<vmem>> -> memref<1x88xi32, #tpu.memory_space<vmem>>
      %dma_start3A_259 = tpu.memref_squeeze %dma_start3A_258 : memref<1x88xi32, #tpu.memory_space<vmem>> -> memref<88xi32, #tpu.memory_space<vmem>>
      %dma_start3A_260 = arith.constant 0 : i32
      %dma_start3A_261 = arith.constant 0 : i32
      %dma_start3A_262 = tpu.memref_slice %arg2[%dma_start3A_260, %dma_start3A_261] : memref<10240x128xf32, #tpu.memory_space<hbm>> -> memref<10240x128xf32, #tpu.memory_space<hbm>>
      tpu.enqueue_indirect_dma source(%dma_start3A_262 : memref<10240x128xf32, #tpu.memory_space<hbm>>) target(%arg9 : memref<88x128xf32, #tpu.memory_space<vmem>>) offsets(%dma_start3A_259 : memref<88xi32, #tpu.memory_space<vmem>>) semaphore(%arg14 : memref<!tpu.dma_semaphore, #tpu.memory_space<semaphore_mem>>)
      %dma_wait3A_263 = arith.constant 0 : i32
      %dma_wait3A_264 = arith.constant 0 : i32
      %dma_wait3A_265 = tpu.memref_slice %arg2[%dma_wait3A_263, %dma_wait3A_264] : memref<10240x128xf32, #tpu.memory_space<hbm>> -> memref<88x128xf32, #tpu.memory_space<hbm>>
      %dma_wait3A_266 = arith.constant 0 : i32
      %dma_wait3A_267 = arith.constant 0 : i32
      %dma_wait3A_268 = tpu.memref_slice %arg2[%dma_wait3A_266, %dma_wait3A_267] : memref<10240x128xf32, #tpu.memory_space<hbm>> -> memref<88x128xf32, #tpu.memory_space<hbm>>
      tpu.wait_dma2 semaphore(%arg16 : memref<!tpu.dma_semaphore, #tpu.memory_space<semaphore_mem>>) src(%dma_wait3A_268 : memref<88x128xf32, #tpu.memory_space<hbm>>) dst(%arg11 : memref<88x128xf32, #tpu.memory_space<vmem>>)
      %run_scoped3A_269 = arith.constant 1 : i32
      "tpu.region"() ({
        %run_scoped3A_345 = tpu.sem_alloc : memref<!tpu.dma_semaphore, #tpu.memory_space<semaphore_mem>>
        %dma_start3A_346 = arith.constant 0 : i32
        %dma_start3A_347 = tpu.memref_slice %arg7[%run_scoped3A_269, %dma_start3A_346] : memref<2x88xi32, #tpu.memory_space<vmem>> -> memref<1x88xi32, #tpu.memory_space<vmem>>
        %dma_start3A_348 = tpu.memref_squeeze %dma_start3A_347 : memref<1x88xi32, #tpu.memory_space<vmem>> -> memref<88xi32, #tpu.memory_space<vmem>>
        %dma_start3A_349 = arith.constant 0 : i32
        %dma_start3A_350 = arith.constant 0 : i32
        %dma_start3A_351 = tpu.memref_slice %arg13[%dma_start3A_349, %dma_start3A_350] : memref<10240x128xf32, #tpu.memory_space<vmem_shared>> -> memref<10240x128xf32, #tpu.memory_space<vmem_shared>>
        tpu.enqueue_indirect_dma source(%arg11 : memref<88x128xf32, #tpu.memory_space<vmem>>) target(%dma_start3A_351 : memref<10240x128xf32, #tpu.memory_space<vmem_shared>>) offsets(%dma_start3A_348 : memref<88xi32, #tpu.memory_space<vmem>>) semaphore(%run_scoped3A_345 : memref<!tpu.dma_semaphore, #tpu.memory_space<semaphore_mem>>) {add = true}
        %dma_wait3A_352 = arith.constant 0 : i32
        %dma_wait3A_353 = tpu.memref_slice %arg7[%run_scoped3A_269, %dma_wait3A_352] : memref<2x88xi32, #tpu.memory_space<vmem>> -> memref<1x88xi32, #tpu.memory_space<vmem>>
        %dma_wait3A_354 = tpu.memref_squeeze %dma_wait3A_353 : memref<1x88xi32, #tpu.memory_space<vmem>> -> memref<88xi32, #tpu.memory_space<vmem>>
        %dma_wait3A_355 = arith.constant 0 : i32
        %dma_wait3A_356 = arith.constant 0 : i32
        %dma_wait3A_357 = tpu.memref_slice %arg13[%dma_wait3A_355, %dma_wait3A_356] : memref<10240x128xf32, #tpu.memory_space<vmem_shared>> -> memref<10240x128xf32, #tpu.memory_space<vmem_shared>>
        tpu.wait_indirect_dma semaphore(%run_scoped3A_345 : memref<!tpu.dma_semaphore, #tpu.memory_space<semaphore_mem>>) src(%arg11 : memref<88x128xf32, #tpu.memory_space<vmem>>) dst(%dma_wait3A_357 : memref<10240x128xf32, #tpu.memory_space<vmem_shared>>)
        tpu.yield
      }) : () -> ()
      %add3A_270 = arith.constant 6 : i32
      %add3A_271 = arith.addi %add3A_212, %add3A_270 : i32
      %dma_start3A_272 = arith.constant 0 : i32
      %dma_start3A_273 = arith.constant 0 : i32
      %dma_start3A_274 = tpu.memref_slice %arg3[%add3A_271, %dma_start3A_272, %dma_start3A_273] : memref<3648x2x88xi32, #tpu.memory_space<hbm>> -> memref<1x2x88xi32, #tpu.memory_space<hbm>>
      %dma_start3A_275 = tpu.memref_squeeze %dma_start3A_274 : memref<1x2x88xi32, #tpu.memory_space<hbm>> -> memref<2x88xi32, #tpu.memory_space<hbm>>
      %dma_start3A_276 = arith.constant 0 : i32
      %dma_start3A_277 = arith.constant 0 : i32
      %dma_start3A_278 = tpu.memref_slice %arg3[%add3A_271, %dma_start3A_276, %dma_start3A_277] : memref<3648x2x88xi32, #tpu.memory_space<hbm>> -> memref<1x2x88xi32, #tpu.memory_space<hbm>>
      %dma_start3A_279 = tpu.memref_squeeze %dma_start3A_278 : memref<1x2x88xi32, #tpu.memory_space<hbm>> -> memref<2x88xi32, #tpu.memory_space<hbm>>
      tpu.enqueue_dma source(%dma_start3A_279 : memref<2x88xi32, #tpu.memory_space<hbm>>) target(%arg7 : memref<2x88xi32, #tpu.memory_space<vmem>>) target_semaphore(%arg20 : memref<!tpu.dma_semaphore, #tpu.memory_space<semaphore_mem>>)
      %dma_wait3A_280 = arith.constant 0 : i32
      %dma_wait3A_281 = arith.constant 0 : i32
      %dma_wait3A_282 = arith.constant 0 : i32
      %dma_wait3A_283 = tpu.memref_slice %arg3[%dma_wait3A_280, %dma_wait3A_281, %dma_wait3A_282] : memref<3648x2x88xi32, #tpu.memory_space<hbm>> -> memref<1x2x88xi32, #tpu.memory_space<hbm>>
      %dma_wait3A_284 = tpu.memref_squeeze %dma_wait3A_283 : memref<1x2x88xi32, #tpu.memory_space<hbm>> -> memref<2x88xi32, #tpu.memory_space<hbm>>
      %dma_wait3A_285 = arith.constant 0 : i32
      %dma_wait3A_286 = arith.constant 0 : i32
      %dma_wait3A_287 = tpu.memref_slice %arg3[%dma_wait3A_280, %dma_wait3A_285, %dma_wait3A_286] : memref<3648x2x88xi32, #tpu.memory_space<hbm>> -> memref<1x2x88xi32, #tpu.memory_space<hbm>>
      %dma_wait3A_288 = tpu.memref_squeeze %dma_wait3A_287 : memref<1x2x88xi32, #tpu.memory_space<hbm>> -> memref<2x88xi32, #tpu.memory_space<hbm>>
      tpu.wait_dma2 semaphore(%arg19 : memref<!tpu.dma_semaphore, #tpu.memory_space<semaphore_mem>>) src(%dma_wait3A_288 : memref<2x88xi32, #tpu.memory_space<hbm>>) dst(%arg6 : memref<2x88xi32, #tpu.memory_space<vmem>>)
      %dma_start3A_289 = arith.constant 0 : i32
      %dma_start3A_290 = arith.constant 0 : i32
      %dma_start3A_291 = tpu.memref_slice %arg6[%dma_start3A_289, %dma_start3A_290] : memref<2x88xi32, #tpu.memory_space<vmem>> -> memref<1x88xi32, #tpu.memory_space<vmem>>
      %dma_start3A_292 = tpu.memref_squeeze %dma_start3A_291 : memref<1x88xi32, #tpu.memory_space<vmem>> -> memref<88xi32, #tpu.memory_space<vmem>>
      %dma_start3A_293 = arith.constant 0 : i32
      %dma_start3A_294 = arith.constant 0 : i32
      %dma_start3A_295 = tpu.memref_slice %arg2[%dma_start3A_293, %dma_start3A_294] : memref<10240x128xf32, #tpu.memory_space<hbm>> -> memref<10240x128xf32, #tpu.memory_space<hbm>>
      tpu.enqueue_indirect_dma source(%dma_start3A_295 : memref<10240x128xf32, #tpu.memory_space<hbm>>) target(%arg10 : memref<88x128xf32, #tpu.memory_space<vmem>>) offsets(%dma_start3A_292 : memref<88xi32, #tpu.memory_space<vmem>>) semaphore(%arg15 : memref<!tpu.dma_semaphore, #tpu.memory_space<semaphore_mem>>)
      %dma_wait3A_296 = arith.constant 0 : i32
      %dma_wait3A_297 = arith.constant 0 : i32
      %dma_wait3A_298 = tpu.memref_slice %arg2[%dma_wait3A_296, %dma_wait3A_297] : memref<10240x128xf32, #tpu.memory_space<hbm>> -> memref<88x128xf32, #tpu.memory_space<hbm>>
      %dma_wait3A_299 = arith.constant 0 : i32
      %dma_wait3A_300 = arith.constant 0 : i32
      %dma_wait3A_301 = tpu.memref_slice %arg2[%dma_wait3A_299, %dma_wait3A_300] : memref<10240x128xf32, #tpu.memory_space<hbm>> -> memref<88x128xf32, #tpu.memory_space<hbm>>
      tpu.wait_dma2 semaphore(%arg17 : memref<!tpu.dma_semaphore, #tpu.memory_space<semaphore_mem>>) src(%dma_wait3A_301 : memref<88x128xf32, #tpu.memory_space<hbm>>) dst(%arg12 : memref<88x128xf32, #tpu.memory_space<vmem>>)
      %run_scoped3A_302 = arith.constant 1 : i32
      "tpu.region"() ({
        %run_scoped3A_345 = tpu.sem_alloc : memref<!tpu.dma_semaphore, #tpu.memory_space<semaphore_mem>>
        %dma_start3A_346 = arith.constant 0 : i32
        %dma_start3A_347 = tpu.memref_slice %arg8[%run_scoped3A_302, %dma_start3A_346] : memref<2x88xi32, #tpu.memory_space<vmem>> -> memref<1x88xi32, #tpu.memory_space<vmem>>
        %dma_start3A_348 = tpu.memref_squeeze %dma_start3A_347 : memref<1x88xi32, #tpu.memory_space<vmem>> -> memref<88xi32, #tpu.memory_space<vmem>>
        %dma_start3A_349 = arith.constant 0 : i32
        %dma_start3A_350 = arith.constant 0 : i32
        %dma_start3A_351 = tpu.memref_slice %arg13[%dma_start3A_349, %dma_start3A_350] : memref<10240x128xf32, #tpu.memory_space<vmem_shared>> -> memref<10240x128xf32, #tpu.memory_space<vmem_shared>>
        tpu.enqueue_indirect_dma source(%arg12 : memref<88x128xf32, #tpu.memory_space<vmem>>) target(%dma_start3A_351 : memref<10240x128xf32, #tpu.memory_space<vmem_shared>>) offsets(%dma_start3A_348 : memref<88xi32, #tpu.memory_space<vmem>>) semaphore(%run_scoped3A_345 : memref<!tpu.dma_semaphore, #tpu.memory_space<semaphore_mem>>) {add = true}
        %dma_wait3A_352 = arith.constant 0 : i32
        %dma_wait3A_353 = tpu.memref_slice %arg8[%run_scoped3A_302, %dma_wait3A_352] : memref<2x88xi32, #tpu.memory_space<vmem>> -> memref<1x88xi32, #tpu.memory_space<vmem>>
        %dma_wait3A_354 = tpu.memref_squeeze %dma_wait3A_353 : memref<1x88xi32, #tpu.memory_space<vmem>> -> memref<88xi32, #tpu.memory_space<vmem>>
        %dma_wait3A_355 = arith.constant 0 : i32
        %dma_wait3A_356 = arith.constant 0 : i32
        %dma_wait3A_357 = tpu.memref_slice %arg13[%dma_wait3A_355, %dma_wait3A_356] : memref<10240x128xf32, #tpu.memory_space<vmem_shared>> -> memref<10240x128xf32, #tpu.memory_space<vmem_shared>>
        tpu.wait_indirect_dma semaphore(%run_scoped3A_345 : memref<!tpu.dma_semaphore, #tpu.memory_space<semaphore_mem>>) src(%arg12 : memref<88x128xf32, #tpu.memory_space<vmem>>) dst(%dma_wait3A_357 : memref<10240x128xf32, #tpu.memory_space<vmem_shared>>)
        tpu.yield
      }) : () -> ()
      %add3A_303 = arith.constant 7 : i32
      %add3A_304 = arith.addi %add3A_212, %add3A_303 : i32
      %dma_start3A_305 = arith.constant 0 : i32
      %dma_start3A_306 = arith.constant 0 : i32
      %dma_start3A_307 = tpu.memref_slice %arg3[%add3A_304, %dma_start3A_305, %dma_start3A_306] : memref<3648x2x88xi32, #tpu.memory_space<hbm>> -> memref<1x2x88xi32, #tpu.memory_space<hbm>>
      %dma_start3A_308 = tpu.memref_squeeze %dma_start3A_307 : memref<1x2x88xi32, #tpu.memory_space<hbm>> -> memref<2x88xi32, #tpu.memory_space<hbm>>
      %dma_start3A_309 = arith.constant 0 : i32
      %dma_start3A_310 = arith.constant 0 : i32
      %dma_start3A_311 = tpu.memref_slice %arg3[%add3A_304, %dma_start3A_309, %dma_start3A_310] : memref<3648x2x88xi32, #tpu.memory_space<hbm>> -> memref<1x2x88xi32, #tpu.memory_space<hbm>>
      %dma_start3A_312 = tpu.memref_squeeze %dma_start3A_311 : memref<1x2x88xi32, #tpu.memory_space<hbm>> -> memref<2x88xi32, #tpu.memory_space<hbm>>
      tpu.enqueue_dma source(%dma_start3A_312 : memref<2x88xi32, #tpu.memory_space<hbm>>) target(%arg8 : memref<2x88xi32, #tpu.memory_space<vmem>>) target_semaphore(%arg21 : memref<!tpu.dma_semaphore, #tpu.memory_space<semaphore_mem>>)
      %dma_wait3A_313 = arith.constant 0 : i32
      %dma_wait3A_314 = arith.constant 0 : i32
      %dma_wait3A_315 = arith.constant 0 : i32
      %dma_wait3A_316 = tpu.memref_slice %arg3[%dma_wait3A_313, %dma_wait3A_314, %dma_wait3A_315] : memref<3648x2x88xi32, #tpu.memory_space<hbm>> -> memref<1x2x88xi32, #tpu.memory_space<hbm>>
      %dma_wait3A_317 = tpu.memref_squeeze %dma_wait3A_316 : memref<1x2x88xi32, #tpu.memory_space<hbm>> -> memref<2x88xi32, #tpu.memory_space<hbm>>
      %dma_wait3A_318 = arith.constant 0 : i32
      %dma_wait3A_319 = arith.constant 0 : i32
      %dma_wait3A_320 = tpu.memref_slice %arg3[%dma_wait3A_313, %dma_wait3A_318, %dma_wait3A_319] : memref<3648x2x88xi32, #tpu.memory_space<hbm>> -> memref<1x2x88xi32, #tpu.memory_space<hbm>>
      %dma_wait3A_321 = tpu.memref_squeeze %dma_wait3A_320 : memref<1x2x88xi32, #tpu.memory_space<hbm>> -> memref<2x88xi32, #tpu.memory_space<hbm>>
      tpu.wait_dma2 semaphore(%arg20 : memref<!tpu.dma_semaphore, #tpu.memory_space<semaphore_mem>>) src(%dma_wait3A_321 : memref<2x88xi32, #tpu.memory_space<hbm>>) dst(%arg7 : memref<2x88xi32, #tpu.memory_space<vmem>>)
      %dma_start3A_322 = arith.constant 0 : i32
      %dma_start3A_323 = arith.constant 0 : i32
      %dma_start3A_324 = tpu.memref_slice %arg7[%dma_start3A_322, %dma_start3A_323] : memref<2x88xi32, #tpu.memory_space<vmem>> -> memref<1x88xi32, #tpu.memory_space<vmem>>
      %dma_start3A_325 = tpu.memref_squeeze %dma_start3A_324 : memref<1x88xi32, #tpu.memory_space<vmem>> -> memref<88xi32, #tpu.memory_space<vmem>>
      %dma_start3A_326 = arith.constant 0 : i32
      %dma_start3A_327 = arith.constant 0 : i32
      %dma_start3A_328 = tpu.memref_slice %arg2[%dma_start3A_326, %dma_start3A_327] : memref<10240x128xf32, #tpu.memory_space<hbm>> -> memref<10240x128xf32, #tpu.memory_space<hbm>>
      tpu.enqueue_indirect_dma source(%dma_start3A_328 : memref<10240x128xf32, #tpu.memory_space<hbm>>) target(%arg11 : memref<88x128xf32, #tpu.memory_space<vmem>>) offsets(%dma_start3A_325 : memref<88xi32, #tpu.memory_space<vmem>>) semaphore(%arg16 : memref<!tpu.dma_semaphore, #tpu.memory_space<semaphore_mem>>)
      %dma_wait3A_329 = arith.constant 0 : i32
      %dma_wait3A_330 = arith.constant 0 : i32
      %dma_wait3A_331 = arith.constant 0 : i32
      %dma_wait3A_332 = tpu.memref_slice %arg3[%dma_wait3A_329, %dma_wait3A_330, %dma_wait3A_331] : memref<3648x2x88xi32, #tpu.memory_space<hbm>> -> memref<1x2x88xi32, #tpu.memory_space<hbm>>
      %dma_wait3A_333 = tpu.memref_squeeze %dma_wait3A_332 : memref<1x2x88xi32, #tpu.memory_space<hbm>> -> memref<2x88xi32, #tpu.memory_space<hbm>>
      %dma_wait3A_334 = arith.constant 0 : i32
      %dma_wait3A_335 = arith.constant 0 : i32
      %dma_wait3A_336 = tpu.memref_slice %arg3[%dma_wait3A_329, %dma_wait3A_334, %dma_wait3A_335] : memref<3648x2x88xi32, #tpu.memory_space<hbm>> -> memref<1x2x88xi32, #tpu.memory_space<hbm>>
      %dma_wait3A_337 = tpu.memref_squeeze %dma_wait3A_336 : memref<1x2x88xi32, #tpu.memory_space<hbm>> -> memref<2x88xi32, #tpu.memory_space<hbm>>
      tpu.wait_dma2 semaphore(%arg21 : memref<!tpu.dma_semaphore, #tpu.memory_space<semaphore_mem>>) src(%dma_wait3A_337 : memref<2x88xi32, #tpu.memory_space<hbm>>) dst(%arg8 : memref<2x88xi32, #tpu.memory_space<vmem>>)
      %dma_start3A_338 = arith.constant 0 : i32
      %dma_start3A_339 = arith.constant 0 : i32
      %dma_start3A_340 = tpu.memref_slice %arg8[%dma_start3A_338, %dma_start3A_339] : memref<2x88xi32, #tpu.memory_space<vmem>> -> memref<1x88xi32, #tpu.memory_space<vmem>>
      %dma_start3A_341 = tpu.memref_squeeze %dma_start3A_340 : memref<1x88xi32, #tpu.memory_space<vmem>> -> memref<88xi32, #tpu.memory_space<vmem>>
      %dma_start3A_342 = arith.constant 0 : i32
      %dma_start3A_343 = arith.constant 0 : i32
      %dma_start3A_344 = tpu.memref_slice %arg2[%dma_start3A_342, %dma_start3A_343] : memref<10240x128xf32, #tpu.memory_space<hbm>> -> memref<10240x128xf32, #tpu.memory_space<hbm>>
      tpu.enqueue_indirect_dma source(%dma_start3A_344 : memref<10240x128xf32, #tpu.memory_space<hbm>>) target(%arg12 : memref<88x128xf32, #tpu.memory_space<vmem>>) offsets(%dma_start3A_341 : memref<88xi32, #tpu.memory_space<vmem>>) semaphore(%arg17 : memref<!tpu.dma_semaphore, #tpu.memory_space<semaphore_mem>>)
    }
    %dma_wait3A_177 = arith.constant 0 : i32
    %dma_wait3A_178 = arith.constant 0 : i32
    %dma_wait3A_179 = tpu.memref_slice %arg2[%dma_wait3A_177, %dma_wait3A_178] : memref<10240x128xf32, #tpu.memory_space<hbm>> -> memref<88x128xf32, #tpu.memory_space<hbm>>
    %dma_wait3A_180 = arith.constant 0 : i32
    %dma_wait3A_181 = arith.constant 0 : i32
    %dma_wait3A_182 = tpu.memref_slice %arg2[%dma_wait3A_180, %dma_wait3A_181] : memref<10240x128xf32, #tpu.memory_space<hbm>> -> memref<88x128xf32, #tpu.memory_space<hbm>>
    tpu.wait_dma2 semaphore(%arg14 : memref<!tpu.dma_semaphore, #tpu.memory_space<semaphore_mem>>) src(%dma_wait3A_182 : memref<88x128xf32, #tpu.memory_space<hbm>>) dst(%arg9 : memref<88x128xf32, #tpu.memory_space<vmem>>)
    %run_scoped3A = arith.constant 1 : i32
    "tpu.region"() ({
      %run_scoped3A_209 = tpu.sem_alloc : memref<!tpu.dma_semaphore, #tpu.memory_space<semaphore_mem>>
      %dma_start3A_210 = arith.constant 0 : i32
      %dma_start3A_211 = tpu.memref_slice %arg5[%run_scoped3A, %dma_start3A_210] : memref<2x88xi32, #tpu.memory_space<vmem>> -> memref<1x88xi32, #tpu.memory_space<vmem>>
      %dma_start3A_212 = tpu.memref_squeeze %dma_start3A_211 : memref<1x88xi32, #tpu.memory_space<vmem>> -> memref<88xi32, #tpu.memory_space<vmem>>
      %dma_start3A_213 = arith.constant 0 : i32
      %dma_start3A_214 = arith.constant 0 : i32
      %dma_start3A_215 = tpu.memref_slice %arg13[%dma_start3A_213, %dma_start3A_214] : memref<10240x128xf32, #tpu.memory_space<vmem_shared>> -> memref<10240x128xf32, #tpu.memory_space<vmem_shared>>
      tpu.enqueue_indirect_dma source(%arg9 : memref<88x128xf32, #tpu.memory_space<vmem>>) target(%dma_start3A_215 : memref<10240x128xf32, #tpu.memory_space<vmem_shared>>) offsets(%dma_start3A_212 : memref<88xi32, #tpu.memory_space<vmem>>) semaphore(%run_scoped3A_209 : memref<!tpu.dma_semaphore, #tpu.memory_space<semaphore_mem>>) {add = true}
      %dma_wait3A_216 = arith.constant 0 : i32
      %dma_wait3A_217 = tpu.memref_slice %arg5[%run_scoped3A, %dma_wait3A_216] : memref<2x88xi32, #tpu.memory_space<vmem>> -> memref<1x88xi32, #tpu.memory_space<vmem>>
      %dma_wait3A_218 = tpu.memref_squeeze %dma_wait3A_217 : memref<1x88xi32, #tpu.memory_space<vmem>> -> memref<88xi32, #tpu.memory_space<vmem>>
      %dma_wait3A_219 = arith.constant 0 : i32
      %dma_wait3A_220 = arith.constant 0 : i32
      %dma_wait3A_221 = tpu.memref_slice %arg13[%dma_wait3A_219, %dma_wait3A_220] : memref<10240x128xf32, #tpu.memory_space<vmem_shared>> -> memref<10240x128xf32, #tpu.memory_space<vmem_shared>>
      tpu.wait_indirect_dma semaphore(%run_scoped3A_209 : memref<!tpu.dma_semaphore, #tpu.memory_space<semaphore_mem>>) src(%arg9 : memref<88x128xf32, #tpu.memory_space<vmem>>) dst(%dma_wait3A_221 : memref<10240x128xf32, #tpu.memory_space<vmem_shared>>)
      tpu.yield
    }) : () -> ()
    %dma_wait3A_183 = arith.constant 0 : i32
    %dma_wait3A_184 = arith.constant 0 : i32
    %dma_wait3A_185 = tpu.memref_slice %arg2[%dma_wait3A_183, %dma_wait3A_184] : memref<10240x128xf32, #tpu.memory_space<hbm>> -> memref<88x128xf32, #tpu.memory_space<hbm>>
    %dma_wait3A_186 = arith.constant 0 : i32
    %dma_wait3A_187 = arith.constant 0 : i32
    %dma_wait3A_188 = tpu.memref_slice %arg2[%dma_wait3A_186, %dma_wait3A_187] : memref<10240x128xf32, #tpu.memory_space<hbm>> -> memref<88x128xf32, #tpu.memory_space<hbm>>
    tpu.wait_dma2 semaphore(%arg15 : memref<!tpu.dma_semaphore, #tpu.memory_space<semaphore_mem>>) src(%dma_wait3A_188 : memref<88x128xf32, #tpu.memory_space<hbm>>) dst(%arg10 : memref<88x128xf32, #tpu.memory_space<vmem>>)
    %run_scoped3A_189 = arith.constant 1 : i32
    "tpu.region"() ({
      %run_scoped3A_209 = tpu.sem_alloc : memref<!tpu.dma_semaphore, #tpu.memory_space<semaphore_mem>>
      %dma_start3A_210 = arith.constant 0 : i32
      %dma_start3A_211 = tpu.memref_slice %arg6[%run_scoped3A_189, %dma_start3A_210] : memref<2x88xi32, #tpu.memory_space<vmem>> -> memref<1x88xi32, #tpu.memory_space<vmem>>
      %dma_start3A_212 = tpu.memref_squeeze %dma_start3A_211 : memref<1x88xi32, #tpu.memory_space<vmem>> -> memref<88xi32, #tpu.memory_space<vmem>>
      %dma_start3A_213 = arith.constant 0 : i32
      %dma_start3A_214 = arith.constant 0 : i32
      %dma_start3A_215 = tpu.memref_slice %arg13[%dma_start3A_213, %dma_start3A_214] : memref<10240x128xf32, #tpu.memory_space<vmem_shared>> -> memref<10240x128xf32, #tpu.memory_space<vmem_shared>>
      tpu.enqueue_indirect_dma source(%arg10 : memref<88x128xf32, #tpu.memory_space<vmem>>) target(%dma_start3A_215 : memref<10240x128xf32, #tpu.memory_space<vmem_shared>>) offsets(%dma_start3A_212 : memref<88xi32, #tpu.memory_space<vmem>>) semaphore(%run_scoped3A_209 : memref<!tpu.dma_semaphore, #tpu.memory_space<semaphore_mem>>) {add = true}
      %dma_wait3A_216 = arith.constant 0 : i32
      %dma_wait3A_217 = tpu.memref_slice %arg6[%run_scoped3A_189, %dma_wait3A_216] : memref<2x88xi32, #tpu.memory_space<vmem>> -> memref<1x88xi32, #tpu.memory_space<vmem>>
      %dma_wait3A_218 = tpu.memref_squeeze %dma_wait3A_217 : memref<1x88xi32, #tpu.memory_space<vmem>> -> memref<88xi32, #tpu.memory_space<vmem>>
      %dma_wait3A_219 = arith.constant 0 : i32
      %dma_wait3A_220 = arith.constant 0 : i32
      %dma_wait3A_221 = tpu.memref_slice %arg13[%dma_wait3A_219, %dma_wait3A_220] : memref<10240x128xf32, #tpu.memory_space<vmem_shared>> -> memref<10240x128xf32, #tpu.memory_space<vmem_shared>>
      tpu.wait_indirect_dma semaphore(%run_scoped3A_209 : memref<!tpu.dma_semaphore, #tpu.memory_space<semaphore_mem>>) src(%arg10 : memref<88x128xf32, #tpu.memory_space<vmem>>) dst(%dma_wait3A_221 : memref<10240x128xf32, #tpu.memory_space<vmem_shared>>)
      tpu.yield
    }) : () -> ()
    %dma_wait3A_190 = arith.constant 0 : i32
    %dma_wait3A_191 = arith.constant 0 : i32
    %dma_wait3A_192 = tpu.memref_slice %arg2[%dma_wait3A_190, %dma_wait3A_191] : memref<10240x128xf32, #tpu.memory_space<hbm>> -> memref<88x128xf32, #tpu.memory_space<hbm>>
    %dma_wait3A_193 = arith.constant 0 : i32
    %dma_wait3A_194 = arith.constant 0 : i32
    %dma_wait3A_195 = tpu.memref_slice %arg2[%dma_wait3A_193, %dma_wait3A_194] : memref<10240x128xf32, #tpu.memory_space<hbm>> -> memref<88x128xf32, #tpu.memory_space<hbm>>
    tpu.wait_dma2 semaphore(%arg16 : memref<!tpu.dma_semaphore, #tpu.memory_space<semaphore_mem>>) src(%dma_wait3A_195 : memref<88x128xf32, #tpu.memory_space<hbm>>) dst(%arg11 : memref<88x128xf32, #tpu.memory_space<vmem>>)
    %run_scoped3A_196 = arith.constant 1 : i32
    "tpu.region"() ({
      %run_scoped3A_209 = tpu.sem_alloc : memref<!tpu.dma_semaphore, #tpu.memory_space<semaphore_mem>>
      %dma_start3A_210 = arith.constant 0 : i32
      %dma_start3A_211 = tpu.memref_slice %arg7[%run_scoped3A_196, %dma_start3A_210] : memref<2x88xi32, #tpu.memory_space<vmem>> -> memref<1x88xi32, #tpu.memory_space<vmem>>
      %dma_start3A_212 = tpu.memref_squeeze %dma_start3A_211 : memref<1x88xi32, #tpu.memory_space<vmem>> -> memref<88xi32, #tpu.memory_space<vmem>>
      %dma_start3A_213 = arith.constant 0 : i32
      %dma_start3A_214 = arith.constant 0 : i32
      %dma_start3A_215 = tpu.memref_slice %arg13[%dma_start3A_213, %dma_start3A_214] : memref<10240x128xf32, #tpu.memory_space<vmem_shared>> -> memref<10240x128xf32, #tpu.memory_space<vmem_shared>>
      tpu.enqueue_indirect_dma source(%arg11 : memref<88x128xf32, #tpu.memory_space<vmem>>) target(%dma_start3A_215 : memref<10240x128xf32, #tpu.memory_space<vmem_shared>>) offsets(%dma_start3A_212 : memref<88xi32, #tpu.memory_space<vmem>>) semaphore(%run_scoped3A_209 : memref<!tpu.dma_semaphore, #tpu.memory_space<semaphore_mem>>) {add = true}
      %dma_wait3A_216 = arith.constant 0 : i32
      %dma_wait3A_217 = tpu.memref_slice %arg7[%run_scoped3A_196, %dma_wait3A_216] : memref<2x88xi32, #tpu.memory_space<vmem>> -> memref<1x88xi32, #tpu.memory_space<vmem>>
      %dma_wait3A_218 = tpu.memref_squeeze %dma_wait3A_217 : memref<1x88xi32, #tpu.memory_space<vmem>> -> memref<88xi32, #tpu.memory_space<vmem>>
      %dma_wait3A_219 = arith.constant 0 : i32
      %dma_wait3A_220 = arith.constant 0 : i32
      %dma_wait3A_221 = tpu.memref_slice %arg13[%dma_wait3A_219, %dma_wait3A_220] : memref<10240x128xf32, #tpu.memory_space<vmem_shared>> -> memref<10240x128xf32, #tpu.memory_space<vmem_shared>>
      tpu.wait_indirect_dma semaphore(%run_scoped3A_209 : memref<!tpu.dma_semaphore, #tpu.memory_space<semaphore_mem>>) src(%arg11 : memref<88x128xf32, #tpu.memory_space<vmem>>) dst(%dma_wait3A_221 : memref<10240x128xf32, #tpu.memory_space<vmem_shared>>)
      tpu.yield
    }) : () -> ()
    %dma_wait3A_197 = arith.constant 0 : i32
    %dma_wait3A_198 = arith.constant 0 : i32
    %dma_wait3A_199 = tpu.memref_slice %arg2[%dma_wait3A_197, %dma_wait3A_198] : memref<10240x128xf32, #tpu.memory_space<hbm>> -> memref<88x128xf32, #tpu.memory_space<hbm>>
    %dma_wait3A_200 = arith.constant 0 : i32
    %dma_wait3A_201 = arith.constant 0 : i32
    %dma_wait3A_202 = tpu.memref_slice %arg2[%dma_wait3A_200, %dma_wait3A_201] : memref<10240x128xf32, #tpu.memory_space<hbm>> -> memref<88x128xf32, #tpu.memory_space<hbm>>
    tpu.wait_dma2 semaphore(%arg17 : memref<!tpu.dma_semaphore, #tpu.memory_space<semaphore_mem>>) src(%dma_wait3A_202 : memref<88x128xf32, #tpu.memory_space<hbm>>) dst(%arg12 : memref<88x128xf32, #tpu.memory_space<vmem>>)
    %run_scoped3A_203 = arith.constant 1 : i32
    "tpu.region"() ({
      %run_scoped3A_209 = tpu.sem_alloc : memref<!tpu.dma_semaphore, #tpu.memory_space<semaphore_mem>>
      %dma_start3A_210 = arith.constant 0 : i32
      %dma_start3A_211 = tpu.memref_slice %arg8[%run_scoped3A_203, %dma_start3A_210] : memref<2x88xi32, #tpu.memory_space<vmem>> -> memref<1x88xi32, #tpu.memory_space<vmem>>
      %dma_start3A_212 = tpu.memref_squeeze %dma_start3A_211 : memref<1x88xi32, #tpu.memory_space<vmem>> -> memref<88xi32, #tpu.memory_space<vmem>>
      %dma_start3A_213 = arith.constant 0 : i32
      %dma_start3A_214 = arith.constant 0 : i32
      %dma_start3A_215 = tpu.memref_slice %arg13[%dma_start3A_213, %dma_start3A_214] : memref<10240x128xf32, #tpu.memory_space<vmem_shared>> -> memref<10240x128xf32, #tpu.memory_space<vmem_shared>>
      tpu.enqueue_indirect_dma source(%arg12 : memref<88x128xf32, #tpu.memory_space<vmem>>) target(%dma_start3A_215 : memref<10240x128xf32, #tpu.memory_space<vmem_shared>>) offsets(%dma_start3A_212 : memref<88xi32, #tpu.memory_space<vmem>>) semaphore(%run_scoped3A_209 : memref<!tpu.dma_semaphore, #tpu.memory_space<semaphore_mem>>) {add = true}
      %dma_wait3A_216 = arith.constant 0 : i32
      %dma_wait3A_217 = tpu.memref_slice %arg8[%run_scoped3A_203, %dma_wait3A_216] : memref<2x88xi32, #tpu.memory_space<vmem>> -> memref<1x88xi32, #tpu.memory_space<vmem>>
      %dma_wait3A_218 = tpu.memref_squeeze %dma_wait3A_217 : memref<1x88xi32, #tpu.memory_space<vmem>> -> memref<88xi32, #tpu.memory_space<vmem>>
      %dma_wait3A_219 = arith.constant 0 : i32
      %dma_wait3A_220 = arith.constant 0 : i32
      %dma_wait3A_221 = tpu.memref_slice %arg13[%dma_wait3A_219, %dma_wait3A_220] : memref<10240x128xf32, #tpu.memory_space<vmem_shared>> -> memref<10240x128xf32, #tpu.memory_space<vmem_shared>>
      tpu.wait_indirect_dma semaphore(%run_scoped3A_209 : memref<!tpu.dma_semaphore, #tpu.memory_space<semaphore_mem>>) src(%arg12 : memref<88x128xf32, #tpu.memory_space<vmem>>) dst(%dma_wait3A_221 : memref<10240x128xf32, #tpu.memory_space<vmem_shared>>)
      tpu.yield
    }) : () -> ()
    %barrier3A_204 = arith.constant 0 : index
    tpu.barrier barrier_id(%barrier3A_204)
    %mul3A_205 = arith.constant 640 : i32
    %mul3A_206 = arith.muli %arg1, %mul3A_205 : i32
    %mul3A_207 = arith.constant 640 : i32
    %mul3A_208 = arith.muli %arg1, %mul3A_207 : i32
    "tpu.region"() ({
      %run_scoped3A_209 = tpu.sem_alloc : memref<!tpu.dma_semaphore, #tpu.memory_space<semaphore_mem>>
      %dma_start3A_210 = arith.constant 0 : i32
      %dma_start3A_211 = tpu.memref_slice %arg4[%arg0, %mul3A_208, %dma_start3A_210] : memref<2x10240x128xf32, #tpu.memory_space<hbm>> -> memref<1x640x128xf32, #tpu.memory_space<hbm>>
      %dma_start3A_212 = tpu.memref_squeeze %dma_start3A_211 : memref<1x640x128xf32, #tpu.memory_space<hbm>> -> memref<640x128xf32, #tpu.memory_space<hbm>>
      %dma_start3A_213 = arith.constant 0 : i32
      %dma_start3A_214 = tpu.memref_slice %arg13[%mul3A_206, %dma_start3A_213] : memref<10240x128xf32, #tpu.memory_space<vmem_shared>> -> memref<640x128xf32, #tpu.memory_space<vmem_shared>>
      tpu.enqueue_dma source(%dma_start3A_214 : memref<640x128xf32, #tpu.memory_space<vmem_shared>>) target(%dma_start3A_212 : memref<640x128xf32, #tpu.memory_space<hbm>>) target_semaphore(%run_scoped3A_209 : memref<!tpu.dma_semaphore, #tpu.memory_space<semaphore_mem>>)
      %dma_wait3A_215 = arith.constant 0 : i32
      %dma_wait3A_216 = tpu.memref_slice %arg4[%arg0, %mul3A_208, %dma_wait3A_215] : memref<2x10240x128xf32, #tpu.memory_space<hbm>> -> memref<1x640x128xf32, #tpu.memory_space<hbm>>
      %dma_wait3A_217 = tpu.memref_squeeze %dma_wait3A_216 : memref<1x640x128xf32, #tpu.memory_space<hbm>> -> memref<640x128xf32, #tpu.memory_space<hbm>>
      %dma_wait3A_218 = arith.constant 0 : i32
      %dma_wait3A_219 = tpu.memref_slice %arg13[%mul3A_206, %dma_wait3A_218] : memref<10240x128xf32, #tpu.memory_space<vmem_shared>> -> memref<640x128xf32, #tpu.memory_space<vmem_shared>>
      tpu.wait_dma2 semaphore(%run_scoped3A_209 : memref<!tpu.dma_semaphore, #tpu.memory_space<semaphore_mem>>) src(%dma_wait3A_219 : memref<640x128xf32, #tpu.memory_space<vmem_shared>>) dst(%dma_wait3A_217 : memref<640x128xf32, #tpu.memory_space<hbm>>)
      tpu.yield
    }) : () -> ()
    return
  }
}

module attributes {stable_mosaic.version = 14 : i64} {
  func.func @_prep_body(%arg0: i32, %arg1: memref<2x2048xf32, #tpu.memory_space<vmem>>, %arg2: memref<2048x128xf32, #tpu.memory_space<vmem>>, %arg3: memref<2048x128xf32, #tpu.memory_space<vmem>>, %arg4: memref<2048x128xf32, #tpu.memory_space<vmem>>) attributes {dimension_semantics = [#tpu.dimension_semantics<arbitrary>], iteration_bounds = array<i64: 5>, scalar_prefetch = 0 : i64, scratch_operands = 0 : i64, tpu.core_type = #tpu.core_type<tc>, window_params = [{transform_indices = @transform_0, window_bounds = array<i64: 2, 2048>}, {transform_indices = @transform_1, window_bounds = array<i64: 2048, 128>}, {transform_indices = @transform_2, window_bounds = array<i64: 2048, 128>}, {transform_indices = @transform_3, window_bounds = array<i64: 2048, 128>}]} {
    %get3A = arith.constant 0 : index
    %get3A_0 = arith.constant 0 : index
    %get3A_1 = vector.load %arg1[%get3A, %get3A_0] : memref<2x2048xf32, #tpu.memory_space<vmem>>, vector<1x2048xf32>
    %get3A_2 = vector.shape_cast %get3A_1 : vector<1x2048xf32> to vector<2048xf32>
    %get3A_3 = arith.constant 1 : index
    %get3A_4 = arith.constant 0 : index
    %get3A_5 = vector.load %arg1[%get3A_3, %get3A_4] : memref<2x2048xf32, #tpu.memory_space<vmem>>, vector<1x2048xf32>
    %get3A_6 = vector.shape_cast %get3A_5 : vector<1x2048xf32> to vector<2048xf32>
    %add3A = arith.addf %get3A_2, %get3A_6 : vector<2048xf32>
    %add3A_7 = arith.constant 1.000000e+00 : f32
    %add3A_8 = vector.broadcast %add3A_7 : f32 to vector<2048xf32>
    %add3A_9 = arith.addf %add3A, %add3A_8 : vector<2048xf32>
    %rsqrt3A = math.rsqrt %add3A_9 : vector<2048xf32>
    %broadcast_in_dim3A = vector.shape_cast %rsqrt3A : vector<2048xf32> to vector<2048x1xf32>
    %broadcast_in_dim3A_10 = vector.shape_cast %broadcast_in_dim3A : vector<2048x1xf32> to vector<2048x1xf32>
    %broadcast_in_dim3A_11 = vector.broadcast %broadcast_in_dim3A_10 : vector<2048x1xf32> to vector<2048x128xf32>
    %swap3A = arith.constant 0 : index
    %swap3A_12 = arith.constant 0 : index
    %swap3A_13 = vector.load %arg4[%swap3A, %swap3A_12] : memref<2048x128xf32, #tpu.memory_space<vmem>>, vector<2048x128xf32>
    tpu.vector_store %arg4[%swap3A, %swap3A_12], %broadcast_in_dim3A_11 {strides = array<i32>} : memref<2048x128xf32, #tpu.memory_space<vmem>>, vector<2048x128xf32>,
    %get3A_14 = arith.constant 0 : index
    %get3A_15 = arith.constant 0 : index
    %get3A_16 = vector.load %arg2[%get3A_14, %get3A_15] : memref<2048x128xf32, #tpu.memory_space<vmem>>, vector<2048x128xf32>
    %mul3A = vector.broadcast %broadcast_in_dim3A : vector<2048x1xf32> to vector<2048x128xf32>
    %mul3A_17 = arith.mulf %get3A_16, %mul3A : vector<2048x128xf32>
    %swap3A_18 = arith.constant 0 : index
    %swap3A_19 = arith.constant 0 : index
    %swap3A_20 = vector.load %arg3[%swap3A_18, %swap3A_19] : memref<2048x128xf32, #tpu.memory_space<vmem>>, vector<2048x128xf32>
    tpu.vector_store %arg3[%swap3A_18, %swap3A_19], %mul3A_17 {strides = array<i32>} : memref<2048x128xf32, #tpu.memory_space<vmem>>, vector<2048x128xf32>,
    return
  }
  func.func @transform_0(%arg0: i32) -> (i32, i32) {
    %c0_i32 = arith.constant 0 : i32
    %c0_i32_0 = arith.constant 0 : i32
    return %c0_i32, %arg0 : i32, i32
  }
  func.func @transform_1(%arg0: i32) -> (i32, i32) {
    %c0_i32 = arith.constant 0 : i32
    %c0_i32_0 = arith.constant 0 : i32
    return %arg0, %c0_i32 : i32, i32
  }
  func.func @transform_2(%arg0: i32) -> (i32, i32) {
    %c0_i32 = arith.constant 0 : i32
    %c0_i32_0 = arith.constant 0 : i32
    return %arg0, %c0_i32 : i32, i32
  }
  func.func @transform_3(%arg0: i32) -> (i32, i32) {
    %c0_i32 = arith.constant 0 : i32
    %c0_i32_0 = arith.constant 0 : i32
    return %arg0, %c0_i32 : i32, i32
  }
}

module attributes {stable_mosaic.version = 14 : i64} {
  func.func @_layer_body(%arg0: i32, %arg1: memref<2x2048x128xf32, #tpu.memory_space<vmem>>, %arg2: memref<2048x128xf32, #tpu.memory_space<vmem>>, %arg3: memref<2048x128xf32, #tpu.memory_space<vmem>>, %arg4: memref<128x128xf32, #tpu.memory_space<vmem>>, %arg5: memref<1x128xf32, #tpu.memory_space<vmem>>, %arg6: memref<2048x128xf32, #tpu.memory_space<vmem>>) attributes {dimension_semantics = [#tpu.dimension_semantics<arbitrary>], iteration_bounds = array<i64: 5>, scalar_prefetch = 0 : i64, scratch_operands = 0 : i64, tpu.core_type = #tpu.core_type<tc>, window_params = [{transform_indices = @transform_0, window_bounds = array<i64: 2, 2048, 128>}, {transform_indices = @transform_1, window_bounds = array<i64: 2048, 128>}, {transform_indices = @transform_2, window_bounds = array<i64: 2048, 128>}, {pipeline_mode = #tpu.pipeline_mode<synchronous>, transform_indices = @transform_3, window_bounds = array<i64: 128, 128>}, {pipeline_mode = #tpu.pipeline_mode<synchronous>, transform_indices = @transform_4, window_bounds = array<i64: 1, 128>}, {transform_indices = @transform_5, window_bounds = array<i64: 2048, 128>}]} {
    %get3A = arith.constant 0 : index
    %get3A_0 = arith.constant 0 : index
    %get3A_1 = arith.constant 0 : index
    %get3A_2 = vector.load %arg1[%get3A, %get3A_0, %get3A_1] : memref<2x2048x128xf32, #tpu.memory_space<vmem>>, vector<1x2048x128xf32>
    %get3A_3 = vector.shape_cast %get3A_2 : vector<1x2048x128xf32> to vector<2048x128xf32>
    %get3A_4 = arith.constant 1 : index
    %get3A_5 = arith.constant 0 : index
    %get3A_6 = arith.constant 0 : index
    %get3A_7 = vector.load %arg1[%get3A_4, %get3A_5, %get3A_6] : memref<2x2048x128xf32, #tpu.memory_space<vmem>>, vector<1x2048x128xf32>
    %get3A_8 = vector.shape_cast %get3A_7 : vector<1x2048x128xf32> to vector<2048x128xf32>
    %add3A = arith.addf %get3A_3, %get3A_8 : vector<2048x128xf32>
    %get3A_9 = arith.constant 0 : index
    %get3A_10 = arith.constant 0 : index
    %get3A_11 = vector.load %arg2[%get3A_9, %get3A_10] : memref<2048x128xf32, #tpu.memory_space<vmem>>, vector<2048x128xf32>
    %add3A_12 = arith.addf %add3A, %get3A_11 : vector<2048x128xf32>
    %get3A_13 = arith.constant 0 : index
    %get3A_14 = arith.constant 0 : index
    %get3A_15 = vector.load %arg3[%get3A_13, %get3A_14] : memref<2048x128xf32, #tpu.memory_space<vmem>>, vector<2048x128xf32>
    %mul3A = arith.mulf %add3A_12, %get3A_15 : vector<2048x128xf32>
    %get3A_16 = arith.constant 0 : index
    %get3A_17 = arith.constant 0 : index
    %get3A_18 = vector.load %arg4[%get3A_16, %get3A_17] : memref<128x128xf32, #tpu.memory_space<vmem>>, vector<128x128xf32>
    %dot_general3A = arith.constant dense<0.000000e+00> : vector<2048x128xf32>
    %dot_general3A_19 = tpu.matmul %mul3A, %get3A_18, %dot_general3A {dimension_numbers = #tpu.dot_dimension_numbers<[1], [0], [0], [1], [0, 0, 1, 1], [], []>, transpose_lhs_hint = false} : vector<2048x128xf32>, vector<128x128xf32>, vector<2048x128xf32> -> vector<2048x128xf32>
    %get3A_20 = arith.constant 0 : index
    %get3A_21 = arith.constant 0 : index
    %get3A_22 = vector.load %arg5[%get3A_20, %get3A_21] : memref<1x128xf32, #tpu.memory_space<vmem>>, vector<1x128xf32>
    %add3A_23 = vector.broadcast %get3A_22 : vector<1x128xf32> to vector<2048x128xf32>
    %add3A_24 = arith.addf %dot_general3A_19, %add3A_23 : vector<2048x128xf32>
    %max3A = arith.constant 0.000000e+00 : f32
    %max3A_25 = vector.broadcast %max3A : f32 to vector<2048x128xf32>
    %max3A_26 = arith.maximumf %add3A_24, %max3A_25 : vector<2048x128xf32>
    %get3A_27 = arith.constant 0 : index
    %get3A_28 = arith.constant 0 : index
    %get3A_29 = vector.load %arg3[%get3A_27, %get3A_28] : memref<2048x128xf32, #tpu.memory_space<vmem>>, vector<2048x128xf32>
    %mul3A_30 = arith.mulf %max3A_26, %get3A_29 : vector<2048x128xf32>
    %swap3A = arith.constant 0 : index
    %swap3A_31 = arith.constant 0 : index
    %swap3A_32 = vector.load %arg6[%swap3A, %swap3A_31] : memref<2048x128xf32, #tpu.memory_space<vmem>>, vector<2048x128xf32>
    tpu.vector_store %arg6[%swap3A, %swap3A_31], %mul3A_30 {strides = array<i32>} : memref<2048x128xf32, #tpu.memory_space<vmem>>, vector<2048x128xf32>,
    return
  }
  func.func @transform_0(%arg0: i32) -> (i32, i32, i32) {
    %c0_i32 = arith.constant 0 : i32
    %c0_i32_0 = arith.constant 0 : i32
    %c0_i32_1 = arith.constant 0 : i32
    return %c0_i32, %arg0, %c0_i32_0 : i32, i32, i32
  }
  func.func @transform_1(%arg0: i32) -> (i32, i32) {
    %c0_i32 = arith.constant 0 : i32
    %c0_i32_0 = arith.constant 0 : i32
    return %arg0, %c0_i32 : i32, i32
  }
  func.func @transform_2(%arg0: i32) -> (i32, i32) {
    %c0_i32 = arith.constant 0 : i32
    %c0_i32_0 = arith.constant 0 : i32
    return %arg0, %c0_i32 : i32, i32
  }
  func.func @transform_3(%arg0: i32) -> (i32, i32) {
    %c0_i32 = arith.constant 0 : i32
    %c0_i32_0 = arith.constant 0 : i32
    %c0_i32_1 = arith.constant 0 : i32
    return %c0_i32, %c0_i32_0 : i32, i32
  }
  func.func @transform_4(%arg0: i32) -> (i32, i32) {
    %c0_i32 = arith.constant 0 : i32
    %c0_i32_0 = arith.constant 0 : i32
    %c0_i32_1 = arith.constant 0 : i32
    return %c0_i32, %c0_i32_0 : i32, i32
  }
  func.func @transform_5(%arg0: i32) -> (i32, i32) {
    %c0_i32 = arith.constant 0 : i32
    %c0_i32_0 = arith.constant 0 : i32
    return %arg0, %c0_i32 : i32, i32
  }
}

module attributes {stable_mosaic.version = 14 : i64} {
  func.func @_layer_body(%arg0: i32, %arg1: memref<2x2048x128xf32, #tpu.memory_space<vmem>>, %arg2: memref<2048x128xf32, #tpu.memory_space<vmem>>, %arg3: memref<2048x128xf32, #tpu.memory_space<vmem>>, %arg4: memref<128x128xf32, #tpu.memory_space<vmem>>, %arg5: memref<1x128xf32, #tpu.memory_space<vmem>>, %arg6: memref<2048x128xf32, #tpu.memory_space<vmem>>) attributes {dimension_semantics = [#tpu.dimension_semantics<arbitrary>], iteration_bounds = array<i64: 5>, scalar_prefetch = 0 : i64, scratch_operands = 0 : i64, tpu.core_type = #tpu.core_type<tc>, window_params = [{transform_indices = @transform_0, window_bounds = array<i64: 2, 2048, 128>}, {transform_indices = @transform_1, window_bounds = array<i64: 2048, 128>}, {transform_indices = @transform_2, window_bounds = array<i64: 2048, 128>}, {pipeline_mode = #tpu.pipeline_mode<synchronous>, transform_indices = @transform_3, window_bounds = array<i64: 128, 128>}, {pipeline_mode = #tpu.pipeline_mode<synchronous>, transform_indices = @transform_4, window_bounds = array<i64: 1, 128>}, {transform_indices = @transform_5, window_bounds = array<i64: 2048, 128>}]} {
    %get3A = arith.constant 0 : index
    %get3A_0 = arith.constant 0 : index
    %get3A_1 = arith.constant 0 : index
    %get3A_2 = vector.load %arg1[%get3A, %get3A_0, %get3A_1] : memref<2x2048x128xf32, #tpu.memory_space<vmem>>, vector<1x2048x128xf32>
    %get3A_3 = vector.shape_cast %get3A_2 : vector<1x2048x128xf32> to vector<2048x128xf32>
    %get3A_4 = arith.constant 1 : index
    %get3A_5 = arith.constant 0 : index
    %get3A_6 = arith.constant 0 : index
    %get3A_7 = vector.load %arg1[%get3A_4, %get3A_5, %get3A_6] : memref<2x2048x128xf32, #tpu.memory_space<vmem>>, vector<1x2048x128xf32>
    %get3A_8 = vector.shape_cast %get3A_7 : vector<1x2048x128xf32> to vector<2048x128xf32>
    %add3A = arith.addf %get3A_3, %get3A_8 : vector<2048x128xf32>
    %get3A_9 = arith.constant 0 : index
    %get3A_10 = arith.constant 0 : index
    %get3A_11 = vector.load %arg2[%get3A_9, %get3A_10] : memref<2048x128xf32, #tpu.memory_space<vmem>>, vector<2048x128xf32>
    %add3A_12 = arith.addf %add3A, %get3A_11 : vector<2048x128xf32>
    %get3A_13 = arith.constant 0 : index
    %get3A_14 = arith.constant 0 : index
    %get3A_15 = vector.load %arg3[%get3A_13, %get3A_14] : memref<2048x128xf32, #tpu.memory_space<vmem>>, vector<2048x128xf32>
    %mul3A = arith.mulf %add3A_12, %get3A_15 : vector<2048x128xf32>
    %get3A_16 = arith.constant 0 : index
    %get3A_17 = arith.constant 0 : index
    %get3A_18 = vector.load %arg4[%get3A_16, %get3A_17] : memref<128x128xf32, #tpu.memory_space<vmem>>, vector<128x128xf32>
    %dot_general3A = arith.constant dense<0.000000e+00> : vector<2048x128xf32>
    %dot_general3A_19 = tpu.matmul %mul3A, %get3A_18, %dot_general3A {dimension_numbers = #tpu.dot_dimension_numbers<[1], [0], [0], [1], [0, 0, 1, 1], [], []>, transpose_lhs_hint = false} : vector<2048x128xf32>, vector<128x128xf32>, vector<2048x128xf32> -> vector<2048x128xf32>
    %get3A_20 = arith.constant 0 : index
    %get3A_21 = arith.constant 0 : index
    %get3A_22 = vector.load %arg5[%get3A_20, %get3A_21] : memref<1x128xf32, #tpu.memory_space<vmem>>, vector<1x128xf32>
    %add3A_23 = vector.broadcast %get3A_22 : vector<1x128xf32> to vector<2048x128xf32>
    %add3A_24 = arith.addf %dot_general3A_19, %add3A_23 : vector<2048x128xf32>
    %swap3A = arith.constant 0 : index
    %swap3A_25 = arith.constant 0 : index
    %swap3A_26 = vector.load %arg6[%swap3A, %swap3A_25] : memref<2048x128xf32, #tpu.memory_space<vmem>>, vector<2048x128xf32>
    tpu.vector_store %arg6[%swap3A, %swap3A_25], %add3A_24 {strides = array<i32>} : memref<2048x128xf32, #tpu.memory_space<vmem>>, vector<2048x128xf32>,
    return
  }
  func.func @transform_0(%arg0: i32) -> (i32, i32, i32) {
    %c0_i32 = arith.constant 0 : i32
    %c0_i32_0 = arith.constant 0 : i32
    %c0_i32_1 = arith.constant 0 : i32
    return %c0_i32, %arg0, %c0_i32_0 : i32, i32, i32
  }
  func.func @transform_1(%arg0: i32) -> (i32, i32) {
    %c0_i32 = arith.constant 0 : i32
    %c0_i32_0 = arith.constant 0 : i32
    return %arg0, %c0_i32 : i32, i32
  }
  func.func @transform_2(%arg0: i32) -> (i32, i32) {
    %c0_i32 = arith.constant 0 : i32
    %c0_i32_0 = arith.constant 0 : i32
    return %arg0, %c0_i32 : i32, i32
  }
  func.func @transform_3(%arg0: i32) -> (i32, i32) {
    %c0_i32 = arith.constant 0 : i32
    %c0_i32_0 = arith.constant 0 : i32
    %c0_i32_1 = arith.constant 0 : i32
    return %c0_i32, %c0_i32_0 : i32, i32
  }
  func.func @transform_4(%arg0: i32) -> (i32, i32) {
    %c0_i32 = arith.constant 0 : i32
    %c0_i32_0 = arith.constant 0 : i32
    %c0_i32_1 = arith.constant 0 : i32
    return %c0_i32, %c0_i32_0 : i32, i32
  }
  func.func @transform_5(%arg0: i32) -> (i32, i32) {
    %c0_i32 = arith.constant 0 : i32
    %c0_i32_0 = arith.constant 0 : i32
    return %arg0, %c0_i32 : i32, i32
  }
}

</mosaic_0001>

<sc_bundles>
// kernel: kernel.11.cloned.1.call-start
scs
__scs_entry_jumppad:
0x0: {  	(pc) =	sbr.rel $0x88, $3  }
0x1: {  	(tag) =	ssettag $0x0;
	lr =	simm.s32 $0x1  }
0x2: {  	[smem:$0x3F9B] =	sst lr;
	_ =	strace $0xD0000000  }
0x3: {  	_ = 	snop  }
0x4: {  	_ = 	snop  }
0x5: {  	_ = 	snop  }
0x6: {  	_ = 	snop  }
0x7: {  	_ = 	snop  }
__scs_overlays_trampoline_lowered:
0x8: {  	[smem:$0x3FAA] =	sst s0  }
0x9: {  	[smem:$0x3FAB] =	sst s1  }
0xa: {  	[smem:$0x3FAC] =	sst s2  }
0xb: {  	[smem:$0x3FAD] =	sst s3  }
0xc: {  	[smem:$0x3FAE] =	sst s4  }
0xd: {  	[smem:$0x3FAF] =	sst s5  }
0xe: {  	[smem:$0x3FB0] =	sst s6  }
0xf: {  	[smem:$0x3FB1] =	sst s7  }
0x10: {  	[smem:$0x3FB2] =	sst s8  }
0x11: {  	[smem:$0x3FB3] =	sst s9;
	s0 =	simm.s32 @!p0 $0x0  }
0x12: {  	s1 =	sld [smem:$0x3F99];
	s0 =	simm.s32 @p0 $0x1  }
0x13: {  	[smem:$0x3FB4] =	sst s0;
	s0 =	simm.s32 @!p1 $0x0  }
0x14: {  	s2 =	sld [smem:$0x3F98];
	s0 =	simm.s32 @p1 $0x1  }
0x15: {  	[smem:$0x3FB5] =	sst s0;
	s0 =	simm.s32 @!p2 $0x0  }
0x16: {  	s3 =	sld [smem:$0x3FDB];
	s0 =	simm.s32 @p2 $0x1  }
0x17: {  	s4 =	simm.s32 $0x1BF5;
	[smem:$0x3FB7] =	sst s0  }
0x18: {  	s0 =	sld [smem:$0x3F9A];
	_ =	swait.ge [sflag:s4], $0x0  }
0x19: {  	s7 =	sld [smem:$0x3F9B]  }
0x1a: {  	s8 =	sadd.s32 $0xFFFFE003, lr  }
0x1b: {  	s9 =	sadd.s32 $0xFFFFFEF7, lr;
	s5 =	simm.s32 $0xFFFFFFFF;
	p2 =	slt.u32 s8, $0xFFFFF086  }
0x1c: {  	p1 =	slt.u32 s9, $0xF7A;
	s5 =	simm.s32 @!p2 $0x0  }
0x1d: {  	s5 =	simm.s32 @p1 $0x1;
	p0 =	seq.s32 s7, s2  }
0x1e: {  	s7 =	smul.u32 @!p0 $0xF7A, s2;
	p2 =	seq.s32 @!p0 s5, $0x0  }
0x1f: {  	s9 =	smul.u32 $0xF7A, s1;
	s8 =	simm.s32 @!p0 $0x1BF5;
	p2 =	por !p2, p0  }
0x20: {  	[sflag:s8] =	ssyncset.s32 @!p0 $0xFFFFF086;
	s6 =	sadd.s32 @!p0 s3, s7;
	s7 =	simm.s32 @!p0 $0x108  }
0x21: {  	s3 =	sadd.s32 s3, s9;
	s6 =	sadd.s32 @!p0 $0x88, s6;
	s7 =	simm.s32 @p2 $0x1082  }
0x22: {  	[simem:s7], [sflag:s8] =	dma.local @!p0 [hbm:s6], $0xF7A  }
0x23: {  	s9 =	sor.u32 $0xD0000000, s2;
	s6 =	simm.s32 $0x108;
	_ =	swait.ge @!p0 [sflag:s8], $0x0  }
0x24: {  	s3 =	sadd.s32 $0x88, s3;
	s6 =	simm.s32 @!p1 $0x1082;
	[sflag:s4] =	ssyncset.s32 $0xFFFFF086  }
0x25: {  	[simem:s6], [sflag:s4] =	dma.local [hbm:s3], $0xF7A  }
0x26: {  	[smem:$0x3F9B] =	sst s1;
	(tag) =	ssettag s2;
	_ =	strace s9  }
0x27: {  	s1 =	sld [smem:$0x3FAB]  }
0x28: {  	s2 =	sld [smem:$0x3FAC]  }
0x29: {  	s4 =	sld [smem:$0x3FAE]  }
0x2a: {  	p0 =	seq.s32 s5, $0x0;
	s5 =	sld [smem:$0x3FAF]  }
0x2b: {  	s6 =	sld [smem:$0x3FB0]  }
0x2c: {  	s7 =	sld [smem:$0x3FB1]  }
0x2d: {  	s3 =	simm.s32 $0x108;
	s8 =	sld [smem:$0x3FB2]  }
0x2e: {  	s3 =	simm.s32 @!p0 $0x1082;
	s9 =	sld [smem:$0x3FB3]  }
0x2f: {  	lr =	sadd.s32 s0, s3;
	s0 =	sld [smem:$0x3FAA]  }
0x30: {  	s3 =	sld [smem:$0x3FAD]  }
0x31: {  	[smem:$0x3FB6] =	sst s10  }
0x32: {  	s10 =	sld [smem:$0x3FB4];
	_ =	sdelay $0x3  }
0x33: {  	p0 =	seq.s32 s10, $0x1;
	s10 =	sld [smem:$0x3FB6];
	_ =	sdelay $0x3  }
0x34: {  	[smem:$0x3FB6] =	sst s10  }
0x35: {  	s10 =	sld [smem:$0x3FB5];
	_ =	sdelay $0x3  }
0x36: {  	p1 =	seq.s32 s10, $0x1;
	s10 =	sld [smem:$0x3FB6];
	_ =	sdelay $0x3  }
0x37: {  	[smem:$0x3FB6] =	sst s10  }
0x38: {  	s10 =	sld [smem:$0x3FB7]  }
0x39: {  	_ = 	snop;
	(pc) =	sbr.ind lr, $3  }
0x3a: {  	_ = 	snop  }
0x3b: {  	_ = 	snop  }
0x3c: {  	p2 =	seq.s32 s10, $0x1;
	s10 =	sld [smem:$0x3FB6]  }
0x3d: {  	_ =	shalt  }
0x3e: {  	_ =	shalt  }
0x3f: {  	_ =	shalt  }
0x40: {  	_ =	shalt  }
0x41: {  	_ =	shalt  }
0x42: {  	_ =	shalt  }
0x43: {  	_ =	shalt  }
0x44: {  	_ =	shalt  }
0x45: {  	_ =	shalt  }
0x46: {  	_ =	shalt  }
0x47: {  	_ =	shalt  }
0x48: {  	_ =	shalt  }
0x49: {  	_ =	shalt  }
0x4a: {  	_ =	shalt  }
0x4b: {  	_ =	shalt  }
0x4c: {  	_ =	shalt  }
0x4d: {  	_ =	shalt  }
0x4e: {  	_ =	shalt  }
0x4f: {  	_ =	shalt  }
0x50: {  	_ =	shalt  }
0x51: {  	_ =	shalt  }
0x52: {  	_ =	shalt  }
0x53: {  	_ =	shalt  }
0x54: {  	_ =	shalt  }
0x55: {  	_ =	shalt  }
0x56: {  	_ =	shalt  }
0x57: {  	_ =	shalt  }
0x58: {  	_ =	shalt  }
0x59: {  	_ =	shalt  }
0x5a: {  	_ =	shalt  }
0x5b: {  	_ =	shalt  }
0x5c: {  	_ =	shalt  }
0x5d: {  	_ =	shalt  }
0x5e: {  	_ =	shalt  }
0x5f: {  	_ =	shalt  }
0x60: {  	_ =	shalt  }
0x61: {  	_ =	shalt  }
0x62: {  	_ =	shalt  }
0x63: {  	_ =	shalt  }
0x64: {  	_ =	shalt  }
0x65: {  	_ =	shalt  }
0x66: {  	_ =	shalt  }
0x67: {  	_ =	shalt  }
0x68: {  	_ =	shalt  }
0x69: {  	_ =	shalt  }
0x6a: {  	_ =	shalt  }
0x6b: {  	_ =	shalt  }
0x6c: {  	_ =	shalt  }
0x6d: {  	_ =	shalt  }
0x6e: {  	_ =	shalt  }
0x6f: {  	_ =	shalt  }
0x70: {  	_ =	shalt  }
0x71: {  	_ =	shalt  }
0x72: {  	_ =	shalt  }
0x73: {  	_ =	shalt  }
0x74: {  	_ =	shalt  }
0x75: {  	_ =	shalt  }
0x76: {  	_ =	shalt  }
0x77: {  	_ =	shalt  }
0x78: {  	_ =	shalt  }
0x79: {  	_ =	shalt  }
0x7a: {  	_ =	shalt  }
0x7b: {  	_ =	shalt  }
0x7c: {  	_ =	shalt  }
0x7d: {  	_ =	shalt  }
0x7e: {  	_ =	shalt  }
0x7f: {  	_ =	shalt  }
0x80: {  	_ =	shalt  }
0x81: {  	_ =	shalt  }
0x82: {  	_ =	shalt  }
0x83: {  	_ =	shalt  }
0x84: {  	_ =	shalt  }
0x85: {  	_ =	shalt  }
0x86: {  	_ =	shalt  }
0x87: {  	_ =	shalt  }
.Lfunc_end0:
.L_simem_size_0:
called_computation.1_lowered:
.L_overlay_start_0:
0x88: {  	s2 =	sld [smem:$0x3FD9]  }
0x89: {  	s3 =	sld [smem:$0x3FFE];
	_ =	sdelay $0x1  }
0x8a: {  	s1 =	srdreg.scid  }
0x8b: {  	s0 =	sand.u32 $0x1, s1  }
0x8c: {  	s17 =	sshll.u32 s0, $0xA;
	s2 =	sadd.s32 s3, s2  }
0x8d: {  	s2 =	sadd.s32 s2, s17  }
0x8e: {  	[smem:$0x3FC2] =	sst s2  }
0x8f: {  	_ = 	snop  }
0x90: {  	s2 =	sld [smem:$0x3FD0];
	(tm) =	ssettm $0x1  }
0x91: {  	s18 =	sld [smem:$0x3FFB];
	_ =	sdelay $0x3  }
0x92: {  	_ =	strace s18  }
0x93: {  	s3 =	sld [smem:$0x3FFC];
	_ =	sdelay $0x3  }
0x94: {  	_ =	strace s3  }
0x95: {  	s3 =	sld [smem:$0x3FFD];
	_ =	sdelay $0x3  }
0x96: {  	_ =	strace s3  }
0x97: {  	_ =	strace $0x8FFFFFFF  }
0x98: {  	s19 =	sld [smem:$0x3FDB];
	_ =	sdelay $0x1  }
0x99: {  	s4 =	simm.s32 $_scs_section_size  }
0x9a: {  	s5 =	simm.s32 $_size__tile_overlayer_lowered;
	s6 =	simm.s32 $_tile_overlayer_lowered  }
0x9b: {  	s22 =	simm.s32 $0x1BFF;
	s21 =	sshll.u32 s6, $0x1;
	s3 =	sadd.s32 s4, s19  }
0x9c: {  	s7 =	simm.s32 $0x0;
	s20 =	sshll.u32 s5, $0x1;
	s5 =	sadd.s32 s21, s3  }
0x9d: {  	[timem:s7], [sflag:s22] =	dma.local [hbm:s5], s20  }
0x9e: {  	_ =	swait.ge [sflag:s22], s20  }
0x9f: {  	s4 =	ssub.s32 $0x0, s20;
	[sflag:s22] =	ssyncset.done $0x0  }
0xa0: {  	[sflag:s22] =	ssyncadd.s32 s4;
	_ =	sdelay $0x1  }
0xa1: {  	s23 =	simm.s32 $0x1B8B  }
0xa2: {  	_ =	swait.ge [sflag:s23], $0x1  }
0xa3: {  	[sflag:s23] =	ssyncset.done $0x0  }
0xa4: {  	s25 =	simm.s32 $0x1B8E;
	s24 =	sld [smem:$0x3FFE];
	[sflag:s23] =	ssyncadd.s32 $0xFFFFFFFF  }
0xa5: {  	s26 =	simm.s32 $execute0_lowered;
	[smem:$0x3FD2] =	sst s25  }
0xa6: {  	s5 =	sshll.u32 s26, $0x1;
	_ =	strace $0x80000049;
	[dreg:$0x1] =	wrdreg $0xFFFFFFFF  }
0xa7: {  	s28 =	simm.s32 $_size_execute0_lowered;
	s3 =	sadd.s32 s3, s5;
	[dreg:$0x0] =	wrdreg $0x0  }
0xa8: {  	s5 =	sshll.u32 s28, $0x1;
	[dreg:$0x2] =	wrdreg s3  }
0xa9: {  	[dreg:$0x3] =	wrdreg s5  }
0xaa: {  	[dreg:$0x4] =	wrdreg $0xC0  }
0xab: {  	_ =	task [dreg:s7], $0x5FFFF  }
0xac: {  	[dreg:$0x1] =	wrdreg $0xFFFFFFFF  }
0xad: {  	[dreg:$0x0] =	wrdreg $0x60  }
0xae: {  	[dreg:$0x2] =	wrdreg s24  }
0xaf: {  	[dreg:$0x3] =	wrdreg s2  }
0xb0: {  	[dreg:$0x4] =	wrdreg $0xB4000  }
0xb1: {  	[dreg:$0x5] =	wrdreg $0x9  }
0xb2: {  	_ =	task.clear_ibuf [dreg:s7], $0x6FFFF;
	_ =	strace $0x90000049  }
0xb3: {  	s29 =	simm.s32 $0x9;
	_ =	strace $0x8000004B  }
0xb4: {  	_ =	swait.ge [sflag:s29], $0x1  }
0xb5: {  	[sflag:s29] =	ssyncadd.s32 $0xFFFFFFFF  }
0xb6: {  	_ =	strace $0x9000004B  }
0xb7: {  	_ =	sfence  }
0xb8: {  	s30 =	sld [smem:$0x0];
	_ =	sdelay $0x2  }
0xb9: {  	s31 =	sshll.u32 s1, $0xD;
	s1 =	sshrl.u32 s1, $0x2  }
0xba: {  	s3 =	sand.u32 $0x4000, s31;
	s1 =	sadd.s32 s1, s30  }
0xbb: {  	s0 =	sor.u32 s3, s0;
	s1 =	sshll.u32 s1, $0x11  }
0xbc: {  	s0 =	sor.u32 s1, s0  }
0xbd: {  	s0 =	sadd.s32 $0x8F2B, s0  }
0xbe: {  	[sflag:s0] =	ssyncadd.remote.s32 $0x1  }
0xbf: {  	_ =	sfence.sel $0xFFFF  }
0xc0: {  	[dreg:$0x0] =	wrdreg $0xFFFFFFFF;
	(pc) =	sbr.abs _section_cstart, $3  }
0xc1: {  	[dreg:$0x1] =	wrdreg $0xFFFFFFFF  }
0xc2: {  	_ =	task.clear_ibuf [dreg:s7], $0x2FFFF;
	_ =	strace $0x9FFFFFFF  }
0xc3: {  	(tm) =	ssettm $0x7FFFFFFF  }
tec
execute0_lowered:
.L_overlay_start_1:
0x0: {  	(tag) =	ssettag $0x1  }
0x1: {  	s0 =	rddreg [dreg:$0x0]  }
0x2: {  	s1 =	rddreg [dreg:$0x1]  }
0x3: {  	s2 =	rddreg [dreg:$0x2];
	s3 =	srdreg.scid;
	s4 =	simm.s32 $0x0  }
0x4: {  	s9 =	stileid.u32;
	s28 =	simm.s32 $0x400;
	s29 =	simm.s32 $0x6  }
0x5: {  	s30 =	simm.s32 $0x3000;
	s31 =	simm.s32 $0x7;
	s7 =	smul.u32 $0x14000, s9  }
0x6: {  	s12 =	simm.s32 $0x80;
	s3 =	sand.u32 $0x1, s3;
	s8 =	smul.u32 $0x50, s9  }
0x7: {  	[smem:$0x7FF] =	sst s4;
	s5 =	sadd.s32 $0x2600, s0;
	s6 =	smul.u32 $0x140000, s3  }
0x8: {  	_ =	strace $0x8000004A;
	p0 =	seq.s32 s3, $0x0;
	s3 =	ssub.s32 $0x2, s3  }
0x9: {  	s13 =	sshrl.u32 s3, $0x1;
	s6 =	sadd.s32 s7, s6;
	s7 =	smul.u32 $0x94, s9  }
0xa: {  	s8 =	sadd.s32 $0x940, s8;
	s9 =	smul.u32 $0x50000, s9;
	s3 =	ssub.s32 s3, s13  }
0xb: {  	s13 =	simm.s32 $0x2;
	s6 =	sshrl.u32 s6, $0x3;
	s26 =	smax.u32 s3, $0x1  }
0xc: {  	s3 =	simm.s32 $0x8800;
	s0 =	sadd.s32 s6, s0;
	s8 =	smov.u32 @p0 s7  }
0xd: {  	s6 =	simm.s32 $0x24;
	s15 =	sshrl.u32 s9, $0x2;
	[dreg:$0x11] =	wrdreg s26  }
0xe: {  	s26 =	simm.s32 $0x58;
	s9 =	simm.s32 $0x8;
	s6 =	simm.s32 @!p0 $0x13  }
0xf: {  	s7 =	sshll.u32 s8, $0x5;
	s0 =	sadd.s32 $0x2A600, s0;
	[dreg:$0x4] =	wrdreg s6  }
0x10: {  	s11 =	sadd.s32 s15, s2;
	s10 =	sadd.s32 s1, s7;
	[dreg:$0x10] =	wrdreg s0  }
0x11: {  	s25 =	sshll.u32 s8, $0x8;
	s18 =	sadd.s32 $0x2C00, s11;
	[dreg:$0x5] =	wrdreg s10  }
0x12: {  	s8 =	simm.s32 $0x9;
	s19 =	sadd.s32 $0x5800, s11;
	[dreg:$0x9] =	wrdreg s18  }
0x13: {  	s15 =	simm.s32 $0x3;
	s20 =	sadd.s32 $0x8400, s11;
	[dreg:$0xa] =	wrdreg s19  }
0x14: {  	s21 =	sadd.s32 $0xB000, s11;
	s22 =	sadd.s32 $0xDC00, s11;
	[dreg:$0xb] =	wrdreg s20  }
0x15: {  	s23 =	sadd.s32 $0x10800, s11;
	s24 =	sadd.s32 $0x13400, s11;
	[dreg:$0xc] =	wrdreg s21  }
0x16: {  	s0 =	simm.s32 $0x5C00;
	s14 =	sadd.s32 $0x20, s10;
	[dreg:$0xd] =	wrdreg s22  }
0x17: {  	s16 =	sadd.s32 $0x40, s10;
	s17 =	sadd.s32 $0x60, s10;
	[dreg:$0xe] =	wrdreg s23  }
0x18: {  	[dreg:$0xf] =	wrdreg s24;
	s21 =	sadd.s32 $0x400, s25;
	s22 =	simm.s32 $0x100  }
0x19: {  	s23 =	simm.s32 $0x200;
	s24 =	simm.s32 $0x300;
	[dreg:$0x6] =	wrdreg s14  }
0x1a: {  	s25 =	simm.s32 $0x5;
	s10 =	simm.s32 $0x1;
	[dreg:$0x7] =	wrdreg s16  }
0x1b: {  	s18 =	simm.s32 $0x380;
	s19 =	simm.s32 $0x0;
	[dreg:$0x8] =	wrdreg s17  }
0x1c: {  	v0 =	vimm.f32 $0.0e+00;
	s14 =	simm.s32 $0x180;
	s16 =	simm.s32 $0x280;
	s17 =	simm.s32 $0x4  }
.LBB2_1:
0x1d: {  	s6 =	rddreg [dreg:$0x5]  }
0x1e: {  	[tilespmem:s4], [sflag:$0x5] =	stream.linear.gather [hbm4b:s6+s4], $0x100, $0x38;
	[tilespmem:$0x1F400] =	vst v63  }
0x1f: {  	s20 =	rddreg [dreg:$0x6]  }
0x20: {  	[tilespmem:s22], [sflag:$0x6] =	stream.linear.gather [hbm4b:s20+s4], $0x100, $0x38;
	[tilespmem:$0x1F400] =	vst v63  }
0x21: {  	s7 =	rddreg [dreg:$0x7]  }
0x22: {  	[tilespmem:s23], [sflag:$0x7] =	stream.linear.gather [hbm4b:s7+s4], $0x100, $0x38;
	[tilespmem:$0x1F400] =	vst v63  }
0x23: {  	s20 =	rddreg [dreg:$0x8]  }
0x24: {  	[tilespmem:s24], [sflag:$0x8] =	stream.linear.gather [hbm4b:s20+s4], $0x100, $0x38;
	[tilespmem:$0x1F400] =	vst v63  }
0x25: {  	s7 =	simm.s32 $0x0;
	s20 =	simm.s32 $0x200  }
.LBB2_2:
0x26: {  	p0 =	sne.s32 s20, $0xAE00;
	[tilespmem:s7+$0x8870] =	vst v0  }
0x27: {  	[tilespmem:s7+$0x8800] =	vst v0  }
0x28: {  	[tilespmem:s7+$0x8810] =	vst v0  }
.Ltmp0:
0x29: {  	[tilespmem:s7+$0x8820] =	vst v0;
	(pc) =	sbr.rel @p0 .LBB2_2-.Ltmp0, $4  }
0x2a: {  	[tilespmem:s7+$0x8830] =	vst v0  }
0x2b: {  	[tilespmem:s7+$0x8840] =	vst v0  }
0x2c: {  	[tilespmem:s7+$0x8850] =	vst v0  }
0x2d: {  	[tilespmem:s7+$0x8860] =	vst v0;
	s7 =	sshra.s32 s20, $0x2;
	s20 =	sadd.s32 $0x200, s20  }
0x2e: {  	[tilespmem:s7+$0x8870] =	vst v0  }
0x2f: {  	[tilespmem:s7+$0x8800] =	vst v0  }
0x30: {  	[tilespmem:s7+$0x8810] =	vst v0  }
0x31: {  	[tilespmem:s7+$0x8820] =	vst v0  }
0x32: {  	[tilespmem:s7+$0x8830] =	vst v0  }
0x33: {  	[tilespmem:s7+$0x8840] =	vst v0  }
0x34: {  	[tilespmem:s7+$0x8850] =	vst v0  }
0x35: {  	[tilespmem:s7+$0x8860] =	vst v0  }
0x36: {  	_ =	swait.ge [sflag:s25], $0x100  }
0x37: {  	[sflag:s25] =	ssyncset.done $0x0  }
0x38: {  	[sflag:s25] =	ssyncadd.s32 $0xFFFFFF00  }
0x39: {  	[tilespmem:s28], [sflag:$0x1] =	stream.indirect.gather [hbm4b:s5+s26], $0x80, s4, s26, $0xb8;
	[tilespmem:$0x1F400] =	vst v63  }
0x3a: {  	_ =	swait.ge [sflag:s29], $0x100  }
0x3b: {  	[sflag:s29] =	ssyncset.done $0x0  }
0x3c: {  	[sflag:s29] =	ssyncadd.s32 $0xFFFFFF00  }
0x3d: {  	[tilespmem:s30], [sflag:$0x2] =	stream.indirect.gather [hbm4b:s5+s26], $0x80, s22, s26, $0xb8;
	[tilespmem:$0x1F400] =	vst v63  }
0x3e: {  	_ =	swait.ge [sflag:s31], $0x100  }
0x3f: {  	[sflag:s31] =	ssyncset.done $0x0  }
0x40: {  	[sflag:s31] =	ssyncadd.s32 $0xFFFFFF00  }
0x41: {  	[tilespmem:s0], [sflag:$0x3] =	stream.indirect.gather [hbm4b:s5+s26], $0x80, s23, s26, $0xb8;
	[tilespmem:$0x1F400] =	vst v63  }
0x42: {  	_ = 	snop  }
0x43: {  	[spmem:s11] =	stream.linear.scatter [tilespmem:s3], [sflag:$0x9], $0x2C00, $0x38;
	[tilespmem:$0x1F400] =	vst v63  }
0x44: {  	_ =	swait.ge [sflag:s8], $0x2C00  }
0x45: {  	[sflag:s8] =	ssyncset.done $0x0  }
0x46: {  	s6 =	rddreg [dreg:$0x9];
	[sflag:s8] =	ssyncadd.s32 $0xFFFFD400  }
0x47: {  	[spmem:s6] =	stream.linear.scatter [tilespmem:s3], [sflag:$0x9], $0x2C00, $0x38;
	[tilespmem:$0x1F400] =	vst v63  }
0x48: {  	_ =	swait.ge [sflag:s8], $0x2C00  }
0x49: {  	[sflag:s8] =	ssyncset.done $0x0  }
0x4a: {  	s20 =	rddreg [dreg:$0xa];
	[sflag:s8] =	ssyncadd.s32 $0xFFFFD400  }
0x4b: {  	[spmem:s20] =	stream.linear.scatter [tilespmem:s3], [sflag:$0x9], $0x2C00, $0x38;
	[tilespmem:$0x1F400] =	vst v63  }
0x4c: {  	_ =	swait.ge [sflag:s8], $0x2C00  }
0x4d: {  	[sflag:s8] =	ssyncset.done $0x0  }
0x4e: {  	s7 =	rddreg [dreg:$0xb];
	[sflag:s8] =	ssyncadd.s32 $0xFFFFD400  }
0x4f: {  	[spmem:s7] =	stream.linear.scatter [tilespmem:s3], [sflag:$0x9], $0x2C00, $0x38;
	[tilespmem:$0x1F400] =	vst v63  }
0x50: {  	_ =	swait.ge [sflag:s8], $0x2C00  }
0x51: {  	[sflag:s8] =	ssyncset.done $0x0  }
0x52: {  	s20 =	rddreg [dreg:$0xc];
	[sflag:s8] =	ssyncadd.s32 $0xFFFFD400  }
0x53: {  	[spmem:s20] =	stream.linear.scatter [tilespmem:s3], [sflag:$0x9], $0x2C00, $0x38;
	[tilespmem:$0x1F400] =	vst v63  }
0x54: {  	_ =	swait.ge [sflag:s8], $0x2C00  }
0x55: {  	[sflag:s8] =	ssyncset.done $0x0  }
0x56: {  	s7 =	rddreg [dreg:$0xd];
	[sflag:s8] =	ssyncadd.s32 $0xFFFFD400  }
0x57: {  	[spmem:s7] =	stream.linear.scatter [tilespmem:s3], [sflag:$0x9], $0x2C00, $0x38;
	[tilespmem:$0x1F400] =	vst v63  }
0x58: {  	_ =	swait.ge [sflag:s8], $0x2C00  }
0x59: {  	[sflag:s8] =	ssyncset.done $0x0  }
0x5a: {  	s20 =	rddreg [dreg:$0xe];
	[sflag:s8] =	ssyncadd.s32 $0xFFFFD400  }
0x5b: {  	[spmem:s20] =	stream.linear.scatter [tilespmem:s3], [sflag:$0x9], $0x2C00, $0x38;
	[tilespmem:$0x1F400] =	vst v63  }
0x5c: {  	_ =	swait.ge [sflag:s8], $0x2C00  }
0x5d: {  	[sflag:s8] =	ssyncset.done $0x0  }
0x5e: {  	s7 =	rddreg [dreg:$0xf];
	[sflag:s8] =	ssyncadd.s32 $0xFFFFD400  }
0x5f: {  	[spmem:s7] =	stream.linear.scatter [tilespmem:s3], [sflag:$0x9], $0xC00, $0x38;
	[tilespmem:$0x1F400] =	vst v63  }
0x60: {  	_ =	swait.ge [sflag:s8], $0xC00  }
0x61: {  	[sflag:s8] =	ssyncset.done $0x0  }
0x62: {  	[sflag:s8] =	ssyncadd.s32 $0xFFFFF400  }
0x63: {  	_ =	swait.ge [sflag:s9], $0x100  }
0x64: {  	[sflag:s9] =	ssyncset.done $0x0  }
0x65: {  	[sflag:s9] =	ssyncadd.s32 $0xFFFFFF00  }
0x66: {  	[tilespmem:s3], [sflag:$0x4] =	stream.indirect.gather [hbm4b:s5+s26], $0x80, s24, s26, $0xb8;
	[tilespmem:$0x1F400] =	vst v63  }
0x67: {  	[bflag:$0x0] =	sbarrier.arrive $0xFFFF  }
0x68: {  	_ =	swait.ge [sflag:s10], $0x2C00  }
0x69: {  	[sflag:s10] =	ssyncset.done $0x0  }
0x6a: {  	[sflag:s10] =	ssyncadd.s32 $0xFFFFD400  }
0x6b: {  	[spmem:s2] =	stream.indirect.scatter.add.f32 [tilespmem:s28], [sflag:$0x9], $0x80, s12, s26, $0xb8;
	[tilespmem:$0x1F400] =	vst v63  }
0x6c: {  	_ =	swait.ge [sflag:s8], $0x2C00  }
0x6d: {  	s20 =	sshrl.u32 s21, $0x3;
	[sflag:s8] =	ssyncset.done $0x0  }
0x6e: {  	s7 =	sadd.s32 s1, s20;
	[sflag:s8] =	ssyncadd.s32 $0xFFFFD400  }
0x6f: {  	[tilespmem:s4], [sflag:$0x5] =	stream.linear.gather [hbm4b:s7+s4], $0x100, $0x38;
	[tilespmem:$0x1F400] =	vst v63  }
0x70: {  	_ =	swait.ge [sflag:s13], $0x2C00  }
0x71: {  	[sflag:s13] =	ssyncset.done $0x0  }
0x72: {  	[sflag:s13] =	ssyncadd.s32 $0xFFFFD400  }
0x73: {  	[spmem:s2] =	stream.indirect.scatter.add.f32 [tilespmem:s30], [sflag:$0x9], $0x80, s14, s26, $0xb8;
	[tilespmem:$0x1F400] =	vst v63  }
0x74: {  	s6 =	sadd.s32 $0x100, s21;
	_ =	swait.ge [sflag:s8], $0x2C00  }
0x75: {  	s7 =	sshrl.u32 s6, $0x3;
	[sflag:s8] =	ssyncset.done $0x0  }
0x76: {  	s7 =	sadd.s32 s1, s7;
	[sflag:s8] =	ssyncadd.s32 $0xFFFFD400  }
0x77: {  	[tilespmem:s22], [sflag:$0x6] =	stream.linear.gather [hbm4b:s7+s4], $0x100, $0x38;
	[tilespmem:$0x1F400] =	vst v63  }
0x78: {  	_ =	swait.ge [sflag:s25], $0x100  }
0x79: {  	[sflag:s25] =	ssyncset.done $0x0  }
0x7a: {  	[sflag:s25] =	ssyncadd.s32 $0xFFFFFF00  }
0x7b: {  	[tilespmem:s28], [sflag:$0x1] =	stream.indirect.gather [hbm4b:s5+s26], $0x80, s4, s26, $0xb8;
	[tilespmem:$0x1F400] =	vst v63  }
0x7c: {  	_ =	swait.ge [sflag:s15], $0x2C00  }
0x7d: {  	[sflag:s15] =	ssyncset.done $0x0  }
0x7e: {  	[sflag:s15] =	ssyncadd.s32 $0xFFFFD400  }
0x7f: {  	[spmem:s2] =	stream.indirect.scatter.add.f32 [tilespmem:s0], [sflag:$0x9], $0x80, s16, s26, $0xb8;
	[tilespmem:$0x1F400] =	vst v63  }
0x80: {  	s20 =	sadd.s32 $0x200, s21;
	_ =	swait.ge [sflag:s8], $0x2C00  }
0x81: {  	s7 =	sshrl.u32 s20, $0x3;
	[sflag:s8] =	ssyncset.done $0x0  }
0x82: {  	s7 =	sadd.s32 s1, s7;
	[sflag:s8] =	ssyncadd.s32 $0xFFFFD400  }
0x83: {  	[tilespmem:s23], [sflag:$0x7] =	stream.linear.gather [hbm4b:s7+s4], $0x100, $0x38;
	[tilespmem:$0x1F400] =	vst v63  }
0x84: {  	_ =	swait.ge [sflag:s29], $0x100  }
0x85: {  	[sflag:s29] =	ssyncset.done $0x0  }
0x86: {  	[sflag:s29] =	ssyncadd.s32 $0xFFFFFF00  }
0x87: {  	[tilespmem:s30], [sflag:$0x2] =	stream.indirect.gather [hbm4b:s5+s26], $0x80, s22, s26, $0xb8;
	[tilespmem:$0x1F400] =	vst v63  }
0x88: {  	_ =	swait.ge [sflag:s17], $0x2C00  }
0x89: {  	[sflag:s17] =	ssyncset.done $0x0  }
0x8a: {  	[sflag:s17] =	ssyncadd.s32 $0xFFFFD400  }
0x8b: {  	[spmem:s2] =	stream.indirect.scatter.add.f32 [tilespmem:s3], [sflag:$0x9], $0x80, s18, s26, $0xb8;
	[tilespmem:$0x1F400] =	vst v63  }
0x8c: {  	s6 =	sadd.s32 $0x300, s21;
	_ =	swait.ge [sflag:s8], $0x2C00  }
0x8d: {  	s7 =	sshrl.u32 s6, $0x3;
	[sflag:s8] =	ssyncset.done $0x0  }
0x8e: {  	s7 =	sadd.s32 s1, s7;
	[sflag:s8] =	ssyncadd.s32 $0xFFFFD400  }
0x8f: {  	[tilespmem:s24], [sflag:$0x8] =	stream.linear.gather [hbm4b:s7+s4], $0x100, $0x38;
	[tilespmem:$0x1F400] =	vst v63  }
0x90: {  	_ =	swait.ge [sflag:s31], $0x100  }
0x91: {  	[sflag:s31] =	ssyncset.done $0x0  }
0x92: {  	[sflag:s31] =	ssyncadd.s32 $0xFFFFFF00  }
0x93: {  	[tilespmem:s0], [sflag:$0x3] =	stream.indirect.gather [hbm4b:s5+s26], $0x80, s23, s26, $0xb8;
	[tilespmem:$0x1F400] =	vst v63  }
0x94: {  	_ =	swait.ge [sflag:s9], $0x100  }
0x95: {  	s20 =	rddreg [dreg:$0x4]  }
0x96: {  	p0 =	sne.s32 s20, $0x1  }
.Ltmp1:
0x97: {  	_ = 	snop;
	(pc) =	sbr.rel @!p0 .LBB2_5-.Ltmp1, $3  }
0x98: {  	_ =	sdelay $0x1  }
0x99: {  	[sflag:s9] =	ssyncset.done $0x0  }
0x9a: {  	s7 =	sadd.s32 $0x400, s21;
	s20 =	sadd.s32 $0xFFFFFFFF, s20;
	[sflag:s9] =	ssyncadd.s32 $0xFFFFFF00  }
.LBB2_4:
0x9b: {  	[tilespmem:s3], [sflag:$0x4] =	stream.indirect.gather [hbm4b:s5+s26], $0x80, s24, s26, $0xb8;
	[tilespmem:$0x1F400] =	vst v63  }
0x9c: {  	p0 =	sne.s32 s20, $0x1;
	s20 =	sadd.s32 $0xFFFFFFFF, s20;
	_ =	swait.ge [sflag:s10], $0x2C00  }
0x9d: {  	[sflag:s10] =	ssyncset.done $0x0  }
0x9e: {  	[sflag:s10] =	ssyncadd.s32 $0xFFFFD400  }
0x9f: {  	[spmem:s2] =	stream.indirect.scatter.add.f32 [tilespmem:s28], [sflag:$0x9], $0x80, s12, s26, $0xb8;
	[tilespmem:$0x1F400] =	vst v63  }
0xa0: {  	_ =	swait.ge [sflag:s8], $0x2C00  }
0xa1: {  	s6 =	sshrl.u32 s7, $0x3;
	[sflag:s8] =	ssyncset.done $0x0  }
0xa2: {  	s6 =	sadd.s32 s1, s6;
	[sflag:s8] =	ssyncadd.s32 $0xFFFFD400  }
0xa3: {  	[tilespmem:s4], [sflag:$0x5] =	stream.linear.gather [hbm4b:s6+s4], $0x100, $0x38;
	[tilespmem:$0x1F400] =	vst v63  }
0xa4: {  	_ =	swait.ge [sflag:s13], $0x2C00  }
0xa5: {  	[sflag:s13] =	ssyncset.done $0x0  }
0xa6: {  	[sflag:s13] =	ssyncadd.s32 $0xFFFFD400  }
0xa7: {  	[spmem:s2] =	stream.indirect.scatter.add.f32 [tilespmem:s30], [sflag:$0x9], $0x80, s14, s26, $0xb8;
	[tilespmem:$0x1F400] =	vst v63  }
0xa8: {  	s6 =	sadd.s32 $0x100, s7;
	_ =	swait.ge [sflag:s8], $0x2C00  }
0xa9: {  	s6 =	sshrl.u32 s6, $0x3;
	[sflag:s8] =	ssyncset.done $0x0  }
0xaa: {  	s6 =	sadd.s32 s1, s6;
	[sflag:s8] =	ssyncadd.s32 $0xFFFFD400  }
0xab: {  	[tilespmem:s22], [sflag:$0x6] =	stream.linear.gather [hbm4b:s6+s4], $0x100, $0x38;
	[tilespmem:$0x1F400] =	vst v63  }
0xac: {  	_ =	swait.ge [sflag:s25], $0x100  }
0xad: {  	[sflag:s25] =	ssyncset.done $0x0  }
0xae: {  	[sflag:s25] =	ssyncadd.s32 $0xFFFFFF00  }
0xaf: {  	[tilespmem:s28], [sflag:$0x1] =	stream.indirect.gather [hbm4b:s5+s26], $0x80, s4, s26, $0xb8;
	[tilespmem:$0x1F400] =	vst v63  }
0xb0: {  	_ =	swait.ge [sflag:s15], $0x2C00  }
0xb1: {  	[sflag:s15] =	ssyncset.done $0x0  }
0xb2: {  	[sflag:s15] =	ssyncadd.s32 $0xFFFFD400  }
0xb3: {  	[spmem:s2] =	stream.indirect.scatter.add.f32 [tilespmem:s0], [sflag:$0x9], $0x80, s16, s26, $0xb8;
	[tilespmem:$0x1F400] =	vst v63  }
0xb4: {  	s6 =	sadd.s32 $0x200, s7;
	_ =	swait.ge [sflag:s8], $0x2C00  }
0xb5: {  	s6 =	sshrl.u32 s6, $0x3;
	[sflag:s8] =	ssyncset.done $0x0  }
0xb6: {  	s6 =	sadd.s32 s1, s6;
	[sflag:s8] =	ssyncadd.s32 $0xFFFFD400  }
0xb7: {  	[tilespmem:s23], [sflag:$0x7] =	stream.linear.gather [hbm4b:s6+s4], $0x100, $0x38;
	[tilespmem:$0x1F400] =	vst v63  }
0xb8: {  	_ =	swait.ge [sflag:s29], $0x100  }
0xb9: {  	[sflag:s29] =	ssyncset.done $0x0  }
0xba: {  	[sflag:s29] =	ssyncadd.s32 $0xFFFFFF00  }
0xbb: {  	[tilespmem:s30], [sflag:$0x2] =	stream.indirect.gather [hbm4b:s5+s26], $0x80, s22, s26, $0xb8;
	[tilespmem:$0x1F400] =	vst v63  }
0xbc: {  	_ =	swait.ge [sflag:s17], $0x2C00  }
0xbd: {  	[sflag:s17] =	ssyncset.done $0x0  }
0xbe: {  	[sflag:s17] =	ssyncadd.s32 $0xFFFFD400  }
0xbf: {  	[spmem:s2] =	stream.indirect.scatter.add.f32 [tilespmem:s3], [sflag:$0x9], $0x80, s18, s26, $0xb8;
	[tilespmem:$0x1F400] =	vst v63  }
0xc0: {  	s6 =	sadd.s32 $0x300, s7;
	_ =	swait.ge [sflag:s8], $0x2C00  }
0xc1: {  	s6 =	sshrl.u32 s6, $0x3;
	[sflag:s8] =	ssyncset.done $0x0  }
0xc2: {  	s6 =	sadd.s32 s1, s6;
	[sflag:s8] =	ssyncadd.s32 $0xFFFFD400  }
0xc3: {  	[tilespmem:s24], [sflag:$0x8] =	stream.linear.gather [hbm4b:s6+s4], $0x100, $0x38;
	[tilespmem:$0x1F400] =	vst v63  }
0xc4: {  	_ =	swait.ge [sflag:s31], $0x100  }
0xc5: {  	[sflag:s31] =	ssyncset.done $0x0  }
.Ltmp2:
0xc6: {  	[sflag:s31] =	ssyncadd.s32 $0xFFFFFF00;
	(pc) =	sbr.rel @p0 .LBB2_4-.Ltmp2, $4  }
0xc7: {  	[tilespmem:s0], [sflag:$0x3] =	stream.indirect.gather [hbm4b:s5+s26], $0x80, s23, s26, $0xb8;
	[tilespmem:$0x1F400] =	vst v63  }
0xc8: {  	_ =	swait.ge [sflag:s9], $0x100  }
0xc9: {  	[sflag:s9] =	ssyncset.done $0x0  }
0xca: {  	s7 =	sadd.s32 $0x400, s7;
	[sflag:s9] =	ssyncadd.s32 $0xFFFFFF00  }
.LBB2_5:
0xcb: {  	[tilespmem:s3], [sflag:$0x4] =	stream.indirect.gather [hbm4b:s5+s26], $0x80, s24, s26, $0xb8;
	[tilespmem:$0x1F400] =	vst v63  }
0xcc: {  	_ =	swait.ge [sflag:s10], $0x2C00  }
0xcd: {  	[sflag:s10] =	ssyncset.done $0x0  }
0xce: {  	[sflag:s10] =	ssyncadd.s32 $0xFFFFD400  }
0xcf: {  	[spmem:s2] =	stream.indirect.scatter.add.f32 [tilespmem:s28], [sflag:$0x9], $0x80, s12, s26, $0xb8;
	[tilespmem:$0x1F400] =	vst v63  }
0xd0: {  	_ =	swait.ge [sflag:s8], $0x2C00  }
0xd1: {  	[sflag:s8] =	ssyncset.done $0x0  }
0xd2: {  	[sflag:s8] =	ssyncadd.s32 $0xFFFFD400  }
0xd3: {  	_ =	swait.ge [sflag:s13], $0x2C00  }
0xd4: {  	[sflag:s13] =	ssyncset.done $0x0  }
0xd5: {  	[sflag:s13] =	ssyncadd.s32 $0xFFFFD400  }
0xd6: {  	[spmem:s2] =	stream.indirect.scatter.add.f32 [tilespmem:s30], [sflag:$0x9], $0x80, s14, s26, $0xb8;
	[tilespmem:$0x1F400] =	vst v63  }
0xd7: {  	_ =	swait.ge [sflag:s8], $0x2C00  }
0xd8: {  	[sflag:s8] =	ssyncset.done $0x0  }
0xd9: {  	[sflag:s8] =	ssyncadd.s32 $0xFFFFD400  }
0xda: {  	_ =	swait.ge [sflag:s15], $0x2C00  }
0xdb: {  	[sflag:s15] =	ssyncset.done $0x0  }
0xdc: {  	[sflag:s15] =	ssyncadd.s32 $0xFFFFD400  }
0xdd: {  	[spmem:s2] =	stream.indirect.scatter.add.f32 [tilespmem:s0], [sflag:$0x9], $0x80, s16, s26, $0xb8;
	[tilespmem:$0x1F400] =	vst v63  }
0xde: {  	_ =	swait.ge [sflag:s8], $0x2C00  }
0xdf: {  	[sflag:s8] =	ssyncset.done $0x0  }
0xe0: {  	[sflag:s8] =	ssyncadd.s32 $0xFFFFD400  }
0xe1: {  	_ =	swait.ge [sflag:s17], $0x2C00  }
0xe2: {  	[sflag:s17] =	ssyncset.done $0x0  }
0xe3: {  	[sflag:s17] =	ssyncadd.s32 $0xFFFFD400  }
0xe4: {  	[spmem:s2] =	stream.indirect.scatter.add.f32 [tilespmem:s3], [sflag:$0x9], $0x80, s18, s26, $0xb8;
	[tilespmem:$0x1F400] =	vst v63  }
0xe5: {  	_ =	swait.ge [sflag:s8], $0x2C00  }
0xe6: {  	[sflag:s8] =	ssyncset.done $0x0  }
0xe7: {  	s6 =	stileid.u32;
	[sflag:s8] =	ssyncadd.s32 $0xFFFFD400  }
0xe8: {  	s6 =	sshll.u32 s6, $0x6;
	[bflag:$0x0] =	sbarrier.arrive $0xFFFF  }
0xe9: {  	s7 =	sshrl.u32 s11, $0x3;
	s6 =	sor.u32 $0x1C09, s6;
	s20 =	rddreg [dreg:$0x10]  }
0xea: {  	[hbm:s20], [sflag:s6] =	dma.local [spmem:s7], $0x2800  }
0xeb: {  	_ =	swait.ge [sflag:s8], $0x2800  }
0xec: {  	s19 =	sadd.s32 $0x1, s19;
	s20 =	rddreg [dreg:$0x11]  }
0xed: {  	p0 =	sne.s32 s19, s20  }
.Ltmp3:
0xee: {  	_ = 	snop;
	(pc) =	sbr.rel @p0 .LBB2_1-.Ltmp3, $3  }
0xef: {  	_ =	sdelay $0x1  }
0xf0: {  	[sflag:s8] =	ssyncset.done $0x0  }
0xf1: {  	[sflag:s8] =	ssyncadd.s32 $0xFFFFD800  }
0xf2: {  	_ =	sfence.sel $0x180000  }
0xf3: {  	[bflag:$0x0] =	sbarrier.arrive $0xFFFF  }
0xf4: {  	_ =	strace $0x9000004A  }
0xf5: {  	s0 =	stileid.u32;
	[bflag:$0x2] =	sbarrier.arrive $0xFFFF  }
0xf6: {  	p0 =	sne.s32 s0, $0x0;
	s0 =	rddreg [dreg:$0x3]  }
0xf7: {  	s0 =	sadd.s32 @!p0 $0x100000, s0  }
0xf8: {  	[sflag:s0] =	ssyncadd.tile.s32 @!p0 $0x1;
	_ =	shalt  }
.Lfunc_end2:
_tile_overlayer_lowered:
.L_overlay_start_2:
0xf9: {  	(tag) =	ssettag $0x2  }
0xfa: {  	s0 =	rddreg [dreg:$0x0];
	s2 =	stileid.u32  }
0xfb: {  	s1 =	rddreg [dreg:$0x1];
	p0 =	sne.s32 s2, $0x0  }
0xfc: {  	s3 =	rddreg [dreg:$0x2];
	[bflag:$0x3] =	sbarrier.arrive $0xFFFF;
	s2 =	simm.s32 @!p0 $0x1C09  }
0xfd: {  	[timem:s3], [sflag:s2] =	dma.local @!p0 [hbm:s0], s1  }
0xfe: {  	s0 =	simm.s32 @!p0 $0x9  }
0xff: {  	_ =	swait.ge @!p0 [sflag:s0], s1  }
0x100: {  	s1 =	ssub.s32 @!p0 $0x0, s1;
	[sflag:s0] =	ssyncset.done @!p0 $0x0  }
0x101: {  	[sflag:s0] =	ssyncadd.s32 @!p0 s1  }
0x102: {  	[bflag:$0x3] =	sbarrier.arrive $0xFFFF  }
0x103: {  	_ =	shalt  }

// kernel: kernel.14.cloned.1.call-start
scs
__scs_entry_jumppad:
0x0: {  	(pc) =	sbr.rel $0x88, $3  }
0x1: {  	(tag) =	ssettag $0x0;
	lr =	simm.s32 $0x1  }
0x2: {  	[smem:$0x3F9B] =	sst lr;
	_ =	strace $0xD0000000  }
0x3: {  	_ = 	snop  }
0x4: {  	_ = 	snop  }
0x5: {  	_ = 	snop  }
0x6: {  	_ = 	snop  }
0x7: {  	_ = 	snop  }
__scs_overlays_trampoline_lowered:
0x8: {  	[smem:$0x3FAA] =	sst s0  }
0x9: {  	[smem:$0x3FAB] =	sst s1  }
0xa: {  	[smem:$0x3FAC] =	sst s2  }
0xb: {  	[smem:$0x3FAD] =	sst s3  }
0xc: {  	[smem:$0x3FAE] =	sst s4  }
0xd: {  	[smem:$0x3FAF] =	sst s5  }
0xe: {  	[smem:$0x3FB0] =	sst s6  }
0xf: {  	[smem:$0x3FB1] =	sst s7  }
0x10: {  	[smem:$0x3FB2] =	sst s8  }
0x11: {  	[smem:$0x3FB3] =	sst s9;
	s0 =	simm.s32 @!p0 $0x0  }
0x12: {  	s1 =	sld [smem:$0x3F99];
	s0 =	simm.s32 @p0 $0x1  }
0x13: {  	[smem:$0x3FB4] =	sst s0;
	s0 =	simm.s32 @!p1 $0x0  }
0x14: {  	s2 =	sld [smem:$0x3F98];
	s0 =	simm.s32 @p1 $0x1  }
0x15: {  	[smem:$0x3FB5] =	sst s0;
	s0 =	simm.s32 @!p2 $0x0  }
0x16: {  	s3 =	sld [smem:$0x3FDB];
	s0 =	simm.s32 @p2 $0x1  }
0x17: {  	s4 =	simm.s32 $0x1BF5;
	[smem:$0x3FB7] =	sst s0  }
0x18: {  	s0 =	sld [smem:$0x3F9A];
	_ =	swait.ge [sflag:s4], $0x0  }
0x19: {  	s7 =	sld [smem:$0x3F9B]  }
0x1a: {  	s8 =	sadd.s32 $0xFFFFE003, lr  }
0x1b: {  	s9 =	sadd.s32 $0xFFFFFEF7, lr;
	s5 =	simm.s32 $0xFFFFFFFF;
	p2 =	slt.u32 s8, $0xFFFFF086  }
0x1c: {  	p1 =	slt.u32 s9, $0xF7A;
	s5 =	simm.s32 @!p2 $0x0  }
0x1d: {  	s5 =	simm.s32 @p1 $0x1;
	p0 =	seq.s32 s7, s2  }
0x1e: {  	s7 =	smul.u32 @!p0 $0xF7A, s2;
	p2 =	seq.s32 @!p0 s5, $0x0  }
0x1f: {  	s9 =	smul.u32 $0xF7A, s1;
	s8 =	simm.s32 @!p0 $0x1BF5;
	p2 =	por !p2, p0  }
0x20: {  	[sflag:s8] =	ssyncset.s32 @!p0 $0xFFFFF086;
	s6 =	sadd.s32 @!p0 s3, s7;
	s7 =	simm.s32 @!p0 $0x108  }
0x21: {  	s3 =	sadd.s32 s3, s9;
	s6 =	sadd.s32 @!p0 $0x88, s6;
	s7 =	simm.s32 @p2 $0x1082  }
0x22: {  	[simem:s7], [sflag:s8] =	dma.local @!p0 [hbm:s6], $0xF7A  }
0x23: {  	s9 =	sor.u32 $0xD0000000, s2;
	s6 =	simm.s32 $0x108;
	_ =	swait.ge @!p0 [sflag:s8], $0x0  }
0x24: {  	s3 =	sadd.s32 $0x88, s3;
	s6 =	simm.s32 @!p1 $0x1082;
	[sflag:s4] =	ssyncset.s32 $0xFFFFF086  }
0x25: {  	[simem:s6], [sflag:s4] =	dma.local [hbm:s3], $0xF7A  }
0x26: {  	[smem:$0x3F9B] =	sst s1;
	(tag) =	ssettag s2;
	_ =	strace s9  }
0x27: {  	s1 =	sld [smem:$0x3FAB]  }
0x28: {  	s2 =	sld [smem:$0x3FAC]  }
0x29: {  	s4 =	sld [smem:$0x3FAE]  }
0x2a: {  	p0 =	seq.s32 s5, $0x0;
	s5 =	sld [smem:$0x3FAF]  }
0x2b: {  	s6 =	sld [smem:$0x3FB0]  }
0x2c: {  	s7 =	sld [smem:$0x3FB1]  }
0x2d: {  	s3 =	simm.s32 $0x108;
	s8 =	sld [smem:$0x3FB2]  }
0x2e: {  	s3 =	simm.s32 @!p0 $0x1082;
	s9 =	sld [smem:$0x3FB3]  }
0x2f: {  	lr =	sadd.s32 s0, s3;
	s0 =	sld [smem:$0x3FAA]  }
0x30: {  	s3 =	sld [smem:$0x3FAD]  }
0x31: {  	[smem:$0x3FB6] =	sst s10  }
0x32: {  	s10 =	sld [smem:$0x3FB4];
	_ =	sdelay $0x3  }
0x33: {  	p0 =	seq.s32 s10, $0x1;
	s10 =	sld [smem:$0x3FB6];
	_ =	sdelay $0x3  }
0x34: {  	[smem:$0x3FB6] =	sst s10  }
0x35: {  	s10 =	sld [smem:$0x3FB5];
	_ =	sdelay $0x3  }
0x36: {  	p1 =	seq.s32 s10, $0x1;
	s10 =	sld [smem:$0x3FB6];
	_ =	sdelay $0x3  }
0x37: {  	[smem:$0x3FB6] =	sst s10  }
0x38: {  	s10 =	sld [smem:$0x3FB7]  }
0x39: {  	_ = 	snop;
	(pc) =	sbr.ind lr, $3  }
0x3a: {  	_ = 	snop  }
0x3b: {  	_ = 	snop  }
0x3c: {  	p2 =	seq.s32 s10, $0x1;
	s10 =	sld [smem:$0x3FB6]  }
0x3d: {  	_ =	shalt  }
0x3e: {  	_ =	shalt  }
0x3f: {  	_ =	shalt  }
0x40: {  	_ =	shalt  }
0x41: {  	_ =	shalt  }
0x42: {  	_ =	shalt  }
0x43: {  	_ =	shalt  }
0x44: {  	_ =	shalt  }
0x45: {  	_ =	shalt  }
0x46: {  	_ =	shalt  }
0x47: {  	_ =	shalt  }
0x48: {  	_ =	shalt  }
0x49: {  	_ =	shalt  }
0x4a: {  	_ =	shalt  }
0x4b: {  	_ =	shalt  }
0x4c: {  	_ =	shalt  }
0x4d: {  	_ =	shalt  }
0x4e: {  	_ =	shalt  }
0x4f: {  	_ =	shalt  }
0x50: {  	_ =	shalt  }
0x51: {  	_ =	shalt  }
0x52: {  	_ =	shalt  }
0x53: {  	_ =	shalt  }
0x54: {  	_ =	shalt  }
0x55: {  	_ =	shalt  }
0x56: {  	_ =	shalt  }
0x57: {  	_ =	shalt  }
0x58: {  	_ =	shalt  }
0x59: {  	_ =	shalt  }
0x5a: {  	_ =	shalt  }
0x5b: {  	_ =	shalt  }
0x5c: {  	_ =	shalt  }
0x5d: {  	_ =	shalt  }
0x5e: {  	_ =	shalt  }
0x5f: {  	_ =	shalt  }
0x60: {  	_ =	shalt  }
0x61: {  	_ =	shalt  }
0x62: {  	_ =	shalt  }
0x63: {  	_ =	shalt  }
0x64: {  	_ =	shalt  }
0x65: {  	_ =	shalt  }
0x66: {  	_ =	shalt  }
0x67: {  	_ =	shalt  }
0x68: {  	_ =	shalt  }
0x69: {  	_ =	shalt  }
0x6a: {  	_ =	shalt  }
0x6b: {  	_ =	shalt  }
0x6c: {  	_ =	shalt  }
0x6d: {  	_ =	shalt  }
0x6e: {  	_ =	shalt  }
0x6f: {  	_ =	shalt  }
0x70: {  	_ =	shalt  }
0x71: {  	_ =	shalt  }
0x72: {  	_ =	shalt  }
0x73: {  	_ =	shalt  }
0x74: {  	_ =	shalt  }
0x75: {  	_ =	shalt  }
0x76: {  	_ =	shalt  }
0x77: {  	_ =	shalt  }
0x78: {  	_ =	shalt  }
0x79: {  	_ =	shalt  }
0x7a: {  	_ =	shalt  }
0x7b: {  	_ =	shalt  }
0x7c: {  	_ =	shalt  }
0x7d: {  	_ =	shalt  }
0x7e: {  	_ =	shalt  }
0x7f: {  	_ =	shalt  }
0x80: {  	_ =	shalt  }
0x81: {  	_ =	shalt  }
0x82: {  	_ =	shalt  }
0x83: {  	_ =	shalt  }
0x84: {  	_ =	shalt  }
0x85: {  	_ =	shalt  }
0x86: {  	_ =	shalt  }
0x87: {  	_ =	shalt  }
.Lfunc_end0:
.L_simem_size_0:
called_computation.2_lowered:
.L_overlay_start_0:
0x88: {  	s2 =	sld [smem:$0x3FD9]  }
0x89: {  	s3 =	sld [smem:$0x3FFE];
	_ =	sdelay $0x1  }
0x8a: {  	s1 =	srdreg.scid  }
0x8b: {  	s0 =	sand.u32 $0x1, s1  }
0x8c: {  	s17 =	sshll.u32 s0, $0xA;
	s2 =	sadd.s32 s3, s2  }
0x8d: {  	s2 =	sadd.s32 s2, s17  }
0x8e: {  	[smem:$0x3FC2] =	sst s2  }
0x8f: {  	_ = 	snop  }
0x90: {  	s2 =	sld [smem:$0x3FD0];
	(tm) =	ssettm $0x1  }
0x91: {  	s18 =	sld [smem:$0x3FFB];
	_ =	sdelay $0x3  }
0x92: {  	_ =	strace s18  }
0x93: {  	s3 =	sld [smem:$0x3FFC];
	_ =	sdelay $0x3  }
0x94: {  	_ =	strace s3  }
0x95: {  	s3 =	sld [smem:$0x3FFD];
	_ =	sdelay $0x3  }
0x96: {  	_ =	strace s3  }
0x97: {  	_ =	strace $0x8FFFFFFF  }
0x98: {  	s19 =	sld [smem:$0x3FDB];
	_ =	sdelay $0x1  }
0x99: {  	s4 =	simm.s32 $_scs_section_size  }
0x9a: {  	s5 =	simm.s32 $_size__tile_overlayer_lowered;
	s6 =	simm.s32 $_tile_overlayer_lowered  }
0x9b: {  	s22 =	simm.s32 $0x1BFF;
	s21 =	sshll.u32 s6, $0x1;
	s3 =	sadd.s32 s4, s19  }
0x9c: {  	s7 =	simm.s32 $0x0;
	s20 =	sshll.u32 s5, $0x1;
	s5 =	sadd.s32 s21, s3  }
0x9d: {  	[timem:s7], [sflag:s22] =	dma.local [hbm:s5], s20  }
0x9e: {  	_ =	swait.ge [sflag:s22], s20  }
0x9f: {  	s4 =	ssub.s32 $0x0, s20;
	[sflag:s22] =	ssyncset.done $0x0  }
0xa0: {  	[sflag:s22] =	ssyncadd.s32 s4;
	_ =	sdelay $0x1  }
0xa1: {  	s23 =	simm.s32 $0x1B8B  }
0xa2: {  	_ =	swait.ge [sflag:s23], $0x1  }
0xa3: {  	[sflag:s23] =	ssyncset.done $0x0  }
0xa4: {  	s25 =	simm.s32 $0x1B8E;
	s24 =	sld [smem:$0x3FFE];
	[sflag:s23] =	ssyncadd.s32 $0xFFFFFFFF  }
0xa5: {  	s26 =	simm.s32 $execute0_lowered;
	[smem:$0x3FD2] =	sst s25  }
0xa6: {  	s5 =	sshll.u32 s26, $0x1;
	_ =	strace $0x8000004C;
	[dreg:$0x1] =	wrdreg $0xFFFFFFFF  }
0xa7: {  	s28 =	simm.s32 $_size_execute0_lowered;
	s3 =	sadd.s32 s3, s5;
	[dreg:$0x0] =	wrdreg $0x0  }
0xa8: {  	s5 =	sshll.u32 s28, $0x1;
	[dreg:$0x2] =	wrdreg s3  }
0xa9: {  	[dreg:$0x3] =	wrdreg s5  }
0xaa: {  	[dreg:$0x4] =	wrdreg $0xC0  }
0xab: {  	_ =	task [dreg:s7], $0x5FFFF  }
0xac: {  	[dreg:$0x1] =	wrdreg $0xFFFFFFFF  }
0xad: {  	[dreg:$0x0] =	wrdreg $0x60  }
0xae: {  	[dreg:$0x2] =	wrdreg s24  }
0xaf: {  	[dreg:$0x3] =	wrdreg s2  }
0xb0: {  	[dreg:$0x4] =	wrdreg $0xB4000  }
0xb1: {  	[dreg:$0x5] =	wrdreg $0x9  }
0xb2: {  	_ =	task.clear_ibuf [dreg:s7], $0x6FFFF;
	_ =	strace $0x9000004C  }
0xb3: {  	s29 =	simm.s32 $0x9;
	_ =	strace $0x8000004E  }
0xb4: {  	_ =	swait.ge [sflag:s29], $0x1  }
0xb5: {  	[sflag:s29] =	ssyncadd.s32 $0xFFFFFFFF  }
0xb6: {  	_ =	strace $0x9000004E  }
0xb7: {  	_ =	sfence  }
0xb8: {  	s30 =	sld [smem:$0x0];
	_ =	sdelay $0x2  }
0xb9: {  	s31 =	sshll.u32 s1, $0xD;
	s1 =	sshrl.u32 s1, $0x2  }
0xba: {  	s3 =	sand.u32 $0x4000, s31;
	s1 =	sadd.s32 s1, s30  }
0xbb: {  	s0 =	sor.u32 s3, s0;
	s1 =	sshll.u32 s1, $0x11  }
0xbc: {  	s0 =	sor.u32 s1, s0  }
0xbd: {  	s0 =	sadd.s32 $0x8F2B, s0  }
0xbe: {  	[sflag:s0] =	ssyncadd.remote.s32 $0x1  }
0xbf: {  	_ =	sfence.sel $0xFFFF  }
0xc0: {  	[dreg:$0x0] =	wrdreg $0xFFFFFFFF;
	(pc) =	sbr.abs _section_cstart, $3  }
0xc1: {  	[dreg:$0x1] =	wrdreg $0xFFFFFFFF  }
0xc2: {  	_ =	task.clear_ibuf [dreg:s7], $0x2FFFF;
	_ =	strace $0x9FFFFFFF  }
0xc3: {  	(tm) =	ssettm $0x7FFFFFFF  }
tec
execute0_lowered:
.L_overlay_start_1:
0x0: {  	(tag) =	ssettag $0x1  }
0x1: {  	s0 =	rddreg [dreg:$0x0]  }
0x2: {  	s1 =	rddreg [dreg:$0x1]  }
0x3: {  	s2 =	rddreg [dreg:$0x2];
	s3 =	srdreg.scid;
	s4 =	simm.s32 $0x0  }
0x4: {  	s9 =	stileid.u32;
	s28 =	simm.s32 $0x400;
	s29 =	simm.s32 $0x6  }
0x5: {  	s30 =	simm.s32 $0x3000;
	s31 =	simm.s32 $0x7;
	s7 =	smul.u32 $0x14000, s9  }
0x6: {  	s12 =	simm.s32 $0x80;
	s3 =	sand.u32 $0x1, s3;
	s8 =	smul.u32 $0x50, s9  }
0x7: {  	[smem:$0x7FF] =	sst s4;
	s5 =	sadd.s32 $0x2600, s0;
	s6 =	smul.u32 $0x140000, s3  }
0x8: {  	_ =	strace $0x8000004D;
	p0 =	seq.s32 s3, $0x0;
	s3 =	ssub.s32 $0x2, s3  }
0x9: {  	s13 =	sshrl.u32 s3, $0x1;
	s6 =	sadd.s32 s7, s6;
	s7 =	smul.u32 $0x94, s9  }
0xa: {  	s8 =	sadd.s32 $0x940, s8;
	s9 =	smul.u32 $0x50000, s9;
	s3 =	ssub.s32 s3, s13  }
0xb: {  	s13 =	simm.s32 $0x2;
	s6 =	sshrl.u32 s6, $0x3;
	s26 =	smax.u32 s3, $0x1  }
0xc: {  	s3 =	simm.s32 $0x8800;
	s0 =	sadd.s32 s6, s0;
	s8 =	smov.u32 @p0 s7  }
0xd: {  	s6 =	simm.s32 $0x24;
	s15 =	sshrl.u32 s9, $0x2;
	[dreg:$0x11] =	wrdreg s26  }
0xe: {  	s26 =	simm.s32 $0x58;
	s9 =	simm.s32 $0x8;
	s6 =	simm.s32 @!p0 $0x13  }
0xf: {  	s7 =	sshll.u32 s8, $0x5;
	s0 =	sadd.s32 $0x2A600, s0;
	[dreg:$0x4] =	wrdreg s6  }
0x10: {  	s11 =	sadd.s32 s15, s2;
	s10 =	sadd.s32 s1, s7;
	[dreg:$0x10] =	wrdreg s0  }
0x11: {  	s25 =	sshll.u32 s8, $0x8;
	s18 =	sadd.s32 $0x2C00, s11;
	[dreg:$0x5] =	wrdreg s10  }
0x12: {  	s8 =	simm.s32 $0x9;
	s19 =	sadd.s32 $0x5800, s11;
	[dreg:$0x9] =	wrdreg s18  }
0x13: {  	s15 =	simm.s32 $0x3;
	s20 =	sadd.s32 $0x8400, s11;
	[dreg:$0xa] =	wrdreg s19  }
0x14: {  	s21 =	sadd.s32 $0xB000, s11;
	s22 =	sadd.s32 $0xDC00, s11;
	[dreg:$0xb] =	wrdreg s20  }
0x15: {  	s23 =	sadd.s32 $0x10800, s11;
	s24 =	sadd.s32 $0x13400, s11;
	[dreg:$0xc] =	wrdreg s21  }
0x16: {  	s0 =	simm.s32 $0x5C00;
	s14 =	sadd.s32 $0x20, s10;
	[dreg:$0xd] =	wrdreg s22  }
0x17: {  	s16 =	sadd.s32 $0x40, s10;
	s17 =	sadd.s32 $0x60, s10;
	[dreg:$0xe] =	wrdreg s23  }
0x18: {  	[dreg:$0xf] =	wrdreg s24;
	s21 =	sadd.s32 $0x400, s25;
	s22 =	simm.s32 $0x100  }
0x19: {  	s23 =	simm.s32 $0x200;
	s24 =	simm.s32 $0x300;
	[dreg:$0x6] =	wrdreg s14  }
0x1a: {  	s25 =	simm.s32 $0x5;
	s10 =	simm.s32 $0x1;
	[dreg:$0x7] =	wrdreg s16  }
0x1b: {  	s18 =	simm.s32 $0x380;
	s19 =	simm.s32 $0x0;
	[dreg:$0x8] =	wrdreg s17  }
0x1c: {  	v0 =	vimm.f32 $0.0e+00;
	s14 =	simm.s32 $0x180;
	s16 =	simm.s32 $0x280;
	s17 =	simm.s32 $0x4  }
.LBB2_1:
0x1d: {  	s6 =	rddreg [dreg:$0x5]  }
0x1e: {  	[tilespmem:s4], [sflag:$0x5] =	stream.linear.gather [hbm4b:s6+s4], $0x100, $0x38;
	[tilespmem:$0x1F400] =	vst v63  }
0x1f: {  	s20 =	rddreg [dreg:$0x6]  }
0x20: {  	[tilespmem:s22], [sflag:$0x6] =	stream.linear.gather [hbm4b:s20+s4], $0x100, $0x38;
	[tilespmem:$0x1F400] =	vst v63  }
0x21: {  	s7 =	rddreg [dreg:$0x7]  }
0x22: {  	[tilespmem:s23], [sflag:$0x7] =	stream.linear.gather [hbm4b:s7+s4], $0x100, $0x38;
	[tilespmem:$0x1F400] =	vst v63  }
0x23: {  	s20 =	rddreg [dreg:$0x8]  }
0x24: {  	[tilespmem:s24], [sflag:$0x8] =	stream.linear.gather [hbm4b:s20+s4], $0x100, $0x38;
	[tilespmem:$0x1F400] =	vst v63  }
0x25: {  	s7 =	simm.s32 $0x0;
	s20 =	simm.s32 $0x200  }
.LBB2_2:
0x26: {  	p0 =	sne.s32 s20, $0xAE00;
	[tilespmem:s7+$0x8870] =	vst v0  }
0x27: {  	[tilespmem:s7+$0x8800] =	vst v0  }
0x28: {  	[tilespmem:s7+$0x8810] =	vst v0  }
.Ltmp0:
0x29: {  	[tilespmem:s7+$0x8820] =	vst v0;
	(pc) =	sbr.rel @p0 .LBB2_2-.Ltmp0, $4  }
0x2a: {  	[tilespmem:s7+$0x8830] =	vst v0  }
0x2b: {  	[tilespmem:s7+$0x8840] =	vst v0  }
0x2c: {  	[tilespmem:s7+$0x8850] =	vst v0  }
0x2d: {  	[tilespmem:s7+$0x8860] =	vst v0;
	s7 =	sshra.s32 s20, $0x2;
	s20 =	sadd.s32 $0x200, s20  }
0x2e: {  	[tilespmem:s7+$0x8870] =	vst v0  }
0x2f: {  	[tilespmem:s7+$0x8800] =	vst v0  }
0x30: {  	[tilespmem:s7+$0x8810] =	vst v0  }
0x31: {  	[tilespmem:s7+$0x8820] =	vst v0  }
0x32: {  	[tilespmem:s7+$0x8830] =	vst v0  }
0x33: {  	[tilespmem:s7+$0x8840] =	vst v0  }
0x34: {  	[tilespmem:s7+$0x8850] =	vst v0  }
0x35: {  	[tilespmem:s7+$0x8860] =	vst v0  }
0x36: {  	_ =	swait.ge [sflag:s25], $0x100  }
0x37: {  	[sflag:s25] =	ssyncset.done $0x0  }
0x38: {  	[sflag:s25] =	ssyncadd.s32 $0xFFFFFF00  }
0x39: {  	[tilespmem:s28], [sflag:$0x1] =	stream.indirect.gather [hbm4b:s5+s26], $0x80, s4, s26, $0xb8;
	[tilespmem:$0x1F400] =	vst v63  }
0x3a: {  	_ =	swait.ge [sflag:s29], $0x100  }
0x3b: {  	[sflag:s29] =	ssyncset.done $0x0  }
0x3c: {  	[sflag:s29] =	ssyncadd.s32 $0xFFFFFF00  }
0x3d: {  	[tilespmem:s30], [sflag:$0x2] =	stream.indirect.gather [hbm4b:s5+s26], $0x80, s22, s26, $0xb8;
	[tilespmem:$0x1F400] =	vst v63  }
0x3e: {  	_ =	swait.ge [sflag:s31], $0x100  }
0x3f: {  	[sflag:s31] =	ssyncset.done $0x0  }
0x40: {  	[sflag:s31] =	ssyncadd.s32 $0xFFFFFF00  }
0x41: {  	[tilespmem:s0], [sflag:$0x3] =	stream.indirect.gather [hbm4b:s5+s26], $0x80, s23, s26, $0xb8;
	[tilespmem:$0x1F400] =	vst v63  }
0x42: {  	_ = 	snop  }
0x43: {  	[spmem:s11] =	stream.linear.scatter [tilespmem:s3], [sflag:$0x9], $0x2C00, $0x38;
	[tilespmem:$0x1F400] =	vst v63  }
0x44: {  	_ =	swait.ge [sflag:s8], $0x2C00  }
0x45: {  	[sflag:s8] =	ssyncset.done $0x0  }
0x46: {  	s6 =	rddreg [dreg:$0x9];
	[sflag:s8] =	ssyncadd.s32 $0xFFFFD400  }
0x47: {  	[spmem:s6] =	stream.linear.scatter [tilespmem:s3], [sflag:$0x9], $0x2C00, $0x38;
	[tilespmem:$0x1F400] =	vst v63  }
0x48: {  	_ =	swait.ge [sflag:s8], $0x2C00  }
0x49: {  	[sflag:s8] =	ssyncset.done $0x0  }
0x4a: {  	s20 =	rddreg [dreg:$0xa];
	[sflag:s8] =	ssyncadd.s32 $0xFFFFD400  }
0x4b: {  	[spmem:s20] =	stream.linear.scatter [tilespmem:s3], [sflag:$0x9], $0x2C00, $0x38;
	[tilespmem:$0x1F400] =	vst v63  }
0x4c: {  	_ =	swait.ge [sflag:s8], $0x2C00  }
0x4d: {  	[sflag:s8] =	ssyncset.done $0x0  }
0x4e: {  	s7 =	rddreg [dreg:$0xb];
	[sflag:s8] =	ssyncadd.s32 $0xFFFFD400  }
0x4f: {  	[spmem:s7] =	stream.linear.scatter [tilespmem:s3], [sflag:$0x9], $0x2C00, $0x38;
	[tilespmem:$0x1F400] =	vst v63  }
0x50: {  	_ =	swait.ge [sflag:s8], $0x2C00  }
0x51: {  	[sflag:s8] =	ssyncset.done $0x0  }
0x52: {  	s20 =	rddreg [dreg:$0xc];
	[sflag:s8] =	ssyncadd.s32 $0xFFFFD400  }
0x53: {  	[spmem:s20] =	stream.linear.scatter [tilespmem:s3], [sflag:$0x9], $0x2C00, $0x38;
	[tilespmem:$0x1F400] =	vst v63  }
0x54: {  	_ =	swait.ge [sflag:s8], $0x2C00  }
0x55: {  	[sflag:s8] =	ssyncset.done $0x0  }
0x56: {  	s7 =	rddreg [dreg:$0xd];
	[sflag:s8] =	ssyncadd.s32 $0xFFFFD400  }
0x57: {  	[spmem:s7] =	stream.linear.scatter [tilespmem:s3], [sflag:$0x9], $0x2C00, $0x38;
	[tilespmem:$0x1F400] =	vst v63  }
0x58: {  	_ =	swait.ge [sflag:s8], $0x2C00  }
0x59: {  	[sflag:s8] =	ssyncset.done $0x0  }
0x5a: {  	s20 =	rddreg [dreg:$0xe];
	[sflag:s8] =	ssyncadd.s32 $0xFFFFD400  }
0x5b: {  	[spmem:s20] =	stream.linear.scatter [tilespmem:s3], [sflag:$0x9], $0x2C00, $0x38;
	[tilespmem:$0x1F400] =	vst v63  }
0x5c: {  	_ =	swait.ge [sflag:s8], $0x2C00  }
0x5d: {  	[sflag:s8] =	ssyncset.done $0x0  }
0x5e: {  	s7 =	rddreg [dreg:$0xf];
	[sflag:s8] =	ssyncadd.s32 $0xFFFFD400  }
0x5f: {  	[spmem:s7] =	stream.linear.scatter [tilespmem:s3], [sflag:$0x9], $0xC00, $0x38;
	[tilespmem:$0x1F400] =	vst v63  }
0x60: {  	_ =	swait.ge [sflag:s8], $0xC00  }
0x61: {  	[sflag:s8] =	ssyncset.done $0x0  }
0x62: {  	[sflag:s8] =	ssyncadd.s32 $0xFFFFF400  }
0x63: {  	_ =	swait.ge [sflag:s9], $0x100  }
0x64: {  	[sflag:s9] =	ssyncset.done $0x0  }
0x65: {  	[sflag:s9] =	ssyncadd.s32 $0xFFFFFF00  }
0x66: {  	[tilespmem:s3], [sflag:$0x4] =	stream.indirect.gather [hbm4b:s5+s26], $0x80, s24, s26, $0xb8;
	[tilespmem:$0x1F400] =	vst v63  }
0x67: {  	[bflag:$0x0] =	sbarrier.arrive $0xFFFF  }
0x68: {  	_ =	swait.ge [sflag:s10], $0x2C00  }
0x69: {  	[sflag:s10] =	ssyncset.done $0x0  }
0x6a: {  	[sflag:s10] =	ssyncadd.s32 $0xFFFFD400  }
0x6b: {  	[spmem:s2] =	stream.indirect.scatter.add.f32 [tilespmem:s28], [sflag:$0x9], $0x80, s12, s26, $0xb8;
	[tilespmem:$0x1F400] =	vst v63  }
0x6c: {  	_ =	swait.ge [sflag:s8], $0x2C00  }
0x6d: {  	s20 =	sshrl.u32 s21, $0x3;
	[sflag:s8] =	ssyncset.done $0x0  }
0x6e: {  	s7 =	sadd.s32 s1, s20;
	[sflag:s8] =	ssyncadd.s32 $0xFFFFD400  }
0x6f: {  	[tilespmem:s4], [sflag:$0x5] =	stream.linear.gather [hbm4b:s7+s4], $0x100, $0x38;
	[tilespmem:$0x1F400] =	vst v63  }
0x70: {  	_ =	swait.ge [sflag:s13], $0x2C00  }
0x71: {  	[sflag:s13] =	ssyncset.done $0x0  }
0x72: {  	[sflag:s13] =	ssyncadd.s32 $0xFFFFD400  }
0x73: {  	[spmem:s2] =	stream.indirect.scatter.add.f32 [tilespmem:s30], [sflag:$0x9], $0x80, s14, s26, $0xb8;
	[tilespmem:$0x1F400] =	vst v63  }
0x74: {  	s6 =	sadd.s32 $0x100, s21;
	_ =	swait.ge [sflag:s8], $0x2C00  }
0x75: {  	s7 =	sshrl.u32 s6, $0x3;
	[sflag:s8] =	ssyncset.done $0x0  }
0x76: {  	s7 =	sadd.s32 s1, s7;
	[sflag:s8] =	ssyncadd.s32 $0xFFFFD400  }
0x77: {  	[tilespmem:s22], [sflag:$0x6] =	stream.linear.gather [hbm4b:s7+s4], $0x100, $0x38;
	[tilespmem:$0x1F400] =	vst v63  }
0x78: {  	_ =	swait.ge [sflag:s25], $0x100  }
0x79: {  	[sflag:s25] =	ssyncset.done $0x0  }
0x7a: {  	[sflag:s25] =	ssyncadd.s32 $0xFFFFFF00  }
0x7b: {  	[tilespmem:s28], [sflag:$0x1] =	stream.indirect.gather [hbm4b:s5+s26], $0x80, s4, s26, $0xb8;
	[tilespmem:$0x1F400] =	vst v63  }
0x7c: {  	_ =	swait.ge [sflag:s15], $0x2C00  }
0x7d: {  	[sflag:s15] =	ssyncset.done $0x0  }
0x7e: {  	[sflag:s15] =	ssyncadd.s32 $0xFFFFD400  }
0x7f: {  	[spmem:s2] =	stream.indirect.scatter.add.f32 [tilespmem:s0], [sflag:$0x9], $0x80, s16, s26, $0xb8;
	[tilespmem:$0x1F400] =	vst v63  }
0x80: {  	s20 =	sadd.s32 $0x200, s21;
	_ =	swait.ge [sflag:s8], $0x2C00  }
0x81: {  	s7 =	sshrl.u32 s20, $0x3;
	[sflag:s8] =	ssyncset.done $0x0  }
0x82: {  	s7 =	sadd.s32 s1, s7;
	[sflag:s8] =	ssyncadd.s32 $0xFFFFD400  }
0x83: {  	[tilespmem:s23], [sflag:$0x7] =	stream.linear.gather [hbm4b:s7+s4], $0x100, $0x38;
	[tilespmem:$0x1F400] =	vst v63  }
0x84: {  	_ =	swait.ge [sflag:s29], $0x100  }
0x85: {  	[sflag:s29] =	ssyncset.done $0x0  }
0x86: {  	[sflag:s29] =	ssyncadd.s32 $0xFFFFFF00  }
0x87: {  	[tilespmem:s30], [sflag:$0x2] =	stream.indirect.gather [hbm4b:s5+s26], $0x80, s22, s26, $0xb8;
	[tilespmem:$0x1F400] =	vst v63  }
0x88: {  	_ =	swait.ge [sflag:s17], $0x2C00  }
0x89: {  	[sflag:s17] =	ssyncset.done $0x0  }
0x8a: {  	[sflag:s17] =	ssyncadd.s32 $0xFFFFD400  }
0x8b: {  	[spmem:s2] =	stream.indirect.scatter.add.f32 [tilespmem:s3], [sflag:$0x9], $0x80, s18, s26, $0xb8;
	[tilespmem:$0x1F400] =	vst v63  }
0x8c: {  	s6 =	sadd.s32 $0x300, s21;
	_ =	swait.ge [sflag:s8], $0x2C00  }
0x8d: {  	s7 =	sshrl.u32 s6, $0x3;
	[sflag:s8] =	ssyncset.done $0x0  }
0x8e: {  	s7 =	sadd.s32 s1, s7;
	[sflag:s8] =	ssyncadd.s32 $0xFFFFD400  }
0x8f: {  	[tilespmem:s24], [sflag:$0x8] =	stream.linear.gather [hbm4b:s7+s4], $0x100, $0x38;
	[tilespmem:$0x1F400] =	vst v63  }
0x90: {  	_ =	swait.ge [sflag:s31], $0x100  }
0x91: {  	[sflag:s31] =	ssyncset.done $0x0  }
0x92: {  	[sflag:s31] =	ssyncadd.s32 $0xFFFFFF00  }
0x93: {  	[tilespmem:s0], [sflag:$0x3] =	stream.indirect.gather [hbm4b:s5+s26], $0x80, s23, s26, $0xb8;
	[tilespmem:$0x1F400] =	vst v63  }
0x94: {  	_ =	swait.ge [sflag:s9], $0x100  }
0x95: {  	s20 =	rddreg [dreg:$0x4]  }
0x96: {  	p0 =	sne.s32 s20, $0x1  }
.Ltmp1:
0x97: {  	_ = 	snop;
	(pc) =	sbr.rel @!p0 .LBB2_5-.Ltmp1, $3  }
0x98: {  	_ =	sdelay $0x1  }
0x99: {  	[sflag:s9] =	ssyncset.done $0x0  }
0x9a: {  	s7 =	sadd.s32 $0x400, s21;
	s20 =	sadd.s32 $0xFFFFFFFF, s20;
	[sflag:s9] =	ssyncadd.s32 $0xFFFFFF00  }
.LBB2_4:
0x9b: {  	[tilespmem:s3], [sflag:$0x4] =	stream.indirect.gather [hbm4b:s5+s26], $0x80, s24, s26, $0xb8;
	[tilespmem:$0x1F400] =	vst v63  }
0x9c: {  	p0 =	sne.s32 s20, $0x1;
	s20 =	sadd.s32 $0xFFFFFFFF, s20;
	_ =	swait.ge [sflag:s10], $0x2C00  }
0x9d: {  	[sflag:s10] =	ssyncset.done $0x0  }
0x9e: {  	[sflag:s10] =	ssyncadd.s32 $0xFFFFD400  }
0x9f: {  	[spmem:s2] =	stream.indirect.scatter.add.f32 [tilespmem:s28], [sflag:$0x9], $0x80, s12, s26, $0xb8;
	[tilespmem:$0x1F400] =	vst v63  }
0xa0: {  	_ =	swait.ge [sflag:s8], $0x2C00  }
0xa1: {  	s6 =	sshrl.u32 s7, $0x3;
	[sflag:s8] =	ssyncset.done $0x0  }
0xa2: {  	s6 =	sadd.s32 s1, s6;
	[sflag:s8] =	ssyncadd.s32 $0xFFFFD400  }
0xa3: {  	[tilespmem:s4], [sflag:$0x5] =	stream.linear.gather [hbm4b:s6+s4], $0x100, $0x38;
	[tilespmem:$0x1F400] =	vst v63  }
0xa4: {  	_ =	swait.ge [sflag:s13], $0x2C00  }
0xa5: {  	[sflag:s13] =	ssyncset.done $0x0  }
0xa6: {  	[sflag:s13] =	ssyncadd.s32 $0xFFFFD400  }
0xa7: {  	[spmem:s2] =	stream.indirect.scatter.add.f32 [tilespmem:s30], [sflag:$0x9], $0x80, s14, s26, $0xb8;
	[tilespmem:$0x1F400] =	vst v63  }
0xa8: {  	s6 =	sadd.s32 $0x100, s7;
	_ =	swait.ge [sflag:s8], $0x2C00  }
0xa9: {  	s6 =	sshrl.u32 s6, $0x3;
	[sflag:s8] =	ssyncset.done $0x0  }
0xaa: {  	s6 =	sadd.s32 s1, s6;
	[sflag:s8] =	ssyncadd.s32 $0xFFFFD400  }
0xab: {  	[tilespmem:s22], [sflag:$0x6] =	stream.linear.gather [hbm4b:s6+s4], $0x100, $0x38;
	[tilespmem:$0x1F400] =	vst v63  }
0xac: {  	_ =	swait.ge [sflag:s25], $0x100  }
0xad: {  	[sflag:s25] =	ssyncset.done $0x0  }
0xae: {  	[sflag:s25] =	ssyncadd.s32 $0xFFFFFF00  }
0xaf: {  	[tilespmem:s28], [sflag:$0x1] =	stream.indirect.gather [hbm4b:s5+s26], $0x80, s4, s26, $0xb8;
	[tilespmem:$0x1F400] =	vst v63  }
0xb0: {  	_ =	swait.ge [sflag:s15], $0x2C00  }
0xb1: {  	[sflag:s15] =	ssyncset.done $0x0  }
0xb2: {  	[sflag:s15] =	ssyncadd.s32 $0xFFFFD400  }
0xb3: {  	[spmem:s2] =	stream.indirect.scatter.add.f32 [tilespmem:s0], [sflag:$0x9], $0x80, s16, s26, $0xb8;
	[tilespmem:$0x1F400] =	vst v63  }
0xb4: {  	s6 =	sadd.s32 $0x200, s7;
	_ =	swait.ge [sflag:s8], $0x2C00  }
0xb5: {  	s6 =	sshrl.u32 s6, $0x3;
	[sflag:s8] =	ssyncset.done $0x0  }
0xb6: {  	s6 =	sadd.s32 s1, s6;
	[sflag:s8] =	ssyncadd.s32 $0xFFFFD400  }
0xb7: {  	[tilespmem:s23], [sflag:$0x7] =	stream.linear.gather [hbm4b:s6+s4], $0x100, $0x38;
	[tilespmem:$0x1F400] =	vst v63  }
0xb8: {  	_ =	swait.ge [sflag:s29], $0x100  }
0xb9: {  	[sflag:s29] =	ssyncset.done $0x0  }
0xba: {  	[sflag:s29] =	ssyncadd.s32 $0xFFFFFF00  }
0xbb: {  	[tilespmem:s30], [sflag:$0x2] =	stream.indirect.gather [hbm4b:s5+s26], $0x80, s22, s26, $0xb8;
	[tilespmem:$0x1F400] =	vst v63  }
0xbc: {  	_ =	swait.ge [sflag:s17], $0x2C00  }
0xbd: {  	[sflag:s17] =	ssyncset.done $0x0  }
0xbe: {  	[sflag:s17] =	ssyncadd.s32 $0xFFFFD400  }
0xbf: {  	[spmem:s2] =	stream.indirect.scatter.add.f32 [tilespmem:s3], [sflag:$0x9], $0x80, s18, s26, $0xb8;
	[tilespmem:$0x1F400] =	vst v63  }
0xc0: {  	s6 =	sadd.s32 $0x300, s7;
	_ =	swait.ge [sflag:s8], $0x2C00  }
0xc1: {  	s6 =	sshrl.u32 s6, $0x3;
	[sflag:s8] =	ssyncset.done $0x0  }
0xc2: {  	s6 =	sadd.s32 s1, s6;
	[sflag:s8] =	ssyncadd.s32 $0xFFFFD400  }
0xc3: {  	[tilespmem:s24], [sflag:$0x8] =	stream.linear.gather [hbm4b:s6+s4], $0x100, $0x38;
	[tilespmem:$0x1F400] =	vst v63  }
0xc4: {  	_ =	swait.ge [sflag:s31], $0x100  }
0xc5: {  	[sflag:s31] =	ssyncset.done $0x0  }
.Ltmp2:
0xc6: {  	[sflag:s31] =	ssyncadd.s32 $0xFFFFFF00;
	(pc) =	sbr.rel @p0 .LBB2_4-.Ltmp2, $4  }
0xc7: {  	[tilespmem:s0], [sflag:$0x3] =	stream.indirect.gather [hbm4b:s5+s26], $0x80, s23, s26, $0xb8;
	[tilespmem:$0x1F400] =	vst v63  }
0xc8: {  	_ =	swait.ge [sflag:s9], $0x100  }
0xc9: {  	[sflag:s9] =	ssyncset.done $0x0  }
0xca: {  	s7 =	sadd.s32 $0x400, s7;
	[sflag:s9] =	ssyncadd.s32 $0xFFFFFF00  }
.LBB2_5:
0xcb: {  	[tilespmem:s3], [sflag:$0x4] =	stream.indirect.gather [hbm4b:s5+s26], $0x80, s24, s26, $0xb8;
	[tilespmem:$0x1F400] =	vst v63  }
0xcc: {  	_ =	swait.ge [sflag:s10], $0x2C00  }
0xcd: {  	[sflag:s10] =	ssyncset.done $0x0  }
0xce: {  	[sflag:s10] =	ssyncadd.s32 $0xFFFFD400  }
0xcf: {  	[spmem:s2] =	stream.indirect.scatter.add.f32 [tilespmem:s28], [sflag:$0x9], $0x80, s12, s26, $0xb8;
	[tilespmem:$0x1F400] =	vst v63  }
0xd0: {  	_ =	swait.ge [sflag:s8], $0x2C00  }
0xd1: {  	[sflag:s8] =	ssyncset.done $0x0  }
0xd2: {  	[sflag:s8] =	ssyncadd.s32 $0xFFFFD400  }
0xd3: {  	_ =	swait.ge [sflag:s13], $0x2C00  }
0xd4: {  	[sflag:s13] =	ssyncset.done $0x0  }
0xd5: {  	[sflag:s13] =	ssyncadd.s32 $0xFFFFD400  }
0xd6: {  	[spmem:s2] =	stream.indirect.scatter.add.f32 [tilespmem:s30], [sflag:$0x9], $0x80, s14, s26, $0xb8;
	[tilespmem:$0x1F400] =	vst v63  }
0xd7: {  	_ =	swait.ge [sflag:s8], $0x2C00  }
0xd8: {  	[sflag:s8] =	ssyncset.done $0x0  }
0xd9: {  	[sflag:s8] =	ssyncadd.s32 $0xFFFFD400  }
0xda: {  	_ =	swait.ge [sflag:s15], $0x2C00  }
0xdb: {  	[sflag:s15] =	ssyncset.done $0x0  }
0xdc: {  	[sflag:s15] =	ssyncadd.s32 $0xFFFFD400  }
0xdd: {  	[spmem:s2] =	stream.indirect.scatter.add.f32 [tilespmem:s0], [sflag:$0x9], $0x80, s16, s26, $0xb8;
	[tilespmem:$0x1F400] =	vst v63  }
0xde: {  	_ =	swait.ge [sflag:s8], $0x2C00  }
0xdf: {  	[sflag:s8] =	ssyncset.done $0x0  }
0xe0: {  	[sflag:s8] =	ssyncadd.s32 $0xFFFFD400  }
0xe1: {  	_ =	swait.ge [sflag:s17], $0x2C00  }
0xe2: {  	[sflag:s17] =	ssyncset.done $0x0  }
0xe3: {  	[sflag:s17] =	ssyncadd.s32 $0xFFFFD400  }
0xe4: {  	[spmem:s2] =	stream.indirect.scatter.add.f32 [tilespmem:s3], [sflag:$0x9], $0x80, s18, s26, $0xb8;
	[tilespmem:$0x1F400] =	vst v63  }
0xe5: {  	_ =	swait.ge [sflag:s8], $0x2C00  }
0xe6: {  	[sflag:s8] =	ssyncset.done $0x0  }
0xe7: {  	s6 =	stileid.u32;
	[sflag:s8] =	ssyncadd.s32 $0xFFFFD400  }
0xe8: {  	s6 =	sshll.u32 s6, $0x6;
	[bflag:$0x0] =	sbarrier.arrive $0xFFFF  }
0xe9: {  	s7 =	sshrl.u32 s11, $0x3;
	s6 =	sor.u32 $0x1C09, s6;
	s20 =	rddreg [dreg:$0x10]  }
0xea: {  	[hbm:s20], [sflag:s6] =	dma.local [spmem:s7], $0x2800  }
0xeb: {  	_ =	swait.ge [sflag:s8], $0x2800  }
0xec: {  	s19 =	sadd.s32 $0x1, s19;
	s20 =	rddreg [dreg:$0x11]  }
0xed: {  	p0 =	sne.s32 s19, s20  }
.Ltmp3:
0xee: {  	_ = 	snop;
	(pc) =	sbr.rel @p0 .LBB2_1-.Ltmp3, $3  }
0xef: {  	_ =	sdelay $0x1  }
0xf0: {  	[sflag:s8] =	ssyncset.done $0x0  }
0xf1: {  	[sflag:s8] =	ssyncadd.s32 $0xFFFFD800  }
0xf2: {  	_ =	sfence.sel $0x180000  }
0xf3: {  	[bflag:$0x0] =	sbarrier.arrive $0xFFFF  }
0xf4: {  	_ =	strace $0x9000004D  }
0xf5: {  	s0 =	stileid.u32;
	[bflag:$0x2] =	sbarrier.arrive $0xFFFF  }
0xf6: {  	p0 =	sne.s32 s0, $0x0;
	s0 =	rddreg [dreg:$0x3]  }
0xf7: {  	s0 =	sadd.s32 @!p0 $0x100000, s0  }
0xf8: {  	[sflag:s0] =	ssyncadd.tile.s32 @!p0 $0x1;
	_ =	shalt  }
.Lfunc_end2:
_tile_overlayer_lowered:
.L_overlay_start_2:
0xf9: {  	(tag) =	ssettag $0x2  }
0xfa: {  	s0 =	rddreg [dreg:$0x0];
	s2 =	stileid.u32  }
0xfb: {  	s1 =	rddreg [dreg:$0x1];
	p0 =	sne.s32 s2, $0x0  }
0xfc: {  	s3 =	rddreg [dreg:$0x2];
	[bflag:$0x3] =	sbarrier.arrive $0xFFFF;
	s2 =	simm.s32 @!p0 $0x1C09  }
0xfd: {  	[timem:s3], [sflag:s2] =	dma.local @!p0 [hbm:s0], s1  }
0xfe: {  	s0 =	simm.s32 @!p0 $0x9  }
0xff: {  	_ =	swait.ge @!p0 [sflag:s0], s1  }
0x100: {  	s1 =	ssub.s32 @!p0 $0x0, s1;
	[sflag:s0] =	ssyncset.done @!p0 $0x0  }
0x101: {  	[sflag:s0] =	ssyncadd.s32 @!p0 s1  }
0x102: {  	[bflag:$0x3] =	sbarrier.arrive $0xFFFF  }
0x103: {  	_ =	shalt  }

// kernel: kernel.8.cloned.1.call-start
scs
__scs_entry_jumppad:
0x0: {  	(pc) =	sbr.rel $0x88, $3  }
0x1: {  	(tag) =	ssettag $0x0;
	lr =	simm.s32 $0x1  }
0x2: {  	[smem:$0x3F9B] =	sst lr;
	_ =	strace $0xD0000000  }
0x3: {  	_ = 	snop  }
0x4: {  	_ = 	snop  }
0x5: {  	_ = 	snop  }
0x6: {  	_ = 	snop  }
0x7: {  	_ = 	snop  }
__scs_overlays_trampoline_lowered:
0x8: {  	[smem:$0x3FAA] =	sst s0  }
0x9: {  	[smem:$0x3FAB] =	sst s1  }
0xa: {  	[smem:$0x3FAC] =	sst s2  }
0xb: {  	[smem:$0x3FAD] =	sst s3  }
0xc: {  	[smem:$0x3FAE] =	sst s4  }
0xd: {  	[smem:$0x3FAF] =	sst s5  }
0xe: {  	[smem:$0x3FB0] =	sst s6  }
0xf: {  	[smem:$0x3FB1] =	sst s7  }
0x10: {  	[smem:$0x3FB2] =	sst s8  }
0x11: {  	[smem:$0x3FB3] =	sst s9;
	s0 =	simm.s32 @!p0 $0x0  }
0x12: {  	s1 =	sld [smem:$0x3F99];
	s0 =	simm.s32 @p0 $0x1  }
0x13: {  	[smem:$0x3FB4] =	sst s0;
	s0 =	simm.s32 @!p1 $0x0  }
0x14: {  	s2 =	sld [smem:$0x3F98];
	s0 =	simm.s32 @p1 $0x1  }
0x15: {  	[smem:$0x3FB5] =	sst s0;
	s0 =	simm.s32 @!p2 $0x0  }
0x16: {  	s3 =	sld [smem:$0x3FDB];
	s0 =	simm.s32 @p2 $0x1  }
0x17: {  	s4 =	simm.s32 $0x1BF5;
	[smem:$0x3FB7] =	sst s0  }
0x18: {  	s0 =	sld [smem:$0x3F9A];
	_ =	swait.ge [sflag:s4], $0x0  }
0x19: {  	s7 =	sld [smem:$0x3F9B]  }
0x1a: {  	s8 =	sadd.s32 $0xFFFFE003, lr  }
0x1b: {  	s9 =	sadd.s32 $0xFFFFFEF7, lr;
	s5 =	simm.s32 $0xFFFFFFFF;
	p2 =	slt.u32 s8, $0xFFFFF086  }
0x1c: {  	p1 =	slt.u32 s9, $0xF7A;
	s5 =	simm.s32 @!p2 $0x0  }
0x1d: {  	s5 =	simm.s32 @p1 $0x1;
	p0 =	seq.s32 s7, s2  }
0x1e: {  	s7 =	smul.u32 @!p0 $0xF7A, s2;
	p2 =	seq.s32 @!p0 s5, $0x0  }
0x1f: {  	s9 =	smul.u32 $0xF7A, s1;
	s8 =	simm.s32 @!p0 $0x1BF5;
	p2 =	por !p2, p0  }
0x20: {  	[sflag:s8] =	ssyncset.s32 @!p0 $0xFFFFF086;
	s6 =	sadd.s32 @!p0 s3, s7;
	s7 =	simm.s32 @!p0 $0x108  }
0x21: {  	s3 =	sadd.s32 s3, s9;
	s6 =	sadd.s32 @!p0 $0x88, s6;
	s7 =	simm.s32 @p2 $0x1082  }
0x22: {  	[simem:s7], [sflag:s8] =	dma.local @!p0 [hbm:s6], $0xF7A  }
0x23: {  	s9 =	sor.u32 $0xD0000000, s2;
	s6 =	simm.s32 $0x108;
	_ =	swait.ge @!p0 [sflag:s8], $0x0  }
0x24: {  	s3 =	sadd.s32 $0x88, s3;
	s6 =	simm.s32 @!p1 $0x1082;
	[sflag:s4] =	ssyncset.s32 $0xFFFFF086  }
0x25: {  	[simem:s6], [sflag:s4] =	dma.local [hbm:s3], $0xF7A  }
0x26: {  	[smem:$0x3F9B] =	sst s1;
	(tag) =	ssettag s2;
	_ =	strace s9  }
0x27: {  	s1 =	sld [smem:$0x3FAB]  }
0x28: {  	s2 =	sld [smem:$0x3FAC]  }
0x29: {  	s4 =	sld [smem:$0x3FAE]  }
0x2a: {  	p0 =	seq.s32 s5, $0x0;
	s5 =	sld [smem:$0x3FAF]  }
0x2b: {  	s6 =	sld [smem:$0x3FB0]  }
0x2c: {  	s7 =	sld [smem:$0x3FB1]  }
0x2d: {  	s3 =	simm.s32 $0x108;
	s8 =	sld [smem:$0x3FB2]  }
0x2e: {  	s3 =	simm.s32 @!p0 $0x1082;
	s9 =	sld [smem:$0x3FB3]  }
0x2f: {  	lr =	sadd.s32 s0, s3;
	s0 =	sld [smem:$0x3FAA]  }
0x30: {  	s3 =	sld [smem:$0x3FAD]  }
0x31: {  	[smem:$0x3FB6] =	sst s10  }
0x32: {  	s10 =	sld [smem:$0x3FB4];
	_ =	sdelay $0x3  }
0x33: {  	p0 =	seq.s32 s10, $0x1;
	s10 =	sld [smem:$0x3FB6];
	_ =	sdelay $0x3  }
0x34: {  	[smem:$0x3FB6] =	sst s10  }
0x35: {  	s10 =	sld [smem:$0x3FB5];
	_ =	sdelay $0x3  }
0x36: {  	p1 =	seq.s32 s10, $0x1;
	s10 =	sld [smem:$0x3FB6];
	_ =	sdelay $0x3  }
0x37: {  	[smem:$0x3FB6] =	sst s10  }
0x38: {  	s10 =	sld [smem:$0x3FB7]  }
0x39: {  	_ = 	snop;
	(pc) =	sbr.ind lr, $3  }
0x3a: {  	_ = 	snop  }
0x3b: {  	_ = 	snop  }
0x3c: {  	p2 =	seq.s32 s10, $0x1;
	s10 =	sld [smem:$0x3FB6]  }
0x3d: {  	_ =	shalt  }
0x3e: {  	_ =	shalt  }
0x3f: {  	_ =	shalt  }
0x40: {  	_ =	shalt  }
0x41: {  	_ =	shalt  }
0x42: {  	_ =	shalt  }
0x43: {  	_ =	shalt  }
0x44: {  	_ =	shalt  }
0x45: {  	_ =	shalt  }
0x46: {  	_ =	shalt  }
0x47: {  	_ =	shalt  }
0x48: {  	_ =	shalt  }
0x49: {  	_ =	shalt  }
0x4a: {  	_ =	shalt  }
0x4b: {  	_ =	shalt  }
0x4c: {  	_ =	shalt  }
0x4d: {  	_ =	shalt  }
0x4e: {  	_ =	shalt  }
0x4f: {  	_ =	shalt  }
0x50: {  	_ =	shalt  }
0x51: {  	_ =	shalt  }
0x52: {  	_ =	shalt  }
0x53: {  	_ =	shalt  }
0x54: {  	_ =	shalt  }
0x55: {  	_ =	shalt  }
0x56: {  	_ =	shalt  }
0x57: {  	_ =	shalt  }
0x58: {  	_ =	shalt  }
0x59: {  	_ =	shalt  }
0x5a: {  	_ =	shalt  }
0x5b: {  	_ =	shalt  }
0x5c: {  	_ =	shalt  }
0x5d: {  	_ =	shalt  }
0x5e: {  	_ =	shalt  }
0x5f: {  	_ =	shalt  }
0x60: {  	_ =	shalt  }
0x61: {  	_ =	shalt  }
0x62: {  	_ =	shalt  }
0x63: {  	_ =	shalt  }
0x64: {  	_ =	shalt  }
0x65: {  	_ =	shalt  }
0x66: {  	_ =	shalt  }
0x67: {  	_ =	shalt  }
0x68: {  	_ =	shalt  }
0x69: {  	_ =	shalt  }
0x6a: {  	_ =	shalt  }
0x6b: {  	_ =	shalt  }
0x6c: {  	_ =	shalt  }
0x6d: {  	_ =	shalt  }
0x6e: {  	_ =	shalt  }
0x6f: {  	_ =	shalt  }
0x70: {  	_ =	shalt  }
0x71: {  	_ =	shalt  }
0x72: {  	_ =	shalt  }
0x73: {  	_ =	shalt  }
0x74: {  	_ =	shalt  }
0x75: {  	_ =	shalt  }
0x76: {  	_ =	shalt  }
0x77: {  	_ =	shalt  }
0x78: {  	_ =	shalt  }
0x79: {  	_ =	shalt  }
0x7a: {  	_ =	shalt  }
0x7b: {  	_ =	shalt  }
0x7c: {  	_ =	shalt  }
0x7d: {  	_ =	shalt  }
0x7e: {  	_ =	shalt  }
0x7f: {  	_ =	shalt  }
0x80: {  	_ =	shalt  }
0x81: {  	_ =	shalt  }
0x82: {  	_ =	shalt  }
0x83: {  	_ =	shalt  }
0x84: {  	_ =	shalt  }
0x85: {  	_ =	shalt  }
0x86: {  	_ =	shalt  }
0x87: {  	_ =	shalt  }
.Lfunc_end0:
.L_simem_size_0:
called_computation_lowered:
.L_overlay_start_0:
0x88: {  	s2 =	sld [smem:$0x3FD9]  }
0x89: {  	s3 =	sld [smem:$0x3FFE];
	_ =	sdelay $0x1  }
0x8a: {  	s1 =	srdreg.scid  }
0x8b: {  	s0 =	sand.u32 $0x1, s1  }
0x8c: {  	s16 =	sshll.u32 s0, $0xA;
	s2 =	sadd.s32 s3, s2  }
0x8d: {  	s2 =	sadd.s32 s2, s16  }
0x8e: {  	[smem:$0x3FC2] =	sst s2  }
0x8f: {  	_ = 	snop  }
0x90: {  	(tm) =	ssettm $0x1  }
0x91: {  	s17 =	sld [smem:$0x3FFB];
	_ =	sdelay $0x3  }
0x92: {  	_ =	strace s17  }
0x93: {  	s2 =	sld [smem:$0x3FFC];
	_ =	sdelay $0x3  }
0x94: {  	_ =	strace s2  }
0x95: {  	s2 =	sld [smem:$0x3FFD];
	_ =	sdelay $0x3  }
0x96: {  	_ =	strace s2  }
0x97: {  	_ =	strace $0x8FFFFFFF  }
0x98: {  	s18 =	sld [smem:$0x3FDB];
	_ =	sdelay $0x1  }
0x99: {  	s19 =	simm.s32 $_scs_section_size  }
0x9a: {  	s4 =	simm.s32 $_size__tile_overlayer_lowered;
	s5 =	simm.s32 $_tile_overlayer_lowered  }
0x9b: {  	s22 =	simm.s32 $0x1BFF;
	s21 =	sshll.u32 s5, $0x1;
	s2 =	sadd.s32 s19, s18  }
0x9c: {  	s6 =	simm.s32 $0x0;
	s20 =	sshll.u32 s4, $0x1;
	s4 =	sadd.s32 s21, s2  }
0x9d: {  	[timem:s6], [sflag:s22] =	dma.local [hbm:s4], s20  }
0x9e: {  	_ =	swait.ge [sflag:s22], s20  }
0x9f: {  	s3 =	ssub.s32 $0x0, s20;
	[sflag:s22] =	ssyncset.done $0x0  }
0xa0: {  	[sflag:s22] =	ssyncadd.s32 s3;
	_ =	sdelay $0x1  }
0xa1: {  	s23 =	simm.s32 $0x1B8B  }
0xa2: {  	_ =	swait.ge [sflag:s23], $0x1  }
0xa3: {  	[sflag:s23] =	ssyncset.done $0x0  }
0xa4: {  	s25 =	simm.s32 $0x1B8E;
	s24 =	sld [smem:$0x3FFE];
	[sflag:s23] =	ssyncadd.s32 $0xFFFFFFFF  }
0xa5: {  	s26 =	simm.s32 $execute0_lowered;
	[smem:$0x3FD2] =	sst s25  }
0xa6: {  	s4 =	sshll.u32 s26, $0x1;
	_ =	strace $0x80000046;
	[dreg:$0x1] =	wrdreg $0xFFFFFFFF  }
0xa7: {  	s28 =	simm.s32 $_size_execute0_lowered;
	s2 =	sadd.s32 s2, s4;
	[dreg:$0x0] =	wrdreg $0x0  }
0xa8: {  	s4 =	sshll.u32 s28, $0x1;
	[dreg:$0x2] =	wrdreg s2  }
0xa9: {  	[dreg:$0x3] =	wrdreg s4  }
0xaa: {  	[dreg:$0x4] =	wrdreg $0xC0  }
0xab: {  	_ =	task [dreg:s6], $0x5FFFF  }
0xac: {  	[dreg:$0x1] =	wrdreg $0xFFFFFFFF  }
0xad: {  	[dreg:$0x0] =	wrdreg $0x60  }
0xae: {  	[dreg:$0x2] =	wrdreg s24  }
0xaf: {  	[dreg:$0x3] =	wrdreg $0x2B000  }
0xb0: {  	[dreg:$0x4] =	wrdreg $0x9  }
0xb1: {  	_ =	task.clear_ibuf [dreg:s6], $0x5FFFF;
	_ =	strace $0x90000046  }
0xb2: {  	s29 =	simm.s32 $0x9;
	_ =	strace $0x80000048  }
0xb3: {  	_ =	swait.ge [sflag:s29], $0x1  }
0xb4: {  	[sflag:s29] =	ssyncadd.s32 $0xFFFFFFFF  }
0xb5: {  	_ =	strace $0x90000048  }
0xb6: {  	_ =	sfence  }
0xb7: {  	s30 =	sld [smem:$0x0];
	_ =	sdelay $0x2  }
0xb8: {  	s31 =	sshll.u32 s1, $0xD;
	s1 =	sshrl.u32 s1, $0x2  }
0xb9: {  	s3 =	sand.u32 $0x4000, s31;
	s1 =	sadd.s32 s1, s30  }
0xba: {  	s0 =	sor.u32 s3, s0;
	s1 =	sshll.u32 s1, $0x11  }
0xbb: {  	s0 =	sor.u32 s1, s0  }
0xbc: {  	s0 =	sadd.s32 $0x8F2B, s0  }
0xbd: {  	[sflag:s0] =	ssyncadd.remote.s32 $0x1  }
0xbe: {  	_ =	sfence.sel $0xFFFF  }
0xbf: {  	[dreg:$0x0] =	wrdreg $0xFFFFFFFF;
	(pc) =	sbr.abs _section_cstart, $3  }
0xc0: {  	[dreg:$0x1] =	wrdreg $0xFFFFFFFF  }
0xc1: {  	_ =	task.clear_ibuf [dreg:s6], $0x2FFFF;
	_ =	strace $0x9FFFFFFF  }
0xc2: {  	(tm) =	ssettm $0x7FFFFFFF  }
0xc3: {  	_ =	shalt  }
tec
execute0_lowered:
.L_overlay_start_1:
0x0: {  	(tag) =	ssettag $0x1  }
0x1: {  	s4 =	rddreg [dreg:$0x0]  }
0x2: {  	s2 =	rddreg [dreg:$0x1]  }
0x3: {  	s0 =	rddreg [dreg:$0x2]  }
0x4: {  	s3 =	simm.s32 $0x0;
	s5 =	srdreg.scid;
	s1 =	stileid.u32  }
0x5: {  	s10 =	simm.s32 $0x1;
	s11 =	simm.s32 $0x80;
	s12 =	simm.s32 $0x2800  }
0x6: {  	s13 =	simm.s32 $0x100;
	s14 =	simm.s32 $0x180;
	s15 =	simm.s32 $0x200  }
0x7: {  	s16 =	simm.s32 $0x280;
	s19 =	simm.s32 $0x20;
	s20 =	simm.s32 $0x10  }
0x8: {  	s21 =	simm.s32 $0x0;
	s5 =	sand.u32 $0x1, s5;
	s7 =	smul.u32 $0x500, s1  }
0x9: {  	s6 =	sshll.u32 s1, $0x1;
	[smem:$0x7FF] =	sst s3;
	s29 =	smul.u32 $0xA00, s1  }
0xa: {  	s17 =	sshll.u32 s1, $0x6;
	s6 =	sor.u32 s5, s6;
	s8 =	sshll.u32 s5, $0x7  }
0xb: {  	_ =	strace $0x80000047;
	s5 =	ssub.s32 $0x2, s5;
	s17 =	sor.u32 $0x1C02, s17  }
0xc: {  	s6 =	smul.u32 $0x500, s6;
	s7 =	sor.u32 s8, s7;
	s30 =	sshrl.u32 s5, $0x1  }
0xd: {  	s31 =	sshrl.u32 s29, $0x2;
	s8 =	simm.s32 $0x2880;
	s7 =	sshrl.u32 s7, $0x3  }
0xe: {  	s9 =	ssub.s32 s5, s30;
	s5 =	sadd.s32 s31, s2;
	s6 =	sadd.s32 s6, s4  }
0xf: {  	s7 =	sadd.s32 s7, s4;
	s18 =	sshrl.u32 s5, $0x3;
	s4 =	sadd.s32 $0x2600, s6  }
0x10: {  	v0 =	vimm.f32 $1.000000000e+00;
	v1 =	vimm.f32 $0.0e+00;
	s6 =	sadd.s32 $0xC600, s7;
	s7 =	smax.u32 s9, $0x1;
	s9 =	simm.s32 $0x2  }
.LBB2_1:
0x11: {  	[tilespmem:$0x2800] =	vst v0  }
0x12: {  	[tilespmem:$0x2810] =	vst v0  }
0x13: {  	[tilespmem:$0x2820] =	vst v0  }
0x14: {  	[tilespmem:$0x2830] =	vst v0  }
0x15: {  	[tilespmem:$0x2840] =	vst v0  }
0x16: {  	[tilespmem:$0x2850] =	vst v0  }
0x17: {  	[tilespmem:$0x2860] =	vst v0  }
0x18: {  	[tilespmem:$0x2870] =	vst v0  }
0x19: {  	[tilespmem:s3], [sflag:$0x1] =	stream.linear.gather [hbm4b:s4+s3], $0x2800, $0x38;
	[tilespmem:$0x2D80] =	vst v63  }
0x1a: {  	[tilespmem:$0x2880] =	vst v1  }
0x1b: {  	[tilespmem:$0x2890] =	vst v1  }
0x1c: {  	[tilespmem:$0x28A0] =	vst v1  }
0x1d: {  	[tilespmem:$0x28B0] =	vst v1  }
0x1e: {  	[tilespmem:$0x28C0] =	vst v1  }
0x1f: {  	[tilespmem:$0x28D0] =	vst v1  }
0x20: {  	[tilespmem:$0x28E0] =	vst v1  }
0x21: {  	[tilespmem:$0x28F0] =	vst v1  }
0x22: {  	[tilespmem:$0x2900] =	vst v1  }
0x23: {  	[tilespmem:$0x2910] =	vst v1  }
0x24: {  	[tilespmem:$0x2920] =	vst v1  }
0x25: {  	[tilespmem:$0x2930] =	vst v1  }
0x26: {  	[tilespmem:$0x2940] =	vst v1  }
0x27: {  	[tilespmem:$0x2950] =	vst v1  }
0x28: {  	[tilespmem:$0x2960] =	vst v1  }
0x29: {  	[tilespmem:$0x2970] =	vst v1  }
0x2a: {  	[tilespmem:$0x2980] =	vst v1  }
0x2b: {  	[tilespmem:$0x2990] =	vst v1  }
0x2c: {  	[tilespmem:$0x29A0] =	vst v1  }
0x2d: {  	[tilespmem:$0x29B0] =	vst v1  }
0x2e: {  	[tilespmem:$0x29C0] =	vst v1  }
0x2f: {  	[tilespmem:$0x29D0] =	vst v1  }
0x30: {  	[tilespmem:$0x29E0] =	vst v1  }
0x31: {  	[tilespmem:$0x29F0] =	vst v1  }
0x32: {  	[tilespmem:$0x2A00] =	vst v1  }
0x33: {  	[tilespmem:$0x2A10] =	vst v1  }
0x34: {  	[tilespmem:$0x2A20] =	vst v1  }
0x35: {  	[tilespmem:$0x2A30] =	vst v1  }
0x36: {  	[tilespmem:$0x2A40] =	vst v1  }
0x37: {  	[tilespmem:$0x2A50] =	vst v1  }
0x38: {  	[tilespmem:$0x2A60] =	vst v1  }
0x39: {  	[tilespmem:$0x2A70] =	vst v1  }
0x3a: {  	[tilespmem:$0x2A80] =	vst v1  }
0x3b: {  	[tilespmem:$0x2A90] =	vst v1  }
0x3c: {  	[tilespmem:$0x2AA0] =	vst v1  }
0x3d: {  	[tilespmem:$0x2AB0] =	vst v1  }
0x3e: {  	[tilespmem:$0x2AC0] =	vst v1  }
0x3f: {  	[tilespmem:$0x2AD0] =	vst v1  }
0x40: {  	[tilespmem:$0x2AE0] =	vst v1  }
0x41: {  	[tilespmem:$0x2AF0] =	vst v1  }
0x42: {  	[spmem:s5] =	stream.linear.scatter [tilespmem:s8], [sflag:$0x2], $0x280, $0x38;
	[tilespmem:$0x2D80] =	vst v63  }
0x43: {  	_ =	swait.ge [sflag:s9], $0x280  }
0x44: {  	[sflag:s9] =	ssyncset.done $0x0  }
0x45: {  	[sflag:s9] =	ssyncadd.s32 $0xFFFFFD80  }
0x46: {  	_ =	swait.ge [sflag:s10], $0x2800  }
0x47: {  	[sflag:s10] =	ssyncset.done $0x0  }
0x48: {  	[sflag:s10] =	ssyncadd.s32 $0xFFFFD800  }
0x49: {  	[bflag:$0x0] =	sbarrier.arrive $0xFFFF  }
0x4a: {  	[spmem:s2] =	stream.indirect.scatter.add.f32 [tilespmem:s12], [sflag:$0x1], $0x1, s3, s11, $0xb8;
	[tilespmem:$0x2D80] =	vst v63  }
0x4b: {  	_ = 	snop  }
0x4c: {  	[spmem:s2] =	stream.indirect.scatter.add.f32 [tilespmem:s12], [sflag:$0x1], $0x1, s11, s11, $0xb8;
	[tilespmem:$0x2D80] =	vst v63  }
0x4d: {  	_ = 	snop  }
0x4e: {  	[spmem:s2] =	stream.indirect.scatter.add.f32 [tilespmem:s12], [sflag:$0x1], $0x1, s13, s11, $0xb8;
	[tilespmem:$0x2D80] =	vst v63  }
0x4f: {  	_ = 	snop  }
0x50: {  	[spmem:s2] =	stream.indirect.scatter.add.f32 [tilespmem:s12], [sflag:$0x1], $0x1, s14, s11, $0xb8;
	[tilespmem:$0x2D80] =	vst v63  }
0x51: {  	_ = 	snop  }
0x52: {  	[spmem:s2] =	stream.indirect.scatter.add.f32 [tilespmem:s12], [sflag:$0x1], $0x1, s15, s11, $0xb8;
	[tilespmem:$0x2D80] =	vst v63  }
0x53: {  	_ = 	snop  }
0x54: {  	[spmem:s2] =	stream.indirect.scatter.add.f32 [tilespmem:s12], [sflag:$0x1], $0x1, s16, s11, $0xb8;
	[tilespmem:$0x2D80] =	vst v63  }
0x55: {  	s22 =	simm.s32 $0x300  }
0x56: {  	[spmem:s2] =	stream.indirect.scatter.add.f32 [tilespmem:s12], [sflag:$0x1], $0x1, s22, s11, $0xb8;
	[tilespmem:$0x2D80] =	vst v63  }
0x57: {  	_ =	swait.ge [sflag:s10], $0x80  }
0x58: {  	s22 =	simm.s32 $0xE00;
	[sflag:s10] =	ssyncset.done $0x0  }
.LBB2_2:
0x59: {  	s23 =	sshra.s32 s22, $0x2;
	[sflag:s10] =	ssyncadd.s32 $0xFFFFFF80;
	p0 =	sne.s32 s22, $0x9E00  }
0x5a: {  	[spmem:s2] =	stream.indirect.scatter.add.f32 [tilespmem:s12], [sflag:$0x1], $0x1, s23, s11, $0xb8;
	[tilespmem:$0x2D80] =	vst v63  }
.Ltmp0:
0x5b: {  	_ = 	snop;
	(pc) =	sbr.rel @p0 .LBB2_2-.Ltmp0, $4  }
0x5c: {  	_ = 	snop  }
0x5d: {  	s22 =	sadd.s32 $0x200, s22  }
0x5e: {  	_ =	swait.ge [sflag:s10], $0x80  }
0x5f: {  	[sflag:s10] =	ssyncset.done $0x0  }
0x60: {  	[sflag:s10] =	ssyncadd.s32 $0xFFFFFF80  }
0x61: {  	_ =	swait.ge [sflag:s10], $0x80  }
0x62: {  	[sflag:s10] =	ssyncset.done $0x0  }
0x63: {  	[sflag:s10] =	ssyncadd.s32 $0xFFFFFF80  }
0x64: {  	_ =	swait.ge [sflag:s10], $0x80  }
0x65: {  	[sflag:s10] =	ssyncset.done $0x0  }
0x66: {  	[sflag:s10] =	ssyncadd.s32 $0xFFFFFF80  }
0x67: {  	_ =	swait.ge [sflag:s10], $0x80  }
0x68: {  	[sflag:s10] =	ssyncset.done $0x0  }
0x69: {  	[sflag:s10] =	ssyncadd.s32 $0xFFFFFF80  }
0x6a: {  	_ =	swait.ge [sflag:s10], $0x80  }
0x6b: {  	[sflag:s10] =	ssyncset.done $0x0  }
0x6c: {  	[sflag:s10] =	ssyncadd.s32 $0xFFFFFF80  }
0x6d: {  	_ =	swait.ge [sflag:s10], $0x80  }
0x6e: {  	[sflag:s10] =	ssyncset.done $0x0  }
0x6f: {  	[sflag:s10] =	ssyncadd.s32 $0xFFFFFF80  }
0x70: {  	_ =	swait.ge [sflag:s10], $0x80  }
0x71: {  	s21 =	sadd.s32 $0x1, s21;
	[sflag:s10] =	ssyncset.done $0x0  }
0x72: {  	p0 =	sne.s32 s21, s7;
	[sflag:s10] =	ssyncadd.s32 $0xFFFFFF80  }
.Ltmp1:
0x73: {  	[bflag:$0x0] =	sbarrier.arrive $0xFFFF;
	(pc) =	sbr.rel @p0 .LBB2_1-.Ltmp1, $4  }
0x74: {  	[hbm:s6@s19], [sflag:s17] =	dma.strided [spmem:s18@s20], $0x50, s10, $0x10   }
0x75: {  	_ =	swait.ge [sflag:s9], $0x50  }
0x76: {  	[sflag:s9] =	ssyncset.done $0x0  }
0x77: {  	[sflag:s9] =	ssyncadd.s32 $0xFFFFFFB0  }
0x78: {  	_ =	sfence.sel $0x180000  }
0x79: {  	[bflag:$0x0] =	sbarrier.arrive $0xFFFF  }
0x7a: {  	p0 =	sne.s32 s1, $0x0;
	_ =	strace $0x90000047  }
0x7b: {  	s0 =	sadd.s32 @!p0 $0x100000, s0;
	[bflag:$0x2] =	sbarrier.arrive $0xFFFF  }
0x7c: {  	[sflag:s0] =	ssyncadd.tile.s32 @!p0 $0x1;
	_ =	shalt  }
.Lfunc_end2:
_tile_overlayer_lowered:
.L_overlay_start_2:
0x7d: {  	(tag) =	ssettag $0x2  }
0x7e: {  	s0 =	rddreg [dreg:$0x0];
	s2 =	stileid.u32  }
0x7f: {  	s1 =	rddreg [dreg:$0x1];
	p0 =	sne.s32 s2, $0x0  }
0x80: {  	s3 =	rddreg [dreg:$0x2];
	[bflag:$0x3] =	sbarrier.arrive $0xFFFF;
	s2 =	simm.s32 @!p0 $0x1C02  }
0x81: {  	[timem:s3], [sflag:s2] =	dma.local @!p0 [hbm:s0], s1  }
0x82: {  	s0 =	simm.s32 @!p0 $0x2  }
0x83: {  	_ =	swait.ge @!p0 [sflag:s0], s1  }
0x84: {  	s1 =	ssub.s32 @!p0 $0x0, s1;
	[sflag:s0] =	ssyncset.done @!p0 $0x0  }
0x85: {  	[sflag:s0] =	ssyncadd.s32 @!p0 s1  }
0x86: {  	[bflag:$0x3] =	sbarrier.arrive $0xFFFF  }
0x87: {  	_ =	shalt  }

</sc_bundles>
